<compile_context>
chip_gen: v7x
topology: tpu7x:2x2x1
jax: 0.10.2.dev20260603
libtpu: 0.0.44.dev20260713+nightly
codegen_flags: <defaults>
</compile_context>

<pallas_src>
import dataclasses
import functools

import jax
import jax.numpy as jnp
from jax import lax
from jax.experimental import pallas as pl
from jax.experimental.pallas import tpu as pltpu
from jax.experimental.pallas import tpu_sc as plsc

N = 10000
E = 160000
D_IN = 256
H = 256
D_OUT = 128

NC = 2
NS = 16
CHUNK = 128
CH = 80
NBUF = 2
IDXB = 16
E_PAD = NS * CH * CHUNK
N_PAD = 10240
ROWS_PER_SUB = N_PAD // NS
HALF = 128
ZROWS = 128



RED = 128


def _sc_agg_body(xlo_hbm, xhi_hbm, src_hbm, dst_hbm,
                 agglo_hbm, agghi_hbm, parts_hbm,
                 acc_sp, src_v, dst_v, gb0, gb1, cnt_priv,
                 gs0, gs1, ss0, ss1):
    cid = lax.axis_index("c")
    sid = lax.axis_index("s")
    base = sid * ROWS_PER_SUB

    zv = jnp.zeros((16,), jnp.float32)

    @pl.loop(0, CHUNK)
    def _(r):
        @pl.loop(0, HALF, step=16)
        def _(c):
            gb0[r, pl.ds(c, 16)] = zv

    @pl.loop(0, N_PAD, step=16)
    def _(i):
        cnt_priv[pl.ds(i, 16)] = zv

    @pl.loop(0, ROWS_PER_SUB // ZROWS)
    def _(i):
        pltpu.sync_copy(gb0, acc_sp.at[pl.ds(base + i * ZROWS, ZROWS)])

    plsc.subcore_barrier()

    ones_v = jnp.ones((16,), jnp.float32)

    def run(x_hbm, with_counts):
        gbs = (gb0, gb1)
        gsems = (gs0, gs1)
        ssems = (ss0, ss1)

        @pl.loop(0, CH, step=IDXB)
        def _(g):
            pltpu.sync_copy(src_hbm.at[sid, pl.ds(g, IDXB)], src_v)
            pltpu.sync_copy(dst_hbm.at[sid, pl.ds(g, IDXB)], dst_v)
            cps = [None] * IDXB
            scats = [None] * IDXB
            cps[0] = pltpu.async_copy(x_hbm.at[src_v.at[0]], gbs[0],
                                      gsems[0])
            for j in range(IDXB):
                if j + 1 < IDXB:
                    if j >= 1:
                        scats[j - 1].wait()
                    b = (j + 1) % NBUF
                    cps[j + 1] = pltpu.async_copy(
                        x_hbm.at[src_v.at[j + 1]], gbs[b], gsems[b])
                cps[j].wait()
                scats[j] = pltpu.async_copy(
                    gbs[j % NBUF], acc_sp.at[dst_v.at[j]], ssems[j % NBUF],
                    add=True)
                if with_counts:
                    for l in range(CHUNK // 16):
                        dvec = dst_v[j, pl.ds(l * 16, 16)]
                        plsc.addupdate_scatter(cnt_priv, [dvec], ones_v)
            for t in range(NBUF):
                scats[IDXB - NBUF + t].wait()

    @pl.when(cid == 0)
    def _():
        run(xlo_hbm, True)

    @pl.when(cid == 1)
    def _():
        run(xhi_hbm, False)

    plsc.subcore_barrier()

    sl = pl.ds(base, ROWS_PER_SUB)

    @pl.when(cid == 1)
    def _():
        pltpu.sync_copy(acc_sp.at[sl], agghi_hbm.at[sl])

    @pl.when(cid == 0)
    def _():
        pltpu.sync_copy(acc_sp.at[sl], agglo_hbm.at[sl])
        pltpu.sync_copy(cnt_priv, parts_hbm.at[sid])


CH1 = E_PAD // (NC * NS * CHUNK)
IDXB1 = 8


def _sc_agg1_body(u_hbm, src_hbm, dst_hbm, agg_a_hbm, agg_b_hbm, parts_hbm,
                  acc_sp, src_v, dst_v, gb0, gb1, cnt_priv,
                  gs0, gs1, ss0, ss1):
    cid = lax.axis_index("c")
    sid = lax.axis_index("s")
    base = sid * ROWS_PER_SUB
    row = cid * NS + sid
    zv = jnp.zeros((16,), jnp.float32)

    @pl.loop(0, CHUNK)
    def _(r):
        @pl.loop(0, HALF, step=16)
        def _(c):
            gb0[r, pl.ds(c, 16)] = zv

    @pl.loop(0, N_PAD, step=16)
    def _(i):
        cnt_priv[pl.ds(i, 16)] = zv

    @pl.loop(0, ROWS_PER_SUB // ZROWS)
    def _(i):
        pltpu.sync_copy(gb0, acc_sp.at[pl.ds(base + i * ZROWS, ZROWS)])

    plsc.subcore_barrier()

    ones_v = jnp.ones((16,), jnp.float32)
    gbs = (gb0, gb1)
    gsems = (gs0, gs1)
    ssems = (ss0, ss1)

    @pl.loop(0, CH1, step=IDXB1)
    def _(g):
        pltpu.sync_copy(src_hbm.at[row, pl.ds(g, IDXB1)], src_v)
        pltpu.sync_copy(dst_hbm.at[row, pl.ds(g, IDXB1)], dst_v)
        cps = [None] * IDXB1
        scats = [None] * IDXB1
        cps[0] = pltpu.async_copy(u_hbm.at[src_v.at[0]], gbs[0], gsems[0])
        for j in range(IDXB1):
            if j + 1 < IDXB1:
                if j >= 1:
                    scats[j - 1].wait()
                b = (j + 1) % NBUF
                cps[j + 1] = pltpu.async_copy(
                    u_hbm.at[src_v.at[j + 1]], gbs[b], gsems[b])
            cps[j].wait()
            scats[j] = pltpu.async_copy(
                gbs[j % NBUF], acc_sp.at[dst_v.at[j]], ssems[j % NBUF],
                add=True)
            for l in range(CHUNK // 16):
                dvec = dst_v[j, pl.ds(l * 16, 16)]
                plsc.addupdate_scatter(cnt_priv, [dvec], ones_v)
        for t in range(NBUF):
            scats[IDXB1 - NBUF + t].wait()

    plsc.subcore_barrier()
    sl = pl.ds(base, ROWS_PER_SUB)
    pltpu.sync_copy(cnt_priv, parts_hbm.at[row])

    @pl.when(cid == 0)
    def _():
        pltpu.sync_copy(acc_sp.at[sl], agg_a_hbm.at[sl])

    @pl.when(cid == 1)
    def _():
        pltpu.sync_copy(acc_sp.at[sl], agg_b_hbm.at[sl])


def _sc_agg1(u1, src3, dst3):
    mesh = plsc.VectorSubcoreMesh(core_axis_name="c", subcore_axis_name="s")
    f32 = jnp.float32
    out_type = (
        jax.ShapeDtypeStruct((N_PAD, HALF), f32),
        jax.ShapeDtypeStruct((N_PAD, HALF), f32),
        jax.ShapeDtypeStruct((NC * NS, N_PAD), f32),
    )
    scratch = [
        pltpu.VMEM_SHARED((N_PAD, HALF), f32),
        pltpu.VMEM((IDXB1, CHUNK), jnp.int32),
        pltpu.VMEM((IDXB1, CHUNK), jnp.int32),
        pltpu.VMEM((CHUNK, HALF), f32),
        pltpu.VMEM((CHUNK, HALF), f32),
        pltpu.VMEM((N_PAD,), f32),
    ] + [pltpu.SemaphoreType.DMA] * 4
    cp = pltpu.CompilerParams()
    if "needs_layout_passes" in pltpu.CompilerParams.__dataclass_fields__:
        cp = dataclasses.replace(cp, needs_layout_passes=False)
    k = pl.kernel(_sc_agg1_body, out_type=out_type, mesh=mesh,
                  scratch_types=scratch, compiler_params=cp)
    return k(u1, src3, dst3)


def _sc_agg(x_lo, x_hi, src3, dst3):
    mesh = plsc.VectorSubcoreMesh(core_axis_name="c", subcore_axis_name="s")
    f32 = jnp.float32
    out_type = (
        jax.ShapeDtypeStruct((N_PAD, HALF), f32),
        jax.ShapeDtypeStruct((N_PAD, HALF), f32),
        jax.ShapeDtypeStruct((NS, N_PAD), f32),
    )
    scratch = [
        pltpu.VMEM_SHARED((N_PAD, HALF), f32),
        pltpu.VMEM((IDXB, CHUNK), jnp.int32),
        pltpu.VMEM((IDXB, CHUNK), jnp.int32),
        pltpu.VMEM((CHUNK, HALF), f32),
        pltpu.VMEM((CHUNK, HALF), f32),
        pltpu.VMEM((N_PAD,), f32),
    ] + [pltpu.SemaphoreType.DMA] * 4
    cp = pltpu.CompilerParams()
    if "needs_layout_passes" in pltpu.CompilerParams.__dataclass_fields__:
        cp = dataclasses.replace(cp, needs_layout_passes=False)
    k = pl.kernel(_sc_agg_body, out_type=out_type, mesh=mesh,
                  scratch_types=scratch, compiler_params=cp)
    return k(x_lo, x_hi, src3, dst3)



BLK = 1024
GRID = N_PAD // BLK


def _counts_col(parts):
    return jnp.sum(jnp.transpose(parts), axis=1, keepdims=True)


def _wfold_body(wl1_ref, wr1_ref, wpa_ref, wpb_ref, bl1_ref, bp_ref,
                wu_ref, wh_ref, ba_ref):
    wpb = wpb_ref[...]
    wu_ref[...] = jnp.dot(wl1_ref[...], wpb,
                          preferred_element_type=jnp.float32)
    wh_ref[...] = wpa_ref[...] + jnp.dot(wr1_ref[...], wpb,
                                         preferred_element_type=jnp.float32)
    ba_ref[...] = bp_ref[...] + jnp.dot(bl1_ref[...], wpb,
                                        preferred_element_type=jnp.float32)


def _wfold(wl1T, wr1T, wpaT, wpbT, bl1, bp):
    full = lambda i: (0, 0)
    return pl.pallas_call(
        _wfold_body,
        grid=(1,),
        in_specs=[
            pl.BlockSpec((H, H), full),
            pl.BlockSpec((H, H), full),
            pl.BlockSpec((H, D_OUT), full),
            pl.BlockSpec((H, D_OUT), full),
            pl.BlockSpec((1, H), full),
            pl.BlockSpec((1, D_OUT), full),
        ],
        out_specs=[
            pl.BlockSpec((H, D_OUT), full),
            pl.BlockSpec((H, D_OUT), full),
            pl.BlockSpec((1, D_OUT), full),
        ],
        out_shape=[
            jax.ShapeDtypeStruct((H, D_OUT), jnp.float32),
            jax.ShapeDtypeStruct((H, D_OUT), jnp.float32),
            jax.ShapeDtypeStruct((1, D_OUT), jnp.float32),
        ],
    )(wl1T, wr1T, wpaT, wpbT, bl1, bp)


def _layer_body(alo_ref, ahi_ref, cnt_ref, x_ref, wl_ref, wr_ref, bl_ref,
                wu_ref, olo_ref, ohi_ref, u1_ref):
    inv = 1.0 / jnp.maximum(_counts_col(cnt_ref[...]), 1.0)
    wl = wl_ref[...]
    h = (
        jnp.dot(alo_ref[...] * inv, wl[:HALF],
                preferred_element_type=jnp.float32)
        + jnp.dot(ahi_ref[...] * inv, wl[HALF:],
                  preferred_element_type=jnp.float32)
        + jnp.dot(x_ref[...], wr_ref[...],
                  preferred_element_type=jnp.float32)
        + bl_ref[...]
    )
    h = jnp.maximum(h, 0.0)
    olo_ref[...] = h[:, :HALF]
    ohi_ref[...] = h[:, HALF:]
    u1_ref[...] = jnp.dot(h, wu_ref[...], preferred_element_type=jnp.float32)


def _layer0(agg_lo, agg_hi, cnt_parts, x, wlT, wrT, bl, wu):
    return pl.pallas_call(
        _layer_body,
        grid=(GRID,),
        in_specs=[
            pl.BlockSpec((BLK, HALF), lambda i: (i, 0)),
            pl.BlockSpec((BLK, HALF), lambda i: (i, 0)),
            pl.BlockSpec((NS, BLK), lambda i: (0, i)),
            pl.BlockSpec((BLK, H), lambda i: (i, 0)),
            pl.BlockSpec((H, H), lambda i: (0, 0)),
            pl.BlockSpec((H, H), lambda i: (0, 0)),
            pl.BlockSpec((1, H), lambda i: (0, 0)),
            pl.BlockSpec((H, D_OUT), lambda i: (0, 0)),
        ],
        out_specs=[
            pl.BlockSpec((BLK, HALF), lambda i: (i, 0)),
            pl.BlockSpec((BLK, HALF), lambda i: (i, 0)),
            pl.BlockSpec((BLK, D_OUT), lambda i: (i, 0)),
        ],
        out_shape=[
            jax.ShapeDtypeStruct((N, HALF), jnp.float32),
            jax.ShapeDtypeStruct((N, HALF), jnp.float32),
            jax.ShapeDtypeStruct((N, D_OUT), jnp.float32),
        ],
    )(agg_lo, agg_hi, cnt_parts, x, wlT, wrT, bl, wu)


def _v0_body(h0lo_ref, h0hi_ref, wh_ref, o_ref):
    wh = wh_ref[...]
    o_ref[...] = (
        jnp.dot(h0lo_ref[...], wh[:HALF], preferred_element_type=jnp.float32)
        + jnp.dot(h0hi_ref[...], wh[HALF:],
                  preferred_element_type=jnp.float32)
    )


def _v0(h0_lo, h0_hi, wh):
    return pl.pallas_call(
        _v0_body,
        grid=(GRID,),
        in_specs=[
            pl.BlockSpec((BLK, HALF), lambda i: (i, 0)),
            pl.BlockSpec((BLK, HALF), lambda i: (i, 0)),
            pl.BlockSpec((H, D_OUT), lambda i: (0, 0)),
        ],
        out_specs=pl.BlockSpec((BLK, D_OUT), lambda i: (i, 0)),
        out_shape=jax.ShapeDtypeStruct((N, D_OUT), jnp.float32),
    )(h0_lo, h0_hi, wh)


def _final_body(v0_ref, agga_ref, aggb_ref, cnt_ref, ba_ref, o_ref):
    inv = 1.0 / jnp.maximum(_counts_col(cnt_ref[...]), 1.0)
    logits = v0_ref[...] + (agga_ref[...] + aggb_ref[...]) * inv + ba_ref[...]
    m = jnp.max(logits, axis=-1, keepdims=True)
    lse = jnp.log(jnp.sum(jnp.exp(logits - m), axis=-1, keepdims=True)) + m
    o_ref[...] = logits - lse


def _final(v0, agg_a, agg_b, cnt_parts, ba):
    return pl.pallas_call(
        _final_body,
        grid=(GRID,),
        in_specs=[
            pl.BlockSpec((BLK, D_OUT), lambda i: (i, 0)),
            pl.BlockSpec((BLK, HALF), lambda i: (i, 0)),
            pl.BlockSpec((BLK, HALF), lambda i: (i, 0)),
            pl.BlockSpec((NC * NS, BLK), lambda i: (0, i)),
            pl.BlockSpec((1, D_OUT), lambda i: (0, 0)),
        ],
        out_specs=pl.BlockSpec((BLK, D_OUT), lambda i: (i, 0)),
        out_shape=jax.ShapeDtypeStruct((N, D_OUT), jnp.float32),
    )(v0, agg_a, agg_b, cnt_parts, ba)



def _prep_edges(edge_index, nsplit=NS):
    src = edge_index[0].astype(jnp.int32)
    dst = edge_index[1].astype(jnp.int32)
    pad = E_PAD - E
    r = jnp.arange(pad, dtype=jnp.int32)
    src = jnp.concatenate([src, r % N])
    dst = jnp.concatenate([dst, N + r % (N_PAD - N)])
    return (src.reshape(nsplit, -1, CHUNK), dst.reshape(nsplit, -1, CHUNK))


def kernel(x, edge_index_0, edge_index_1, W_l0, b_l0, W_r0,
           W_l1, b_l1, W_r1, W_post, b_post):
    f32 = jnp.float32
    src0, dst0 = _prep_edges(edge_index_0)
    src1, dst1 = _prep_edges(edge_index_1, nsplit=NC * NS)

    x_lo = x[:, :HALF]
    x_hi = x[:, HALF:]

    wl0T = W_l0.T
    wr0T = W_r0.T
    wl1T = W_l1.T
    wr1T = W_r1.T
    wpaT = W_post[:, :H].T
    wpbT = W_post[:, H:].T
    bl0 = b_l0.reshape(1, H)
    bl1 = b_l1.reshape(1, H)
    bp = b_post.reshape(1, D_OUT)

    wu, wh, ba = _wfold(wl1T, wr1T, wpaT, wpbT, bl1, bp)
    agg0_lo, agg0_hi, parts0 = _sc_agg(x_lo, x_hi, src0, dst0)
    h0_lo, h0_hi, u1 = _layer0(agg0_lo, agg0_hi, parts0, x, wl0T,
                               wr0T, bl0, wu)

    agg1_a, agg1_b, parts1 = _sc_agg1(u1, src1, dst1)
    v0 = _v0(h0_lo, h0_hi, wh)
    return _final(v0, agg1_a, agg1_b, parts1, ba)

# --- scband reference (transcript-rebuilt; emitter-appended) ---
"""Pipeline reference for scband-graph-sageplus-plus-mean-44538810859760 (READ-ONLY COPY).

The authoritative reference and input builder live on the scoring server;
editing this copy changes nothing except your own understanding.
"""

import jax, jax.numpy as jnp
import numpy as np

N = 10000
E = 160000
D_IN = 256
H = 256
D_OUT = 128


def _sage_mean_layer(x_src, x_tgt, edge_index, W_l, b_l, W_r, num_tgt):
    # PyG SAGEConv(aggr='mean'): out = lin_l(mean_j x_src[j]) + lin_r(x_tgt)
    src = edge_index[0]
    dst = edge_index[1]
    msgs = x_src[src]
    agg = jax.ops.segment_sum(msgs, dst, num_segments=num_tgt)
    cnt = jax.ops.segment_sum(jnp.ones((msgs.shape[0],), dtype=x_src.dtype), dst, num_segments=num_tgt)
    agg = agg / jnp.clip(cnt, 1.0, None)[:, None]
    return agg @ W_l.T + b_l + x_tgt @ W_r.T


def setup_inputs(seed: int = 0) -> dict:
    key = jax.random.key(seed)
    ks = jax.random.split(key, 12)
    x = jax.random.normal(ks[0], (N, D_IN), dtype=jnp.float32)
    edge_index_0 = jax.random.randint(ks[1], (2, E), 0, N, dtype=jnp.int64)
    edge_index_1 = jax.random.randint(ks[2], (2, E), 0, N, dtype=jnp.int64)
    s_in = 1.0 / np.sqrt(D_IN)
    s_h = 1.0 / np.sqrt(H)
    s_cat = 1.0 / np.sqrt(2 * H)
    W_l0 = jax.random.uniform(ks[3], (H, D_IN), dtype=jnp.float32, minval=-s_in, maxval=s_in)
    b_l0 = jnp.zeros((H,), dtype=jnp.float32)
    W_r0 = jax.random.uniform(ks[4], (H, D_IN), dtype=jnp.float32, minval=-s_in, maxval=s_in)
    W_l1 = jax.random.uniform(ks[5], (H, H), dtype=jnp.float32, minval=-s_h, maxval=s_h)
    b_l1 = jnp.zeros((H,), dtype=jnp.float32)
    W_r1 = jax.random.uniform(ks[6], (H, H), dtype=jnp.float32, minval=-s_h, maxval=s_h)
    W_post = jax.random.uniform(ks[7], (D_OUT, 2 * H), dtype=jnp.float32, minval=-s_cat, maxval=s_cat)
    b_post = jax.random.uniform(ks[8], (D_OUT,), dtype=jnp.float32, minval=-s_cat, maxval=s_cat)
    return {
        "x": x,
        "edge_index_0": edge_index_0,
        "edge_index_1": edge_index_1,
        "W_l0": W_l0, "b_l0": b_l0, "W_r0": W_r0,
        "W_l1": W_l1, "b_l1": b_l1, "W_r1": W_r1,
        "W_post": W_post, "b_post": b_post,
    }


def reference(x, edge_index_0, edge_index_1, W_l0, b_l0, W_r0, W_l1, b_l1, W_r1, W_post, b_post):
    # adjs = [(edge_index_0, None, (N, N)), (edge_index_1, None, (N, N))]
    # Layer 0 (not last -> relu)
    x_tgt0 = x[:N]
    h0 = _sage_mean_layer(x, x_tgt0, edge_index_0, W_l0, b_l0, W_r0, N)
    h0 = jax.nn.relu(h0)
    # Layer 1 (last -> no relu)
    x_tgt1 = h0[:N]
    h1 = _sage_mean_layer(h0, x_tgt1, edge_index_1, W_l1, b_l1, W_r1, N)
    x_final = jnp.concatenate([h0, h1], axis=1)
    x_final = x_final @ W_post.T + b_post
    return jax.nn.log_softmax(x_final, axis=-1)

if __name__ == "__main__":
    import jax
    _d = setup_inputs()
    print(jax.jit(kernel)(*tuple(_d.values())))

</pallas_src>

<mosaic_0001>
#map = affine_map<(d0, d1) -> (0, 0)>
#map1 = affine_map<(d0, d1) -> (0, 0, 0)>
module attributes {stable_mosaic.version = 14 : i64} {
  func.func @_sc_agg_body(%arg0: i32, %arg1: i32, %arg2: memref<10000x128xf32, #tpu.memory_space<hbm>>, %arg3: memref<10000x128xf32, #tpu.memory_space<hbm>>, %arg4: memref<16x80x128xi32, #tpu.memory_space<hbm>>, %arg5: memref<16x80x128xi32, #tpu.memory_space<hbm>>, %arg6: memref<10240x128xf32, #tpu.memory_space<hbm>>, %arg7: memref<10240x128xf32, #tpu.memory_space<hbm>>, %arg8: memref<16x10240xf32, #tpu.memory_space<hbm>>, %arg9: memref<10240x128xf32, #tpu.memory_space<vmem_shared>>, %arg10: memref<16x128xi32, #tpu.memory_space<vmem>>, %arg11: memref<16x128xi32, #tpu.memory_space<vmem>>, %arg12: memref<128x128xf32, #tpu.memory_space<vmem>>, %arg13: memref<128x128xf32, #tpu.memory_space<vmem>>, %arg14: memref<10240xf32, #tpu.memory_space<vmem>>, %arg15: memref<!tpu.dma_semaphore, #tpu.memory_space<semaphore_mem>>, %arg16: memref<!tpu.dma_semaphore, #tpu.memory_space<semaphore_mem>>, %arg17: memref<!tpu.dma_semaphore, #tpu.memory_space<semaphore_mem>>, %arg18: memref<!tpu.dma_semaphore, #tpu.memory_space<semaphore_mem>>) attributes {dimension_semantics = [#tpu.dimension_semantics<core_parallel>, #tpu.dimension_semantics<subcore_parallel>], iteration_bounds = array<i64: 2, 16>, scalar_prefetch = 0 : i64, scratch_operands = 10 : i64, tpu.core_type = #tpu.core_type<sc_vector_subcore>, window_params = [{transform_indices = #map}, {transform_indices = #map}, {transform_indices = #map1}, {transform_indices = #map1}, {transform_indices = #map}, {transform_indices = #map}, {transform_indices = #map}]} {
    %mul3A = arith.constant 640 : i32
    %mul3A_0 = arith.muli %arg1, %mul3A : i32
    %broadcast_in_dim3A = arith.constant 0.000000e+00 : f32
    %broadcast_in_dim3A_1 = vector.broadcast %broadcast_in_dim3A : f32 to vector<16xf32>
    %scan3A = arith.constant 0 : i32
    %scan3A_2 = arith.constant 128 : i32
    %scan3A_3 = arith.addi %scan3A, %scan3A_2 : i32
    %scan3A_4 = arith.constant 1 : i32
    scf.for %scan3A_36 = %scan3A to %scan3A_3 step %scan3A_4  : i32 {
      %mul3A_37 = arith.constant 1 : i32
      %mul3A_38 = arith.muli %scan3A_36, %mul3A_37 : i32
      %add3A = arith.constant 0 : i32
      %add3A_39 = arith.addi %add3A, %mul3A_38 : i32
      %scan3A_40 = arith.constant 0 : i32
      %scan3A_41 = arith.constant 8 : i32
      %scan3A_42 = arith.addi %scan3A_40, %scan3A_41 : i32
      %scan3A_43 = arith.constant 1 : i32
      scf.for %scan3A_45 = %scan3A_40 to %scan3A_42 step %scan3A_43  : i32 {
        %mul3A_46 = arith.constant 16 : i32
        %mul3A_47 = arith.muli %scan3A_45, %mul3A_46 : i32
        %add3A_48 = arith.constant 0 : i32
        %add3A_49 = arith.addi %add3A_48, %mul3A_47 : i32
        %swap3A = arith.index_cast %add3A_39 : i32 to index
        %swap3A_50 = arith.index_cast %add3A_49 : i32 to index
        %swap3A_51 = tpu.vector_load %arg12[%swap3A, %swap3A_50] {strides = array<i32>} : memref<128x128xf32, #tpu.memory_space<vmem>>, vector<16xf32>,
        tpu.vector_store %arg12[%swap3A, %swap3A_50], %broadcast_in_dim3A_1 {strides = array<i32>} : memref<128x128xf32, #tpu.memory_space<vmem>>, vector<16xf32>,
      }
      %scan3A_44 = arith.constant 8 : i32
    }
    %scan3A_5 = arith.constant 128 : i32
    %scan3A_6 = arith.constant 0 : i32
    %scan3A_7 = arith.constant 640 : i32
    %scan3A_8 = arith.addi %scan3A_6, %scan3A_7 : i32
    %scan3A_9 = arith.constant 1 : i32
    scf.for %scan3A_36 = %scan3A_6 to %scan3A_8 step %scan3A_9  : i32 {
      %mul3A_37 = arith.constant 16 : i32
      %mul3A_38 = arith.muli %scan3A_36, %mul3A_37 : i32
      %add3A = arith.constant 0 : i32
      %add3A_39 = arith.addi %add3A, %mul3A_38 : i32
      %swap3A = arith.index_cast %add3A_39 : i32 to index
      %swap3A_40 = tpu.vector_load %arg14[%swap3A] {strides = array<i32>} : memref<10240xf32, #tpu.memory_space<vmem>>, vector<16xf32>,
      tpu.vector_store %arg14[%swap3A], %broadcast_in_dim3A_1 {strides = array<i32>} : memref<10240xf32, #tpu.memory_space<vmem>>, vector<16xf32>,
    }
    %scan3A_10 = arith.constant 640 : i32
    %scan3A_11 = arith.constant 0 : i32
    %scan3A_12 = arith.constant 5 : i32
    %scan3A_13 = arith.addi %scan3A_11, %scan3A_12 : i32
    %scan3A_14 = arith.constant 1 : i32
    scf.for %scan3A_36 = %scan3A_11 to %scan3A_13 step %scan3A_14  : i32 {
      %mul3A_37 = arith.constant 1 : i32
      %mul3A_38 = arith.muli %scan3A_36, %mul3A_37 : i32
      %add3A = arith.constant 0 : i32
      %add3A_39 = arith.addi %add3A, %mul3A_38 : i32
      %mul3A_40 = arith.constant 128 : i32
      %mul3A_41 = arith.muli %add3A_39, %mul3A_40 : i32
      %add3A_42 = arith.addi %mul3A_0, %mul3A_41 : i32
      "tpu.region"() ({
        %run_scoped3A = tpu.sem_alloc : memref<!tpu.dma_semaphore, #tpu.memory_space<semaphore_mem>>
        %dma_start3A = arith.constant 0 : i32
        %dma_start3A_43 = tpu.memref_slice %arg9[%add3A_42, %dma_start3A] : memref<10240x128xf32, #tpu.memory_space<vmem_shared>> -> memref<128x128xf32, #tpu.memory_space<vmem_shared>>
        %dma_start3A_44 = arith.constant 0 : i32
        %dma_start3A_45 = tpu.memref_slice %arg9[%add3A_42, %dma_start3A_44] : memref<10240x128xf32, #tpu.memory_space<vmem_shared>> -> memref<128x128xf32, #tpu.memory_space<vmem_shared>>
        tpu.enqueue_dma source(%arg12 : memref<128x128xf32, #tpu.memory_space<vmem>>) target(%dma_start3A_45 : memref<128x128xf32, #tpu.memory_space<vmem_shared>>) target_semaphore(%run_scoped3A : memref<!tpu.dma_semaphore, #tpu.memory_space<semaphore_mem>>)
        %dma_wait3A = arith.constant 0 : i32
        %dma_wait3A_46 = tpu.memref_slice %arg9[%add3A_42, %dma_wait3A] : memref<10240x128xf32, #tpu.memory_space<vmem_shared>> -> memref<128x128xf32, #tpu.memory_space<vmem_shared>>
        %dma_wait3A_47 = arith.constant 0 : i32
        %dma_wait3A_48 = tpu.memref_slice %arg9[%add3A_42, %dma_wait3A_47] : memref<10240x128xf32, #tpu.memory_space<vmem_shared>> -> memref<128x128xf32, #tpu.memory_space<vmem_shared>>
        tpu.wait_dma2 semaphore(%run_scoped3A : memref<!tpu.dma_semaphore, #tpu.memory_space<semaphore_mem>>) src(%arg12 : memref<128x128xf32, #tpu.memory_space<vmem>>) dst(%dma_wait3A_48 : memref<128x128xf32, #tpu.memory_space<vmem_shared>>)
        tpu.yield
      }) : () -> ()
    }
    %scan3A_15 = arith.constant 5 : i32
    %barrier3A = arith.constant 0 : index
    tpu.barrier barrier_id(%barrier3A)
    %broadcast_in_dim3A_16 = arith.constant 1.000000e+00 : f32
    %broadcast_in_dim3A_17 = vector.broadcast %broadcast_in_dim3A_16 : f32 to vector<16xf32>
    %eq3A = arith.constant 0 : i32
    %eq3A_18 = arith.cmpi eq, %arg0, %eq3A : i32
    %convert_element_type3A = arith.extui %eq3A_18 : i1 to i32
    %cond3A = arith.constant 0 : i32
    %cond3A_19 = arith.cmpi ne, %convert_element_type3A, %cond3A : i32
    scf.if %cond3A_19 {
      %scan3A_36 = arith.constant 0 : i32
      %scan3A_37 = arith.constant 5 : i32
      %scan3A_38 = arith.addi %scan3A_36, %scan3A_37 : i32
      %scan3A_39 = arith.constant 1 : i32
      scf.for %scan3A_41 = %scan3A_36 to %scan3A_38 step %scan3A_39  : i32 {
        %mul3A_42 = arith.constant 16 : i32
        %mul3A_43 = arith.muli %scan3A_41, %mul3A_42 : i32
        %add3A = arith.constant 0 : i32
        %add3A_44 = arith.addi %add3A, %mul3A_43 : i32
        "tpu.region"() ({
          %run_scoped3A = tpu.sem_alloc : memref<!tpu.dma_semaphore, #tpu.memory_space<semaphore_mem>>
          %dma_start3A_1002 = arith.constant 0 : i32
          %dma_start3A_1003 = tpu.memref_slice %arg4[%arg1, %add3A_44, %dma_start3A_1002] : memref<16x80x128xi32, #tpu.memory_space<hbm>> -> memref<1x16x128xi32, #tpu.memory_space<hbm>>
          %dma_start3A_1004 = tpu.memref_squeeze %dma_start3A_1003 : memref<1x16x128xi32, #tpu.memory_space<hbm>> -> memref<16x128xi32, #tpu.memory_space<hbm>>
          %dma_start3A_1005 = arith.constant 0 : i32
          %dma_start3A_1006 = tpu.memref_slice %arg4[%arg1, %add3A_44, %dma_start3A_1005] : memref<16x80x128xi32, #tpu.memory_space<hbm>> -> memref<1x16x128xi32, #tpu.memory_space<hbm>>
          %dma_start3A_1007 = tpu.memref_squeeze %dma_start3A_1006 : memref<1x16x128xi32, #tpu.memory_space<hbm>> -> memref<16x128xi32, #tpu.memory_space<hbm>>
          tpu.enqueue_dma source(%dma_start3A_1007 : memref<16x128xi32, #tpu.memory_space<hbm>>) target(%arg10 : memref<16x128xi32, #tpu.memory_space<vmem>>) target_semaphore(%run_scoped3A : memref<!tpu.dma_semaphore, #tpu.memory_space<semaphore_mem>>)
          %dma_wait3A_1008 = arith.constant 0 : i32
          %dma_wait3A_1009 = tpu.memref_slice %arg4[%arg1, %add3A_44, %dma_wait3A_1008] : memref<16x80x128xi32, #tpu.memory_space<hbm>> -> memref<1x16x128xi32, #tpu.memory_space<hbm>>
          %dma_wait3A_1010 = tpu.memref_squeeze %dma_wait3A_1009 : memref<1x16x128xi32, #tpu.memory_space<hbm>> -> memref<16x128xi32, #tpu.memory_space<hbm>>
          %dma_wait3A_1011 = arith.constant 0 : i32
          %dma_wait3A_1012 = tpu.memref_slice %arg4[%arg1, %add3A_44, %dma_wait3A_1011] : memref<16x80x128xi32, #tpu.memory_space<hbm>> -> memref<1x16x128xi32, #tpu.memory_space<hbm>>
          %dma_wait3A_1013 = tpu.memref_squeeze %dma_wait3A_1012 : memref<1x16x128xi32, #tpu.memory_space<hbm>> -> memref<16x128xi32, #tpu.memory_space<hbm>>
          tpu.wait_dma2 semaphore(%run_scoped3A : memref<!tpu.dma_semaphore, #tpu.memory_space<semaphore_mem>>) src(%dma_wait3A_1013 : memref<16x128xi32, #tpu.memory_space<hbm>>) dst(%arg10 : memref<16x128xi32, #tpu.memory_space<vmem>>)
          tpu.yield
        }) : () -> ()
        "tpu.region"() ({
          %run_scoped3A = tpu.sem_alloc : memref<!tpu.dma_semaphore, #tpu.memory_space<semaphore_mem>>
          %dma_start3A_1002 = arith.constant 0 : i32
          %dma_start3A_1003 = tpu.memref_slice %arg5[%arg1, %add3A_44, %dma_start3A_1002] : memref<16x80x128xi32, #tpu.memory_space<hbm>> -> memref<1x16x128xi32, #tpu.memory_space<hbm>>
          %dma_start3A_1004 = tpu.memref_squeeze %dma_start3A_1003 : memref<1x16x128xi32, #tpu.memory_space<hbm>> -> memref<16x128xi32, #tpu.memory_space<hbm>>
          %dma_start3A_1005 = arith.constant 0 : i32
          %dma_start3A_1006 = tpu.memref_slice %arg5[%arg1, %add3A_44, %dma_start3A_1005] : memref<16x80x128xi32, #tpu.memory_space<hbm>> -> memref<1x16x128xi32, #tpu.memory_space<hbm>>
          %dma_start3A_1007 = tpu.memref_squeeze %dma_start3A_1006 : memref<1x16x128xi32, #tpu.memory_space<hbm>> -> memref<16x128xi32, #tpu.memory_space<hbm>>
          tpu.enqueue_dma source(%dma_start3A_1007 : memref<16x128xi32, #tpu.memory_space<hbm>>) target(%arg11 : memref<16x128xi32, #tpu.memory_space<vmem>>) target_semaphore(%run_scoped3A : memref<!tpu.dma_semaphore, #tpu.memory_space<semaphore_mem>>)
          %dma_wait3A_1008 = arith.constant 0 : i32
          %dma_wait3A_1009 = tpu.memref_slice %arg5[%arg1, %add3A_44, %dma_wait3A_1008] : memref<16x80x128xi32, #tpu.memory_space<hbm>> -> memref<1x16x128xi32, #tpu.memory_space<hbm>>
          %dma_wait3A_1010 = tpu.memref_squeeze %dma_wait3A_1009 : memref<1x16x128xi32, #tpu.memory_space<hbm>> -> memref<16x128xi32, #tpu.memory_space<hbm>>
          %dma_wait3A_1011 = arith.constant 0 : i32
          %dma_wait3A_1012 = tpu.memref_slice %arg5[%arg1, %add3A_44, %dma_wait3A_1011] : memref<16x80x128xi32, #tpu.memory_space<hbm>> -> memref<1x16x128xi32, #tpu.memory_space<hbm>>
          %dma_wait3A_1013 = tpu.memref_squeeze %dma_wait3A_1012 : memref<1x16x128xi32, #tpu.memory_space<hbm>> -> memref<16x128xi32, #tpu.memory_space<hbm>>
          tpu.wait_dma2 semaphore(%run_scoped3A : memref<!tpu.dma_semaphore, #tpu.memory_space<semaphore_mem>>) src(%dma_wait3A_1013 : memref<16x128xi32, #tpu.memory_space<hbm>>) dst(%arg11 : memref<16x128xi32, #tpu.memory_space<vmem>>)
          tpu.yield
        }) : () -> ()
        %dma_start3A = arith.constant 0 : i32
        %dma_start3A_45 = arith.constant 0 : i32
        %dma_start3A_46 = tpu.memref_slice %arg10[%dma_start3A, %dma_start3A_45] : memref<16x128xi32, #tpu.memory_space<vmem>> -> memref<1x128xi32, #tpu.memory_space<vmem>>
        %dma_start3A_47 = tpu.memref_squeeze %dma_start3A_46 : memref<1x128xi32, #tpu.memory_space<vmem>> -> memref<128xi32, #tpu.memory_space<vmem>>
        %dma_start3A_48 = arith.constant 0 : i32
        %dma_start3A_49 = arith.constant 0 : i32
        %dma_start3A_50 = tpu.memref_slice %arg2[%dma_start3A_48, %dma_start3A_49] : memref<10000x128xf32, #tpu.memory_space<hbm>> -> memref<10000x128xf32, #tpu.memory_space<hbm>>
        tpu.enqueue_indirect_dma source(%dma_start3A_50 : memref<10000x128xf32, #tpu.memory_space<hbm>>) target(%arg12 : memref<128x128xf32, #tpu.memory_space<vmem>>) offsets(%dma_start3A_47 : memref<128xi32, #tpu.memory_space<vmem>>) semaphore(%arg15 : memref<!tpu.dma_semaphore, #tpu.memory_space<semaphore_mem>>)
        %dma_start3A_51 = arith.constant 1 : i32
        %dma_start3A_52 = arith.constant 0 : i32
        %dma_start3A_53 = tpu.memref_slice %arg10[%dma_start3A_51, %dma_start3A_52] : memref<16x128xi32, #tpu.memory_space<vmem>> -> memref<1x128xi32, #tpu.memory_space<vmem>>
        %dma_start3A_54 = tpu.memref_squeeze %dma_start3A_53 : memref<1x128xi32, #tpu.memory_space<vmem>> -> memref<128xi32, #tpu.memory_space<vmem>>
        %dma_start3A_55 = arith.constant 0 : i32
        %dma_start3A_56 = arith.constant 0 : i32
        %dma_start3A_57 = tpu.memref_slice %arg2[%dma_start3A_55, %dma_start3A_56] : memref<10000x128xf32, #tpu.memory_space<hbm>> -> memref<10000x128xf32, #tpu.memory_space<hbm>>
        tpu.enqueue_indirect_dma source(%dma_start3A_57 : memref<10000x128xf32, #tpu.memory_space<hbm>>) target(%arg13 : memref<128x128xf32, #tpu.memory_space<vmem>>) offsets(%dma_start3A_54 : memref<128xi32, #tpu.memory_space<vmem>>) semaphore(%arg16 : memref<!tpu.dma_semaphore, #tpu.memory_space<semaphore_mem>>)
        %dma_wait3A = arith.constant 0 : i32
        %dma_wait3A_58 = arith.constant 0 : i32
        %dma_wait3A_59 = tpu.memref_slice %arg10[%dma_wait3A, %dma_wait3A_58] : memref<16x128xi32, #tpu.memory_space<vmem>> -> memref<1x128xi32, #tpu.memory_space<vmem>>
        %dma_wait3A_60 = tpu.memref_squeeze %dma_wait3A_59 : memref<1x128xi32, #tpu.memory_space<vmem>> -> memref<128xi32, #tpu.memory_space<vmem>>
        %dma_wait3A_61 = arith.constant 0 : i32
        %dma_wait3A_62 = arith.constant 0 : i32
        %dma_wait3A_63 = tpu.memref_slice %arg2[%dma_wait3A_61, %dma_wait3A_62] : memref<10000x128xf32, #tpu.memory_space<hbm>> -> memref<10000x128xf32, #tpu.memory_space<hbm>>
        tpu.wait_indirect_dma semaphore(%arg15 : memref<!tpu.dma_semaphore, #tpu.memory_space<semaphore_mem>>) src(%dma_wait3A_63 : memref<10000x128xf32, #tpu.memory_space<hbm>>) dst(%arg12 : memref<128x128xf32, #tpu.memory_space<vmem>>)
        %dma_start3A_64 = arith.constant 0 : i32
        %dma_start3A_65 = arith.constant 0 : i32
        %dma_start3A_66 = tpu.memref_slice %arg11[%dma_start3A_64, %dma_start3A_65] : memref<16x128xi32, #tpu.memory_space<vmem>> -> memref<1x128xi32, #tpu.memory_space<vmem>>
        %dma_start3A_67 = tpu.memref_squeeze %dma_start3A_66 : memref<1x128xi32, #tpu.memory_space<vmem>> -> memref<128xi32, #tpu.memory_space<vmem>>
        %dma_start3A_68 = arith.constant 0 : i32
        %dma_start3A_69 = arith.constant 0 : i32
        %dma_start3A_70 = tpu.memref_slice %arg9[%dma_start3A_68, %dma_start3A_69] : memref<10240x128xf32, #tpu.memory_space<vmem_shared>> -> memref<10240x128xf32, #tpu.memory_space<vmem_shared>>
        tpu.enqueue_indirect_dma source(%arg12 : memref<128x128xf32, #tpu.memory_space<vmem>>) target(%dma_start3A_70 : memref<10240x128xf32, #tpu.memory_space<vmem_shared>>) offsets(%dma_start3A_67 : memref<128xi32, #tpu.memory_space<vmem>>) semaphore(%arg17 : memref<!tpu.dma_semaphore, #tpu.memory_space<semaphore_mem>>) {add = true}
        %get3A = arith.constant 0 : i32
        %get3A_71 = arith.index_cast %get3A : i32 to index
        %get3A_72 = arith.constant 0 : index
        %get3A_73 = tpu.vector_load %arg11[%get3A_71, %get3A_72] {strides = array<i32>} : memref<16x128xi32, #tpu.memory_space<vmem>>, vector<16xi32>,
        tpu.vector_store_idx %arg14[%get3A_73], %broadcast_in_dim3A_17 {add = true} : memref<10240xf32, #tpu.memory_space<vmem>>[vector<16xi32>], vector<16xf32>,
        %get3A_74 = arith.constant 0 : i32
        %get3A_75 = arith.index_cast %get3A_74 : i32 to index
        %get3A_76 = arith.constant 16 : index
        %get3A_77 = tpu.vector_load %arg11[%get3A_75, %get3A_76] {strides = array<i32>} : memref<16x128xi32, #tpu.memory_space<vmem>>, vector<16xi32>,
        tpu.vector_store_idx %arg14[%get3A_77], %broadcast_in_dim3A_17 {add = true} : memref<10240xf32, #tpu.memory_space<vmem>>[vector<16xi32>], vector<16xf32>,
        %get3A_78 = arith.constant 0 : i32
        %get3A_79 = arith.index_cast %get3A_78 : i32 to index
        %get3A_80 = arith.constant 32 : index
        %get3A_81 = tpu.vector_load %arg11[%get3A_79, %get3A_80] {strides = array<i32>} : memref<16x128xi32, #tpu.memory_space<vmem>>, vector<16xi32>,
        tpu.vector_store_idx %arg14[%get3A_81], %broadcast_in_dim3A_17 {add = true} : memref<10240xf32, #tpu.memory_space<vmem>>[vector<16xi32>], vector<16xf32>,
        %get3A_82 = arith.constant 0 : i32
        %get3A_83 = arith.index_cast %get3A_82 : i32 to index
        %get3A_84 = arith.constant 48 : index
        %get3A_85 = tpu.vector_load %arg11[%get3A_83, %get3A_84] {strides = array<i32>} : memref<16x128xi32, #tpu.memory_space<vmem>>, vector<16xi32>,
        tpu.vector_store_idx %arg14[%get3A_85], %broadcast_in_dim3A_17 {add = true} : memref<10240xf32, #tpu.memory_space<vmem>>[vector<16xi32>], vector<16xf32>,
        %get3A_86 = arith.constant 0 : i32
        %get3A_87 = arith.index_cast %get3A_86 : i32 to index
        %get3A_88 = arith.constant 64 : index
        %get3A_89 = tpu.vector_load %arg11[%get3A_87, %get3A_88] {strides = array<i32>} : memref<16x128xi32, #tpu.memory_space<vmem>>, vector<16xi32>,
        tpu.vector_store_idx %arg14[%get3A_89], %broadcast_in_dim3A_17 {add = true} : memref<10240xf32, #tpu.memory_space<vmem>>[vector<16xi32>], vector<16xf32>,
        %get3A_90 = arith.constant 0 : i32
        %get3A_91 = arith.index_cast %get3A_90 : i32 to index
        %get3A_92 = arith.constant 80 : index
        %get3A_93 = tpu.vector_load %arg11[%get3A_91, %get3A_92] {strides = array<i32>} : memref<16x128xi32, #tpu.memory_space<vmem>>, vector<16xi32>,
        tpu.vector_store_idx %arg14[%get3A_93], %broadcast_in_dim3A_17 {add = true} : memref<10240xf32, #tpu.memory_space<vmem>>[vector<16xi32>], vector<16xf32>,
        %get3A_94 = arith.constant 0 : i32
        %get3A_95 = arith.index_cast %get3A_94 : i32 to index
        %get3A_96 = arith.constant 96 : index
        %get3A_97 = tpu.vector_load %arg11[%get3A_95, %get3A_96] {strides = array<i32>} : memref<16x128xi32, #tpu.memory_space<vmem>>, vector<16xi32>,
        tpu.vector_store_idx %arg14[%get3A_97], %broadcast_in_dim3A_17 {add = true} : memref<10240xf32, #tpu.memory_space<vmem>>[vector<16xi32>], vector<16xf32>,
        %get3A_98 = arith.constant 0 : i32
        %get3A_99 = arith.index_cast %get3A_98 : i32 to index
        %get3A_100 = arith.constant 112 : index
        %get3A_101 = tpu.vector_load %arg11[%get3A_99, %get3A_100] {strides = array<i32>} : memref<16x128xi32, #tpu.memory_space<vmem>>, vector<16xi32>,
        tpu.vector_store_idx %arg14[%get3A_101], %broadcast_in_dim3A_17 {add = true} : memref<10240xf32, #tpu.memory_space<vmem>>[vector<16xi32>], vector<16xf32>,
        %dma_wait3A_102 = arith.constant 0 : i32
        %dma_wait3A_103 = arith.constant 0 : i32
        %dma_wait3A_104 = tpu.memref_slice %arg11[%dma_wait3A_102, %dma_wait3A_103] : memref<16x128xi32, #tpu.memory_space<vmem>> -> memref<1x128xi32, #tpu.memory_space<vmem>>
        %dma_wait3A_105 = tpu.memref_squeeze %dma_wait3A_104 : memref<1x128xi32, #tpu.memory_space<vmem>> -> memref<128xi32, #tpu.memory_space<vmem>>
        %dma_wait3A_106 = arith.constant 0 : i32
        %dma_wait3A_107 = arith.constant 0 : i32
        %dma_wait3A_108 = tpu.memref_slice %arg9[%dma_wait3A_106, %dma_wait3A_107] : memref<10240x128xf32, #tpu.memory_space<vmem_shared>> -> memref<10240x128xf32, #tpu.memory_space<vmem_shared>>
        tpu.wait_indirect_dma semaphore(%arg17 : memref<!tpu.dma_semaphore, #tpu.memory_space<semaphore_mem>>) src(%arg12 : memref<128x128xf32, #tpu.memory_space<vmem>>) dst(%dma_wait3A_108 : memref<10240x128xf32, #tpu.memory_space<vmem_shared>>)
        %dma_start3A_109 = arith.constant 2 : i32
        %dma_start3A_110 = arith.constant 0 : i32
        %dma_start3A_111 = tpu.memref_slice %arg10[%dma_start3A_109, %dma_start3A_110] : memref<16x128xi32, #tpu.memory_space<vmem>> -> memref<1x128xi32, #tpu.memory_space<vmem>>
        %dma_start3A_112 = tpu.memref_squeeze %dma_start3A_111 : memref<1x128xi32, #tpu.memory_space<vmem>> -> memref<128xi32, #tpu.memory_space<vmem>>
        %dma_start3A_113 = arith.constant 0 : i32
        %dma_start3A_114 = arith.constant 0 : i32
        %dma_start3A_115 = tpu.memref_slice %arg2[%dma_start3A_113, %dma_start3A_114] : memref<10000x128xf32, #tpu.memory_space<hbm>> -> memref<10000x128xf32, #tpu.memory_space<hbm>>
        tpu.enqueue_indirect_dma source(%dma_start3A_115 : memref<10000x128xf32, #tpu.memory_space<hbm>>) target(%arg12 : memref<128x128xf32, #tpu.memory_space<vmem>>) offsets(%dma_start3A_112 : memref<128xi32, #tpu.memory_space<vmem>>) semaphore(%arg15 : memref<!tpu.dma_semaphore, #tpu.memory_space<semaphore_mem>>)
        %dma_wait3A_116 = arith.constant 1 : i32
        %dma_wait3A_117 = arith.constant 0 : i32
        %dma_wait3A_118 = tpu.memref_slice %arg10[%dma_wait3A_116, %dma_wait3A_117] : memref<16x128xi32, #tpu.memory_space<vmem>> -> memref<1x128xi32, #tpu.memory_space<vmem>>
        %dma_wait3A_119 = tpu.memref_squeeze %dma_wait3A_118 : memref<1x128xi32, #tpu.memory_space<vmem>> -> memref<128xi32, #tpu.memory_space<vmem>>
        %dma_wait3A_120 = arith.constant 0 : i32
        %dma_wait3A_121 = arith.constant 0 : i32
        %dma_wait3A_122 = tpu.memref_slice %arg2[%dma_wait3A_120, %dma_wait3A_121] : memref<10000x128xf32, #tpu.memory_space<hbm>> -> memref<10000x128xf32, #tpu.memory_space<hbm>>
        tpu.wait_indirect_dma semaphore(%arg16 : memref<!tpu.dma_semaphore, #tpu.memory_space<semaphore_mem>>) src(%dma_wait3A_122 : memref<10000x128xf32, #tpu.memory_space<hbm>>) dst(%arg13 : memref<128x128xf32, #tpu.memory_space<vmem>>)
        %dma_start3A_123 = arith.constant 1 : i32
        %dma_start3A_124 = arith.constant 0 : i32
        %dma_start3A_125 = tpu.memref_slice %arg11[%dma_start3A_123, %dma_start3A_124] : memref<16x128xi32, #tpu.memory_space<vmem>> -> memref<1x128xi32, #tpu.memory_space<vmem>>
        %dma_start3A_126 = tpu.memref_squeeze %dma_start3A_125 : memref<1x128xi32, #tpu.memory_space<vmem>> -> memref<128xi32, #tpu.memory_space<vmem>>
        %dma_start3A_127 = arith.constant 0 : i32
        %dma_start3A_128 = arith.constant 0 : i32
        %dma_start3A_129 = tpu.memref_slice %arg9[%dma_start3A_127, %dma_start3A_128] : memref<10240x128xf32, #tpu.memory_space<vmem_shared>> -> memref<10240x128xf32, #tpu.memory_space<vmem_shared>>
        tpu.enqueue_indirect_dma source(%arg13 : memref<128x128xf32, #tpu.memory_space<vmem>>) target(%dma_start3A_129 : memref<10240x128xf32, #tpu.memory_space<vmem_shared>>) offsets(%dma_start3A_126 : memref<128xi32, #tpu.memory_space<vmem>>) semaphore(%arg18 : memref<!tpu.dma_semaphore, #tpu.memory_space<semaphore_mem>>) {add = true}
        %get3A_130 = arith.constant 1 : i32
        %get3A_131 = arith.index_cast %get3A_130 : i32 to index
        %get3A_132 = arith.constant 0 : index
        %get3A_133 = tpu.vector_load %arg11[%get3A_131, %get3A_132] {strides = array<i32>} : memref<16x128xi32, #tpu.memory_space<vmem>>, vector<16xi32>,
        tpu.vector_store_idx %arg14[%get3A_133], %broadcast_in_dim3A_17 {add = true} : memref<10240xf32, #tpu.memory_space<vmem>>[vector<16xi32>], vector<16xf32>,
        %get3A_134 = arith.constant 1 : i32
        %get3A_135 = arith.index_cast %get3A_134 : i32 to index
        %get3A_136 = arith.constant 16 : index
        %get3A_137 = tpu.vector_load %arg11[%get3A_135, %get3A_136] {strides = array<i32>} : memref<16x128xi32, #tpu.memory_space<vmem>>, vector<16xi32>,
        tpu.vector_store_idx %arg14[%get3A_137], %broadcast_in_dim3A_17 {add = true} : memref<10240xf32, #tpu.memory_space<vmem>>[vector<16xi32>], vector<16xf32>,
        %get3A_138 = arith.constant 1 : i32
        %get3A_139 = arith.index_cast %get3A_138 : i32 to index
        %get3A_140 = arith.constant 32 : index
        %get3A_141 = tpu.vector_load %arg11[%get3A_139, %get3A_140] {strides = array<i32>} : memref<16x128xi32, #tpu.memory_space<vmem>>, vector<16xi32>,
        tpu.vector_store_idx %arg14[%get3A_141], %broadcast_in_dim3A_17 {add = true} : memref<10240xf32, #tpu.memory_space<vmem>>[vector<16xi32>], vector<16xf32>,
        %get3A_142 = arith.constant 1 : i32
        %get3A_143 = arith.index_cast %get3A_142 : i32 to index
        %get3A_144 = arith.constant 48 : index
        %get3A_145 = tpu.vector_load %arg11[%get3A_143, %get3A_144] {strides = array<i32>} : memref<16x128xi32, #tpu.memory_space<vmem>>, vector<16xi32>,
        tpu.vector_store_idx %arg14[%get3A_145], %broadcast_in_dim3A_17 {add = true} : memref<10240xf32, #tpu.memory_space<vmem>>[vector<16xi32>], vector<16xf32>,
        %get3A_146 = arith.constant 1 : i32
        %get3A_147 = arith.index_cast %get3A_146 : i32 to index
        %get3A_148 = arith.constant 64 : index
        %get3A_149 = tpu.vector_load %arg11[%get3A_147, %get3A_148] {strides = array<i32>} : memref<16x128xi32, #tpu.memory_space<vmem>>, vector<16xi32>,
        tpu.vector_store_idx %arg14[%get3A_149], %broadcast_in_dim3A_17 {add = true} : memref<10240xf32, #tpu.memory_space<vmem>>[vector<16xi32>], vector<16xf32>,
        %get3A_150 = arith.constant 1 : i32
        %get3A_151 = arith.index_cast %get3A_150 : i32 to index
        %get3A_152 = arith.constant 80 : index
        %get3A_153 = tpu.vector_load %arg11[%get3A_151, %get3A_152] {strides = array<i32>} : memref<16x128xi32, #tpu.memory_space<vmem>>, vector<16xi32>,
        tpu.vector_store_idx %arg14[%get3A_153], %broadcast_in_dim3A_17 {add = true} : memref<10240xf32, #tpu.memory_space<vmem>>[vector<16xi32>], vector<16xf32>,
        %get3A_154 = arith.constant 1 : i32
        %get3A_155 = arith.index_cast %get3A_154 : i32 to index
        %get3A_156 = arith.constant 96 : index
        %get3A_157 = tpu.vector_load %arg11[%get3A_155, %get3A_156] {strides = array<i32>} : memref<16x128xi32, #tpu.memory_space<vmem>>, vector<16xi32>,
        tpu.vector_store_idx %arg14[%get3A_157], %broadcast_in_dim3A_17 {add = true} : memref<10240xf32, #tpu.memory_space<vmem>>[vector<16xi32>], vector<16xf32>,
        %get3A_158 = arith.constant 1 : i32
        %get3A_159 = arith.index_cast %get3A_158 : i32 to index
        %get3A_160 = arith.constant 112 : index
        %get3A_161 = tpu.vector_load %arg11[%get3A_159, %get3A_160] {strides = array<i32>} : memref<16x128xi32, #tpu.memory_space<vmem>>, vector<16xi32>,
        tpu.vector_store_idx %arg14[%get3A_161], %broadcast_in_dim3A_17 {add = true} : memref<10240xf32, #tpu.memory_space<vmem>>[vector<16xi32>], vector<16xf32>,
        %dma_wait3A_162 = arith.constant 1 : i32
        %dma_wait3A_163 = arith.constant 0 : i32
        %dma_wait3A_164 = tpu.memref_slice %arg11[%dma_wait3A_162, %dma_wait3A_163] : memref<16x128xi32, #tpu.memory_space<vmem>> -> memref<1x128xi32, #tpu.memory_space<vmem>>
        %dma_wait3A_165 = tpu.memref_squeeze %dma_wait3A_164 : memref<1x128xi32, #tpu.memory_space<vmem>> -> memref<128xi32, #tpu.memory_space<vmem>>
        %dma_wait3A_166 = arith.constant 0 : i32
        %dma_wait3A_167 = arith.constant 0 : i32
        %dma_wait3A_168 = tpu.memref_slice %arg9[%dma_wait3A_166, %dma_wait3A_167] : memref<10240x128xf32, #tpu.memory_space<vmem_shared>> -> memref<10240x128xf32, #tpu.memory_space<vmem_shared>>
        tpu.wait_indirect_dma semaphore(%arg18 : memref<!tpu.dma_semaphore, #tpu.memory_space<semaphore_mem>>) src(%arg13 : memref<128x128xf32, #tpu.memory_space<vmem>>) dst(%dma_wait3A_168 : memref<10240x128xf32, #tpu.memory_space<vmem_shared>>)
        %dma_start3A_169 = arith.constant 3 : i32
        %dma_start3A_170 = arith.constant 0 : i32
        %dma_start3A_171 = tpu.memref_slice %arg10[%dma_start3A_169, %dma_start3A_170] : memref<16x128xi32, #tpu.memory_space<vmem>> -> memref<1x128xi32, #tpu.memory_space<vmem>>
        %dma_start3A_172 = tpu.memref_squeeze %dma_start3A_171 : memref<1x128xi32, #tpu.memory_space<vmem>> -> memref<128xi32, #tpu.memory_space<vmem>>
        %dma_start3A_173 = arith.constant 0 : i32
        %dma_start3A_174 = arith.constant 0 : i32
        %dma_start3A_175 = tpu.memref_slice %arg2[%dma_start3A_173, %dma_start3A_174] : memref<10000x128xf32, #tpu.memory_space<hbm>> -> memref<10000x128xf32, #tpu.memory_space<hbm>>
        tpu.enqueue_indirect_dma source(%dma_start3A_175 : memref<10000x128xf32, #tpu.memory_space<hbm>>) target(%arg13 : memref<128x128xf32, #tpu.memory_space<vmem>>) offsets(%dma_start3A_172 : memref<128xi32, #tpu.memory_space<vmem>>) semaphore(%arg16 : memref<!tpu.dma_semaphore, #tpu.memory_space<semaphore_mem>>)
        %dma_wait3A_176 = arith.constant 2 : i32
        %dma_wait3A_177 = arith.constant 0 : i32
        %dma_wait3A_178 = tpu.memref_slice %arg10[%dma_wait3A_176, %dma_wait3A_177] : memref<16x128xi32, #tpu.memory_space<vmem>> -> memref<1x128xi32, #tpu.memory_space<vmem>>
        %dma_wait3A_179 = tpu.memref_squeeze %dma_wait3A_178 : memref<1x128xi32, #tpu.memory_space<vmem>> -> memref<128xi32, #tpu.memory_space<vmem>>
        %dma_wait3A_180 = arith.constant 0 : i32
        %dma_wait3A_181 = arith.constant 0 : i32
        %dma_wait3A_182 = tpu.memref_slice %arg2[%dma_wait3A_180, %dma_wait3A_181] : memref<10000x128xf32, #tpu.memory_space<hbm>> -> memref<10000x128xf32, #tpu.memory_space<hbm>>
        tpu.wait_indirect_dma semaphore(%arg15 : memref<!tpu.dma_semaphore, #tpu.memory_space<semaphore_mem>>) src(%dma_wait3A_182 : memref<10000x128xf32, #tpu.memory_space<hbm>>) dst(%arg12 : memref<128x128xf32, #tpu.memory_space<vmem>>)
        %dma_start3A_183 = arith.constant 2 : i32
        %dma_start3A_184 = arith.constant 0 : i32
        %dma_start3A_185 = tpu.memref_slice %arg11[%dma_start3A_183, %dma_start3A_184] : memref<16x128xi32, #tpu.memory_space<vmem>> -> memref<1x128xi32, #tpu.memory_space<vmem>>
        %dma_start3A_186 = tpu.memref_squeeze %dma_start3A_185 : memref<1x128xi32, #tpu.memory_space<vmem>> -> memref<128xi32, #tpu.memory_space<vmem>>
        %dma_start3A_187 = arith.constant 0 : i32
        %dma_start3A_188 = arith.constant 0 : i32
        %dma_start3A_189 = tpu.memref_slice %arg9[%dma_start3A_187, %dma_start3A_188] : memref<10240x128xf32, #tpu.memory_space<vmem_shared>> -> memref<10240x128xf32, #tpu.memory_space<vmem_shared>>
        tpu.enqueue_indirect_dma source(%arg12 : memref<128x128xf32, #tpu.memory_space<vmem>>) target(%dma_start3A_189 : memref<10240x128xf32, #tpu.memory_space<vmem_shared>>) offsets(%dma_start3A_186 : memref<128xi32, #tpu.memory_space<vmem>>) semaphore(%arg17 : memref<!tpu.dma_semaphore, #tpu.memory_space<semaphore_mem>>) {add = true}
        %get3A_190 = arith.constant 2 : i32
        %get3A_191 = arith.index_cast %get3A_190 : i32 to index
        %get3A_192 = arith.constant 0 : index
        %get3A_193 = tpu.vector_load %arg11[%get3A_191, %get3A_192] {strides = array<i32>} : memref<16x128xi32, #tpu.memory_space<vmem>>, vector<16xi32>,
        tpu.vector_store_idx %arg14[%get3A_193], %broadcast_in_dim3A_17 {add = true} : memref<10240xf32, #tpu.memory_space<vmem>>[vector<16xi32>], vector<16xf32>,
        %get3A_194 = arith.constant 2 : i32
        %get3A_195 = arith.index_cast %get3A_194 : i32 to index
        %get3A_196 = arith.constant 16 : index
        %get3A_197 = tpu.vector_load %arg11[%get3A_195, %get3A_196] {strides = array<i32>} : memref<16x128xi32, #tpu.memory_space<vmem>>, vector<16xi32>,
        tpu.vector_store_idx %arg14[%get3A_197], %broadcast_in_dim3A_17 {add = true} : memref<10240xf32, #tpu.memory_space<vmem>>[vector<16xi32>], vector<16xf32>,
        %get3A_198 = arith.constant 2 : i32
        %get3A_199 = arith.index_cast %get3A_198 : i32 to index
        %get3A_200 = arith.constant 32 : index
        %get3A_201 = tpu.vector_load %arg11[%get3A_199, %get3A_200] {strides = array<i32>} : memref<16x128xi32, #tpu.memory_space<vmem>>, vector<16xi32>,
        tpu.vector_store_idx %arg14[%get3A_201], %broadcast_in_dim3A_17 {add = true} : memref<10240xf32, #tpu.memory_space<vmem>>[vector<16xi32>], vector<16xf32>,
        %get3A_202 = arith.constant 2 : i32
        %get3A_203 = arith.index_cast %get3A_202 : i32 to index
        %get3A_204 = arith.constant 48 : index
        %get3A_205 = tpu.vector_load %arg11[%get3A_203, %get3A_204] {strides = array<i32>} : memref<16x128xi32, #tpu.memory_space<vmem>>, vector<16xi32>,
        tpu.vector_store_idx %arg14[%get3A_205], %broadcast_in_dim3A_17 {add = true} : memref<10240xf32, #tpu.memory_space<vmem>>[vector<16xi32>], vector<16xf32>,
        %get3A_206 = arith.constant 2 : i32
        %get3A_207 = arith.index_cast %get3A_206 : i32 to index
        %get3A_208 = arith.constant 64 : index
        %get3A_209 = tpu.vector_load %arg11[%get3A_207, %get3A_208] {strides = array<i32>} : memref<16x128xi32, #tpu.memory_space<vmem>>, vector<16xi32>,
        tpu.vector_store_idx %arg14[%get3A_209], %broadcast_in_dim3A_17 {add = true} : memref<10240xf32, #tpu.memory_space<vmem>>[vector<16xi32>], vector<16xf32>,
        %get3A_210 = arith.constant 2 : i32
        %get3A_211 = arith.index_cast %get3A_210 : i32 to index
        %get3A_212 = arith.constant 80 : index
        %get3A_213 = tpu.vector_load %arg11[%get3A_211, %get3A_212] {strides = array<i32>} : memref<16x128xi32, #tpu.memory_space<vmem>>, vector<16xi32>,
        tpu.vector_store_idx %arg14[%get3A_213], %broadcast_in_dim3A_17 {add = true} : memref<10240xf32, #tpu.memory_space<vmem>>[vector<16xi32>], vector<16xf32>,
        %get3A_214 = arith.constant 2 : i32
        %get3A_215 = arith.index_cast %get3A_214 : i32 to index
        %get3A_216 = arith.constant 96 : index
        %get3A_217 = tpu.vector_load %arg11[%get3A_215, %get3A_216] {strides = array<i32>} : memref<16x128xi32, #tpu.memory_space<vmem>>, vector<16xi32>,
        tpu.vector_store_idx %arg14[%get3A_217], %broadcast_in_dim3A_17 {add = true} : memref<10240xf32, #tpu.memory_space<vmem>>[vector<16xi32>], vector<16xf32>,
        %get3A_218 = arith.constant 2 : i32
        %get3A_219 = arith.index_cast %get3A_218 : i32 to index
        %get3A_220 = arith.constant 112 : index
        %get3A_221 = tpu.vector_load %arg11[%get3A_219, %get3A_220] {strides = array<i32>} : memref<16x128xi32, #tpu.memory_space<vmem>>, vector<16xi32>,
        tpu.vector_store_idx %arg14[%get3A_221], %broadcast_in_dim3A_17 {add = true} : memref<10240xf32, #tpu.memory_space<vmem>>[vector<16xi32>], vector<16xf32>,
        %dma_wait3A_222 = arith.constant 2 : i32
        %dma_wait3A_223 = arith.constant 0 : i32
        %dma_wait3A_224 = tpu.memref_slice %arg11[%dma_wait3A_222, %dma_wait3A_223] : memref<16x128xi32, #tpu.memory_space<vmem>> -> memref<1x128xi32, #tpu.memory_space<vmem>>
        %dma_wait3A_225 = tpu.memref_squeeze %dma_wait3A_224 : memref<1x128xi32, #tpu.memory_space<vmem>> -> memref<128xi32, #tpu.memory_space<vmem>>
        %dma_wait3A_226 = arith.constant 0 : i32
        %dma_wait3A_227 = arith.constant 0 : i32
        %dma_wait3A_228 = tpu.memref_slice %arg9[%dma_wait3A_226, %dma_wait3A_227] : memref<10240x128xf32, #tpu.memory_space<vmem_shared>> -> memref<10240x128xf32, #tpu.memory_space<vmem_shared>>
        tpu.wait_indirect_dma semaphore(%arg17 : memref<!tpu.dma_semaphore, #tpu.memory_space<semaphore_mem>>) src(%arg12 : memref<128x128xf32, #tpu.memory_space<vmem>>) dst(%dma_wait3A_228 : memref<10240x128xf32, #tpu.memory_space<vmem_shared>>)
        %dma_start3A_229 = arith.constant 4 : i32
        %dma_start3A_230 = arith.constant 0 : i32
        %dma_start3A_231 = tpu.memref_slice %arg10[%dma_start3A_229, %dma_start3A_230] : memref<16x128xi32, #tpu.memory_space<vmem>> -> memref<1x128xi32, #tpu.memory_space<vmem>>
        %dma_start3A_232 = tpu.memref_squeeze %dma_start3A_231 : memref<1x128xi32, #tpu.memory_space<vmem>> -> memref<128xi32, #tpu.memory_space<vmem>>
        %dma_start3A_233 = arith.constant 0 : i32
        %dma_start3A_234 = arith.constant 0 : i32
        %dma_start3A_235 = tpu.memref_slice %arg2[%dma_start3A_233, %dma_start3A_234] : memref<10000x128xf32, #tpu.memory_space<hbm>> -> memref<10000x128xf32, #tpu.memory_space<hbm>>
        tpu.enqueue_indirect_dma source(%dma_start3A_235 : memref<10000x128xf32, #tpu.memory_space<hbm>>) target(%arg12 : memref<128x128xf32, #tpu.memory_space<vmem>>) offsets(%dma_start3A_232 : memref<128xi32, #tpu.memory_space<vmem>>) semaphore(%arg15 : memref<!tpu.dma_semaphore, #tpu.memory_space<semaphore_mem>>)
        %dma_wait3A_236 = arith.constant 3 : i32
        %dma_wait3A_237 = arith.constant 0 : i32
        %dma_wait3A_238 = tpu.memref_slice %arg10[%dma_wait3A_236, %dma_wait3A_237] : memref<16x128xi32, #tpu.memory_space<vmem>> -> memref<1x128xi32, #tpu.memory_space<vmem>>
        %dma_wait3A_239 = tpu.memref_squeeze %dma_wait3A_238 : memref<1x128xi32, #tpu.memory_space<vmem>> -> memref<128xi32, #tpu.memory_space<vmem>>
        %dma_wait3A_240 = arith.constant 0 : i32
        %dma_wait3A_241 = arith.constant 0 : i32
        %dma_wait3A_242 = tpu.memref_slice %arg2[%dma_wait3A_240, %dma_wait3A_241] : memref<10000x128xf32, #tpu.memory_space<hbm>> -> memref<10000x128xf32, #tpu.memory_space<hbm>>
        tpu.wait_indirect_dma semaphore(%arg16 : memref<!tpu.dma_semaphore, #tpu.memory_space<semaphore_mem>>) src(%dma_wait3A_242 : memref<10000x128xf32, #tpu.memory_space<hbm>>) dst(%arg13 : memref<128x128xf32, #tpu.memory_space<vmem>>)
        %dma_start3A_243 = arith.constant 3 : i32
        %dma_start3A_244 = arith.constant 0 : i32
        %dma_start3A_245 = tpu.memref_slice %arg11[%dma_start3A_243, %dma_start3A_244] : memref<16x128xi32, #tpu.memory_space<vmem>> -> memref<1x128xi32, #tpu.memory_space<vmem>>
        %dma_start3A_246 = tpu.memref_squeeze %dma_start3A_245 : memref<1x128xi32, #tpu.memory_space<vmem>> -> memref<128xi32, #tpu.memory_space<vmem>>
        %dma_start3A_247 = arith.constant 0 : i32
        %dma_start3A_248 = arith.constant 0 : i32
        %dma_start3A_249 = tpu.memref_slice %arg9[%dma_start3A_247, %dma_start3A_248] : memref<10240x128xf32, #tpu.memory_space<vmem_shared>> -> memref<10240x128xf32, #tpu.memory_space<vmem_shared>>
        tpu.enqueue_indirect_dma source(%arg13 : memref<128x128xf32, #tpu.memory_space<vmem>>) target(%dma_start3A_249 : memref<10240x128xf32, #tpu.memory_space<vmem_shared>>) offsets(%dma_start3A_246 : memref<128xi32, #tpu.memory_space<vmem>>) semaphore(%arg18 : memref<!tpu.dma_semaphore, #tpu.memory_space<semaphore_mem>>) {add = true}
        %get3A_250 = arith.constant 3 : i32
        %get3A_251 = arith.index_cast %get3A_250 : i32 to index
        %get3A_252 = arith.constant 0 : index
        %get3A_253 = tpu.vector_load %arg11[%get3A_251, %get3A_252] {strides = array<i32>} : memref<16x128xi32, #tpu.memory_space<vmem>>, vector<16xi32>,
        tpu.vector_store_idx %arg14[%get3A_253], %broadcast_in_dim3A_17 {add = true} : memref<10240xf32, #tpu.memory_space<vmem>>[vector<16xi32>], vector<16xf32>,
        %get3A_254 = arith.constant 3 : i32
        %get3A_255 = arith.index_cast %get3A_254 : i32 to index
        %get3A_256 = arith.constant 16 : index
        %get3A_257 = tpu.vector_load %arg11[%get3A_255, %get3A_256] {strides = array<i32>} : memref<16x128xi32, #tpu.memory_space<vmem>>, vector<16xi32>,
        tpu.vector_store_idx %arg14[%get3A_257], %broadcast_in_dim3A_17 {add = true} : memref<10240xf32, #tpu.memory_space<vmem>>[vector<16xi32>], vector<16xf32>,
        %get3A_258 = arith.constant 3 : i32
        %get3A_259 = arith.index_cast %get3A_258 : i32 to index
        %get3A_260 = arith.constant 32 : index
        %get3A_261 = tpu.vector_load %arg11[%get3A_259, %get3A_260] {strides = array<i32>} : memref<16x128xi32, #tpu.memory_space<vmem>>, vector<16xi32>,
        tpu.vector_store_idx %arg14[%get3A_261], %broadcast_in_dim3A_17 {add = true} : memref<10240xf32, #tpu.memory_space<vmem>>[vector<16xi32>], vector<16xf32>,
        %get3A_262 = arith.constant 3 : i32
        %get3A_263 = arith.index_cast %get3A_262 : i32 to index
        %get3A_264 = arith.constant 48 : index
        %get3A_265 = tpu.vector_load %arg11[%get3A_263, %get3A_264] {strides = array<i32>} : memref<16x128xi32, #tpu.memory_space<vmem>>, vector<16xi32>,
        tpu.vector_store_idx %arg14[%get3A_265], %broadcast_in_dim3A_17 {add = true} : memref<10240xf32, #tpu.memory_space<vmem>>[vector<16xi32>], vector<16xf32>,
        %get3A_266 = arith.constant 3 : i32
        %get3A_267 = arith.index_cast %get3A_266 : i32 to index
        %get3A_268 = arith.constant 64 : index
        %get3A_269 = tpu.vector_load %arg11[%get3A_267, %get3A_268] {strides = array<i32>} : memref<16x128xi32, #tpu.memory_space<vmem>>, vector<16xi32>,
        tpu.vector_store_idx %arg14[%get3A_269], %broadcast_in_dim3A_17 {add = true} : memref<10240xf32, #tpu.memory_space<vmem>>[vector<16xi32>], vector<16xf32>,
        %get3A_270 = arith.constant 3 : i32
        %get3A_271 = arith.index_cast %get3A_270 : i32 to index
        %get3A_272 = arith.constant 80 : index
        %get3A_273 = tpu.vector_load %arg11[%get3A_271, %get3A_272] {strides = array<i32>} : memref<16x128xi32, #tpu.memory_space<vmem>>, vector<16xi32>,
        tpu.vector_store_idx %arg14[%get3A_273], %broadcast_in_dim3A_17 {add = true} : memref<10240xf32, #tpu.memory_space<vmem>>[vector<16xi32>], vector<16xf32>,
        %get3A_274 = arith.constant 3 : i32
        %get3A_275 = arith.index_cast %get3A_274 : i32 to index
        %get3A_276 = arith.constant 96 : index
        %get3A_277 = tpu.vector_load %arg11[%get3A_275, %get3A_276] {strides = array<i32>} : memref<16x128xi32, #tpu.memory_space<vmem>>, vector<16xi32>,
        tpu.vector_store_idx %arg14[%get3A_277], %broadcast_in_dim3A_17 {add = true} : memref<10240xf32, #tpu.memory_space<vmem>>[vector<16xi32>], vector<16xf32>,
        %get3A_278 = arith.constant 3 : i32
        %get3A_279 = arith.index_cast %get3A_278 : i32 to index
        %get3A_280 = arith.constant 112 : index
        %get3A_281 = tpu.vector_load %arg11[%get3A_279, %get3A_280] {strides = array<i32>} : memref<16x128xi32, #tpu.memory_space<vmem>>, vector<16xi32>,
        tpu.vector_store_idx %arg14[%get3A_281], %broadcast_in_dim3A_17 {add = true} : memref<10240xf32, #tpu.memory_space<vmem>>[vector<16xi32>], vector<16xf32>,
        %dma_wait3A_282 = arith.constant 3 : i32
        %dma_wait3A_283 = arith.constant 0 : i32
        %dma_wait3A_284 = tpu.memref_slice %arg11[%dma_wait3A_282, %dma_wait3A_283] : memref<16x128xi32, #tpu.memory_space<vmem>> -> memref<1x128xi32, #tpu.memory_space<vmem>>
        %dma_wait3A_285 = tpu.memref_squeeze %dma_wait3A_284 : memref<1x128xi32, #tpu.memory_space<vmem>> -> memref<128xi32, #tpu.memory_space<vmem>>
        %dma_wait3A_286 = arith.constant 0 : i32
        %dma_wait3A_287 = arith.constant 0 : i32
        %dma_wait3A_288 = tpu.memref_slice %arg9[%dma_wait3A_286, %dma_wait3A_287] : memref<10240x128xf32, #tpu.memory_space<vmem_shared>> -> memref<10240x128xf32, #tpu.memory_space<vmem_shared>>
        tpu.wait_indirect_dma semaphore(%arg18 : memref<!tpu.dma_semaphore, #tpu.memory_space<semaphore_mem>>) src(%arg13 : memref<128x128xf32, #tpu.memory_space<vmem>>) dst(%dma_wait3A_288 : memref<10240x128xf32, #tpu.memory_space<vmem_shared>>)
        %dma_start3A_289 = arith.constant 5 : i32
        %dma_start3A_290 = arith.constant 0 : i32
        %dma_start3A_291 = tpu.memref_slice %arg10[%dma_start3A_289, %dma_start3A_290] : memref<16x128xi32, #tpu.memory_space<vmem>> -> memref<1x128xi32, #tpu.memory_space<vmem>>
        %dma_start3A_292 = tpu.memref_squeeze %dma_start3A_291 : memref<1x128xi32, #tpu.memory_space<vmem>> -> memref<128xi32, #tpu.memory_space<vmem>>
        %dma_start3A_293 = arith.constant 0 : i32
        %dma_start3A_294 = arith.constant 0 : i32
        %dma_start3A_295 = tpu.memref_slice %arg2[%dma_start3A_293, %dma_start3A_294] : memref<10000x128xf32, #tpu.memory_space<hbm>> -> memref<10000x128xf32, #tpu.memory_space<hbm>>
        tpu.enqueue_indirect_dma source(%dma_start3A_295 : memref<10000x128xf32, #tpu.memory_space<hbm>>) target(%arg13 : memref<128x128xf32, #tpu.memory_space<vmem>>) offsets(%dma_start3A_292 : memref<128xi32, #tpu.memory_space<vmem>>) semaphore(%arg16 : memref<!tpu.dma_semaphore, #tpu.memory_space<semaphore_mem>>)
        %dma_wait3A_296 = arith.constant 4 : i32
        %dma_wait3A_297 = arith.constant 0 : i32
        %dma_wait3A_298 = tpu.memref_slice %arg10[%dma_wait3A_296, %dma_wait3A_297] : memref<16x128xi32, #tpu.memory_space<vmem>> -> memref<1x128xi32, #tpu.memory_space<vmem>>
        %dma_wait3A_299 = tpu.memref_squeeze %dma_wait3A_298 : memref<1x128xi32, #tpu.memory_space<vmem>> -> memref<128xi32, #tpu.memory_space<vmem>>
        %dma_wait3A_300 = arith.constant 0 : i32
        %dma_wait3A_301 = arith.constant 0 : i32
        %dma_wait3A_302 = tpu.memref_slice %arg2[%dma_wait3A_300, %dma_wait3A_301] : memref<10000x128xf32, #tpu.memory_space<hbm>> -> memref<10000x128xf32, #tpu.memory_space<hbm>>
        tpu.wait_indirect_dma semaphore(%arg15 : memref<!tpu.dma_semaphore, #tpu.memory_space<semaphore_mem>>) src(%dma_wait3A_302 : memref<10000x128xf32, #tpu.memory_space<hbm>>) dst(%arg12 : memref<128x128xf32, #tpu.memory_space<vmem>>)
        %dma_start3A_303 = arith.constant 4 : i32
        %dma_start3A_304 = arith.constant 0 : i32
        %dma_start3A_305 = tpu.memref_slice %arg11[%dma_start3A_303, %dma_start3A_304] : memref<16x128xi32, #tpu.memory_space<vmem>> -> memref<1x128xi32, #tpu.memory_space<vmem>>
        %dma_start3A_306 = tpu.memref_squeeze %dma_start3A_305 : memref<1x128xi32, #tpu.memory_space<vmem>> -> memref<128xi32, #tpu.memory_space<vmem>>
        %dma_start3A_307 = arith.constant 0 : i32
        %dma_start3A_308 = arith.constant 0 : i32
        %dma_start3A_309 = tpu.memref_slice %arg9[%dma_start3A_307, %dma_start3A_308] : memref<10240x128xf32, #tpu.memory_space<vmem_shared>> -> memref<10240x128xf32, #tpu.memory_space<vmem_shared>>
        tpu.enqueue_indirect_dma source(%arg12 : memref<128x128xf32, #tpu.memory_space<vmem>>) target(%dma_start3A_309 : memref<10240x128xf32, #tpu.memory_space<vmem_shared>>) offsets(%dma_start3A_306 : memref<128xi32, #tpu.memory_space<vmem>>) semaphore(%arg17 : memref<!tpu.dma_semaphore, #tpu.memory_space<semaphore_mem>>) {add = true}
        %get3A_310 = arith.constant 4 : i32
        %get3A_311 = arith.index_cast %get3A_310 : i32 to index
        %get3A_312 = arith.constant 0 : index
        %get3A_313 = tpu.vector_load %arg11[%get3A_311, %get3A_312] {strides = array<i32>} : memref<16x128xi32, #tpu.memory_space<vmem>>, vector<16xi32>,
        tpu.vector_store_idx %arg14[%get3A_313], %broadcast_in_dim3A_17 {add = true} : memref<10240xf32, #tpu.memory_space<vmem>>[vector<16xi32>], vector<16xf32>,
        %get3A_314 = arith.constant 4 : i32
        %get3A_315 = arith.index_cast %get3A_314 : i32 to index
        %get3A_316 = arith.constant 16 : index
        %get3A_317 = tpu.vector_load %arg11[%get3A_315, %get3A_316] {strides = array<i32>} : memref<16x128xi32, #tpu.memory_space<vmem>>, vector<16xi32>,
        tpu.vector_store_idx %arg14[%get3A_317], %broadcast_in_dim3A_17 {add = true} : memref<10240xf32, #tpu.memory_space<vmem>>[vector<16xi32>], vector<16xf32>,
        %get3A_318 = arith.constant 4 : i32
        %get3A_319 = arith.index_cast %get3A_318 : i32 to index
        %get3A_320 = arith.constant 32 : index
        %get3A_321 = tpu.vector_load %arg11[%get3A_319, %get3A_320] {strides = array<i32>} : memref<16x128xi32, #tpu.memory_space<vmem>>, vector<16xi32>,
        tpu.vector_store_idx %arg14[%get3A_321], %broadcast_in_dim3A_17 {add = true} : memref<10240xf32, #tpu.memory_space<vmem>>[vector<16xi32>], vector<16xf32>,
        %get3A_322 = arith.constant 4 : i32
        %get3A_323 = arith.index_cast %get3A_322 : i32 to index
        %get3A_324 = arith.constant 48 : index
        %get3A_325 = tpu.vector_load %arg11[%get3A_323, %get3A_324] {strides = array<i32>} : memref<16x128xi32, #tpu.memory_space<vmem>>, vector<16xi32>,
        tpu.vector_store_idx %arg14[%get3A_325], %broadcast_in_dim3A_17 {add = true} : memref<10240xf32, #tpu.memory_space<vmem>>[vector<16xi32>], vector<16xf32>,
        %get3A_326 = arith.constant 4 : i32
        %get3A_327 = arith.index_cast %get3A_326 : i32 to index
        %get3A_328 = arith.constant 64 : index
        %get3A_329 = tpu.vector_load %arg11[%get3A_327, %get3A_328] {strides = array<i32>} : memref<16x128xi32, #tpu.memory_space<vmem>>, vector<16xi32>,
        tpu.vector_store_idx %arg14[%get3A_329], %broadcast_in_dim3A_17 {add = true} : memref<10240xf32, #tpu.memory_space<vmem>>[vector<16xi32>], vector<16xf32>,
        %get3A_330 = arith.constant 4 : i32
        %get3A_331 = arith.index_cast %get3A_330 : i32 to index
        %get3A_332 = arith.constant 80 : index
        %get3A_333 = tpu.vector_load %arg11[%get3A_331, %get3A_332] {strides = array<i32>} : memref<16x128xi32, #tpu.memory_space<vmem>>, vector<16xi32>,
        tpu.vector_store_idx %arg14[%get3A_333], %broadcast_in_dim3A_17 {add = true} : memref<10240xf32, #tpu.memory_space<vmem>>[vector<16xi32>], vector<16xf32>,
        %get3A_334 = arith.constant 4 : i32
        %get3A_335 = arith.index_cast %get3A_334 : i32 to index
        %get3A_336 = arith.constant 96 : index
        %get3A_337 = tpu.vector_load %arg11[%get3A_335, %get3A_336] {strides = array<i32>} : memref<16x128xi32, #tpu.memory_space<vmem>>, vector<16xi32>,
        tpu.vector_store_idx %arg14[%get3A_337], %broadcast_in_dim3A_17 {add = true} : memref<10240xf32, #tpu.memory_space<vmem>>[vector<16xi32>], vector<16xf32>,
        %get3A_338 = arith.constant 4 : i32
        %get3A_339 = arith.index_cast %get3A_338 : i32 to index
        %get3A_340 = arith.constant 112 : index
        %get3A_341 = tpu.vector_load %arg11[%get3A_339, %get3A_340] {strides = array<i32>} : memref<16x128xi32, #tpu.memory_space<vmem>>, vector<16xi32>,
        tpu.vector_store_idx %arg14[%get3A_341], %broadcast_in_dim3A_17 {add = true} : memref<10240xf32, #tpu.memory_space<vmem>>[vector<16xi32>], vector<16xf32>,
        %dma_wait3A_342 = arith.constant 4 : i32
        %dma_wait3A_343 = arith.constant 0 : i32
        %dma_wait3A_344 = tpu.memref_slice %arg11[%dma_wait3A_342, %dma_wait3A_343] : memref<16x128xi32, #tpu.memory_space<vmem>> -> memref<1x128xi32, #tpu.memory_space<vmem>>
        %dma_wait3A_345 = tpu.memref_squeeze %dma_wait3A_344 : memref<1x128xi32, #tpu.memory_space<vmem>> -> memref<128xi32, #tpu.memory_space<vmem>>
        %dma_wait3A_346 = arith.constant 0 : i32
        %dma_wait3A_347 = arith.constant 0 : i32
        %dma_wait3A_348 = tpu.memref_slice %arg9[%dma_wait3A_346, %dma_wait3A_347] : memref<10240x128xf32, #tpu.memory_space<vmem_shared>> -> memref<10240x128xf32, #tpu.memory_space<vmem_shared>>
        tpu.wait_indirect_dma semaphore(%arg17 : memref<!tpu.dma_semaphore, #tpu.memory_space<semaphore_mem>>) src(%arg12 : memref<128x128xf32, #tpu.memory_space<vmem>>) dst(%dma_wait3A_348 : memref<10240x128xf32, #tpu.memory_space<vmem_shared>>)
        %dma_start3A_349 = arith.constant 6 : i32
        %dma_start3A_350 = arith.constant 0 : i32
        %dma_start3A_351 = tpu.memref_slice %arg10[%dma_start3A_349, %dma_start3A_350] : memref<16x128xi32, #tpu.memory_space<vmem>> -> memref<1x128xi32, #tpu.memory_space<vmem>>
        %dma_start3A_352 = tpu.memref_squeeze %dma_start3A_351 : memref<1x128xi32, #tpu.memory_space<vmem>> -> memref<128xi32, #tpu.memory_space<vmem>>
        %dma_start3A_353 = arith.constant 0 : i32
        %dma_start3A_354 = arith.constant 0 : i32
        %dma_start3A_355 = tpu.memref_slice %arg2[%dma_start3A_353, %dma_start3A_354] : memref<10000x128xf32, #tpu.memory_space<hbm>> -> memref<10000x128xf32, #tpu.memory_space<hbm>>
        tpu.enqueue_indirect_dma source(%dma_start3A_355 : memref<10000x128xf32, #tpu.memory_space<hbm>>) target(%arg12 : memref<128x128xf32, #tpu.memory_space<vmem>>) offsets(%dma_start3A_352 : memref<128xi32, #tpu.memory_space<vmem>>) semaphore(%arg15 : memref<!tpu.dma_semaphore, #tpu.memory_space<semaphore_mem>>)
        %dma_wait3A_356 = arith.constant 5 : i32
        %dma_wait3A_357 = arith.constant 0 : i32
        %dma_wait3A_358 = tpu.memref_slice %arg10[%dma_wait3A_356, %dma_wait3A_357] : memref<16x128xi32, #tpu.memory_space<vmem>> -> memref<1x128xi32, #tpu.memory_space<vmem>>
        %dma_wait3A_359 = tpu.memref_squeeze %dma_wait3A_358 : memref<1x128xi32, #tpu.memory_space<vmem>> -> memref<128xi32, #tpu.memory_space<vmem>>
        %dma_wait3A_360 = arith.constant 0 : i32
        %dma_wait3A_361 = arith.constant 0 : i32
        %dma_wait3A_362 = tpu.memref_slice %arg2[%dma_wait3A_360, %dma_wait3A_361] : memref<10000x128xf32, #tpu.memory_space<hbm>> -> memref<10000x128xf32, #tpu.memory_space<hbm>>
        tpu.wait_indirect_dma semaphore(%arg16 : memref<!tpu.dma_semaphore, #tpu.memory_space<semaphore_mem>>) src(%dma_wait3A_362 : memref<10000x128xf32, #tpu.memory_space<hbm>>) dst(%arg13 : memref<128x128xf32, #tpu.memory_space<vmem>>)
        %dma_start3A_363 = arith.constant 5 : i32
        %dma_start3A_364 = arith.constant 0 : i32
        %dma_start3A_365 = tpu.memref_slice %arg11[%dma_start3A_363, %dma_start3A_364] : memref<16x128xi32, #tpu.memory_space<vmem>> -> memref<1x128xi32, #tpu.memory_space<vmem>>
        %dma_start3A_366 = tpu.memref_squeeze %dma_start3A_365 : memref<1x128xi32, #tpu.memory_space<vmem>> -> memref<128xi32, #tpu.memory_space<vmem>>
        %dma_start3A_367 = arith.constant 0 : i32
        %dma_start3A_368 = arith.constant 0 : i32
        %dma_start3A_369 = tpu.memref_slice %arg9[%dma_start3A_367, %dma_start3A_368] : memref<10240x128xf32, #tpu.memory_space<vmem_shared>> -> memref<10240x128xf32, #tpu.memory_space<vmem_shared>>
        tpu.enqueue_indirect_dma source(%arg13 : memref<128x128xf32, #tpu.memory_space<vmem>>) target(%dma_start3A_369 : memref<10240x128xf32, #tpu.memory_space<vmem_shared>>) offsets(%dma_start3A_366 : memref<128xi32, #tpu.memory_space<vmem>>) semaphore(%arg18 : memref<!tpu.dma_semaphore, #tpu.memory_space<semaphore_mem>>) {add = true}
        %get3A_370 = arith.constant 5 : i32
        %get3A_371 = arith.index_cast %get3A_370 : i32 to index
        %get3A_372 = arith.constant 0 : index
        %get3A_373 = tpu.vector_load %arg11[%get3A_371, %get3A_372] {strides = array<i32>} : memref<16x128xi32, #tpu.memory_space<vmem>>, vector<16xi32>,
        tpu.vector_store_idx %arg14[%get3A_373], %broadcast_in_dim3A_17 {add = true} : memref<10240xf32, #tpu.memory_space<vmem>>[vector<16xi32>], vector<16xf32>,
        %get3A_374 = arith.constant 5 : i32
        %get3A_375 = arith.index_cast %get3A_374 : i32 to index
        %get3A_376 = arith.constant 16 : index
        %get3A_377 = tpu.vector_load %arg11[%get3A_375, %get3A_376] {strides = array<i32>} : memref<16x128xi32, #tpu.memory_space<vmem>>, vector<16xi32>,
        tpu.vector_store_idx %arg14[%get3A_377], %broadcast_in_dim3A_17 {add = true} : memref<10240xf32, #tpu.memory_space<vmem>>[vector<16xi32>], vector<16xf32>,
        %get3A_378 = arith.constant 5 : i32
        %get3A_379 = arith.index_cast %get3A_378 : i32 to index
        %get3A_380 = arith.constant 32 : index
        %get3A_381 = tpu.vector_load %arg11[%get3A_379, %get3A_380] {strides = array<i32>} : memref<16x128xi32, #tpu.memory_space<vmem>>, vector<16xi32>,
        tpu.vector_store_idx %arg14[%get3A_381], %broadcast_in_dim3A_17 {add = true} : memref<10240xf32, #tpu.memory_space<vmem>>[vector<16xi32>], vector<16xf32>,
        %get3A_382 = arith.constant 5 : i32
        %get3A_383 = arith.index_cast %get3A_382 : i32 to index
        %get3A_384 = arith.constant 48 : index
        %get3A_385 = tpu.vector_load %arg11[%get3A_383, %get3A_384] {strides = array<i32>} : memref<16x128xi32, #tpu.memory_space<vmem>>, vector<16xi32>,
        tpu.vector_store_idx %arg14[%get3A_385], %broadcast_in_dim3A_17 {add = true} : memref<10240xf32, #tpu.memory_space<vmem>>[vector<16xi32>], vector<16xf32>,
        %get3A_386 = arith.constant 5 : i32
        %get3A_387 = arith.index_cast %get3A_386 : i32 to index
        %get3A_388 = arith.constant 64 : index
        %get3A_389 = tpu.vector_load %arg11[%get3A_387, %get3A_388] {strides = array<i32>} : memref<16x128xi32, #tpu.memory_space<vmem>>, vector<16xi32>,
        tpu.vector_store_idx %arg14[%get3A_389], %broadcast_in_dim3A_17 {add = true} : memref<10240xf32, #tpu.memory_space<vmem>>[vector<16xi32>], vector<16xf32>,
        %get3A_390 = arith.constant 5 : i32
        %get3A_391 = arith.index_cast %get3A_390 : i32 to index
        %get3A_392 = arith.constant 80 : index
        %get3A_393 = tpu.vector_load %arg11[%get3A_391, %get3A_392] {strides = array<i32>} : memref<16x128xi32, #tpu.memory_space<vmem>>, vector<16xi32>,
        tpu.vector_store_idx %arg14[%get3A_393], %broadcast_in_dim3A_17 {add = true} : memref<10240xf32, #tpu.memory_space<vmem>>[vector<16xi32>], vector<16xf32>,
        %get3A_394 = arith.constant 5 : i32
        %get3A_395 = arith.index_cast %get3A_394 : i32 to index
        %get3A_396 = arith.constant 96 : index
        %get3A_397 = tpu.vector_load %arg11[%get3A_395, %get3A_396] {strides = array<i32>} : memref<16x128xi32, #tpu.memory_space<vmem>>, vector<16xi32>,
        tpu.vector_store_idx %arg14[%get3A_397], %broadcast_in_dim3A_17 {add = true} : memref<10240xf32, #tpu.memory_space<vmem>>[vector<16xi32>], vector<16xf32>,
        %get3A_398 = arith.constant 5 : i32
        %get3A_399 = arith.index_cast %get3A_398 : i32 to index
        %get3A_400 = arith.constant 112 : index
        %get3A_401 = tpu.vector_load %arg11[%get3A_399, %get3A_400] {strides = array<i32>} : memref<16x128xi32, #tpu.memory_space<vmem>>, vector<16xi32>,
        tpu.vector_store_idx %arg14[%get3A_401], %broadcast_in_dim3A_17 {add = true} : memref<10240xf32, #tpu.memory_space<vmem>>[vector<16xi32>], vector<16xf32>,
        %dma_wait3A_402 = arith.constant 5 : i32
        %dma_wait3A_403 = arith.constant 0 : i32
        %dma_wait3A_404 = tpu.memref_slice %arg11[%dma_wait3A_402, %dma_wait3A_403] : memref<16x128xi32, #tpu.memory_space<vmem>> -> memref<1x128xi32, #tpu.memory_space<vmem>>
        %dma_wait3A_405 = tpu.memref_squeeze %dma_wait3A_404 : memref<1x128xi32, #tpu.memory_space<vmem>> -> memref<128xi32, #tpu.memory_space<vmem>>
        %dma_wait3A_406 = arith.constant 0 : i32
        %dma_wait3A_407 = arith.constant 0 : i32
        %dma_wait3A_408 = tpu.memref_slice %arg9[%dma_wait3A_406, %dma_wait3A_407] : memref<10240x128xf32, #tpu.memory_space<vmem_shared>> -> memref<10240x128xf32, #tpu.memory_space<vmem_shared>>
        tpu.wait_indirect_dma semaphore(%arg18 : memref<!tpu.dma_semaphore, #tpu.memory_space<semaphore_mem>>) src(%arg13 : memref<128x128xf32, #tpu.memory_space<vmem>>) dst(%dma_wait3A_408 : memref<10240x128xf32, #tpu.memory_space<vmem_shared>>)
        %dma_start3A_409 = arith.constant 7 : i32
        %dma_start3A_410 = arith.constant 0 : i32
        %dma_start3A_411 = tpu.memref_slice %arg10[%dma_start3A_409, %dma_start3A_410] : memref<16x128xi32, #tpu.memory_space<vmem>> -> memref<1x128xi32, #tpu.memory_space<vmem>>
        %dma_start3A_412 = tpu.memref_squeeze %dma_start3A_411 : memref<1x128xi32, #tpu.memory_space<vmem>> -> memref<128xi32, #tpu.memory_space<vmem>>
        %dma_start3A_413 = arith.constant 0 : i32
        %dma_start3A_414 = arith.constant 0 : i32
        %dma_start3A_415 = tpu.memref_slice %arg2[%dma_start3A_413, %dma_start3A_414] : memref<10000x128xf32, #tpu.memory_space<hbm>> -> memref<10000x128xf32, #tpu.memory_space<hbm>>
        tpu.enqueue_indirect_dma source(%dma_start3A_415 : memref<10000x128xf32, #tpu.memory_space<hbm>>) target(%arg13 : memref<128x128xf32, #tpu.memory_space<vmem>>) offsets(%dma_start3A_412 : memref<128xi32, #tpu.memory_space<vmem>>) semaphore(%arg16 : memref<!tpu.dma_semaphore, #tpu.memory_space<semaphore_mem>>)
        %dma_wait3A_416 = arith.constant 6 : i32
        %dma_wait3A_417 = arith.constant 0 : i32
        %dma_wait3A_418 = tpu.memref_slice %arg10[%dma_wait3A_416, %dma_wait3A_417] : memref<16x128xi32, #tpu.memory_space<vmem>> -> memref<1x128xi32, #tpu.memory_space<vmem>>
        %dma_wait3A_419 = tpu.memref_squeeze %dma_wait3A_418 : memref<1x128xi32, #tpu.memory_space<vmem>> -> memref<128xi32, #tpu.memory_space<vmem>>
        %dma_wait3A_420 = arith.constant 0 : i32
        %dma_wait3A_421 = arith.constant 0 : i32
        %dma_wait3A_422 = tpu.memref_slice %arg2[%dma_wait3A_420, %dma_wait3A_421] : memref<10000x128xf32, #tpu.memory_space<hbm>> -> memref<10000x128xf32, #tpu.memory_space<hbm>>
        tpu.wait_indirect_dma semaphore(%arg15 : memref<!tpu.dma_semaphore, #tpu.memory_space<semaphore_mem>>) src(%dma_wait3A_422 : memref<10000x128xf32, #tpu.memory_space<hbm>>) dst(%arg12 : memref<128x128xf32, #tpu.memory_space<vmem>>)
        %dma_start3A_423 = arith.constant 6 : i32
        %dma_start3A_424 = arith.constant 0 : i32
        %dma_start3A_425 = tpu.memref_slice %arg11[%dma_start3A_423, %dma_start3A_424] : memref<16x128xi32, #tpu.memory_space<vmem>> -> memref<1x128xi32, #tpu.memory_space<vmem>>
        %dma_start3A_426 = tpu.memref_squeeze %dma_start3A_425 : memref<1x128xi32, #tpu.memory_space<vmem>> -> memref<128xi32, #tpu.memory_space<vmem>>
        %dma_start3A_427 = arith.constant 0 : i32
        %dma_start3A_428 = arith.constant 0 : i32
        %dma_start3A_429 = tpu.memref_slice %arg9[%dma_start3A_427, %dma_start3A_428] : memref<10240x128xf32, #tpu.memory_space<vmem_shared>> -> memref<10240x128xf32, #tpu.memory_space<vmem_shared>>
        tpu.enqueue_indirect_dma source(%arg12 : memref<128x128xf32, #tpu.memory_space<vmem>>) target(%dma_start3A_429 : memref<10240x128xf32, #tpu.memory_space<vmem_shared>>) offsets(%dma_start3A_426 : memref<128xi32, #tpu.memory_space<vmem>>) semaphore(%arg17 : memref<!tpu.dma_semaphore, #tpu.memory_space<semaphore_mem>>) {add = true}
        %get3A_430 = arith.constant 6 : i32
        %get3A_431 = arith.index_cast %get3A_430 : i32 to index
        %get3A_432 = arith.constant 0 : index
        %get3A_433 = tpu.vector_load %arg11[%get3A_431, %get3A_432] {strides = array<i32>} : memref<16x128xi32, #tpu.memory_space<vmem>>, vector<16xi32>,
        tpu.vector_store_idx %arg14[%get3A_433], %broadcast_in_dim3A_17 {add = true} : memref<10240xf32, #tpu.memory_space<vmem>>[vector<16xi32>], vector<16xf32>,
        %get3A_434 = arith.constant 6 : i32
        %get3A_435 = arith.index_cast %get3A_434 : i32 to index
        %get3A_436 = arith.constant 16 : index
        %get3A_437 = tpu.vector_load %arg11[%get3A_435, %get3A_436] {strides = array<i32>} : memref<16x128xi32, #tpu.memory_space<vmem>>, vector<16xi32>,
        tpu.vector_store_idx %arg14[%get3A_437], %broadcast_in_dim3A_17 {add = true} : memref<10240xf32, #tpu.memory_space<vmem>>[vector<16xi32>], vector<16xf32>,
        %get3A_438 = arith.constant 6 : i32
        %get3A_439 = arith.index_cast %get3A_438 : i32 to index
        %get3A_440 = arith.constant 32 : index
        %get3A_441 = tpu.vector_load %arg11[%get3A_439, %get3A_440] {strides = array<i32>} : memref<16x128xi32, #tpu.memory_space<vmem>>, vector<16xi32>,
        tpu.vector_store_idx %arg14[%get3A_441], %broadcast_in_dim3A_17 {add = true} : memref<10240xf32, #tpu.memory_space<vmem>>[vector<16xi32>], vector<16xf32>,
        %get3A_442 = arith.constant 6 : i32
        %get3A_443 = arith.index_cast %get3A_442 : i32 to index
        %get3A_444 = arith.constant 48 : index
        %get3A_445 = tpu.vector_load %arg11[%get3A_443, %get3A_444] {strides = array<i32>} : memref<16x128xi32, #tpu.memory_space<vmem>>, vector<16xi32>,
        tpu.vector_store_idx %arg14[%get3A_445], %broadcast_in_dim3A_17 {add = true} : memref<10240xf32, #tpu.memory_space<vmem>>[vector<16xi32>], vector<16xf32>,
        %get3A_446 = arith.constant 6 : i32
        %get3A_447 = arith.index_cast %get3A_446 : i32 to index
        %get3A_448 = arith.constant 64 : index
        %get3A_449 = tpu.vector_load %arg11[%get3A_447, %get3A_448] {strides = array<i32>} : memref<16x128xi32, #tpu.memory_space<vmem>>, vector<16xi32>,
        tpu.vector_store_idx %arg14[%get3A_449], %broadcast_in_dim3A_17 {add = true} : memref<10240xf32, #tpu.memory_space<vmem>>[vector<16xi32>], vector<16xf32>,
        %get3A_450 = arith.constant 6 : i32
        %get3A_451 = arith.index_cast %get3A_450 : i32 to index
        %get3A_452 = arith.constant 80 : index
        %get3A_453 = tpu.vector_load %arg11[%get3A_451, %get3A_452] {strides = array<i32>} : memref<16x128xi32, #tpu.memory_space<vmem>>, vector<16xi32>,
        tpu.vector_store_idx %arg14[%get3A_453], %broadcast_in_dim3A_17 {add = true} : memref<10240xf32, #tpu.memory_space<vmem>>[vector<16xi32>], vector<16xf32>,
        %get3A_454 = arith.constant 6 : i32
        %get3A_455 = arith.index_cast %get3A_454 : i32 to index
        %get3A_456 = arith.constant 96 : index
        %get3A_457 = tpu.vector_load %arg11[%get3A_455, %get3A_456] {strides = array<i32>} : memref<16x128xi32, #tpu.memory_space<vmem>>, vector<16xi32>,
        tpu.vector_store_idx %arg14[%get3A_457], %broadcast_in_dim3A_17 {add = true} : memref<10240xf32, #tpu.memory_space<vmem>>[vector<16xi32>], vector<16xf32>,
        %get3A_458 = arith.constant 6 : i32
        %get3A_459 = arith.index_cast %get3A_458 : i32 to index
        %get3A_460 = arith.constant 112 : index
        %get3A_461 = tpu.vector_load %arg11[%get3A_459, %get3A_460] {strides = array<i32>} : memref<16x128xi32, #tpu.memory_space<vmem>>, vector<16xi32>,
        tpu.vector_store_idx %arg14[%get3A_461], %broadcast_in_dim3A_17 {add = true} : memref<10240xf32, #tpu.memory_space<vmem>>[vector<16xi32>], vector<16xf32>,
        %dma_wait3A_462 = arith.constant 6 : i32
        %dma_wait3A_463 = arith.constant 0 : i32
        %dma_wait3A_464 = tpu.memref_slice %arg11[%dma_wait3A_462, %dma_wait3A_463] : memref<16x128xi32, #tpu.memory_space<vmem>> -> memref<1x128xi32, #tpu.memory_space<vmem>>
        %dma_wait3A_465 = tpu.memref_squeeze %dma_wait3A_464 : memref<1x128xi32, #tpu.memory_space<vmem>> -> memref<128xi32, #tpu.memory_space<vmem>>
        %dma_wait3A_466 = arith.constant 0 : i32
        %dma_wait3A_467 = arith.constant 0 : i32
        %dma_wait3A_468 = tpu.memref_slice %arg9[%dma_wait3A_466, %dma_wait3A_467] : memref<10240x128xf32, #tpu.memory_space<vmem_shared>> -> memref<10240x128xf32, #tpu.memory_space<vmem_shared>>
        tpu.wait_indirect_dma semaphore(%arg17 : memref<!tpu.dma_semaphore, #tpu.memory_space<semaphore_mem>>) src(%arg12 : memref<128x128xf32, #tpu.memory_space<vmem>>) dst(%dma_wait3A_468 : memref<10240x128xf32, #tpu.memory_space<vmem_shared>>)
        %dma_start3A_469 = arith.constant 8 : i32
        %dma_start3A_470 = arith.constant 0 : i32
        %dma_start3A_471 = tpu.memref_slice %arg10[%dma_start3A_469, %dma_start3A_470] : memref<16x128xi32, #tpu.memory_space<vmem>> -> memref<1x128xi32, #tpu.memory_space<vmem>>
        %dma_start3A_472 = tpu.memref_squeeze %dma_start3A_471 : memref<1x128xi32, #tpu.memory_space<vmem>> -> memref<128xi32, #tpu.memory_space<vmem>>
        %dma_start3A_473 = arith.constant 0 : i32
        %dma_start3A_474 = arith.constant 0 : i32
        %dma_start3A_475 = tpu.memref_slice %arg2[%dma_start3A_473, %dma_start3A_474] : memref<10000x128xf32, #tpu.memory_space<hbm>> -> memref<10000x128xf32, #tpu.memory_space<hbm>>
        tpu.enqueue_indirect_dma source(%dma_start3A_475 : memref<10000x128xf32, #tpu.memory_space<hbm>>) target(%arg12 : memref<128x128xf32, #tpu.memory_space<vmem>>) offsets(%dma_start3A_472 : memref<128xi32, #tpu.memory_space<vmem>>) semaphore(%arg15 : memref<!tpu.dma_semaphore, #tpu.memory_space<semaphore_mem>>)
        %dma_wait3A_476 = arith.constant 7 : i32
        %dma_wait3A_477 = arith.constant 0 : i32
        %dma_wait3A_478 = tpu.memref_slice %arg10[%dma_wait3A_476, %dma_wait3A_477] : memref<16x128xi32, #tpu.memory_space<vmem>> -> memref<1x128xi32, #tpu.memory_space<vmem>>
        %dma_wait3A_479 = tpu.memref_squeeze %dma_wait3A_478 : memref<1x128xi32, #tpu.memory_space<vmem>> -> memref<128xi32, #tpu.memory_space<vmem>>
        %dma_wait3A_480 = arith.constant 0 : i32
        %dma_wait3A_481 = arith.constant 0 : i32
        %dma_wait3A_482 = tpu.memref_slice %arg2[%dma_wait3A_480, %dma_wait3A_481] : memref<10000x128xf32, #tpu.memory_space<hbm>> -> memref<10000x128xf32, #tpu.memory_space<hbm>>
        tpu.wait_indirect_dma semaphore(%arg16 : memref<!tpu.dma_semaphore, #tpu.memory_space<semaphore_mem>>) src(%dma_wait3A_482 : memref<10000x128xf32, #tpu.memory_space<hbm>>) dst(%arg13 : memref<128x128xf32, #tpu.memory_space<vmem>>)
        %dma_start3A_483 = arith.constant 7 : i32
        %dma_start3A_484 = arith.constant 0 : i32
        %dma_start3A_485 = tpu.memref_slice %arg11[%dma_start3A_483, %dma_start3A_484] : memref<16x128xi32, #tpu.memory_space<vmem>> -> memref<1x128xi32, #tpu.memory_space<vmem>>
        %dma_start3A_486 = tpu.memref_squeeze %dma_start3A_485 : memref<1x128xi32, #tpu.memory_space<vmem>> -> memref<128xi32, #tpu.memory_space<vmem>>
        %dma_start3A_487 = arith.constant 0 : i32
        %dma_start3A_488 = arith.constant 0 : i32
        %dma_start3A_489 = tpu.memref_slice %arg9[%dma_start3A_487, %dma_start3A_488] : memref<10240x128xf32, #tpu.memory_space<vmem_shared>> -> memref<10240x128xf32, #tpu.memory_space<vmem_shared>>
        tpu.enqueue_indirect_dma source(%arg13 : memref<128x128xf32, #tpu.memory_space<vmem>>) target(%dma_start3A_489 : memref<10240x128xf32, #tpu.memory_space<vmem_shared>>) offsets(%dma_start3A_486 : memref<128xi32, #tpu.memory_space<vmem>>) semaphore(%arg18 : memref<!tpu.dma_semaphore, #tpu.memory_space<semaphore_mem>>) {add = true}
        %get3A_490 = arith.constant 7 : i32
        %get3A_491 = arith.index_cast %get3A_490 : i32 to index
        %get3A_492 = arith.constant 0 : index
        %get3A_493 = tpu.vector_load %arg11[%get3A_491, %get3A_492] {strides = array<i32>} : memref<16x128xi32, #tpu.memory_space<vmem>>, vector<16xi32>,
        tpu.vector_store_idx %arg14[%get3A_493], %broadcast_in_dim3A_17 {add = true} : memref<10240xf32, #tpu.memory_space<vmem>>[vector<16xi32>], vector<16xf32>,
        %get3A_494 = arith.constant 7 : i32
        %get3A_495 = arith.index_cast %get3A_494 : i32 to index
        %get3A_496 = arith.constant 16 : index
        %get3A_497 = tpu.vector_load %arg11[%get3A_495, %get3A_496] {strides = array<i32>} : memref<16x128xi32, #tpu.memory_space<vmem>>, vector<16xi32>,
        tpu.vector_store_idx %arg14[%get3A_497], %broadcast_in_dim3A_17 {add = true} : memref<10240xf32, #tpu.memory_space<vmem>>[vector<16xi32>], vector<16xf32>,
        %get3A_498 = arith.constant 7 : i32
        %get3A_499 = arith.index_cast %get3A_498 : i32 to index
        %get3A_500 = arith.constant 32 : index
        %get3A_501 = tpu.vector_load %arg11[%get3A_499, %get3A_500] {strides = array<i32>} : memref<16x128xi32, #tpu.memory_space<vmem>>, vector<16xi32>,
        tpu.vector_store_idx %arg14[%get3A_501], %broadcast_in_dim3A_17 {add = true} : memref<10240xf32, #tpu.memory_space<vmem>>[vector<16xi32>], vector<16xf32>,
        %get3A_502 = arith.constant 7 : i32
        %get3A_503 = arith.index_cast %get3A_502 : i32 to index
        %get3A_504 = arith.constant 48 : index
        %get3A_505 = tpu.vector_load %arg11[%get3A_503, %get3A_504] {strides = array<i32>} : memref<16x128xi32, #tpu.memory_space<vmem>>, vector<16xi32>,
        tpu.vector_store_idx %arg14[%get3A_505], %broadcast_in_dim3A_17 {add = true} : memref<10240xf32, #tpu.memory_space<vmem>>[vector<16xi32>], vector<16xf32>,
        %get3A_506 = arith.constant 7 : i32
        %get3A_507 = arith.index_cast %get3A_506 : i32 to index
        %get3A_508 = arith.constant 64 : index
        %get3A_509 = tpu.vector_load %arg11[%get3A_507, %get3A_508] {strides = array<i32>} : memref<16x128xi32, #tpu.memory_space<vmem>>, vector<16xi32>,
        tpu.vector_store_idx %arg14[%get3A_509], %broadcast_in_dim3A_17 {add = true} : memref<10240xf32, #tpu.memory_space<vmem>>[vector<16xi32>], vector<16xf32>,
        %get3A_510 = arith.constant 7 : i32
        %get3A_511 = arith.index_cast %get3A_510 : i32 to index
        %get3A_512 = arith.constant 80 : index
        %get3A_513 = tpu.vector_load %arg11[%get3A_511, %get3A_512] {strides = array<i32>} : memref<16x128xi32, #tpu.memory_space<vmem>>, vector<16xi32>,
        tpu.vector_store_idx %arg14[%get3A_513], %broadcast_in_dim3A_17 {add = true} : memref<10240xf32, #tpu.memory_space<vmem>>[vector<16xi32>], vector<16xf32>,
        %get3A_514 = arith.constant 7 : i32
        %get3A_515 = arith.index_cast %get3A_514 : i32 to index
        %get3A_516 = arith.constant 96 : index
        %get3A_517 = tpu.vector_load %arg11[%get3A_515, %get3A_516] {strides = array<i32>} : memref<16x128xi32, #tpu.memory_space<vmem>>, vector<16xi32>,
        tpu.vector_store_idx %arg14[%get3A_517], %broadcast_in_dim3A_17 {add = true} : memref<10240xf32, #tpu.memory_space<vmem>>[vector<16xi32>], vector<16xf32>,
        %get3A_518 = arith.constant 7 : i32
        %get3A_519 = arith.index_cast %get3A_518 : i32 to index
        %get3A_520 = arith.constant 112 : index
        %get3A_521 = tpu.vector_load %arg11[%get3A_519, %get3A_520] {strides = array<i32>} : memref<16x128xi32, #tpu.memory_space<vmem>>, vector<16xi32>,
        tpu.vector_store_idx %arg14[%get3A_521], %broadcast_in_dim3A_17 {add = true} : memref<10240xf32, #tpu.memory_space<vmem>>[vector<16xi32>], vector<16xf32>,
        %dma_wait3A_522 = arith.constant 7 : i32
        %dma_wait3A_523 = arith.constant 0 : i32
        %dma_wait3A_524 = tpu.memref_slice %arg11[%dma_wait3A_522, %dma_wait3A_523] : memref<16x128xi32, #tpu.memory_space<vmem>> -> memref<1x128xi32, #tpu.memory_space<vmem>>
        %dma_wait3A_525 = tpu.memref_squeeze %dma_wait3A_524 : memref<1x128xi32, #tpu.memory_space<vmem>> -> memref<128xi32, #tpu.memory_space<vmem>>
        %dma_wait3A_526 = arith.constant 0 : i32
        %dma_wait3A_527 = arith.constant 0 : i32
        %dma_wait3A_528 = tpu.memref_slice %arg9[%dma_wait3A_526, %dma_wait3A_527] : memref<10240x128xf32, #tpu.memory_space<vmem_shared>> -> memref<10240x128xf32, #tpu.memory_space<vmem_shared>>
        tpu.wait_indirect_dma semaphore(%arg18 : memref<!tpu.dma_semaphore, #tpu.memory_space<semaphore_mem>>) src(%arg13 : memref<128x128xf32, #tpu.memory_space<vmem>>) dst(%dma_wait3A_528 : memref<10240x128xf32, #tpu.memory_space<vmem_shared>>)
        %dma_start3A_529 = arith.constant 9 : i32
        %dma_start3A_530 = arith.constant 0 : i32
        %dma_start3A_531 = tpu.memref_slice %arg10[%dma_start3A_529, %dma_start3A_530] : memref<16x128xi32, #tpu.memory_space<vmem>> -> memref<1x128xi32, #tpu.memory_space<vmem>>
        %dma_start3A_532 = tpu.memref_squeeze %dma_start3A_531 : memref<1x128xi32, #tpu.memory_space<vmem>> -> memref<128xi32, #tpu.memory_space<vmem>>
        %dma_start3A_533 = arith.constant 0 : i32
        %dma_start3A_534 = arith.constant 0 : i32
        %dma_start3A_535 = tpu.memref_slice %arg2[%dma_start3A_533, %dma_start3A_534] : memref<10000x128xf32, #tpu.memory_space<hbm>> -> memref<10000x128xf32, #tpu.memory_space<hbm>>
        tpu.enqueue_indirect_dma source(%dma_start3A_535 : memref<10000x128xf32, #tpu.memory_space<hbm>>) target(%arg13 : memref<128x128xf32, #tpu.memory_space<vmem>>) offsets(%dma_start3A_532 : memref<128xi32, #tpu.memory_space<vmem>>) semaphore(%arg16 : memref<!tpu.dma_semaphore, #tpu.memory_space<semaphore_mem>>)
        %dma_wait3A_536 = arith.constant 8 : i32
        %dma_wait3A_537 = arith.constant 0 : i32
        %dma_wait3A_538 = tpu.memref_slice %arg10[%dma_wait3A_536, %dma_wait3A_537] : memref<16x128xi32, #tpu.memory_space<vmem>> -> memref<1x128xi32, #tpu.memory_space<vmem>>
        %dma_wait3A_539 = tpu.memref_squeeze %dma_wait3A_538 : memref<1x128xi32, #tpu.memory_space<vmem>> -> memref<128xi32, #tpu.memory_space<vmem>>
        %dma_wait3A_540 = arith.constant 0 : i32
        %dma_wait3A_541 = arith.constant 0 : i32
        %dma_wait3A_542 = tpu.memref_slice %arg2[%dma_wait3A_540, %dma_wait3A_541] : memref<10000x128xf32, #tpu.memory_space<hbm>> -> memref<10000x128xf32, #tpu.memory_space<hbm>>
        tpu.wait_indirect_dma semaphore(%arg15 : memref<!tpu.dma_semaphore, #tpu.memory_space<semaphore_mem>>) src(%dma_wait3A_542 : memref<10000x128xf32, #tpu.memory_space<hbm>>) dst(%arg12 : memref<128x128xf32, #tpu.memory_space<vmem>>)
        %dma_start3A_543 = arith.constant 8 : i32
        %dma_start3A_544 = arith.constant 0 : i32
        %dma_start3A_545 = tpu.memref_slice %arg11[%dma_start3A_543, %dma_start3A_544] : memref<16x128xi32, #tpu.memory_space<vmem>> -> memref<1x128xi32, #tpu.memory_space<vmem>>
        %dma_start3A_546 = tpu.memref_squeeze %dma_start3A_545 : memref<1x128xi32, #tpu.memory_space<vmem>> -> memref<128xi32, #tpu.memory_space<vmem>>
        %dma_start3A_547 = arith.constant 0 : i32
        %dma_start3A_548 = arith.constant 0 : i32
        %dma_start3A_549 = tpu.memref_slice %arg9[%dma_start3A_547, %dma_start3A_548] : memref<10240x128xf32, #tpu.memory_space<vmem_shared>> -> memref<10240x128xf32, #tpu.memory_space<vmem_shared>>
        tpu.enqueue_indirect_dma source(%arg12 : memref<128x128xf32, #tpu.memory_space<vmem>>) target(%dma_start3A_549 : memref<10240x128xf32, #tpu.memory_space<vmem_shared>>) offsets(%dma_start3A_546 : memref<128xi32, #tpu.memory_space<vmem>>) semaphore(%arg17 : memref<!tpu.dma_semaphore, #tpu.memory_space<semaphore_mem>>) {add = true}
        %get3A_550 = arith.constant 8 : i32
        %get3A_551 = arith.index_cast %get3A_550 : i32 to index
        %get3A_552 = arith.constant 0 : index
        %get3A_553 = tpu.vector_load %arg11[%get3A_551, %get3A_552] {strides = array<i32>} : memref<16x128xi32, #tpu.memory_space<vmem>>, vector<16xi32>,
        tpu.vector_store_idx %arg14[%get3A_553], %broadcast_in_dim3A_17 {add = true} : memref<10240xf32, #tpu.memory_space<vmem>>[vector<16xi32>], vector<16xf32>,
        %get3A_554 = arith.constant 8 : i32
        %get3A_555 = arith.index_cast %get3A_554 : i32 to index
        %get3A_556 = arith.constant 16 : index
        %get3A_557 = tpu.vector_load %arg11[%get3A_555, %get3A_556] {strides = array<i32>} : memref<16x128xi32, #tpu.memory_space<vmem>>, vector<16xi32>,
        tpu.vector_store_idx %arg14[%get3A_557], %broadcast_in_dim3A_17 {add = true} : memref<10240xf32, #tpu.memory_space<vmem>>[vector<16xi32>], vector<16xf32>,
        %get3A_558 = arith.constant 8 : i32
        %get3A_559 = arith.index_cast %get3A_558 : i32 to index
        %get3A_560 = arith.constant 32 : index
        %get3A_561 = tpu.vector_load %arg11[%get3A_559, %get3A_560] {strides = array<i32>} : memref<16x128xi32, #tpu.memory_space<vmem>>, vector<16xi32>,
        tpu.vector_store_idx %arg14[%get3A_561], %broadcast_in_dim3A_17 {add = true} : memref<10240xf32, #tpu.memory_space<vmem>>[vector<16xi32>], vector<16xf32>,
        %get3A_562 = arith.constant 8 : i32
        %get3A_563 = arith.index_cast %get3A_562 : i32 to index
        %get3A_564 = arith.constant 48 : index
        %get3A_565 = tpu.vector_load %arg11[%get3A_563, %get3A_564] {strides = array<i32>} : memref<16x128xi32, #tpu.memory_space<vmem>>, vector<16xi32>,
        tpu.vector_store_idx %arg14[%get3A_565], %broadcast_in_dim3A_17 {add = true} : memref<10240xf32, #tpu.memory_space<vmem>>[vector<16xi32>], vector<16xf32>,
        %get3A_566 = arith.constant 8 : i32
        %get3A_567 = arith.index_cast %get3A_566 : i32 to index
        %get3A_568 = arith.constant 64 : index
        %get3A_569 = tpu.vector_load %arg11[%get3A_567, %get3A_568] {strides = array<i32>} : memref<16x128xi32, #tpu.memory_space<vmem>>, vector<16xi32>,
        tpu.vector_store_idx %arg14[%get3A_569], %broadcast_in_dim3A_17 {add = true} : memref<10240xf32, #tpu.memory_space<vmem>>[vector<16xi32>], vector<16xf32>,
        %get3A_570 = arith.constant 8 : i32
        %get3A_571 = arith.index_cast %get3A_570 : i32 to index
        %get3A_572 = arith.constant 80 : index
        %get3A_573 = tpu.vector_load %arg11[%get3A_571, %get3A_572] {strides = array<i32>} : memref<16x128xi32, #tpu.memory_space<vmem>>, vector<16xi32>,
        tpu.vector_store_idx %arg14[%get3A_573], %broadcast_in_dim3A_17 {add = true} : memref<10240xf32, #tpu.memory_space<vmem>>[vector<16xi32>], vector<16xf32>,
        %get3A_574 = arith.constant 8 : i32
        %get3A_575 = arith.index_cast %get3A_574 : i32 to index
        %get3A_576 = arith.constant 96 : index
        %get3A_577 = tpu.vector_load %arg11[%get3A_575, %get3A_576] {strides = array<i32>} : memref<16x128xi32, #tpu.memory_space<vmem>>, vector<16xi32>,
        tpu.vector_store_idx %arg14[%get3A_577], %broadcast_in_dim3A_17 {add = true} : memref<10240xf32, #tpu.memory_space<vmem>>[vector<16xi32>], vector<16xf32>,
        %get3A_578 = arith.constant 8 : i32
        %get3A_579 = arith.index_cast %get3A_578 : i32 to index
        %get3A_580 = arith.constant 112 : index
        %get3A_581 = tpu.vector_load %arg11[%get3A_579, %get3A_580] {strides = array<i32>} : memref<16x128xi32, #tpu.memory_space<vmem>>, vector<16xi32>,
        tpu.vector_store_idx %arg14[%get3A_581], %broadcast_in_dim3A_17 {add = true} : memref<10240xf32, #tpu.memory_space<vmem>>[vector<16xi32>], vector<16xf32>,
        %dma_wait3A_582 = arith.constant 8 : i32
        %dma_wait3A_583 = arith.constant 0 : i32
        %dma_wait3A_584 = tpu.memref_slice %arg11[%dma_wait3A_582, %dma_wait3A_583] : memref<16x128xi32, #tpu.memory_space<vmem>> -> memref<1x128xi32, #tpu.memory_space<vmem>>
        %dma_wait3A_585 = tpu.memref_squeeze %dma_wait3A_584 : memref<1x128xi32, #tpu.memory_space<vmem>> -> memref<128xi32, #tpu.memory_space<vmem>>
        %dma_wait3A_586 = arith.constant 0 : i32
        %dma_wait3A_587 = arith.constant 0 : i32
        %dma_wait3A_588 = tpu.memref_slice %arg9[%dma_wait3A_586, %dma_wait3A_587] : memref<10240x128xf32, #tpu.memory_space<vmem_shared>> -> memref<10240x128xf32, #tpu.memory_space<vmem_shared>>
        tpu.wait_indirect_dma semaphore(%arg17 : memref<!tpu.dma_semaphore, #tpu.memory_space<semaphore_mem>>) src(%arg12 : memref<128x128xf32, #tpu.memory_space<vmem>>) dst(%dma_wait3A_588 : memref<10240x128xf32, #tpu.memory_space<vmem_shared>>)
        %dma_start3A_589 = arith.constant 10 : i32
        %dma_start3A_590 = arith.constant 0 : i32
        %dma_start3A_591 = tpu.memref_slice %arg10[%dma_start3A_589, %dma_start3A_590] : memref<16x128xi32, #tpu.memory_space<vmem>> -> memref<1x128xi32, #tpu.memory_space<vmem>>
        %dma_start3A_592 = tpu.memref_squeeze %dma_start3A_591 : memref<1x128xi32, #tpu.memory_space<vmem>> -> memref<128xi32, #tpu.memory_space<vmem>>
        %dma_start3A_593 = arith.constant 0 : i32
        %dma_start3A_594 = arith.constant 0 : i32
        %dma_start3A_595 = tpu.memref_slice %arg2[%dma_start3A_593, %dma_start3A_594] : memref<10000x128xf32, #tpu.memory_space<hbm>> -> memref<10000x128xf32, #tpu.memory_space<hbm>>
        tpu.enqueue_indirect_dma source(%dma_start3A_595 : memref<10000x128xf32, #tpu.memory_space<hbm>>) target(%arg12 : memref<128x128xf32, #tpu.memory_space<vmem>>) offsets(%dma_start3A_592 : memref<128xi32, #tpu.memory_space<vmem>>) semaphore(%arg15 : memref<!tpu.dma_semaphore, #tpu.memory_space<semaphore_mem>>)
        %dma_wait3A_596 = arith.constant 9 : i32
        %dma_wait3A_597 = arith.constant 0 : i32
        %dma_wait3A_598 = tpu.memref_slice %arg10[%dma_wait3A_596, %dma_wait3A_597] : memref<16x128xi32, #tpu.memory_space<vmem>> -> memref<1x128xi32, #tpu.memory_space<vmem>>
        %dma_wait3A_599 = tpu.memref_squeeze %dma_wait3A_598 : memref<1x128xi32, #tpu.memory_space<vmem>> -> memref<128xi32, #tpu.memory_space<vmem>>
        %dma_wait3A_600 = arith.constant 0 : i32
        %dma_wait3A_601 = arith.constant 0 : i32
        %dma_wait3A_602 = tpu.memref_slice %arg2[%dma_wait3A_600, %dma_wait3A_601] : memref<10000x128xf32, #tpu.memory_space<hbm>> -> memref<10000x128xf32, #tpu.memory_space<hbm>>
        tpu.wait_indirect_dma semaphore(%arg16 : memref<!tpu.dma_semaphore, #tpu.memory_space<semaphore_mem>>) src(%dma_wait3A_602 : memref<10000x128xf32, #tpu.memory_space<hbm>>) dst(%arg13 : memref<128x128xf32, #tpu.memory_space<vmem>>)
        %dma_start3A_603 = arith.constant 9 : i32
        %dma_start3A_604 = arith.constant 0 : i32
        %dma_start3A_605 = tpu.memref_slice %arg11[%dma_start3A_603, %dma_start3A_604] : memref<16x128xi32, #tpu.memory_space<vmem>> -> memref<1x128xi32, #tpu.memory_space<vmem>>
        %dma_start3A_606 = tpu.memref_squeeze %dma_start3A_605 : memref<1x128xi32, #tpu.memory_space<vmem>> -> memref<128xi32, #tpu.memory_space<vmem>>
        %dma_start3A_607 = arith.constant 0 : i32
        %dma_start3A_608 = arith.constant 0 : i32
        %dma_start3A_609 = tpu.memref_slice %arg9[%dma_start3A_607, %dma_start3A_608] : memref<10240x128xf32, #tpu.memory_space<vmem_shared>> -> memref<10240x128xf32, #tpu.memory_space<vmem_shared>>
        tpu.enqueue_indirect_dma source(%arg13 : memref<128x128xf32, #tpu.memory_space<vmem>>) target(%dma_start3A_609 : memref<10240x128xf32, #tpu.memory_space<vmem_shared>>) offsets(%dma_start3A_606 : memref<128xi32, #tpu.memory_space<vmem>>) semaphore(%arg18 : memref<!tpu.dma_semaphore, #tpu.memory_space<semaphore_mem>>) {add = true}
        %get3A_610 = arith.constant 9 : i32
        %get3A_611 = arith.index_cast %get3A_610 : i32 to index
        %get3A_612 = arith.constant 0 : index
        %get3A_613 = tpu.vector_load %arg11[%get3A_611, %get3A_612] {strides = array<i32>} : memref<16x128xi32, #tpu.memory_space<vmem>>, vector<16xi32>,
        tpu.vector_store_idx %arg14[%get3A_613], %broadcast_in_dim3A_17 {add = true} : memref<10240xf32, #tpu.memory_space<vmem>>[vector<16xi32>], vector<16xf32>,
        %get3A_614 = arith.constant 9 : i32
        %get3A_615 = arith.index_cast %get3A_614 : i32 to index
        %get3A_616 = arith.constant 16 : index
        %get3A_617 = tpu.vector_load %arg11[%get3A_615, %get3A_616] {strides = array<i32>} : memref<16x128xi32, #tpu.memory_space<vmem>>, vector<16xi32>,
        tpu.vector_store_idx %arg14[%get3A_617], %broadcast_in_dim3A_17 {add = true} : memref<10240xf32, #tpu.memory_space<vmem>>[vector<16xi32>], vector<16xf32>,
        %get3A_618 = arith.constant 9 : i32
        %get3A_619 = arith.index_cast %get3A_618 : i32 to index
        %get3A_620 = arith.constant 32 : index
        %get3A_621 = tpu.vector_load %arg11[%get3A_619, %get3A_620] {strides = array<i32>} : memref<16x128xi32, #tpu.memory_space<vmem>>, vector<16xi32>,
        tpu.vector_store_idx %arg14[%get3A_621], %broadcast_in_dim3A_17 {add = true} : memref<10240xf32, #tpu.memory_space<vmem>>[vector<16xi32>], vector<16xf32>,
        %get3A_622 = arith.constant 9 : i32
        %get3A_623 = arith.index_cast %get3A_622 : i32 to index
        %get3A_624 = arith.constant 48 : index
        %get3A_625 = tpu.vector_load %arg11[%get3A_623, %get3A_624] {strides = array<i32>} : memref<16x128xi32, #tpu.memory_space<vmem>>, vector<16xi32>,
        tpu.vector_store_idx %arg14[%get3A_625], %broadcast_in_dim3A_17 {add = true} : memref<10240xf32, #tpu.memory_space<vmem>>[vector<16xi32>], vector<16xf32>,
        %get3A_626 = arith.constant 9 : i32
        %get3A_627 = arith.index_cast %get3A_626 : i32 to index
        %get3A_628 = arith.constant 64 : index
        %get3A_629 = tpu.vector_load %arg11[%get3A_627, %get3A_628] {strides = array<i32>} : memref<16x128xi32, #tpu.memory_space<vmem>>, vector<16xi32>,
        tpu.vector_store_idx %arg14[%get3A_629], %broadcast_in_dim3A_17 {add = true} : memref<10240xf32, #tpu.memory_space<vmem>>[vector<16xi32>], vector<16xf32>,
        %get3A_630 = arith.constant 9 : i32
        %get3A_631 = arith.index_cast %get3A_630 : i32 to index
        %get3A_632 = arith.constant 80 : index
        %get3A_633 = tpu.vector_load %arg11[%get3A_631, %get3A_632] {strides = array<i32>} : memref<16x128xi32, #tpu.memory_space<vmem>>, vector<16xi32>,
        tpu.vector_store_idx %arg14[%get3A_633], %broadcast_in_dim3A_17 {add = true} : memref<10240xf32, #tpu.memory_space<vmem>>[vector<16xi32>], vector<16xf32>,
        %get3A_634 = arith.constant 9 : i32
        %get3A_635 = arith.index_cast %get3A_634 : i32 to index
        %get3A_636 = arith.constant 96 : index
        %get3A_637 = tpu.vector_load %arg11[%get3A_635, %get3A_636] {strides = array<i32>} : memref<16x128xi32, #tpu.memory_space<vmem>>, vector<16xi32>,
        tpu.vector_store_idx %arg14[%get3A_637], %broadcast_in_dim3A_17 {add = true} : memref<10240xf32, #tpu.memory_space<vmem>>[vector<16xi32>], vector<16xf32>,
        %get3A_638 = arith.constant 9 : i32
        %get3A_639 = arith.index_cast %get3A_638 : i32 to index
        %get3A_640 = arith.constant 112 : index
        %get3A_641 = tpu.vector_load %arg11[%get3A_639, %get3A_640] {strides = array<i32>} : memref<16x128xi32, #tpu.memory_space<vmem>>, vector<16xi32>,
        tpu.vector_store_idx %arg14[%get3A_641], %broadcast_in_dim3A_17 {add = true} : memref<10240xf32, #tpu.memory_space<vmem>>[vector<16xi32>], vector<16xf32>,
        %dma_wait3A_642 = arith.constant 9 : i32
        %dma_wait3A_643 = arith.constant 0 : i32
        %dma_wait3A_644 = tpu.memref_slice %arg11[%dma_wait3A_642, %dma_wait3A_643] : memref<16x128xi32, #tpu.memory_space<vmem>> -> memref<1x128xi32, #tpu.memory_space<vmem>>
        %dma_wait3A_645 = tpu.memref_squeeze %dma_wait3A_644 : memref<1x128xi32, #tpu.memory_space<vmem>> -> memref<128xi32, #tpu.memory_space<vmem>>
        %dma_wait3A_646 = arith.constant 0 : i32
        %dma_wait3A_647 = arith.constant 0 : i32
        %dma_wait3A_648 = tpu.memref_slice %arg9[%dma_wait3A_646, %dma_wait3A_647] : memref<10240x128xf32, #tpu.memory_space<vmem_shared>> -> memref<10240x128xf32, #tpu.memory_space<vmem_shared>>
        tpu.wait_indirect_dma semaphore(%arg18 : memref<!tpu.dma_semaphore, #tpu.memory_space<semaphore_mem>>) src(%arg13 : memref<128x128xf32, #tpu.memory_space<vmem>>) dst(%dma_wait3A_648 : memref<10240x128xf32, #tpu.memory_space<vmem_shared>>)
        %dma_start3A_649 = arith.constant 11 : i32
        %dma_start3A_650 = arith.constant 0 : i32
        %dma_start3A_651 = tpu.memref_slice %arg10[%dma_start3A_649, %dma_start3A_650] : memref<16x128xi32, #tpu.memory_space<vmem>> -> memref<1x128xi32, #tpu.memory_space<vmem>>
        %dma_start3A_652 = tpu.memref_squeeze %dma_start3A_651 : memref<1x128xi32, #tpu.memory_space<vmem>> -> memref<128xi32, #tpu.memory_space<vmem>>
        %dma_start3A_653 = arith.constant 0 : i32
        %dma_start3A_654 = arith.constant 0 : i32
        %dma_start3A_655 = tpu.memref_slice %arg2[%dma_start3A_653, %dma_start3A_654] : memref<10000x128xf32, #tpu.memory_space<hbm>> -> memref<10000x128xf32, #tpu.memory_space<hbm>>
        tpu.enqueue_indirect_dma source(%dma_start3A_655 : memref<10000x128xf32, #tpu.memory_space<hbm>>) target(%arg13 : memref<128x128xf32, #tpu.memory_space<vmem>>) offsets(%dma_start3A_652 : memref<128xi32, #tpu.memory_space<vmem>>) semaphore(%arg16 : memref<!tpu.dma_semaphore, #tpu.memory_space<semaphore_mem>>)
        %dma_wait3A_656 = arith.constant 10 : i32
        %dma_wait3A_657 = arith.constant 0 : i32
        %dma_wait3A_658 = tpu.memref_slice %arg10[%dma_wait3A_656, %dma_wait3A_657] : memref<16x128xi32, #tpu.memory_space<vmem>> -> memref<1x128xi32, #tpu.memory_space<vmem>>
        %dma_wait3A_659 = tpu.memref_squeeze %dma_wait3A_658 : memref<1x128xi32, #tpu.memory_space<vmem>> -> memref<128xi32, #tpu.memory_space<vmem>>
        %dma_wait3A_660 = arith.constant 0 : i32
        %dma_wait3A_661 = arith.constant 0 : i32
        %dma_wait3A_662 = tpu.memref_slice %arg2[%dma_wait3A_660, %dma_wait3A_661] : memref<10000x128xf32, #tpu.memory_space<hbm>> -> memref<10000x128xf32, #tpu.memory_space<hbm>>
        tpu.wait_indirect_dma semaphore(%arg15 : memref<!tpu.dma_semaphore, #tpu.memory_space<semaphore_mem>>) src(%dma_wait3A_662 : memref<10000x128xf32, #tpu.memory_space<hbm>>) dst(%arg12 : memref<128x128xf32, #tpu.memory_space<vmem>>)
        %dma_start3A_663 = arith.constant 10 : i32
        %dma_start3A_664 = arith.constant 0 : i32
        %dma_start3A_665 = tpu.memref_slice %arg11[%dma_start3A_663, %dma_start3A_664] : memref<16x128xi32, #tpu.memory_space<vmem>> -> memref<1x128xi32, #tpu.memory_space<vmem>>
        %dma_start3A_666 = tpu.memref_squeeze %dma_start3A_665 : memref<1x128xi32, #tpu.memory_space<vmem>> -> memref<128xi32, #tpu.memory_space<vmem>>
        %dma_start3A_667 = arith.constant 0 : i32
        %dma_start3A_668 = arith.constant 0 : i32
        %dma_start3A_669 = tpu.memref_slice %arg9[%dma_start3A_667, %dma_start3A_668] : memref<10240x128xf32, #tpu.memory_space<vmem_shared>> -> memref<10240x128xf32, #tpu.memory_space<vmem_shared>>
        tpu.enqueue_indirect_dma source(%arg12 : memref<128x128xf32, #tpu.memory_space<vmem>>) target(%dma_start3A_669 : memref<10240x128xf32, #tpu.memory_space<vmem_shared>>) offsets(%dma_start3A_666 : memref<128xi32, #tpu.memory_space<vmem>>) semaphore(%arg17 : memref<!tpu.dma_semaphore, #tpu.memory_space<semaphore_mem>>) {add = true}
        %get3A_670 = arith.constant 10 : i32
        %get3A_671 = arith.index_cast %get3A_670 : i32 to index
        %get3A_672 = arith.constant 0 : index
        %get3A_673 = tpu.vector_load %arg11[%get3A_671, %get3A_672] {strides = array<i32>} : memref<16x128xi32, #tpu.memory_space<vmem>>, vector<16xi32>,
        tpu.vector_store_idx %arg14[%get3A_673], %broadcast_in_dim3A_17 {add = true} : memref<10240xf32, #tpu.memory_space<vmem>>[vector<16xi32>], vector<16xf32>,
        %get3A_674 = arith.constant 10 : i32
        %get3A_675 = arith.index_cast %get3A_674 : i32 to index
        %get3A_676 = arith.constant 16 : index
        %get3A_677 = tpu.vector_load %arg11[%get3A_675, %get3A_676] {strides = array<i32>} : memref<16x128xi32, #tpu.memory_space<vmem>>, vector<16xi32>,
        tpu.vector_store_idx %arg14[%get3A_677], %broadcast_in_dim3A_17 {add = true} : memref<10240xf32, #tpu.memory_space<vmem>>[vector<16xi32>], vector<16xf32>,
        %get3A_678 = arith.constant 10 : i32
        %get3A_679 = arith.index_cast %get3A_678 : i32 to index
        %get3A_680 = arith.constant 32 : index
        %get3A_681 = tpu.vector_load %arg11[%get3A_679, %get3A_680] {strides = array<i32>} : memref<16x128xi32, #tpu.memory_space<vmem>>, vector<16xi32>,
        tpu.vector_store_idx %arg14[%get3A_681], %broadcast_in_dim3A_17 {add = true} : memref<10240xf32, #tpu.memory_space<vmem>>[vector<16xi32>], vector<16xf32>,
        %get3A_682 = arith.constant 10 : i32
        %get3A_683 = arith.index_cast %get3A_682 : i32 to index
        %get3A_684 = arith.constant 48 : index
        %get3A_685 = tpu.vector_load %arg11[%get3A_683, %get3A_684] {strides = array<i32>} : memref<16x128xi32, #tpu.memory_space<vmem>>, vector<16xi32>,
        tpu.vector_store_idx %arg14[%get3A_685], %broadcast_in_dim3A_17 {add = true} : memref<10240xf32, #tpu.memory_space<vmem>>[vector<16xi32>], vector<16xf32>,
        %get3A_686 = arith.constant 10 : i32
        %get3A_687 = arith.index_cast %get3A_686 : i32 to index
        %get3A_688 = arith.constant 64 : index
        %get3A_689 = tpu.vector_load %arg11[%get3A_687, %get3A_688] {strides = array<i32>} : memref<16x128xi32, #tpu.memory_space<vmem>>, vector<16xi32>,
        tpu.vector_store_idx %arg14[%get3A_689], %broadcast_in_dim3A_17 {add = true} : memref<10240xf32, #tpu.memory_space<vmem>>[vector<16xi32>], vector<16xf32>,
        %get3A_690 = arith.constant 10 : i32
        %get3A_691 = arith.index_cast %get3A_690 : i32 to index
        %get3A_692 = arith.constant 80 : index
        %get3A_693 = tpu.vector_load %arg11[%get3A_691, %get3A_692] {strides = array<i32>} : memref<16x128xi32, #tpu.memory_space<vmem>>, vector<16xi32>,
        tpu.vector_store_idx %arg14[%get3A_693], %broadcast_in_dim3A_17 {add = true} : memref<10240xf32, #tpu.memory_space<vmem>>[vector<16xi32>], vector<16xf32>,
        %get3A_694 = arith.constant 10 : i32
        %get3A_695 = arith.index_cast %get3A_694 : i32 to index
        %get3A_696 = arith.constant 96 : index
        %get3A_697 = tpu.vector_load %arg11[%get3A_695, %get3A_696] {strides = array<i32>} : memref<16x128xi32, #tpu.memory_space<vmem>>, vector<16xi32>,
        tpu.vector_store_idx %arg14[%get3A_697], %broadcast_in_dim3A_17 {add = true} : memref<10240xf32, #tpu.memory_space<vmem>>[vector<16xi32>], vector<16xf32>,
        %get3A_698 = arith.constant 10 : i32
        %get3A_699 = arith.index_cast %get3A_698 : i32 to index
        %get3A_700 = arith.constant 112 : index
        %get3A_701 = tpu.vector_load %arg11[%get3A_699, %get3A_700] {strides = array<i32>} : memref<16x128xi32, #tpu.memory_space<vmem>>, vector<16xi32>,
        tpu.vector_store_idx %arg14[%get3A_701], %broadcast_in_dim3A_17 {add = true} : memref<10240xf32, #tpu.memory_space<vmem>>[vector<16xi32>], vector<16xf32>,
        %dma_wait3A_702 = arith.constant 10 : i32
        %dma_wait3A_703 = arith.constant 0 : i32
        %dma_wait3A_704 = tpu.memref_slice %arg11[%dma_wait3A_702, %dma_wait3A_703] : memref<16x128xi32, #tpu.memory_space<vmem>> -> memref<1x128xi32, #tpu.memory_space<vmem>>
        %dma_wait3A_705 = tpu.memref_squeeze %dma_wait3A_704 : memref<1x128xi32, #tpu.memory_space<vmem>> -> memref<128xi32, #tpu.memory_space<vmem>>
        %dma_wait3A_706 = arith.constant 0 : i32
        %dma_wait3A_707 = arith.constant 0 : i32
        %dma_wait3A_708 = tpu.memref_slice %arg9[%dma_wait3A_706, %dma_wait3A_707] : memref<10240x128xf32, #tpu.memory_space<vmem_shared>> -> memref<10240x128xf32, #tpu.memory_space<vmem_shared>>
        tpu.wait_indirect_dma semaphore(%arg17 : memref<!tpu.dma_semaphore, #tpu.memory_space<semaphore_mem>>) src(%arg12 : memref<128x128xf32, #tpu.memory_space<vmem>>) dst(%dma_wait3A_708 : memref<10240x128xf32, #tpu.memory_space<vmem_shared>>)
        %dma_start3A_709 = arith.constant 12 : i32
        %dma_start3A_710 = arith.constant 0 : i32
        %dma_start3A_711 = tpu.memref_slice %arg10[%dma_start3A_709, %dma_start3A_710] : memref<16x128xi32, #tpu.memory_space<vmem>> -> memref<1x128xi32, #tpu.memory_space<vmem>>
        %dma_start3A_712 = tpu.memref_squeeze %dma_start3A_711 : memref<1x128xi32, #tpu.memory_space<vmem>> -> memref<128xi32, #tpu.memory_space<vmem>>
        %dma_start3A_713 = arith.constant 0 : i32
        %dma_start3A_714 = arith.constant 0 : i32
        %dma_start3A_715 = tpu.memref_slice %arg2[%dma_start3A_713, %dma_start3A_714] : memref<10000x128xf32, #tpu.memory_space<hbm>> -> memref<10000x128xf32, #tpu.memory_space<hbm>>
        tpu.enqueue_indirect_dma source(%dma_start3A_715 : memref<10000x128xf32, #tpu.memory_space<hbm>>) target(%arg12 : memref<128x128xf32, #tpu.memory_space<vmem>>) offsets(%dma_start3A_712 : memref<128xi32, #tpu.memory_space<vmem>>) semaphore(%arg15 : memref<!tpu.dma_semaphore, #tpu.memory_space<semaphore_mem>>)
        %dma_wait3A_716 = arith.constant 11 : i32
        %dma_wait3A_717 = arith.constant 0 : i32
        %dma_wait3A_718 = tpu.memref_slice %arg10[%dma_wait3A_716, %dma_wait3A_717] : memref<16x128xi32, #tpu.memory_space<vmem>> -> memref<1x128xi32, #tpu.memory_space<vmem>>
        %dma_wait3A_719 = tpu.memref_squeeze %dma_wait3A_718 : memref<1x128xi32, #tpu.memory_space<vmem>> -> memref<128xi32, #tpu.memory_space<vmem>>
        %dma_wait3A_720 = arith.constant 0 : i32
        %dma_wait3A_721 = arith.constant 0 : i32
        %dma_wait3A_722 = tpu.memref_slice %arg2[%dma_wait3A_720, %dma_wait3A_721] : memref<10000x128xf32, #tpu.memory_space<hbm>> -> memref<10000x128xf32, #tpu.memory_space<hbm>>
        tpu.wait_indirect_dma semaphore(%arg16 : memref<!tpu.dma_semaphore, #tpu.memory_space<semaphore_mem>>) src(%dma_wait3A_722 : memref<10000x128xf32, #tpu.memory_space<hbm>>) dst(%arg13 : memref<128x128xf32, #tpu.memory_space<vmem>>)
        %dma_start3A_723 = arith.constant 11 : i32
        %dma_start3A_724 = arith.constant 0 : i32
        %dma_start3A_725 = tpu.memref_slice %arg11[%dma_start3A_723, %dma_start3A_724] : memref<16x128xi32, #tpu.memory_space<vmem>> -> memref<1x128xi32, #tpu.memory_space<vmem>>
        %dma_start3A_726 = tpu.memref_squeeze %dma_start3A_725 : memref<1x128xi32, #tpu.memory_space<vmem>> -> memref<128xi32, #tpu.memory_space<vmem>>
        %dma_start3A_727 = arith.constant 0 : i32
        %dma_start3A_728 = arith.constant 0 : i32
        %dma_start3A_729 = tpu.memref_slice %arg9[%dma_start3A_727, %dma_start3A_728] : memref<10240x128xf32, #tpu.memory_space<vmem_shared>> -> memref<10240x128xf32, #tpu.memory_space<vmem_shared>>
        tpu.enqueue_indirect_dma source(%arg13 : memref<128x128xf32, #tpu.memory_space<vmem>>) target(%dma_start3A_729 : memref<10240x128xf32, #tpu.memory_space<vmem_shared>>) offsets(%dma_start3A_726 : memref<128xi32, #tpu.memory_space<vmem>>) semaphore(%arg18 : memref<!tpu.dma_semaphore, #tpu.memory_space<semaphore_mem>>) {add = true}
        %get3A_730 = arith.constant 11 : i32
        %get3A_731 = arith.index_cast %get3A_730 : i32 to index
        %get3A_732 = arith.constant 0 : index
        %get3A_733 = tpu.vector_load %arg11[%get3A_731, %get3A_732] {strides = array<i32>} : memref<16x128xi32, #tpu.memory_space<vmem>>, vector<16xi32>,
        tpu.vector_store_idx %arg14[%get3A_733], %broadcast_in_dim3A_17 {add = true} : memref<10240xf32, #tpu.memory_space<vmem>>[vector<16xi32>], vector<16xf32>,
        %get3A_734 = arith.constant 11 : i32
        %get3A_735 = arith.index_cast %get3A_734 : i32 to index
        %get3A_736 = arith.constant 16 : index
        %get3A_737 = tpu.vector_load %arg11[%get3A_735, %get3A_736] {strides = array<i32>} : memref<16x128xi32, #tpu.memory_space<vmem>>, vector<16xi32>,
        tpu.vector_store_idx %arg14[%get3A_737], %broadcast_in_dim3A_17 {add = true} : memref<10240xf32, #tpu.memory_space<vmem>>[vector<16xi32>], vector<16xf32>,
        %get3A_738 = arith.constant 11 : i32
        %get3A_739 = arith.index_cast %get3A_738 : i32 to index
        %get3A_740 = arith.constant 32 : index
        %get3A_741 = tpu.vector_load %arg11[%get3A_739, %get3A_740] {strides = array<i32>} : memref<16x128xi32, #tpu.memory_space<vmem>>, vector<16xi32>,
        tpu.vector_store_idx %arg14[%get3A_741], %broadcast_in_dim3A_17 {add = true} : memref<10240xf32, #tpu.memory_space<vmem>>[vector<16xi32>], vector<16xf32>,
        %get3A_742 = arith.constant 11 : i32
        %get3A_743 = arith.index_cast %get3A_742 : i32 to index
        %get3A_744 = arith.constant 48 : index
        %get3A_745 = tpu.vector_load %arg11[%get3A_743, %get3A_744] {strides = array<i32>} : memref<16x128xi32, #tpu.memory_space<vmem>>, vector<16xi32>,
        tpu.vector_store_idx %arg14[%get3A_745], %broadcast_in_dim3A_17 {add = true} : memref<10240xf32, #tpu.memory_space<vmem>>[vector<16xi32>], vector<16xf32>,
        %get3A_746 = arith.constant 11 : i32
        %get3A_747 = arith.index_cast %get3A_746 : i32 to index
        %get3A_748 = arith.constant 64 : index
        %get3A_749 = tpu.vector_load %arg11[%get3A_747, %get3A_748] {strides = array<i32>} : memref<16x128xi32, #tpu.memory_space<vmem>>, vector<16xi32>,
        tpu.vector_store_idx %arg14[%get3A_749], %broadcast_in_dim3A_17 {add = true} : memref<10240xf32, #tpu.memory_space<vmem>>[vector<16xi32>], vector<16xf32>,
        %get3A_750 = arith.constant 11 : i32
        %get3A_751 = arith.index_cast %get3A_750 : i32 to index
        %get3A_752 = arith.constant 80 : index
        %get3A_753 = tpu.vector_load %arg11[%get3A_751, %get3A_752] {strides = array<i32>} : memref<16x128xi32, #tpu.memory_space<vmem>>, vector<16xi32>,
        tpu.vector_store_idx %arg14[%get3A_753], %broadcast_in_dim3A_17 {add = true} : memref<10240xf32, #tpu.memory_space<vmem>>[vector<16xi32>], vector<16xf32>,
        %get3A_754 = arith.constant 11 : i32
        %get3A_755 = arith.index_cast %get3A_754 : i32 to index
        %get3A_756 = arith.constant 96 : index
        %get3A_757 = tpu.vector_load %arg11[%get3A_755, %get3A_756] {strides = array<i32>} : memref<16x128xi32, #tpu.memory_space<vmem>>, vector<16xi32>,
        tpu.vector_store_idx %arg14[%get3A_757], %broadcast_in_dim3A_17 {add = true} : memref<10240xf32, #tpu.memory_space<vmem>>[vector<16xi32>], vector<16xf32>,
        %get3A_758 = arith.constant 11 : i32
        %get3A_759 = arith.index_cast %get3A_758 : i32 to index
        %get3A_760 = arith.constant 112 : index
        %get3A_761 = tpu.vector_load %arg11[%get3A_759, %get3A_760] {strides = array<i32>} : memref<16x128xi32, #tpu.memory_space<vmem>>, vector<16xi32>,
        tpu.vector_store_idx %arg14[%get3A_761], %broadcast_in_dim3A_17 {add = true} : memref<10240xf32, #tpu.memory_space<vmem>>[vector<16xi32>], vector<16xf32>,
        %dma_wait3A_762 = arith.constant 11 : i32
        %dma_wait3A_763 = arith.constant 0 : i32
        %dma_wait3A_764 = tpu.memref_slice %arg11[%dma_wait3A_762, %dma_wait3A_763] : memref<16x128xi32, #tpu.memory_space<vmem>> -> memref<1x128xi32, #tpu.memory_space<vmem>>
        %dma_wait3A_765 = tpu.memref_squeeze %dma_wait3A_764 : memref<1x128xi32, #tpu.memory_space<vmem>> -> memref<128xi32, #tpu.memory_space<vmem>>
        %dma_wait3A_766 = arith.constant 0 : i32
        %dma_wait3A_767 = arith.constant 0 : i32
        %dma_wait3A_768 = tpu.memref_slice %arg9[%dma_wait3A_766, %dma_wait3A_767] : memref<10240x128xf32, #tpu.memory_space<vmem_shared>> -> memref<10240x128xf32, #tpu.memory_space<vmem_shared>>
        tpu.wait_indirect_dma semaphore(%arg18 : memref<!tpu.dma_semaphore, #tpu.memory_space<semaphore_mem>>) src(%arg13 : memref<128x128xf32, #tpu.memory_space<vmem>>) dst(%dma_wait3A_768 : memref<10240x128xf32, #tpu.memory_space<vmem_shared>>)
        %dma_start3A_769 = arith.constant 13 : i32
        %dma_start3A_770 = arith.constant 0 : i32
        %dma_start3A_771 = tpu.memref_slice %arg10[%dma_start3A_769, %dma_start3A_770] : memref<16x128xi32, #tpu.memory_space<vmem>> -> memref<1x128xi32, #tpu.memory_space<vmem>>
        %dma_start3A_772 = tpu.memref_squeeze %dma_start3A_771 : memref<1x128xi32, #tpu.memory_space<vmem>> -> memref<128xi32, #tpu.memory_space<vmem>>
        %dma_start3A_773 = arith.constant 0 : i32
        %dma_start3A_774 = arith.constant 0 : i32
        %dma_start3A_775 = tpu.memref_slice %arg2[%dma_start3A_773, %dma_start3A_774] : memref<10000x128xf32, #tpu.memory_space<hbm>> -> memref<10000x128xf32, #tpu.memory_space<hbm>>
        tpu.enqueue_indirect_dma source(%dma_start3A_775 : memref<10000x128xf32, #tpu.memory_space<hbm>>) target(%arg13 : memref<128x128xf32, #tpu.memory_space<vmem>>) offsets(%dma_start3A_772 : memref<128xi32, #tpu.memory_space<vmem>>) semaphore(%arg16 : memref<!tpu.dma_semaphore, #tpu.memory_space<semaphore_mem>>)
        %dma_wait3A_776 = arith.constant 12 : i32
        %dma_wait3A_777 = arith.constant 0 : i32
        %dma_wait3A_778 = tpu.memref_slice %arg10[%dma_wait3A_776, %dma_wait3A_777] : memref<16x128xi32, #tpu.memory_space<vmem>> -> memref<1x128xi32, #tpu.memory_space<vmem>>
        %dma_wait3A_779 = tpu.memref_squeeze %dma_wait3A_778 : memref<1x128xi32, #tpu.memory_space<vmem>> -> memref<128xi32, #tpu.memory_space<vmem>>
        %dma_wait3A_780 = arith.constant 0 : i32
        %dma_wait3A_781 = arith.constant 0 : i32
        %dma_wait3A_782 = tpu.memref_slice %arg2[%dma_wait3A_780, %dma_wait3A_781] : memref<10000x128xf32, #tpu.memory_space<hbm>> -> memref<10000x128xf32, #tpu.memory_space<hbm>>
        tpu.wait_indirect_dma semaphore(%arg15 : memref<!tpu.dma_semaphore, #tpu.memory_space<semaphore_mem>>) src(%dma_wait3A_782 : memref<10000x128xf32, #tpu.memory_space<hbm>>) dst(%arg12 : memref<128x128xf32, #tpu.memory_space<vmem>>)
        %dma_start3A_783 = arith.constant 12 : i32
        %dma_start3A_784 = arith.constant 0 : i32
        %dma_start3A_785 = tpu.memref_slice %arg11[%dma_start3A_783, %dma_start3A_784] : memref<16x128xi32, #tpu.memory_space<vmem>> -> memref<1x128xi32, #tpu.memory_space<vmem>>
        %dma_start3A_786 = tpu.memref_squeeze %dma_start3A_785 : memref<1x128xi32, #tpu.memory_space<vmem>> -> memref<128xi32, #tpu.memory_space<vmem>>
        %dma_start3A_787 = arith.constant 0 : i32
        %dma_start3A_788 = arith.constant 0 : i32
        %dma_start3A_789 = tpu.memref_slice %arg9[%dma_start3A_787, %dma_start3A_788] : memref<10240x128xf32, #tpu.memory_space<vmem_shared>> -> memref<10240x128xf32, #tpu.memory_space<vmem_shared>>
        tpu.enqueue_indirect_dma source(%arg12 : memref<128x128xf32, #tpu.memory_space<vmem>>) target(%dma_start3A_789 : memref<10240x128xf32, #tpu.memory_space<vmem_shared>>) offsets(%dma_start3A_786 : memref<128xi32, #tpu.memory_space<vmem>>) semaphore(%arg17 : memref<!tpu.dma_semaphore, #tpu.memory_space<semaphore_mem>>) {add = true}
        %get3A_790 = arith.constant 12 : i32
        %get3A_791 = arith.index_cast %get3A_790 : i32 to index
        %get3A_792 = arith.constant 0 : index
        %get3A_793 = tpu.vector_load %arg11[%get3A_791, %get3A_792] {strides = array<i32>} : memref<16x128xi32, #tpu.memory_space<vmem>>, vector<16xi32>,
        tpu.vector_store_idx %arg14[%get3A_793], %broadcast_in_dim3A_17 {add = true} : memref<10240xf32, #tpu.memory_space<vmem>>[vector<16xi32>], vector<16xf32>,
        %get3A_794 = arith.constant 12 : i32
        %get3A_795 = arith.index_cast %get3A_794 : i32 to index
        %get3A_796 = arith.constant 16 : index
        %get3A_797 = tpu.vector_load %arg11[%get3A_795, %get3A_796] {strides = array<i32>} : memref<16x128xi32, #tpu.memory_space<vmem>>, vector<16xi32>,
        tpu.vector_store_idx %arg14[%get3A_797], %broadcast_in_dim3A_17 {add = true} : memref<10240xf32, #tpu.memory_space<vmem>>[vector<16xi32>], vector<16xf32>,
        %get3A_798 = arith.constant 12 : i32
        %get3A_799 = arith.index_cast %get3A_798 : i32 to index
        %get3A_800 = arith.constant 32 : index
        %get3A_801 = tpu.vector_load %arg11[%get3A_799, %get3A_800] {strides = array<i32>} : memref<16x128xi32, #tpu.memory_space<vmem>>, vector<16xi32>,
        tpu.vector_store_idx %arg14[%get3A_801], %broadcast_in_dim3A_17 {add = true} : memref<10240xf32, #tpu.memory_space<vmem>>[vector<16xi32>], vector<16xf32>,
        %get3A_802 = arith.constant 12 : i32
        %get3A_803 = arith.index_cast %get3A_802 : i32 to index
        %get3A_804 = arith.constant 48 : index
        %get3A_805 = tpu.vector_load %arg11[%get3A_803, %get3A_804] {strides = array<i32>} : memref<16x128xi32, #tpu.memory_space<vmem>>, vector<16xi32>,
        tpu.vector_store_idx %arg14[%get3A_805], %broadcast_in_dim3A_17 {add = true} : memref<10240xf32, #tpu.memory_space<vmem>>[vector<16xi32>], vector<16xf32>,
        %get3A_806 = arith.constant 12 : i32
        %get3A_807 = arith.index_cast %get3A_806 : i32 to index
        %get3A_808 = arith.constant 64 : index
        %get3A_809 = tpu.vector_load %arg11[%get3A_807, %get3A_808] {strides = array<i32>} : memref<16x128xi32, #tpu.memory_space<vmem>>, vector<16xi32>,
        tpu.vector_store_idx %arg14[%get3A_809], %broadcast_in_dim3A_17 {add = true} : memref<10240xf32, #tpu.memory_space<vmem>>[vector<16xi32>], vector<16xf32>,
        %get3A_810 = arith.constant 12 : i32
        %get3A_811 = arith.index_cast %get3A_810 : i32 to index
        %get3A_812 = arith.constant 80 : index
        %get3A_813 = tpu.vector_load %arg11[%get3A_811, %get3A_812] {strides = array<i32>} : memref<16x128xi32, #tpu.memory_space<vmem>>, vector<16xi32>,
        tpu.vector_store_idx %arg14[%get3A_813], %broadcast_in_dim3A_17 {add = true} : memref<10240xf32, #tpu.memory_space<vmem>>[vector<16xi32>], vector<16xf32>,
        %get3A_814 = arith.constant 12 : i32
        %get3A_815 = arith.index_cast %get3A_814 : i32 to index
        %get3A_816 = arith.constant 96 : index
        %get3A_817 = tpu.vector_load %arg11[%get3A_815, %get3A_816] {strides = array<i32>} : memref<16x128xi32, #tpu.memory_space<vmem>>, vector<16xi32>,
        tpu.vector_store_idx %arg14[%get3A_817], %broadcast_in_dim3A_17 {add = true} : memref<10240xf32, #tpu.memory_space<vmem>>[vector<16xi32>], vector<16xf32>,
        %get3A_818 = arith.constant 12 : i32
        %get3A_819 = arith.index_cast %get3A_818 : i32 to index
        %get3A_820 = arith.constant 112 : index
        %get3A_821 = tpu.vector_load %arg11[%get3A_819, %get3A_820] {strides = array<i32>} : memref<16x128xi32, #tpu.memory_space<vmem>>, vector<16xi32>,
        tpu.vector_store_idx %arg14[%get3A_821], %broadcast_in_dim3A_17 {add = true} : memref<10240xf32, #tpu.memory_space<vmem>>[vector<16xi32>], vector<16xf32>,
        %dma_wait3A_822 = arith.constant 12 : i32
        %dma_wait3A_823 = arith.constant 0 : i32
        %dma_wait3A_824 = tpu.memref_slice %arg11[%dma_wait3A_822, %dma_wait3A_823] : memref<16x128xi32, #tpu.memory_space<vmem>> -> memref<1x128xi32, #tpu.memory_space<vmem>>
        %dma_wait3A_825 = tpu.memref_squeeze %dma_wait3A_824 : memref<1x128xi32, #tpu.memory_space<vmem>> -> memref<128xi32, #tpu.memory_space<vmem>>
        %dma_wait3A_826 = arith.constant 0 : i32
        %dma_wait3A_827 = arith.constant 0 : i32
        %dma_wait3A_828 = tpu.memref_slice %arg9[%dma_wait3A_826, %dma_wait3A_827] : memref<10240x128xf32, #tpu.memory_space<vmem_shared>> -> memref<10240x128xf32, #tpu.memory_space<vmem_shared>>
        tpu.wait_indirect_dma semaphore(%arg17 : memref<!tpu.dma_semaphore, #tpu.memory_space<semaphore_mem>>) src(%arg12 : memref<128x128xf32, #tpu.memory_space<vmem>>) dst(%dma_wait3A_828 : memref<10240x128xf32, #tpu.memory_space<vmem_shared>>)
        %dma_start3A_829 = arith.constant 14 : i32
        %dma_start3A_830 = arith.constant 0 : i32
        %dma_start3A_831 = tpu.memref_slice %arg10[%dma_start3A_829, %dma_start3A_830] : memref<16x128xi32, #tpu.memory_space<vmem>> -> memref<1x128xi32, #tpu.memory_space<vmem>>
        %dma_start3A_832 = tpu.memref_squeeze %dma_start3A_831 : memref<1x128xi32, #tpu.memory_space<vmem>> -> memref<128xi32, #tpu.memory_space<vmem>>
        %dma_start3A_833 = arith.constant 0 : i32
        %dma_start3A_834 = arith.constant 0 : i32
        %dma_start3A_835 = tpu.memref_slice %arg2[%dma_start3A_833, %dma_start3A_834] : memref<10000x128xf32, #tpu.memory_space<hbm>> -> memref<10000x128xf32, #tpu.memory_space<hbm>>
        tpu.enqueue_indirect_dma source(%dma_start3A_835 : memref<10000x128xf32, #tpu.memory_space<hbm>>) target(%arg12 : memref<128x128xf32, #tpu.memory_space<vmem>>) offsets(%dma_start3A_832 : memref<128xi32, #tpu.memory_space<vmem>>) semaphore(%arg15 : memref<!tpu.dma_semaphore, #tpu.memory_space<semaphore_mem>>)
        %dma_wait3A_836 = arith.constant 13 : i32
        %dma_wait3A_837 = arith.constant 0 : i32
        %dma_wait3A_838 = tpu.memref_slice %arg10[%dma_wait3A_836, %dma_wait3A_837] : memref<16x128xi32, #tpu.memory_space<vmem>> -> memref<1x128xi32, #tpu.memory_space<vmem>>
        %dma_wait3A_839 = tpu.memref_squeeze %dma_wait3A_838 : memref<1x128xi32, #tpu.memory_space<vmem>> -> memref<128xi32, #tpu.memory_space<vmem>>
        %dma_wait3A_840 = arith.constant 0 : i32
        %dma_wait3A_841 = arith.constant 0 : i32
        %dma_wait3A_842 = tpu.memref_slice %arg2[%dma_wait3A_840, %dma_wait3A_841] : memref<10000x128xf32, #tpu.memory_space<hbm>> -> memref<10000x128xf32, #tpu.memory_space<hbm>>
        tpu.wait_indirect_dma semaphore(%arg16 : memref<!tpu.dma_semaphore, #tpu.memory_space<semaphore_mem>>) src(%dma_wait3A_842 : memref<10000x128xf32, #tpu.memory_space<hbm>>) dst(%arg13 : memref<128x128xf32, #tpu.memory_space<vmem>>)
        %dma_start3A_843 = arith.constant 13 : i32
        %dma_start3A_844 = arith.constant 0 : i32
        %dma_start3A_845 = tpu.memref_slice %arg11[%dma_start3A_843, %dma_start3A_844] : memref<16x128xi32, #tpu.memory_space<vmem>> -> memref<1x128xi32, #tpu.memory_space<vmem>>
        %dma_start3A_846 = tpu.memref_squeeze %dma_start3A_845 : memref<1x128xi32, #tpu.memory_space<vmem>> -> memref<128xi32, #tpu.memory_space<vmem>>
        %dma_start3A_847 = arith.constant 0 : i32
        %dma_start3A_848 = arith.constant 0 : i32
        %dma_start3A_849 = tpu.memref_slice %arg9[%dma_start3A_847, %dma_start3A_848] : memref<10240x128xf32, #tpu.memory_space<vmem_shared>> -> memref<10240x128xf32, #tpu.memory_space<vmem_shared>>
        tpu.enqueue_indirect_dma source(%arg13 : memref<128x128xf32, #tpu.memory_space<vmem>>) target(%dma_start3A_849 : memref<10240x128xf32, #tpu.memory_space<vmem_shared>>) offsets(%dma_start3A_846 : memref<128xi32, #tpu.memory_space<vmem>>) semaphore(%arg18 : memref<!tpu.dma_semaphore, #tpu.memory_space<semaphore_mem>>) {add = true}
        %get3A_850 = arith.constant 13 : i32
        %get3A_851 = arith.index_cast %get3A_850 : i32 to index
        %get3A_852 = arith.constant 0 : index
        %get3A_853 = tpu.vector_load %arg11[%get3A_851, %get3A_852] {strides = array<i32>} : memref<16x128xi32, #tpu.memory_space<vmem>>, vector<16xi32>,
        tpu.vector_store_idx %arg14[%get3A_853], %broadcast_in_dim3A_17 {add = true} : memref<10240xf32, #tpu.memory_space<vmem>>[vector<16xi32>], vector<16xf32>,
        %get3A_854 = arith.constant 13 : i32
        %get3A_855 = arith.index_cast %get3A_854 : i32 to index
        %get3A_856 = arith.constant 16 : index
        %get3A_857 = tpu.vector_load %arg11[%get3A_855, %get3A_856] {strides = array<i32>} : memref<16x128xi32, #tpu.memory_space<vmem>>, vector<16xi32>,
        tpu.vector_store_idx %arg14[%get3A_857], %broadcast_in_dim3A_17 {add = true} : memref<10240xf32, #tpu.memory_space<vmem>>[vector<16xi32>], vector<16xf32>,
        %get3A_858 = arith.constant 13 : i32
        %get3A_859 = arith.index_cast %get3A_858 : i32 to index
        %get3A_860 = arith.constant 32 : index
        %get3A_861 = tpu.vector_load %arg11[%get3A_859, %get3A_860] {strides = array<i32>} : memref<16x128xi32, #tpu.memory_space<vmem>>, vector<16xi32>,
        tpu.vector_store_idx %arg14[%get3A_861], %broadcast_in_dim3A_17 {add = true} : memref<10240xf32, #tpu.memory_space<vmem>>[vector<16xi32>], vector<16xf32>,
        %get3A_862 = arith.constant 13 : i32
        %get3A_863 = arith.index_cast %get3A_862 : i32 to index
        %get3A_864 = arith.constant 48 : index
        %get3A_865 = tpu.vector_load %arg11[%get3A_863, %get3A_864] {strides = array<i32>} : memref<16x128xi32, #tpu.memory_space<vmem>>, vector<16xi32>,
        tpu.vector_store_idx %arg14[%get3A_865], %broadcast_in_dim3A_17 {add = true} : memref<10240xf32, #tpu.memory_space<vmem>>[vector<16xi32>], vector<16xf32>,
        %get3A_866 = arith.constant 13 : i32
        %get3A_867 = arith.index_cast %get3A_866 : i32 to index
        %get3A_868 = arith.constant 64 : index
        %get3A_869 = tpu.vector_load %arg11[%get3A_867, %get3A_868] {strides = array<i32>} : memref<16x128xi32, #tpu.memory_space<vmem>>, vector<16xi32>,
        tpu.vector_store_idx %arg14[%get3A_869], %broadcast_in_dim3A_17 {add = true} : memref<10240xf32, #tpu.memory_space<vmem>>[vector<16xi32>], vector<16xf32>,
        %get3A_870 = arith.constant 13 : i32
        %get3A_871 = arith.index_cast %get3A_870 : i32 to index
        %get3A_872 = arith.constant 80 : index
        %get3A_873 = tpu.vector_load %arg11[%get3A_871, %get3A_872] {strides = array<i32>} : memref<16x128xi32, #tpu.memory_space<vmem>>, vector<16xi32>,
        tpu.vector_store_idx %arg14[%get3A_873], %broadcast_in_dim3A_17 {add = true} : memref<10240xf32, #tpu.memory_space<vmem>>[vector<16xi32>], vector<16xf32>,
        %get3A_874 = arith.constant 13 : i32
        %get3A_875 = arith.index_cast %get3A_874 : i32 to index
        %get3A_876 = arith.constant 96 : index
        %get3A_877 = tpu.vector_load %arg11[%get3A_875, %get3A_876] {strides = array<i32>} : memref<16x128xi32, #tpu.memory_space<vmem>>, vector<16xi32>,
        tpu.vector_store_idx %arg14[%get3A_877], %broadcast_in_dim3A_17 {add = true} : memref<10240xf32, #tpu.memory_space<vmem>>[vector<16xi32>], vector<16xf32>,
        %get3A_878 = arith.constant 13 : i32
        %get3A_879 = arith.index_cast %get3A_878 : i32 to index
        %get3A_880 = arith.constant 112 : index
        %get3A_881 = tpu.vector_load %arg11[%get3A_879, %get3A_880] {strides = array<i32>} : memref<16x128xi32, #tpu.memory_space<vmem>>, vector<16xi32>,
        tpu.vector_store_idx %arg14[%get3A_881], %broadcast_in_dim3A_17 {add = true} : memref<10240xf32, #tpu.memory_space<vmem>>[vector<16xi32>], vector<16xf32>,
        %dma_wait3A_882 = arith.constant 13 : i32
        %dma_wait3A_883 = arith.constant 0 : i32
        %dma_wait3A_884 = tpu.memref_slice %arg11[%dma_wait3A_882, %dma_wait3A_883] : memref<16x128xi32, #tpu.memory_space<vmem>> -> memref<1x128xi32, #tpu.memory_space<vmem>>
        %dma_wait3A_885 = tpu.memref_squeeze %dma_wait3A_884 : memref<1x128xi32, #tpu.memory_space<vmem>> -> memref<128xi32, #tpu.memory_space<vmem>>
        %dma_wait3A_886 = arith.constant 0 : i32
        %dma_wait3A_887 = arith.constant 0 : i32
        %dma_wait3A_888 = tpu.memref_slice %arg9[%dma_wait3A_886, %dma_wait3A_887] : memref<10240x128xf32, #tpu.memory_space<vmem_shared>> -> memref<10240x128xf32, #tpu.memory_space<vmem_shared>>
        tpu.wait_indirect_dma semaphore(%arg18 : memref<!tpu.dma_semaphore, #tpu.memory_space<semaphore_mem>>) src(%arg13 : memref<128x128xf32, #tpu.memory_space<vmem>>) dst(%dma_wait3A_888 : memref<10240x128xf32, #tpu.memory_space<vmem_shared>>)
        %dma_start3A_889 = arith.constant 15 : i32
        %dma_start3A_890 = arith.constant 0 : i32
        %dma_start3A_891 = tpu.memref_slice %arg10[%dma_start3A_889, %dma_start3A_890] : memref<16x128xi32, #tpu.memory_space<vmem>> -> memref<1x128xi32, #tpu.memory_space<vmem>>
        %dma_start3A_892 = tpu.memref_squeeze %dma_start3A_891 : memref<1x128xi32, #tpu.memory_space<vmem>> -> memref<128xi32, #tpu.memory_space<vmem>>
        %dma_start3A_893 = arith.constant 0 : i32
        %dma_start3A_894 = arith.constant 0 : i32
        %dma_start3A_895 = tpu.memref_slice %arg2[%dma_start3A_893, %dma_start3A_894] : memref<10000x128xf32, #tpu.memory_space<hbm>> -> memref<10000x128xf32, #tpu.memory_space<hbm>>
        tpu.enqueue_indirect_dma source(%dma_start3A_895 : memref<10000x128xf32, #tpu.memory_space<hbm>>) target(%arg13 : memref<128x128xf32, #tpu.memory_space<vmem>>) offsets(%dma_start3A_892 : memref<128xi32, #tpu.memory_space<vmem>>) semaphore(%arg16 : memref<!tpu.dma_semaphore, #tpu.memory_space<semaphore_mem>>)
        %dma_wait3A_896 = arith.constant 14 : i32
        %dma_wait3A_897 = arith.constant 0 : i32
        %dma_wait3A_898 = tpu.memref_slice %arg10[%dma_wait3A_896, %dma_wait3A_897] : memref<16x128xi32, #tpu.memory_space<vmem>> -> memref<1x128xi32, #tpu.memory_space<vmem>>
        %dma_wait3A_899 = tpu.memref_squeeze %dma_wait3A_898 : memref<1x128xi32, #tpu.memory_space<vmem>> -> memref<128xi32, #tpu.memory_space<vmem>>
        %dma_wait3A_900 = arith.constant 0 : i32
        %dma_wait3A_901 = arith.constant 0 : i32
        %dma_wait3A_902 = tpu.memref_slice %arg2[%dma_wait3A_900, %dma_wait3A_901] : memref<10000x128xf32, #tpu.memory_space<hbm>> -> memref<10000x128xf32, #tpu.memory_space<hbm>>
        tpu.wait_indirect_dma semaphore(%arg15 : memref<!tpu.dma_semaphore, #tpu.memory_space<semaphore_mem>>) src(%dma_wait3A_902 : memref<10000x128xf32, #tpu.memory_space<hbm>>) dst(%arg12 : memref<128x128xf32, #tpu.memory_space<vmem>>)
        %dma_start3A_903 = arith.constant 14 : i32
        %dma_start3A_904 = arith.constant 0 : i32
        %dma_start3A_905 = tpu.memref_slice %arg11[%dma_start3A_903, %dma_start3A_904] : memref<16x128xi32, #tpu.memory_space<vmem>> -> memref<1x128xi32, #tpu.memory_space<vmem>>
        %dma_start3A_906 = tpu.memref_squeeze %dma_start3A_905 : memref<1x128xi32, #tpu.memory_space<vmem>> -> memref<128xi32, #tpu.memory_space<vmem>>
        %dma_start3A_907 = arith.constant 0 : i32
        %dma_start3A_908 = arith.constant 0 : i32
        %dma_start3A_909 = tpu.memref_slice %arg9[%dma_start3A_907, %dma_start3A_908] : memref<10240x128xf32, #tpu.memory_space<vmem_shared>> -> memref<10240x128xf32, #tpu.memory_space<vmem_shared>>
        tpu.enqueue_indirect_dma source(%arg12 : memref<128x128xf32, #tpu.memory_space<vmem>>) target(%dma_start3A_909 : memref<10240x128xf32, #tpu.memory_space<vmem_shared>>) offsets(%dma_start3A_906 : memref<128xi32, #tpu.memory_space<vmem>>) semaphore(%arg17 : memref<!tpu.dma_semaphore, #tpu.memory_space<semaphore_mem>>) {add = true}
        %get3A_910 = arith.constant 14 : i32
        %get3A_911 = arith.index_cast %get3A_910 : i32 to index
        %get3A_912 = arith.constant 0 : index
        %get3A_913 = tpu.vector_load %arg11[%get3A_911, %get3A_912] {strides = array<i32>} : memref<16x128xi32, #tpu.memory_space<vmem>>, vector<16xi32>,
        tpu.vector_store_idx %arg14[%get3A_913], %broadcast_in_dim3A_17 {add = true} : memref<10240xf32, #tpu.memory_space<vmem>>[vector<16xi32>], vector<16xf32>,
        %get3A_914 = arith.constant 14 : i32
        %get3A_915 = arith.index_cast %get3A_914 : i32 to index
        %get3A_916 = arith.constant 16 : index
        %get3A_917 = tpu.vector_load %arg11[%get3A_915, %get3A_916] {strides = array<i32>} : memref<16x128xi32, #tpu.memory_space<vmem>>, vector<16xi32>,
        tpu.vector_store_idx %arg14[%get3A_917], %broadcast_in_dim3A_17 {add = true} : memref<10240xf32, #tpu.memory_space<vmem>>[vector<16xi32>], vector<16xf32>,
        %get3A_918 = arith.constant 14 : i32
        %get3A_919 = arith.index_cast %get3A_918 : i32 to index
        %get3A_920 = arith.constant 32 : index
        %get3A_921 = tpu.vector_load %arg11[%get3A_919, %get3A_920] {strides = array<i32>} : memref<16x128xi32, #tpu.memory_space<vmem>>, vector<16xi32>,
        tpu.vector_store_idx %arg14[%get3A_921], %broadcast_in_dim3A_17 {add = true} : memref<10240xf32, #tpu.memory_space<vmem>>[vector<16xi32>], vector<16xf32>,
        %get3A_922 = arith.constant 14 : i32
        %get3A_923 = arith.index_cast %get3A_922 : i32 to index
        %get3A_924 = arith.constant 48 : index
        %get3A_925 = tpu.vector_load %arg11[%get3A_923, %get3A_924] {strides = array<i32>} : memref<16x128xi32, #tpu.memory_space<vmem>>, vector<16xi32>,
        tpu.vector_store_idx %arg14[%get3A_925], %broadcast_in_dim3A_17 {add = true} : memref<10240xf32, #tpu.memory_space<vmem>>[vector<16xi32>], vector<16xf32>,
        %get3A_926 = arith.constant 14 : i32
        %get3A_927 = arith.index_cast %get3A_926 : i32 to index
        %get3A_928 = arith.constant 64 : index
        %get3A_929 = tpu.vector_load %arg11[%get3A_927, %get3A_928] {strides = array<i32>} : memref<16x128xi32, #tpu.memory_space<vmem>>, vector<16xi32>,
        tpu.vector_store_idx %arg14[%get3A_929], %broadcast_in_dim3A_17 {add = true} : memref<10240xf32, #tpu.memory_space<vmem>>[vector<16xi32>], vector<16xf32>,
        %get3A_930 = arith.constant 14 : i32
        %get3A_931 = arith.index_cast %get3A_930 : i32 to index
        %get3A_932 = arith.constant 80 : index
        %get3A_933 = tpu.vector_load %arg11[%get3A_931, %get3A_932] {strides = array<i32>} : memref<16x128xi32, #tpu.memory_space<vmem>>, vector<16xi32>,
        tpu.vector_store_idx %arg14[%get3A_933], %broadcast_in_dim3A_17 {add = true} : memref<10240xf32, #tpu.memory_space<vmem>>[vector<16xi32>], vector<16xf32>,
        %get3A_934 = arith.constant 14 : i32
        %get3A_935 = arith.index_cast %get3A_934 : i32 to index
        %get3A_936 = arith.constant 96 : index
        %get3A_937 = tpu.vector_load %arg11[%get3A_935, %get3A_936] {strides = array<i32>} : memref<16x128xi32, #tpu.memory_space<vmem>>, vector<16xi32>,
        tpu.vector_store_idx %arg14[%get3A_937], %broadcast_in_dim3A_17 {add = true} : memref<10240xf32, #tpu.memory_space<vmem>>[vector<16xi32>], vector<16xf32>,
        %get3A_938 = arith.constant 14 : i32
        %get3A_939 = arith.index_cast %get3A_938 : i32 to index
        %get3A_940 = arith.constant 112 : index
        %get3A_941 = tpu.vector_load %arg11[%get3A_939, %get3A_940] {strides = array<i32>} : memref<16x128xi32, #tpu.memory_space<vmem>>, vector<16xi32>,
        tpu.vector_store_idx %arg14[%get3A_941], %broadcast_in_dim3A_17 {add = true} : memref<10240xf32, #tpu.memory_space<vmem>>[vector<16xi32>], vector<16xf32>,
        %dma_wait3A_942 = arith.constant 15 : i32
        %dma_wait3A_943 = arith.constant 0 : i32
        %dma_wait3A_944 = tpu.memref_slice %arg10[%dma_wait3A_942, %dma_wait3A_943] : memref<16x128xi32, #tpu.memory_space<vmem>> -> memref<1x128xi32, #tpu.memory_space<vmem>>
        %dma_wait3A_945 = tpu.memref_squeeze %dma_wait3A_944 : memref<1x128xi32, #tpu.memory_space<vmem>> -> memref<128xi32, #tpu.memory_space<vmem>>
        %dma_wait3A_946 = arith.constant 0 : i32
        %dma_wait3A_947 = arith.constant 0 : i32
        %dma_wait3A_948 = tpu.memref_slice %arg2[%dma_wait3A_946, %dma_wait3A_947] : memref<10000x128xf32, #tpu.memory_space<hbm>> -> memref<10000x128xf32, #tpu.memory_space<hbm>>
        tpu.wait_indirect_dma semaphore(%arg16 : memref<!tpu.dma_semaphore, #tpu.memory_space<semaphore_mem>>) src(%dma_wait3A_948 : memref<10000x128xf32, #tpu.memory_space<hbm>>) dst(%arg13 : memref<128x128xf32, #tpu.memory_space<vmem>>)
        %dma_start3A_949 = arith.constant 15 : i32
        %dma_start3A_950 = arith.constant 0 : i32
        %dma_start3A_951 = tpu.memref_slice %arg11[%dma_start3A_949, %dma_start3A_950] : memref<16x128xi32, #tpu.memory_space<vmem>> -> memref<1x128xi32, #tpu.memory_space<vmem>>
        %dma_start3A_952 = tpu.memref_squeeze %dma_start3A_951 : memref<1x128xi32, #tpu.memory_space<vmem>> -> memref<128xi32, #tpu.memory_space<vmem>>
        %dma_start3A_953 = arith.constant 0 : i32
        %dma_start3A_954 = arith.constant 0 : i32
        %dma_start3A_955 = tpu.memref_slice %arg9[%dma_start3A_953, %dma_start3A_954] : memref<10240x128xf32, #tpu.memory_space<vmem_shared>> -> memref<10240x128xf32, #tpu.memory_space<vmem_shared>>
        tpu.enqueue_indirect_dma source(%arg13 : memref<128x128xf32, #tpu.memory_space<vmem>>) target(%dma_start3A_955 : memref<10240x128xf32, #tpu.memory_space<vmem_shared>>) offsets(%dma_start3A_952 : memref<128xi32, #tpu.memory_space<vmem>>) semaphore(%arg18 : memref<!tpu.dma_semaphore, #tpu.memory_space<semaphore_mem>>) {add = true}
        %get3A_956 = arith.constant 15 : i32
        %get3A_957 = arith.index_cast %get3A_956 : i32 to index
        %get3A_958 = arith.constant 0 : index
        %get3A_959 = tpu.vector_load %arg11[%get3A_957, %get3A_958] {strides = array<i32>} : memref<16x128xi32, #tpu.memory_space<vmem>>, vector<16xi32>,
        tpu.vector_store_idx %arg14[%get3A_959], %broadcast_in_dim3A_17 {add = true} : memref<10240xf32, #tpu.memory_space<vmem>>[vector<16xi32>], vector<16xf32>,
        %get3A_960 = arith.constant 15 : i32
        %get3A_961 = arith.index_cast %get3A_960 : i32 to index
        %get3A_962 = arith.constant 16 : index
        %get3A_963 = tpu.vector_load %arg11[%get3A_961, %get3A_962] {strides = array<i32>} : memref<16x128xi32, #tpu.memory_space<vmem>>, vector<16xi32>,
        tpu.vector_store_idx %arg14[%get3A_963], %broadcast_in_dim3A_17 {add = true} : memref<10240xf32, #tpu.memory_space<vmem>>[vector<16xi32>], vector<16xf32>,
        %get3A_964 = arith.constant 15 : i32
        %get3A_965 = arith.index_cast %get3A_964 : i32 to index
        %get3A_966 = arith.constant 32 : index
        %get3A_967 = tpu.vector_load %arg11[%get3A_965, %get3A_966] {strides = array<i32>} : memref<16x128xi32, #tpu.memory_space<vmem>>, vector<16xi32>,
        tpu.vector_store_idx %arg14[%get3A_967], %broadcast_in_dim3A_17 {add = true} : memref<10240xf32, #tpu.memory_space<vmem>>[vector<16xi32>], vector<16xf32>,
        %get3A_968 = arith.constant 15 : i32
        %get3A_969 = arith.index_cast %get3A_968 : i32 to index
        %get3A_970 = arith.constant 48 : index
        %get3A_971 = tpu.vector_load %arg11[%get3A_969, %get3A_970] {strides = array<i32>} : memref<16x128xi32, #tpu.memory_space<vmem>>, vector<16xi32>,
        tpu.vector_store_idx %arg14[%get3A_971], %broadcast_in_dim3A_17 {add = true} : memref<10240xf32, #tpu.memory_space<vmem>>[vector<16xi32>], vector<16xf32>,
        %get3A_972 = arith.constant 15 : i32
        %get3A_973 = arith.index_cast %get3A_972 : i32 to index
        %get3A_974 = arith.constant 64 : index
        %get3A_975 = tpu.vector_load %arg11[%get3A_973, %get3A_974] {strides = array<i32>} : memref<16x128xi32, #tpu.memory_space<vmem>>, vector<16xi32>,
        tpu.vector_store_idx %arg14[%get3A_975], %broadcast_in_dim3A_17 {add = true} : memref<10240xf32, #tpu.memory_space<vmem>>[vector<16xi32>], vector<16xf32>,
        %get3A_976 = arith.constant 15 : i32
        %get3A_977 = arith.index_cast %get3A_976 : i32 to index
        %get3A_978 = arith.constant 80 : index
        %get3A_979 = tpu.vector_load %arg11[%get3A_977, %get3A_978] {strides = array<i32>} : memref<16x128xi32, #tpu.memory_space<vmem>>, vector<16xi32>,
        tpu.vector_store_idx %arg14[%get3A_979], %broadcast_in_dim3A_17 {add = true} : memref<10240xf32, #tpu.memory_space<vmem>>[vector<16xi32>], vector<16xf32>,
        %get3A_980 = arith.constant 15 : i32
        %get3A_981 = arith.index_cast %get3A_980 : i32 to index
        %get3A_982 = arith.constant 96 : index
        %get3A_983 = tpu.vector_load %arg11[%get3A_981, %get3A_982] {strides = array<i32>} : memref<16x128xi32, #tpu.memory_space<vmem>>, vector<16xi32>,
        tpu.vector_store_idx %arg14[%get3A_983], %broadcast_in_dim3A_17 {add = true} : memref<10240xf32, #tpu.memory_space<vmem>>[vector<16xi32>], vector<16xf32>,
        %get3A_984 = arith.constant 15 : i32
        %get3A_985 = arith.index_cast %get3A_984 : i32 to index
        %get3A_986 = arith.constant 112 : index
        %get3A_987 = tpu.vector_load %arg11[%get3A_985, %get3A_986] {strides = array<i32>} : memref<16x128xi32, #tpu.memory_space<vmem>>, vector<16xi32>,
        tpu.vector_store_idx %arg14[%get3A_987], %broadcast_in_dim3A_17 {add = true} : memref<10240xf32, #tpu.memory_space<vmem>>[vector<16xi32>], vector<16xf32>,
        %dma_wait3A_988 = arith.constant 14 : i32
        %dma_wait3A_989 = arith.constant 0 : i32
        %dma_wait3A_990 = tpu.memref_slice %arg11[%dma_wait3A_988, %dma_wait3A_989] : memref<16x128xi32, #tpu.memory_space<vmem>> -> memref<1x128xi32, #tpu.memory_space<vmem>>
        %dma_wait3A_991 = tpu.memref_squeeze %dma_wait3A_990 : memref<1x128xi32, #tpu.memory_space<vmem>> -> memref<128xi32, #tpu.memory_space<vmem>>
        %dma_wait3A_992 = arith.constant 0 : i32
        %dma_wait3A_993 = arith.constant 0 : i32
        %dma_wait3A_994 = tpu.memref_slice %arg9[%dma_wait3A_992, %dma_wait3A_993] : memref<10240x128xf32, #tpu.memory_space<vmem_shared>> -> memref<10240x128xf32, #tpu.memory_space<vmem_shared>>
        tpu.wait_indirect_dma semaphore(%arg17 : memref<!tpu.dma_semaphore, #tpu.memory_space<semaphore_mem>>) src(%arg12 : memref<128x128xf32, #tpu.memory_space<vmem>>) dst(%dma_wait3A_994 : memref<10240x128xf32, #tpu.memory_space<vmem_shared>>)
        %dma_wait3A_995 = arith.constant 15 : i32
        %dma_wait3A_996 = arith.constant 0 : i32
        %dma_wait3A_997 = tpu.memref_slice %arg11[%dma_wait3A_995, %dma_wait3A_996] : memref<16x128xi32, #tpu.memory_space<vmem>> -> memref<1x128xi32, #tpu.memory_space<vmem>>
        %dma_wait3A_998 = tpu.memref_squeeze %dma_wait3A_997 : memref<1x128xi32, #tpu.memory_space<vmem>> -> memref<128xi32, #tpu.memory_space<vmem>>
        %dma_wait3A_999 = arith.constant 0 : i32
        %dma_wait3A_1000 = arith.constant 0 : i32
        %dma_wait3A_1001 = tpu.memref_slice %arg9[%dma_wait3A_999, %dma_wait3A_1000] : memref<10240x128xf32, #tpu.memory_space<vmem_shared>> -> memref<10240x128xf32, #tpu.memory_space<vmem_shared>>
        tpu.wait_indirect_dma semaphore(%arg18 : memref<!tpu.dma_semaphore, #tpu.memory_space<semaphore_mem>>) src(%arg13 : memref<128x128xf32, #tpu.memory_space<vmem>>) dst(%dma_wait3A_1001 : memref<10240x128xf32, #tpu.memory_space<vmem_shared>>)
      }
      %scan3A_40 = arith.constant 5 : i32
    } else {
    }
    %eq3A_20 = arith.constant 1 : i32
    %eq3A_21 = arith.cmpi eq, %arg0, %eq3A_20 : i32
    %convert_element_type3A_22 = arith.extui %eq3A_21 : i1 to i32
    %cond3A_23 = arith.constant 0 : i32
    %cond3A_24 = arith.cmpi ne, %convert_element_type3A_22, %cond3A_23 : i32
    scf.if %cond3A_24 {
      %scan3A_36 = arith.constant 0 : i32
      %scan3A_37 = arith.constant 5 : i32
      %scan3A_38 = arith.addi %scan3A_36, %scan3A_37 : i32
      %scan3A_39 = arith.constant 1 : i32
      scf.for %scan3A_41 = %scan3A_36 to %scan3A_38 step %scan3A_39  : i32 {
        %mul3A_42 = arith.constant 16 : i32
        %mul3A_43 = arith.muli %scan3A_41, %mul3A_42 : i32
        %add3A = arith.constant 0 : i32
        %add3A_44 = arith.addi %add3A, %mul3A_43 : i32
        "tpu.region"() ({
          %run_scoped3A = tpu.sem_alloc : memref<!tpu.dma_semaphore, #tpu.memory_space<semaphore_mem>>
          %dma_start3A_491 = arith.constant 0 : i32
          %dma_start3A_492 = tpu.memref_slice %arg4[%arg1, %add3A_44, %dma_start3A_491] : memref<16x80x128xi32, #tpu.memory_space<hbm>> -> memref<1x16x128xi32, #tpu.memory_space<hbm>>
          %dma_start3A_493 = tpu.memref_squeeze %dma_start3A_492 : memref<1x16x128xi32, #tpu.memory_space<hbm>> -> memref<16x128xi32, #tpu.memory_space<hbm>>
          %dma_start3A_494 = arith.constant 0 : i32
          %dma_start3A_495 = tpu.memref_slice %arg4[%arg1, %add3A_44, %dma_start3A_494] : memref<16x80x128xi32, #tpu.memory_space<hbm>> -> memref<1x16x128xi32, #tpu.memory_space<hbm>>
          %dma_start3A_496 = tpu.memref_squeeze %dma_start3A_495 : memref<1x16x128xi32, #tpu.memory_space<hbm>> -> memref<16x128xi32, #tpu.memory_space<hbm>>
          tpu.enqueue_dma source(%dma_start3A_496 : memref<16x128xi32, #tpu.memory_space<hbm>>) target(%arg10 : memref<16x128xi32, #tpu.memory_space<vmem>>) target_semaphore(%run_scoped3A : memref<!tpu.dma_semaphore, #tpu.memory_space<semaphore_mem>>)
          %dma_wait3A_497 = arith.constant 0 : i32
          %dma_wait3A_498 = tpu.memref_slice %arg4[%arg1, %add3A_44, %dma_wait3A_497] : memref<16x80x128xi32, #tpu.memory_space<hbm>> -> memref<1x16x128xi32, #tpu.memory_space<hbm>>
          %dma_wait3A_499 = tpu.memref_squeeze %dma_wait3A_498 : memref<1x16x128xi32, #tpu.memory_space<hbm>> -> memref<16x128xi32, #tpu.memory_space<hbm>>
          %dma_wait3A_500 = arith.constant 0 : i32
          %dma_wait3A_501 = tpu.memref_slice %arg4[%arg1, %add3A_44, %dma_wait3A_500] : memref<16x80x128xi32, #tpu.memory_space<hbm>> -> memref<1x16x128xi32, #tpu.memory_space<hbm>>
          %dma_wait3A_502 = tpu.memref_squeeze %dma_wait3A_501 : memref<1x16x128xi32, #tpu.memory_space<hbm>> -> memref<16x128xi32, #tpu.memory_space<hbm>>
          tpu.wait_dma2 semaphore(%run_scoped3A : memref<!tpu.dma_semaphore, #tpu.memory_space<semaphore_mem>>) src(%dma_wait3A_502 : memref<16x128xi32, #tpu.memory_space<hbm>>) dst(%arg10 : memref<16x128xi32, #tpu.memory_space<vmem>>)
          tpu.yield
        }) : () -> ()
        "tpu.region"() ({
          %run_scoped3A = tpu.sem_alloc : memref<!tpu.dma_semaphore, #tpu.memory_space<semaphore_mem>>
          %dma_start3A_491 = arith.constant 0 : i32
          %dma_start3A_492 = tpu.memref_slice %arg5[%arg1, %add3A_44, %dma_start3A_491] : memref<16x80x128xi32, #tpu.memory_space<hbm>> -> memref<1x16x128xi32, #tpu.memory_space<hbm>>
          %dma_start3A_493 = tpu.memref_squeeze %dma_start3A_492 : memref<1x16x128xi32, #tpu.memory_space<hbm>> -> memref<16x128xi32, #tpu.memory_space<hbm>>
          %dma_start3A_494 = arith.constant 0 : i32
          %dma_start3A_495 = tpu.memref_slice %arg5[%arg1, %add3A_44, %dma_start3A_494] : memref<16x80x128xi32, #tpu.memory_space<hbm>> -> memref<1x16x128xi32, #tpu.memory_space<hbm>>
          %dma_start3A_496 = tpu.memref_squeeze %dma_start3A_495 : memref<1x16x128xi32, #tpu.memory_space<hbm>> -> memref<16x128xi32, #tpu.memory_space<hbm>>
          tpu.enqueue_dma source(%dma_start3A_496 : memref<16x128xi32, #tpu.memory_space<hbm>>) target(%arg11 : memref<16x128xi32, #tpu.memory_space<vmem>>) target_semaphore(%run_scoped3A : memref<!tpu.dma_semaphore, #tpu.memory_space<semaphore_mem>>)
          %dma_wait3A_497 = arith.constant 0 : i32
          %dma_wait3A_498 = tpu.memref_slice %arg5[%arg1, %add3A_44, %dma_wait3A_497] : memref<16x80x128xi32, #tpu.memory_space<hbm>> -> memref<1x16x128xi32, #tpu.memory_space<hbm>>
          %dma_wait3A_499 = tpu.memref_squeeze %dma_wait3A_498 : memref<1x16x128xi32, #tpu.memory_space<hbm>> -> memref<16x128xi32, #tpu.memory_space<hbm>>
          %dma_wait3A_500 = arith.constant 0 : i32
          %dma_wait3A_501 = tpu.memref_slice %arg5[%arg1, %add3A_44, %dma_wait3A_500] : memref<16x80x128xi32, #tpu.memory_space<hbm>> -> memref<1x16x128xi32, #tpu.memory_space<hbm>>
          %dma_wait3A_502 = tpu.memref_squeeze %dma_wait3A_501 : memref<1x16x128xi32, #tpu.memory_space<hbm>> -> memref<16x128xi32, #tpu.memory_space<hbm>>
          tpu.wait_dma2 semaphore(%run_scoped3A : memref<!tpu.dma_semaphore, #tpu.memory_space<semaphore_mem>>) src(%dma_wait3A_502 : memref<16x128xi32, #tpu.memory_space<hbm>>) dst(%arg11 : memref<16x128xi32, #tpu.memory_space<vmem>>)
          tpu.yield
        }) : () -> ()
        %dma_start3A = arith.constant 0 : i32
        %dma_start3A_45 = arith.constant 0 : i32
        %dma_start3A_46 = tpu.memref_slice %arg10[%dma_start3A, %dma_start3A_45] : memref<16x128xi32, #tpu.memory_space<vmem>> -> memref<1x128xi32, #tpu.memory_space<vmem>>
        %dma_start3A_47 = tpu.memref_squeeze %dma_start3A_46 : memref<1x128xi32, #tpu.memory_space<vmem>> -> memref<128xi32, #tpu.memory_space<vmem>>
        %dma_start3A_48 = arith.constant 0 : i32
        %dma_start3A_49 = arith.constant 0 : i32
        %dma_start3A_50 = tpu.memref_slice %arg3[%dma_start3A_48, %dma_start3A_49] : memref<10000x128xf32, #tpu.memory_space<hbm>> -> memref<10000x128xf32, #tpu.memory_space<hbm>>
        tpu.enqueue_indirect_dma source(%dma_start3A_50 : memref<10000x128xf32, #tpu.memory_space<hbm>>) target(%arg12 : memref<128x128xf32, #tpu.memory_space<vmem>>) offsets(%dma_start3A_47 : memref<128xi32, #tpu.memory_space<vmem>>) semaphore(%arg15 : memref<!tpu.dma_semaphore, #tpu.memory_space<semaphore_mem>>)
        %dma_start3A_51 = arith.constant 1 : i32
        %dma_start3A_52 = arith.constant 0 : i32
        %dma_start3A_53 = tpu.memref_slice %arg10[%dma_start3A_51, %dma_start3A_52] : memref<16x128xi32, #tpu.memory_space<vmem>> -> memref<1x128xi32, #tpu.memory_space<vmem>>
        %dma_start3A_54 = tpu.memref_squeeze %dma_start3A_53 : memref<1x128xi32, #tpu.memory_space<vmem>> -> memref<128xi32, #tpu.memory_space<vmem>>
        %dma_start3A_55 = arith.constant 0 : i32
        %dma_start3A_56 = arith.constant 0 : i32
        %dma_start3A_57 = tpu.memref_slice %arg3[%dma_start3A_55, %dma_start3A_56] : memref<10000x128xf32, #tpu.memory_space<hbm>> -> memref<10000x128xf32, #tpu.memory_space<hbm>>
        tpu.enqueue_indirect_dma source(%dma_start3A_57 : memref<10000x128xf32, #tpu.memory_space<hbm>>) target(%arg13 : memref<128x128xf32, #tpu.memory_space<vmem>>) offsets(%dma_start3A_54 : memref<128xi32, #tpu.memory_space<vmem>>) semaphore(%arg16 : memref<!tpu.dma_semaphore, #tpu.memory_space<semaphore_mem>>)
        %dma_wait3A = arith.constant 0 : i32
        %dma_wait3A_58 = arith.constant 0 : i32
        %dma_wait3A_59 = tpu.memref_slice %arg10[%dma_wait3A, %dma_wait3A_58] : memref<16x128xi32, #tpu.memory_space<vmem>> -> memref<1x128xi32, #tpu.memory_space<vmem>>
        %dma_wait3A_60 = tpu.memref_squeeze %dma_wait3A_59 : memref<1x128xi32, #tpu.memory_space<vmem>> -> memref<128xi32, #tpu.memory_space<vmem>>
        %dma_wait3A_61 = arith.constant 0 : i32
        %dma_wait3A_62 = arith.constant 0 : i32
        %dma_wait3A_63 = tpu.memref_slice %arg3[%dma_wait3A_61, %dma_wait3A_62] : memref<10000x128xf32, #tpu.memory_space<hbm>> -> memref<10000x128xf32, #tpu.memory_space<hbm>>
        tpu.wait_indirect_dma semaphore(%arg15 : memref<!tpu.dma_semaphore, #tpu.memory_space<semaphore_mem>>) src(%dma_wait3A_63 : memref<10000x128xf32, #tpu.memory_space<hbm>>) dst(%arg12 : memref<128x128xf32, #tpu.memory_space<vmem>>)
        %dma_start3A_64 = arith.constant 0 : i32
        %dma_start3A_65 = arith.constant 0 : i32
        %dma_start3A_66 = tpu.memref_slice %arg11[%dma_start3A_64, %dma_start3A_65] : memref<16x128xi32, #tpu.memory_space<vmem>> -> memref<1x128xi32, #tpu.memory_space<vmem>>
        %dma_start3A_67 = tpu.memref_squeeze %dma_start3A_66 : memref<1x128xi32, #tpu.memory_space<vmem>> -> memref<128xi32, #tpu.memory_space<vmem>>
        %dma_start3A_68 = arith.constant 0 : i32
        %dma_start3A_69 = arith.constant 0 : i32
        %dma_start3A_70 = tpu.memref_slice %arg9[%dma_start3A_68, %dma_start3A_69] : memref<10240x128xf32, #tpu.memory_space<vmem_shared>> -> memref<10240x128xf32, #tpu.memory_space<vmem_shared>>
        tpu.enqueue_indirect_dma source(%arg12 : memref<128x128xf32, #tpu.memory_space<vmem>>) target(%dma_start3A_70 : memref<10240x128xf32, #tpu.memory_space<vmem_shared>>) offsets(%dma_start3A_67 : memref<128xi32, #tpu.memory_space<vmem>>) semaphore(%arg17 : memref<!tpu.dma_semaphore, #tpu.memory_space<semaphore_mem>>) {add = true}
        %dma_wait3A_71 = arith.constant 0 : i32
        %dma_wait3A_72 = arith.constant 0 : i32
        %dma_wait3A_73 = tpu.memref_slice %arg11[%dma_wait3A_71, %dma_wait3A_72] : memref<16x128xi32, #tpu.memory_space<vmem>> -> memref<1x128xi32, #tpu.memory_space<vmem>>
        %dma_wait3A_74 = tpu.memref_squeeze %dma_wait3A_73 : memref<1x128xi32, #tpu.memory_space<vmem>> -> memref<128xi32, #tpu.memory_space<vmem>>
        %dma_wait3A_75 = arith.constant 0 : i32
        %dma_wait3A_76 = arith.constant 0 : i32
        %dma_wait3A_77 = tpu.memref_slice %arg9[%dma_wait3A_75, %dma_wait3A_76] : memref<10240x128xf32, #tpu.memory_space<vmem_shared>> -> memref<10240x128xf32, #tpu.memory_space<vmem_shared>>
        tpu.wait_indirect_dma semaphore(%arg17 : memref<!tpu.dma_semaphore, #tpu.memory_space<semaphore_mem>>) src(%arg12 : memref<128x128xf32, #tpu.memory_space<vmem>>) dst(%dma_wait3A_77 : memref<10240x128xf32, #tpu.memory_space<vmem_shared>>)
        %dma_start3A_78 = arith.constant 2 : i32
        %dma_start3A_79 = arith.constant 0 : i32
        %dma_start3A_80 = tpu.memref_slice %arg10[%dma_start3A_78, %dma_start3A_79] : memref<16x128xi32, #tpu.memory_space<vmem>> -> memref<1x128xi32, #tpu.memory_space<vmem>>
        %dma_start3A_81 = tpu.memref_squeeze %dma_start3A_80 : memref<1x128xi32, #tpu.memory_space<vmem>> -> memref<128xi32, #tpu.memory_space<vmem>>
        %dma_start3A_82 = arith.constant 0 : i32
        %dma_start3A_83 = arith.constant 0 : i32
        %dma_start3A_84 = tpu.memref_slice %arg3[%dma_start3A_82, %dma_start3A_83] : memref<10000x128xf32, #tpu.memory_space<hbm>> -> memref<10000x128xf32, #tpu.memory_space<hbm>>
        tpu.enqueue_indirect_dma source(%dma_start3A_84 : memref<10000x128xf32, #tpu.memory_space<hbm>>) target(%arg12 : memref<128x128xf32, #tpu.memory_space<vmem>>) offsets(%dma_start3A_81 : memref<128xi32, #tpu.memory_space<vmem>>) semaphore(%arg15 : memref<!tpu.dma_semaphore, #tpu.memory_space<semaphore_mem>>)
        %dma_wait3A_85 = arith.constant 1 : i32
        %dma_wait3A_86 = arith.constant 0 : i32
        %dma_wait3A_87 = tpu.memref_slice %arg10[%dma_wait3A_85, %dma_wait3A_86] : memref<16x128xi32, #tpu.memory_space<vmem>> -> memref<1x128xi32, #tpu.memory_space<vmem>>
        %dma_wait3A_88 = tpu.memref_squeeze %dma_wait3A_87 : memref<1x128xi32, #tpu.memory_space<vmem>> -> memref<128xi32, #tpu.memory_space<vmem>>
        %dma_wait3A_89 = arith.constant 0 : i32
        %dma_wait3A_90 = arith.constant 0 : i32
        %dma_wait3A_91 = tpu.memref_slice %arg3[%dma_wait3A_89, %dma_wait3A_90] : memref<10000x128xf32, #tpu.memory_space<hbm>> -> memref<10000x128xf32, #tpu.memory_space<hbm>>
        tpu.wait_indirect_dma semaphore(%arg16 : memref<!tpu.dma_semaphore, #tpu.memory_space<semaphore_mem>>) src(%dma_wait3A_91 : memref<10000x128xf32, #tpu.memory_space<hbm>>) dst(%arg13 : memref<128x128xf32, #tpu.memory_space<vmem>>)
        %dma_start3A_92 = arith.constant 1 : i32
        %dma_start3A_93 = arith.constant 0 : i32
        %dma_start3A_94 = tpu.memref_slice %arg11[%dma_start3A_92, %dma_start3A_93] : memref<16x128xi32, #tpu.memory_space<vmem>> -> memref<1x128xi32, #tpu.memory_space<vmem>>
        %dma_start3A_95 = tpu.memref_squeeze %dma_start3A_94 : memref<1x128xi32, #tpu.memory_space<vmem>> -> memref<128xi32, #tpu.memory_space<vmem>>
        %dma_start3A_96 = arith.constant 0 : i32
        %dma_start3A_97 = arith.constant 0 : i32
        %dma_start3A_98 = tpu.memref_slice %arg9[%dma_start3A_96, %dma_start3A_97] : memref<10240x128xf32, #tpu.memory_space<vmem_shared>> -> memref<10240x128xf32, #tpu.memory_space<vmem_shared>>
        tpu.enqueue_indirect_dma source(%arg13 : memref<128x128xf32, #tpu.memory_space<vmem>>) target(%dma_start3A_98 : memref<10240x128xf32, #tpu.memory_space<vmem_shared>>) offsets(%dma_start3A_95 : memref<128xi32, #tpu.memory_space<vmem>>) semaphore(%arg18 : memref<!tpu.dma_semaphore, #tpu.memory_space<semaphore_mem>>) {add = true}
        %dma_wait3A_99 = arith.constant 1 : i32
        %dma_wait3A_100 = arith.constant 0 : i32
        %dma_wait3A_101 = tpu.memref_slice %arg11[%dma_wait3A_99, %dma_wait3A_100] : memref<16x128xi32, #tpu.memory_space<vmem>> -> memref<1x128xi32, #tpu.memory_space<vmem>>
        %dma_wait3A_102 = tpu.memref_squeeze %dma_wait3A_101 : memref<1x128xi32, #tpu.memory_space<vmem>> -> memref<128xi32, #tpu.memory_space<vmem>>
        %dma_wait3A_103 = arith.constant 0 : i32
        %dma_wait3A_104 = arith.constant 0 : i32
        %dma_wait3A_105 = tpu.memref_slice %arg9[%dma_wait3A_103, %dma_wait3A_104] : memref<10240x128xf32, #tpu.memory_space<vmem_shared>> -> memref<10240x128xf32, #tpu.memory_space<vmem_shared>>
        tpu.wait_indirect_dma semaphore(%arg18 : memref<!tpu.dma_semaphore, #tpu.memory_space<semaphore_mem>>) src(%arg13 : memref<128x128xf32, #tpu.memory_space<vmem>>) dst(%dma_wait3A_105 : memref<10240x128xf32, #tpu.memory_space<vmem_shared>>)
        %dma_start3A_106 = arith.constant 3 : i32
        %dma_start3A_107 = arith.constant 0 : i32
        %dma_start3A_108 = tpu.memref_slice %arg10[%dma_start3A_106, %dma_start3A_107] : memref<16x128xi32, #tpu.memory_space<vmem>> -> memref<1x128xi32, #tpu.memory_space<vmem>>
        %dma_start3A_109 = tpu.memref_squeeze %dma_start3A_108 : memref<1x128xi32, #tpu.memory_space<vmem>> -> memref<128xi32, #tpu.memory_space<vmem>>
        %dma_start3A_110 = arith.constant 0 : i32
        %dma_start3A_111 = arith.constant 0 : i32
        %dma_start3A_112 = tpu.memref_slice %arg3[%dma_start3A_110, %dma_start3A_111] : memref<10000x128xf32, #tpu.memory_space<hbm>> -> memref<10000x128xf32, #tpu.memory_space<hbm>>
        tpu.enqueue_indirect_dma source(%dma_start3A_112 : memref<10000x128xf32, #tpu.memory_space<hbm>>) target(%arg13 : memref<128x128xf32, #tpu.memory_space<vmem>>) offsets(%dma_start3A_109 : memref<128xi32, #tpu.memory_space<vmem>>) semaphore(%arg16 : memref<!tpu.dma_semaphore, #tpu.memory_space<semaphore_mem>>)
        %dma_wait3A_113 = arith.constant 2 : i32
        %dma_wait3A_114 = arith.constant 0 : i32
        %dma_wait3A_115 = tpu.memref_slice %arg10[%dma_wait3A_113, %dma_wait3A_114] : memref<16x128xi32, #tpu.memory_space<vmem>> -> memref<1x128xi32, #tpu.memory_space<vmem>>
        %dma_wait3A_116 = tpu.memref_squeeze %dma_wait3A_115 : memref<1x128xi32, #tpu.memory_space<vmem>> -> memref<128xi32, #tpu.memory_space<vmem>>
        %dma_wait3A_117 = arith.constant 0 : i32
        %dma_wait3A_118 = arith.constant 0 : i32
        %dma_wait3A_119 = tpu.memref_slice %arg3[%dma_wait3A_117, %dma_wait3A_118] : memref<10000x128xf32, #tpu.memory_space<hbm>> -> memref<10000x128xf32, #tpu.memory_space<hbm>>
        tpu.wait_indirect_dma semaphore(%arg15 : memref<!tpu.dma_semaphore, #tpu.memory_space<semaphore_mem>>) src(%dma_wait3A_119 : memref<10000x128xf32, #tpu.memory_space<hbm>>) dst(%arg12 : memref<128x128xf32, #tpu.memory_space<vmem>>)
        %dma_start3A_120 = arith.constant 2 : i32
        %dma_start3A_121 = arith.constant 0 : i32
        %dma_start3A_122 = tpu.memref_slice %arg11[%dma_start3A_120, %dma_start3A_121] : memref<16x128xi32, #tpu.memory_space<vmem>> -> memref<1x128xi32, #tpu.memory_space<vmem>>
        %dma_start3A_123 = tpu.memref_squeeze %dma_start3A_122 : memref<1x128xi32, #tpu.memory_space<vmem>> -> memref<128xi32, #tpu.memory_space<vmem>>
        %dma_start3A_124 = arith.constant 0 : i32
        %dma_start3A_125 = arith.constant 0 : i32
        %dma_start3A_126 = tpu.memref_slice %arg9[%dma_start3A_124, %dma_start3A_125] : memref<10240x128xf32, #tpu.memory_space<vmem_shared>> -> memref<10240x128xf32, #tpu.memory_space<vmem_shared>>
        tpu.enqueue_indirect_dma source(%arg12 : memref<128x128xf32, #tpu.memory_space<vmem>>) target(%dma_start3A_126 : memref<10240x128xf32, #tpu.memory_space<vmem_shared>>) offsets(%dma_start3A_123 : memref<128xi32, #tpu.memory_space<vmem>>) semaphore(%arg17 : memref<!tpu.dma_semaphore, #tpu.memory_space<semaphore_mem>>) {add = true}
        %dma_wait3A_127 = arith.constant 2 : i32
        %dma_wait3A_128 = arith.constant 0 : i32
        %dma_wait3A_129 = tpu.memref_slice %arg11[%dma_wait3A_127, %dma_wait3A_128] : memref<16x128xi32, #tpu.memory_space<vmem>> -> memref<1x128xi32, #tpu.memory_space<vmem>>
        %dma_wait3A_130 = tpu.memref_squeeze %dma_wait3A_129 : memref<1x128xi32, #tpu.memory_space<vmem>> -> memref<128xi32, #tpu.memory_space<vmem>>
        %dma_wait3A_131 = arith.constant 0 : i32
        %dma_wait3A_132 = arith.constant 0 : i32
        %dma_wait3A_133 = tpu.memref_slice %arg9[%dma_wait3A_131, %dma_wait3A_132] : memref<10240x128xf32, #tpu.memory_space<vmem_shared>> -> memref<10240x128xf32, #tpu.memory_space<vmem_shared>>
        tpu.wait_indirect_dma semaphore(%arg17 : memref<!tpu.dma_semaphore, #tpu.memory_space<semaphore_mem>>) src(%arg12 : memref<128x128xf32, #tpu.memory_space<vmem>>) dst(%dma_wait3A_133 : memref<10240x128xf32, #tpu.memory_space<vmem_shared>>)
        %dma_start3A_134 = arith.constant 4 : i32
        %dma_start3A_135 = arith.constant 0 : i32
        %dma_start3A_136 = tpu.memref_slice %arg10[%dma_start3A_134, %dma_start3A_135] : memref<16x128xi32, #tpu.memory_space<vmem>> -> memref<1x128xi32, #tpu.memory_space<vmem>>
        %dma_start3A_137 = tpu.memref_squeeze %dma_start3A_136 : memref<1x128xi32, #tpu.memory_space<vmem>> -> memref<128xi32, #tpu.memory_space<vmem>>
        %dma_start3A_138 = arith.constant 0 : i32
        %dma_start3A_139 = arith.constant 0 : i32
        %dma_start3A_140 = tpu.memref_slice %arg3[%dma_start3A_138, %dma_start3A_139] : memref<10000x128xf32, #tpu.memory_space<hbm>> -> memref<10000x128xf32, #tpu.memory_space<hbm>>
        tpu.enqueue_indirect_dma source(%dma_start3A_140 : memref<10000x128xf32, #tpu.memory_space<hbm>>) target(%arg12 : memref<128x128xf32, #tpu.memory_space<vmem>>) offsets(%dma_start3A_137 : memref<128xi32, #tpu.memory_space<vmem>>) semaphore(%arg15 : memref<!tpu.dma_semaphore, #tpu.memory_space<semaphore_mem>>)
        %dma_wait3A_141 = arith.constant 3 : i32
        %dma_wait3A_142 = arith.constant 0 : i32
        %dma_wait3A_143 = tpu.memref_slice %arg10[%dma_wait3A_141, %dma_wait3A_142] : memref<16x128xi32, #tpu.memory_space<vmem>> -> memref<1x128xi32, #tpu.memory_space<vmem>>
        %dma_wait3A_144 = tpu.memref_squeeze %dma_wait3A_143 : memref<1x128xi32, #tpu.memory_space<vmem>> -> memref<128xi32, #tpu.memory_space<vmem>>
        %dma_wait3A_145 = arith.constant 0 : i32
        %dma_wait3A_146 = arith.constant 0 : i32
        %dma_wait3A_147 = tpu.memref_slice %arg3[%dma_wait3A_145, %dma_wait3A_146] : memref<10000x128xf32, #tpu.memory_space<hbm>> -> memref<10000x128xf32, #tpu.memory_space<hbm>>
        tpu.wait_indirect_dma semaphore(%arg16 : memref<!tpu.dma_semaphore, #tpu.memory_space<semaphore_mem>>) src(%dma_wait3A_147 : memref<10000x128xf32, #tpu.memory_space<hbm>>) dst(%arg13 : memref<128x128xf32, #tpu.memory_space<vmem>>)
        %dma_start3A_148 = arith.constant 3 : i32
        %dma_start3A_149 = arith.constant 0 : i32
        %dma_start3A_150 = tpu.memref_slice %arg11[%dma_start3A_148, %dma_start3A_149] : memref<16x128xi32, #tpu.memory_space<vmem>> -> memref<1x128xi32, #tpu.memory_space<vmem>>
        %dma_start3A_151 = tpu.memref_squeeze %dma_start3A_150 : memref<1x128xi32, #tpu.memory_space<vmem>> -> memref<128xi32, #tpu.memory_space<vmem>>
        %dma_start3A_152 = arith.constant 0 : i32
        %dma_start3A_153 = arith.constant 0 : i32
        %dma_start3A_154 = tpu.memref_slice %arg9[%dma_start3A_152, %dma_start3A_153] : memref<10240x128xf32, #tpu.memory_space<vmem_shared>> -> memref<10240x128xf32, #tpu.memory_space<vmem_shared>>
        tpu.enqueue_indirect_dma source(%arg13 : memref<128x128xf32, #tpu.memory_space<vmem>>) target(%dma_start3A_154 : memref<10240x128xf32, #tpu.memory_space<vmem_shared>>) offsets(%dma_start3A_151 : memref<128xi32, #tpu.memory_space<vmem>>) semaphore(%arg18 : memref<!tpu.dma_semaphore, #tpu.memory_space<semaphore_mem>>) {add = true}
        %dma_wait3A_155 = arith.constant 3 : i32
        %dma_wait3A_156 = arith.constant 0 : i32
        %dma_wait3A_157 = tpu.memref_slice %arg11[%dma_wait3A_155, %dma_wait3A_156] : memref<16x128xi32, #tpu.memory_space<vmem>> -> memref<1x128xi32, #tpu.memory_space<vmem>>
        %dma_wait3A_158 = tpu.memref_squeeze %dma_wait3A_157 : memref<1x128xi32, #tpu.memory_space<vmem>> -> memref<128xi32, #tpu.memory_space<vmem>>
        %dma_wait3A_159 = arith.constant 0 : i32
        %dma_wait3A_160 = arith.constant 0 : i32
        %dma_wait3A_161 = tpu.memref_slice %arg9[%dma_wait3A_159, %dma_wait3A_160] : memref<10240x128xf32, #tpu.memory_space<vmem_shared>> -> memref<10240x128xf32, #tpu.memory_space<vmem_shared>>
        tpu.wait_indirect_dma semaphore(%arg18 : memref<!tpu.dma_semaphore, #tpu.memory_space<semaphore_mem>>) src(%arg13 : memref<128x128xf32, #tpu.memory_space<vmem>>) dst(%dma_wait3A_161 : memref<10240x128xf32, #tpu.memory_space<vmem_shared>>)
        %dma_start3A_162 = arith.constant 5 : i32
        %dma_start3A_163 = arith.constant 0 : i32
        %dma_start3A_164 = tpu.memref_slice %arg10[%dma_start3A_162, %dma_start3A_163] : memref<16x128xi32, #tpu.memory_space<vmem>> -> memref<1x128xi32, #tpu.memory_space<vmem>>
        %dma_start3A_165 = tpu.memref_squeeze %dma_start3A_164 : memref<1x128xi32, #tpu.memory_space<vmem>> -> memref<128xi32, #tpu.memory_space<vmem>>
        %dma_start3A_166 = arith.constant 0 : i32
        %dma_start3A_167 = arith.constant 0 : i32
        %dma_start3A_168 = tpu.memref_slice %arg3[%dma_start3A_166, %dma_start3A_167] : memref<10000x128xf32, #tpu.memory_space<hbm>> -> memref<10000x128xf32, #tpu.memory_space<hbm>>
        tpu.enqueue_indirect_dma source(%dma_start3A_168 : memref<10000x128xf32, #tpu.memory_space<hbm>>) target(%arg13 : memref<128x128xf32, #tpu.memory_space<vmem>>) offsets(%dma_start3A_165 : memref<128xi32, #tpu.memory_space<vmem>>) semaphore(%arg16 : memref<!tpu.dma_semaphore, #tpu.memory_space<semaphore_mem>>)
        %dma_wait3A_169 = arith.constant 4 : i32
        %dma_wait3A_170 = arith.constant 0 : i32
        %dma_wait3A_171 = tpu.memref_slice %arg10[%dma_wait3A_169, %dma_wait3A_170] : memref<16x128xi32, #tpu.memory_space<vmem>> -> memref<1x128xi32, #tpu.memory_space<vmem>>
        %dma_wait3A_172 = tpu.memref_squeeze %dma_wait3A_171 : memref<1x128xi32, #tpu.memory_space<vmem>> -> memref<128xi32, #tpu.memory_space<vmem>>
        %dma_wait3A_173 = arith.constant 0 : i32
        %dma_wait3A_174 = arith.constant 0 : i32
        %dma_wait3A_175 = tpu.memref_slice %arg3[%dma_wait3A_173, %dma_wait3A_174] : memref<10000x128xf32, #tpu.memory_space<hbm>> -> memref<10000x128xf32, #tpu.memory_space<hbm>>
        tpu.wait_indirect_dma semaphore(%arg15 : memref<!tpu.dma_semaphore, #tpu.memory_space<semaphore_mem>>) src(%dma_wait3A_175 : memref<10000x128xf32, #tpu.memory_space<hbm>>) dst(%arg12 : memref<128x128xf32, #tpu.memory_space<vmem>>)
        %dma_start3A_176 = arith.constant 4 : i32
        %dma_start3A_177 = arith.constant 0 : i32
        %dma_start3A_178 = tpu.memref_slice %arg11[%dma_start3A_176, %dma_start3A_177] : memref<16x128xi32, #tpu.memory_space<vmem>> -> memref<1x128xi32, #tpu.memory_space<vmem>>
        %dma_start3A_179 = tpu.memref_squeeze %dma_start3A_178 : memref<1x128xi32, #tpu.memory_space<vmem>> -> memref<128xi32, #tpu.memory_space<vmem>>
        %dma_start3A_180 = arith.constant 0 : i32
        %dma_start3A_181 = arith.constant 0 : i32
        %dma_start3A_182 = tpu.memref_slice %arg9[%dma_start3A_180, %dma_start3A_181] : memref<10240x128xf32, #tpu.memory_space<vmem_shared>> -> memref<10240x128xf32, #tpu.memory_space<vmem_shared>>
        tpu.enqueue_indirect_dma source(%arg12 : memref<128x128xf32, #tpu.memory_space<vmem>>) target(%dma_start3A_182 : memref<10240x128xf32, #tpu.memory_space<vmem_shared>>) offsets(%dma_start3A_179 : memref<128xi32, #tpu.memory_space<vmem>>) semaphore(%arg17 : memref<!tpu.dma_semaphore, #tpu.memory_space<semaphore_mem>>) {add = true}
        %dma_wait3A_183 = arith.constant 4 : i32
        %dma_wait3A_184 = arith.constant 0 : i32
        %dma_wait3A_185 = tpu.memref_slice %arg11[%dma_wait3A_183, %dma_wait3A_184] : memref<16x128xi32, #tpu.memory_space<vmem>> -> memref<1x128xi32, #tpu.memory_space<vmem>>
        %dma_wait3A_186 = tpu.memref_squeeze %dma_wait3A_185 : memref<1x128xi32, #tpu.memory_space<vmem>> -> memref<128xi32, #tpu.memory_space<vmem>>
        %dma_wait3A_187 = arith.constant 0 : i32
        %dma_wait3A_188 = arith.constant 0 : i32
        %dma_wait3A_189 = tpu.memref_slice %arg9[%dma_wait3A_187, %dma_wait3A_188] : memref<10240x128xf32, #tpu.memory_space<vmem_shared>> -> memref<10240x128xf32, #tpu.memory_space<vmem_shared>>
        tpu.wait_indirect_dma semaphore(%arg17 : memref<!tpu.dma_semaphore, #tpu.memory_space<semaphore_mem>>) src(%arg12 : memref<128x128xf32, #tpu.memory_space<vmem>>) dst(%dma_wait3A_189 : memref<10240x128xf32, #tpu.memory_space<vmem_shared>>)
        %dma_start3A_190 = arith.constant 6 : i32
        %dma_start3A_191 = arith.constant 0 : i32
        %dma_start3A_192 = tpu.memref_slice %arg10[%dma_start3A_190, %dma_start3A_191] : memref<16x128xi32, #tpu.memory_space<vmem>> -> memref<1x128xi32, #tpu.memory_space<vmem>>
        %dma_start3A_193 = tpu.memref_squeeze %dma_start3A_192 : memref<1x128xi32, #tpu.memory_space<vmem>> -> memref<128xi32, #tpu.memory_space<vmem>>
        %dma_start3A_194 = arith.constant 0 : i32
        %dma_start3A_195 = arith.constant 0 : i32
        %dma_start3A_196 = tpu.memref_slice %arg3[%dma_start3A_194, %dma_start3A_195] : memref<10000x128xf32, #tpu.memory_space<hbm>> -> memref<10000x128xf32, #tpu.memory_space<hbm>>
        tpu.enqueue_indirect_dma source(%dma_start3A_196 : memref<10000x128xf32, #tpu.memory_space<hbm>>) target(%arg12 : memref<128x128xf32, #tpu.memory_space<vmem>>) offsets(%dma_start3A_193 : memref<128xi32, #tpu.memory_space<vmem>>) semaphore(%arg15 : memref<!tpu.dma_semaphore, #tpu.memory_space<semaphore_mem>>)
        %dma_wait3A_197 = arith.constant 5 : i32
        %dma_wait3A_198 = arith.constant 0 : i32
        %dma_wait3A_199 = tpu.memref_slice %arg10[%dma_wait3A_197, %dma_wait3A_198] : memref<16x128xi32, #tpu.memory_space<vmem>> -> memref<1x128xi32, #tpu.memory_space<vmem>>
        %dma_wait3A_200 = tpu.memref_squeeze %dma_wait3A_199 : memref<1x128xi32, #tpu.memory_space<vmem>> -> memref<128xi32, #tpu.memory_space<vmem>>
        %dma_wait3A_201 = arith.constant 0 : i32
        %dma_wait3A_202 = arith.constant 0 : i32
        %dma_wait3A_203 = tpu.memref_slice %arg3[%dma_wait3A_201, %dma_wait3A_202] : memref<10000x128xf32, #tpu.memory_space<hbm>> -> memref<10000x128xf32, #tpu.memory_space<hbm>>
        tpu.wait_indirect_dma semaphore(%arg16 : memref<!tpu.dma_semaphore, #tpu.memory_space<semaphore_mem>>) src(%dma_wait3A_203 : memref<10000x128xf32, #tpu.memory_space<hbm>>) dst(%arg13 : memref<128x128xf32, #tpu.memory_space<vmem>>)
        %dma_start3A_204 = arith.constant 5 : i32
        %dma_start3A_205 = arith.constant 0 : i32
        %dma_start3A_206 = tpu.memref_slice %arg11[%dma_start3A_204, %dma_start3A_205] : memref<16x128xi32, #tpu.memory_space<vmem>> -> memref<1x128xi32, #tpu.memory_space<vmem>>
        %dma_start3A_207 = tpu.memref_squeeze %dma_start3A_206 : memref<1x128xi32, #tpu.memory_space<vmem>> -> memref<128xi32, #tpu.memory_space<vmem>>
        %dma_start3A_208 = arith.constant 0 : i32
        %dma_start3A_209 = arith.constant 0 : i32
        %dma_start3A_210 = tpu.memref_slice %arg9[%dma_start3A_208, %dma_start3A_209] : memref<10240x128xf32, #tpu.memory_space<vmem_shared>> -> memref<10240x128xf32, #tpu.memory_space<vmem_shared>>
        tpu.enqueue_indirect_dma source(%arg13 : memref<128x128xf32, #tpu.memory_space<vmem>>) target(%dma_start3A_210 : memref<10240x128xf32, #tpu.memory_space<vmem_shared>>) offsets(%dma_start3A_207 : memref<128xi32, #tpu.memory_space<vmem>>) semaphore(%arg18 : memref<!tpu.dma_semaphore, #tpu.memory_space<semaphore_mem>>) {add = true}
        %dma_wait3A_211 = arith.constant 5 : i32
        %dma_wait3A_212 = arith.constant 0 : i32
        %dma_wait3A_213 = tpu.memref_slice %arg11[%dma_wait3A_211, %dma_wait3A_212] : memref<16x128xi32, #tpu.memory_space<vmem>> -> memref<1x128xi32, #tpu.memory_space<vmem>>
        %dma_wait3A_214 = tpu.memref_squeeze %dma_wait3A_213 : memref<1x128xi32, #tpu.memory_space<vmem>> -> memref<128xi32, #tpu.memory_space<vmem>>
        %dma_wait3A_215 = arith.constant 0 : i32
        %dma_wait3A_216 = arith.constant 0 : i32
        %dma_wait3A_217 = tpu.memref_slice %arg9[%dma_wait3A_215, %dma_wait3A_216] : memref<10240x128xf32, #tpu.memory_space<vmem_shared>> -> memref<10240x128xf32, #tpu.memory_space<vmem_shared>>
        tpu.wait_indirect_dma semaphore(%arg18 : memref<!tpu.dma_semaphore, #tpu.memory_space<semaphore_mem>>) src(%arg13 : memref<128x128xf32, #tpu.memory_space<vmem>>) dst(%dma_wait3A_217 : memref<10240x128xf32, #tpu.memory_space<vmem_shared>>)
        %dma_start3A_218 = arith.constant 7 : i32
        %dma_start3A_219 = arith.constant 0 : i32
        %dma_start3A_220 = tpu.memref_slice %arg10[%dma_start3A_218, %dma_start3A_219] : memref<16x128xi32, #tpu.memory_space<vmem>> -> memref<1x128xi32, #tpu.memory_space<vmem>>
        %dma_start3A_221 = tpu.memref_squeeze %dma_start3A_220 : memref<1x128xi32, #tpu.memory_space<vmem>> -> memref<128xi32, #tpu.memory_space<vmem>>
        %dma_start3A_222 = arith.constant 0 : i32
        %dma_start3A_223 = arith.constant 0 : i32
        %dma_start3A_224 = tpu.memref_slice %arg3[%dma_start3A_222, %dma_start3A_223] : memref<10000x128xf32, #tpu.memory_space<hbm>> -> memref<10000x128xf32, #tpu.memory_space<hbm>>
        tpu.enqueue_indirect_dma source(%dma_start3A_224 : memref<10000x128xf32, #tpu.memory_space<hbm>>) target(%arg13 : memref<128x128xf32, #tpu.memory_space<vmem>>) offsets(%dma_start3A_221 : memref<128xi32, #tpu.memory_space<vmem>>) semaphore(%arg16 : memref<!tpu.dma_semaphore, #tpu.memory_space<semaphore_mem>>)
        %dma_wait3A_225 = arith.constant 6 : i32
        %dma_wait3A_226 = arith.constant 0 : i32
        %dma_wait3A_227 = tpu.memref_slice %arg10[%dma_wait3A_225, %dma_wait3A_226] : memref<16x128xi32, #tpu.memory_space<vmem>> -> memref<1x128xi32, #tpu.memory_space<vmem>>
        %dma_wait3A_228 = tpu.memref_squeeze %dma_wait3A_227 : memref<1x128xi32, #tpu.memory_space<vmem>> -> memref<128xi32, #tpu.memory_space<vmem>>
        %dma_wait3A_229 = arith.constant 0 : i32
        %dma_wait3A_230 = arith.constant 0 : i32
        %dma_wait3A_231 = tpu.memref_slice %arg3[%dma_wait3A_229, %dma_wait3A_230] : memref<10000x128xf32, #tpu.memory_space<hbm>> -> memref<10000x128xf32, #tpu.memory_space<hbm>>
        tpu.wait_indirect_dma semaphore(%arg15 : memref<!tpu.dma_semaphore, #tpu.memory_space<semaphore_mem>>) src(%dma_wait3A_231 : memref<10000x128xf32, #tpu.memory_space<hbm>>) dst(%arg12 : memref<128x128xf32, #tpu.memory_space<vmem>>)
        %dma_start3A_232 = arith.constant 6 : i32
        %dma_start3A_233 = arith.constant 0 : i32
        %dma_start3A_234 = tpu.memref_slice %arg11[%dma_start3A_232, %dma_start3A_233] : memref<16x128xi32, #tpu.memory_space<vmem>> -> memref<1x128xi32, #tpu.memory_space<vmem>>
        %dma_start3A_235 = tpu.memref_squeeze %dma_start3A_234 : memref<1x128xi32, #tpu.memory_space<vmem>> -> memref<128xi32, #tpu.memory_space<vmem>>
        %dma_start3A_236 = arith.constant 0 : i32
        %dma_start3A_237 = arith.constant 0 : i32
        %dma_start3A_238 = tpu.memref_slice %arg9[%dma_start3A_236, %dma_start3A_237] : memref<10240x128xf32, #tpu.memory_space<vmem_shared>> -> memref<10240x128xf32, #tpu.memory_space<vmem_shared>>
        tpu.enqueue_indirect_dma source(%arg12 : memref<128x128xf32, #tpu.memory_space<vmem>>) target(%dma_start3A_238 : memref<10240x128xf32, #tpu.memory_space<vmem_shared>>) offsets(%dma_start3A_235 : memref<128xi32, #tpu.memory_space<vmem>>) semaphore(%arg17 : memref<!tpu.dma_semaphore, #tpu.memory_space<semaphore_mem>>) {add = true}
        %dma_wait3A_239 = arith.constant 6 : i32
        %dma_wait3A_240 = arith.constant 0 : i32
        %dma_wait3A_241 = tpu.memref_slice %arg11[%dma_wait3A_239, %dma_wait3A_240] : memref<16x128xi32, #tpu.memory_space<vmem>> -> memref<1x128xi32, #tpu.memory_space<vmem>>
        %dma_wait3A_242 = tpu.memref_squeeze %dma_wait3A_241 : memref<1x128xi32, #tpu.memory_space<vmem>> -> memref<128xi32, #tpu.memory_space<vmem>>
        %dma_wait3A_243 = arith.constant 0 : i32
        %dma_wait3A_244 = arith.constant 0 : i32
        %dma_wait3A_245 = tpu.memref_slice %arg9[%dma_wait3A_243, %dma_wait3A_244] : memref<10240x128xf32, #tpu.memory_space<vmem_shared>> -> memref<10240x128xf32, #tpu.memory_space<vmem_shared>>
        tpu.wait_indirect_dma semaphore(%arg17 : memref<!tpu.dma_semaphore, #tpu.memory_space<semaphore_mem>>) src(%arg12 : memref<128x128xf32, #tpu.memory_space<vmem>>) dst(%dma_wait3A_245 : memref<10240x128xf32, #tpu.memory_space<vmem_shared>>)
        %dma_start3A_246 = arith.constant 8 : i32
        %dma_start3A_247 = arith.constant 0 : i32
        %dma_start3A_248 = tpu.memref_slice %arg10[%dma_start3A_246, %dma_start3A_247] : memref<16x128xi32, #tpu.memory_space<vmem>> -> memref<1x128xi32, #tpu.memory_space<vmem>>
        %dma_start3A_249 = tpu.memref_squeeze %dma_start3A_248 : memref<1x128xi32, #tpu.memory_space<vmem>> -> memref<128xi32, #tpu.memory_space<vmem>>
        %dma_start3A_250 = arith.constant 0 : i32
        %dma_start3A_251 = arith.constant 0 : i32
        %dma_start3A_252 = tpu.memref_slice %arg3[%dma_start3A_250, %dma_start3A_251] : memref<10000x128xf32, #tpu.memory_space<hbm>> -> memref<10000x128xf32, #tpu.memory_space<hbm>>
        tpu.enqueue_indirect_dma source(%dma_start3A_252 : memref<10000x128xf32, #tpu.memory_space<hbm>>) target(%arg12 : memref<128x128xf32, #tpu.memory_space<vmem>>) offsets(%dma_start3A_249 : memref<128xi32, #tpu.memory_space<vmem>>) semaphore(%arg15 : memref<!tpu.dma_semaphore, #tpu.memory_space<semaphore_mem>>)
        %dma_wait3A_253 = arith.constant 7 : i32
        %dma_wait3A_254 = arith.constant 0 : i32
        %dma_wait3A_255 = tpu.memref_slice %arg10[%dma_wait3A_253, %dma_wait3A_254] : memref<16x128xi32, #tpu.memory_space<vmem>> -> memref<1x128xi32, #tpu.memory_space<vmem>>
        %dma_wait3A_256 = tpu.memref_squeeze %dma_wait3A_255 : memref<1x128xi32, #tpu.memory_space<vmem>> -> memref<128xi32, #tpu.memory_space<vmem>>
        %dma_wait3A_257 = arith.constant 0 : i32
        %dma_wait3A_258 = arith.constant 0 : i32
        %dma_wait3A_259 = tpu.memref_slice %arg3[%dma_wait3A_257, %dma_wait3A_258] : memref<10000x128xf32, #tpu.memory_space<hbm>> -> memref<10000x128xf32, #tpu.memory_space<hbm>>
        tpu.wait_indirect_dma semaphore(%arg16 : memref<!tpu.dma_semaphore, #tpu.memory_space<semaphore_mem>>) src(%dma_wait3A_259 : memref<10000x128xf32, #tpu.memory_space<hbm>>) dst(%arg13 : memref<128x128xf32, #tpu.memory_space<vmem>>)
        %dma_start3A_260 = arith.constant 7 : i32
        %dma_start3A_261 = arith.constant 0 : i32
        %dma_start3A_262 = tpu.memref_slice %arg11[%dma_start3A_260, %dma_start3A_261] : memref<16x128xi32, #tpu.memory_space<vmem>> -> memref<1x128xi32, #tpu.memory_space<vmem>>
        %dma_start3A_263 = tpu.memref_squeeze %dma_start3A_262 : memref<1x128xi32, #tpu.memory_space<vmem>> -> memref<128xi32, #tpu.memory_space<vmem>>
        %dma_start3A_264 = arith.constant 0 : i32
        %dma_start3A_265 = arith.constant 0 : i32
        %dma_start3A_266 = tpu.memref_slice %arg9[%dma_start3A_264, %dma_start3A_265] : memref<10240x128xf32, #tpu.memory_space<vmem_shared>> -> memref<10240x128xf32, #tpu.memory_space<vmem_shared>>
        tpu.enqueue_indirect_dma source(%arg13 : memref<128x128xf32, #tpu.memory_space<vmem>>) target(%dma_start3A_266 : memref<10240x128xf32, #tpu.memory_space<vmem_shared>>) offsets(%dma_start3A_263 : memref<128xi32, #tpu.memory_space<vmem>>) semaphore(%arg18 : memref<!tpu.dma_semaphore, #tpu.memory_space<semaphore_mem>>) {add = true}
        %dma_wait3A_267 = arith.constant 7 : i32
        %dma_wait3A_268 = arith.constant 0 : i32
        %dma_wait3A_269 = tpu.memref_slice %arg11[%dma_wait3A_267, %dma_wait3A_268] : memref<16x128xi32, #tpu.memory_space<vmem>> -> memref<1x128xi32, #tpu.memory_space<vmem>>
        %dma_wait3A_270 = tpu.memref_squeeze %dma_wait3A_269 : memref<1x128xi32, #tpu.memory_space<vmem>> -> memref<128xi32, #tpu.memory_space<vmem>>
        %dma_wait3A_271 = arith.constant 0 : i32
        %dma_wait3A_272 = arith.constant 0 : i32
        %dma_wait3A_273 = tpu.memref_slice %arg9[%dma_wait3A_271, %dma_wait3A_272] : memref<10240x128xf32, #tpu.memory_space<vmem_shared>> -> memref<10240x128xf32, #tpu.memory_space<vmem_shared>>
        tpu.wait_indirect_dma semaphore(%arg18 : memref<!tpu.dma_semaphore, #tpu.memory_space<semaphore_mem>>) src(%arg13 : memref<128x128xf32, #tpu.memory_space<vmem>>) dst(%dma_wait3A_273 : memref<10240x128xf32, #tpu.memory_space<vmem_shared>>)
        %dma_start3A_274 = arith.constant 9 : i32
        %dma_start3A_275 = arith.constant 0 : i32
        %dma_start3A_276 = tpu.memref_slice %arg10[%dma_start3A_274, %dma_start3A_275] : memref<16x128xi32, #tpu.memory_space<vmem>> -> memref<1x128xi32, #tpu.memory_space<vmem>>
        %dma_start3A_277 = tpu.memref_squeeze %dma_start3A_276 : memref<1x128xi32, #tpu.memory_space<vmem>> -> memref<128xi32, #tpu.memory_space<vmem>>
        %dma_start3A_278 = arith.constant 0 : i32
        %dma_start3A_279 = arith.constant 0 : i32
        %dma_start3A_280 = tpu.memref_slice %arg3[%dma_start3A_278, %dma_start3A_279] : memref<10000x128xf32, #tpu.memory_space<hbm>> -> memref<10000x128xf32, #tpu.memory_space<hbm>>
        tpu.enqueue_indirect_dma source(%dma_start3A_280 : memref<10000x128xf32, #tpu.memory_space<hbm>>) target(%arg13 : memref<128x128xf32, #tpu.memory_space<vmem>>) offsets(%dma_start3A_277 : memref<128xi32, #tpu.memory_space<vmem>>) semaphore(%arg16 : memref<!tpu.dma_semaphore, #tpu.memory_space<semaphore_mem>>)
        %dma_wait3A_281 = arith.constant 8 : i32
        %dma_wait3A_282 = arith.constant 0 : i32
        %dma_wait3A_283 = tpu.memref_slice %arg10[%dma_wait3A_281, %dma_wait3A_282] : memref<16x128xi32, #tpu.memory_space<vmem>> -> memref<1x128xi32, #tpu.memory_space<vmem>>
        %dma_wait3A_284 = tpu.memref_squeeze %dma_wait3A_283 : memref<1x128xi32, #tpu.memory_space<vmem>> -> memref<128xi32, #tpu.memory_space<vmem>>
        %dma_wait3A_285 = arith.constant 0 : i32
        %dma_wait3A_286 = arith.constant 0 : i32
        %dma_wait3A_287 = tpu.memref_slice %arg3[%dma_wait3A_285, %dma_wait3A_286] : memref<10000x128xf32, #tpu.memory_space<hbm>> -> memref<10000x128xf32, #tpu.memory_space<hbm>>
        tpu.wait_indirect_dma semaphore(%arg15 : memref<!tpu.dma_semaphore, #tpu.memory_space<semaphore_mem>>) src(%dma_wait3A_287 : memref<10000x128xf32, #tpu.memory_space<hbm>>) dst(%arg12 : memref<128x128xf32, #tpu.memory_space<vmem>>)
        %dma_start3A_288 = arith.constant 8 : i32
        %dma_start3A_289 = arith.constant 0 : i32
        %dma_start3A_290 = tpu.memref_slice %arg11[%dma_start3A_288, %dma_start3A_289] : memref<16x128xi32, #tpu.memory_space<vmem>> -> memref<1x128xi32, #tpu.memory_space<vmem>>
        %dma_start3A_291 = tpu.memref_squeeze %dma_start3A_290 : memref<1x128xi32, #tpu.memory_space<vmem>> -> memref<128xi32, #tpu.memory_space<vmem>>
        %dma_start3A_292 = arith.constant 0 : i32
        %dma_start3A_293 = arith.constant 0 : i32
        %dma_start3A_294 = tpu.memref_slice %arg9[%dma_start3A_292, %dma_start3A_293] : memref<10240x128xf32, #tpu.memory_space<vmem_shared>> -> memref<10240x128xf32, #tpu.memory_space<vmem_shared>>
        tpu.enqueue_indirect_dma source(%arg12 : memref<128x128xf32, #tpu.memory_space<vmem>>) target(%dma_start3A_294 : memref<10240x128xf32, #tpu.memory_space<vmem_shared>>) offsets(%dma_start3A_291 : memref<128xi32, #tpu.memory_space<vmem>>) semaphore(%arg17 : memref<!tpu.dma_semaphore, #tpu.memory_space<semaphore_mem>>) {add = true}
        %dma_wait3A_295 = arith.constant 8 : i32
        %dma_wait3A_296 = arith.constant 0 : i32
        %dma_wait3A_297 = tpu.memref_slice %arg11[%dma_wait3A_295, %dma_wait3A_296] : memref<16x128xi32, #tpu.memory_space<vmem>> -> memref<1x128xi32, #tpu.memory_space<vmem>>
        %dma_wait3A_298 = tpu.memref_squeeze %dma_wait3A_297 : memref<1x128xi32, #tpu.memory_space<vmem>> -> memref<128xi32, #tpu.memory_space<vmem>>
        %dma_wait3A_299 = arith.constant 0 : i32
        %dma_wait3A_300 = arith.constant 0 : i32
        %dma_wait3A_301 = tpu.memref_slice %arg9[%dma_wait3A_299, %dma_wait3A_300] : memref<10240x128xf32, #tpu.memory_space<vmem_shared>> -> memref<10240x128xf32, #tpu.memory_space<vmem_shared>>
        tpu.wait_indirect_dma semaphore(%arg17 : memref<!tpu.dma_semaphore, #tpu.memory_space<semaphore_mem>>) src(%arg12 : memref<128x128xf32, #tpu.memory_space<vmem>>) dst(%dma_wait3A_301 : memref<10240x128xf32, #tpu.memory_space<vmem_shared>>)
        %dma_start3A_302 = arith.constant 10 : i32
        %dma_start3A_303 = arith.constant 0 : i32
        %dma_start3A_304 = tpu.memref_slice %arg10[%dma_start3A_302, %dma_start3A_303] : memref<16x128xi32, #tpu.memory_space<vmem>> -> memref<1x128xi32, #tpu.memory_space<vmem>>
        %dma_start3A_305 = tpu.memref_squeeze %dma_start3A_304 : memref<1x128xi32, #tpu.memory_space<vmem>> -> memref<128xi32, #tpu.memory_space<vmem>>
        %dma_start3A_306 = arith.constant 0 : i32
        %dma_start3A_307 = arith.constant 0 : i32
        %dma_start3A_308 = tpu.memref_slice %arg3[%dma_start3A_306, %dma_start3A_307] : memref<10000x128xf32, #tpu.memory_space<hbm>> -> memref<10000x128xf32, #tpu.memory_space<hbm>>
        tpu.enqueue_indirect_dma source(%dma_start3A_308 : memref<10000x128xf32, #tpu.memory_space<hbm>>) target(%arg12 : memref<128x128xf32, #tpu.memory_space<vmem>>) offsets(%dma_start3A_305 : memref<128xi32, #tpu.memory_space<vmem>>) semaphore(%arg15 : memref<!tpu.dma_semaphore, #tpu.memory_space<semaphore_mem>>)
        %dma_wait3A_309 = arith.constant 9 : i32
        %dma_wait3A_310 = arith.constant 0 : i32
        %dma_wait3A_311 = tpu.memref_slice %arg10[%dma_wait3A_309, %dma_wait3A_310] : memref<16x128xi32, #tpu.memory_space<vmem>> -> memref<1x128xi32, #tpu.memory_space<vmem>>
        %dma_wait3A_312 = tpu.memref_squeeze %dma_wait3A_311 : memref<1x128xi32, #tpu.memory_space<vmem>> -> memref<128xi32, #tpu.memory_space<vmem>>
        %dma_wait3A_313 = arith.constant 0 : i32
        %dma_wait3A_314 = arith.constant 0 : i32
        %dma_wait3A_315 = tpu.memref_slice %arg3[%dma_wait3A_313, %dma_wait3A_314] : memref<10000x128xf32, #tpu.memory_space<hbm>> -> memref<10000x128xf32, #tpu.memory_space<hbm>>
        tpu.wait_indirect_dma semaphore(%arg16 : memref<!tpu.dma_semaphore, #tpu.memory_space<semaphore_mem>>) src(%dma_wait3A_315 : memref<10000x128xf32, #tpu.memory_space<hbm>>) dst(%arg13 : memref<128x128xf32, #tpu.memory_space<vmem>>)
        %dma_start3A_316 = arith.constant 9 : i32
        %dma_start3A_317 = arith.constant 0 : i32
        %dma_start3A_318 = tpu.memref_slice %arg11[%dma_start3A_316, %dma_start3A_317] : memref<16x128xi32, #tpu.memory_space<vmem>> -> memref<1x128xi32, #tpu.memory_space<vmem>>
        %dma_start3A_319 = tpu.memref_squeeze %dma_start3A_318 : memref<1x128xi32, #tpu.memory_space<vmem>> -> memref<128xi32, #tpu.memory_space<vmem>>
        %dma_start3A_320 = arith.constant 0 : i32
        %dma_start3A_321 = arith.constant 0 : i32
        %dma_start3A_322 = tpu.memref_slice %arg9[%dma_start3A_320, %dma_start3A_321] : memref<10240x128xf32, #tpu.memory_space<vmem_shared>> -> memref<10240x128xf32, #tpu.memory_space<vmem_shared>>
        tpu.enqueue_indirect_dma source(%arg13 : memref<128x128xf32, #tpu.memory_space<vmem>>) target(%dma_start3A_322 : memref<10240x128xf32, #tpu.memory_space<vmem_shared>>) offsets(%dma_start3A_319 : memref<128xi32, #tpu.memory_space<vmem>>) semaphore(%arg18 : memref<!tpu.dma_semaphore, #tpu.memory_space<semaphore_mem>>) {add = true}
        %dma_wait3A_323 = arith.constant 9 : i32
        %dma_wait3A_324 = arith.constant 0 : i32
        %dma_wait3A_325 = tpu.memref_slice %arg11[%dma_wait3A_323, %dma_wait3A_324] : memref<16x128xi32, #tpu.memory_space<vmem>> -> memref<1x128xi32, #tpu.memory_space<vmem>>
        %dma_wait3A_326 = tpu.memref_squeeze %dma_wait3A_325 : memref<1x128xi32, #tpu.memory_space<vmem>> -> memref<128xi32, #tpu.memory_space<vmem>>
        %dma_wait3A_327 = arith.constant 0 : i32
        %dma_wait3A_328 = arith.constant 0 : i32
        %dma_wait3A_329 = tpu.memref_slice %arg9[%dma_wait3A_327, %dma_wait3A_328] : memref<10240x128xf32, #tpu.memory_space<vmem_shared>> -> memref<10240x128xf32, #tpu.memory_space<vmem_shared>>
        tpu.wait_indirect_dma semaphore(%arg18 : memref<!tpu.dma_semaphore, #tpu.memory_space<semaphore_mem>>) src(%arg13 : memref<128x128xf32, #tpu.memory_space<vmem>>) dst(%dma_wait3A_329 : memref<10240x128xf32, #tpu.memory_space<vmem_shared>>)
        %dma_start3A_330 = arith.constant 11 : i32
        %dma_start3A_331 = arith.constant 0 : i32
        %dma_start3A_332 = tpu.memref_slice %arg10[%dma_start3A_330, %dma_start3A_331] : memref<16x128xi32, #tpu.memory_space<vmem>> -> memref<1x128xi32, #tpu.memory_space<vmem>>
        %dma_start3A_333 = tpu.memref_squeeze %dma_start3A_332 : memref<1x128xi32, #tpu.memory_space<vmem>> -> memref<128xi32, #tpu.memory_space<vmem>>
        %dma_start3A_334 = arith.constant 0 : i32
        %dma_start3A_335 = arith.constant 0 : i32
        %dma_start3A_336 = tpu.memref_slice %arg3[%dma_start3A_334, %dma_start3A_335] : memref<10000x128xf32, #tpu.memory_space<hbm>> -> memref<10000x128xf32, #tpu.memory_space<hbm>>
        tpu.enqueue_indirect_dma source(%dma_start3A_336 : memref<10000x128xf32, #tpu.memory_space<hbm>>) target(%arg13 : memref<128x128xf32, #tpu.memory_space<vmem>>) offsets(%dma_start3A_333 : memref<128xi32, #tpu.memory_space<vmem>>) semaphore(%arg16 : memref<!tpu.dma_semaphore, #tpu.memory_space<semaphore_mem>>)
        %dma_wait3A_337 = arith.constant 10 : i32
        %dma_wait3A_338 = arith.constant 0 : i32
        %dma_wait3A_339 = tpu.memref_slice %arg10[%dma_wait3A_337, %dma_wait3A_338] : memref<16x128xi32, #tpu.memory_space<vmem>> -> memref<1x128xi32, #tpu.memory_space<vmem>>
        %dma_wait3A_340 = tpu.memref_squeeze %dma_wait3A_339 : memref<1x128xi32, #tpu.memory_space<vmem>> -> memref<128xi32, #tpu.memory_space<vmem>>
        %dma_wait3A_341 = arith.constant 0 : i32
        %dma_wait3A_342 = arith.constant 0 : i32
        %dma_wait3A_343 = tpu.memref_slice %arg3[%dma_wait3A_341, %dma_wait3A_342] : memref<10000x128xf32, #tpu.memory_space<hbm>> -> memref<10000x128xf32, #tpu.memory_space<hbm>>
        tpu.wait_indirect_dma semaphore(%arg15 : memref<!tpu.dma_semaphore, #tpu.memory_space<semaphore_mem>>) src(%dma_wait3A_343 : memref<10000x128xf32, #tpu.memory_space<hbm>>) dst(%arg12 : memref<128x128xf32, #tpu.memory_space<vmem>>)
        %dma_start3A_344 = arith.constant 10 : i32
        %dma_start3A_345 = arith.constant 0 : i32
        %dma_start3A_346 = tpu.memref_slice %arg11[%dma_start3A_344, %dma_start3A_345] : memref<16x128xi32, #tpu.memory_space<vmem>> -> memref<1x128xi32, #tpu.memory_space<vmem>>
        %dma_start3A_347 = tpu.memref_squeeze %dma_start3A_346 : memref<1x128xi32, #tpu.memory_space<vmem>> -> memref<128xi32, #tpu.memory_space<vmem>>
        %dma_start3A_348 = arith.constant 0 : i32
        %dma_start3A_349 = arith.constant 0 : i32
        %dma_start3A_350 = tpu.memref_slice %arg9[%dma_start3A_348, %dma_start3A_349] : memref<10240x128xf32, #tpu.memory_space<vmem_shared>> -> memref<10240x128xf32, #tpu.memory_space<vmem_shared>>
        tpu.enqueue_indirect_dma source(%arg12 : memref<128x128xf32, #tpu.memory_space<vmem>>) target(%dma_start3A_350 : memref<10240x128xf32, #tpu.memory_space<vmem_shared>>) offsets(%dma_start3A_347 : memref<128xi32, #tpu.memory_space<vmem>>) semaphore(%arg17 : memref<!tpu.dma_semaphore, #tpu.memory_space<semaphore_mem>>) {add = true}
        %dma_wait3A_351 = arith.constant 10 : i32
        %dma_wait3A_352 = arith.constant 0 : i32
        %dma_wait3A_353 = tpu.memref_slice %arg11[%dma_wait3A_351, %dma_wait3A_352] : memref<16x128xi32, #tpu.memory_space<vmem>> -> memref<1x128xi32, #tpu.memory_space<vmem>>
        %dma_wait3A_354 = tpu.memref_squeeze %dma_wait3A_353 : memref<1x128xi32, #tpu.memory_space<vmem>> -> memref<128xi32, #tpu.memory_space<vmem>>
        %dma_wait3A_355 = arith.constant 0 : i32
        %dma_wait3A_356 = arith.constant 0 : i32
        %dma_wait3A_357 = tpu.memref_slice %arg9[%dma_wait3A_355, %dma_wait3A_356] : memref<10240x128xf32, #tpu.memory_space<vmem_shared>> -> memref<10240x128xf32, #tpu.memory_space<vmem_shared>>
        tpu.wait_indirect_dma semaphore(%arg17 : memref<!tpu.dma_semaphore, #tpu.memory_space<semaphore_mem>>) src(%arg12 : memref<128x128xf32, #tpu.memory_space<vmem>>) dst(%dma_wait3A_357 : memref<10240x128xf32, #tpu.memory_space<vmem_shared>>)
        %dma_start3A_358 = arith.constant 12 : i32
        %dma_start3A_359 = arith.constant 0 : i32
        %dma_start3A_360 = tpu.memref_slice %arg10[%dma_start3A_358, %dma_start3A_359] : memref<16x128xi32, #tpu.memory_space<vmem>> -> memref<1x128xi32, #tpu.memory_space<vmem>>
        %dma_start3A_361 = tpu.memref_squeeze %dma_start3A_360 : memref<1x128xi32, #tpu.memory_space<vmem>> -> memref<128xi32, #tpu.memory_space<vmem>>
        %dma_start3A_362 = arith.constant 0 : i32
        %dma_start3A_363 = arith.constant 0 : i32
        %dma_start3A_364 = tpu.memref_slice %arg3[%dma_start3A_362, %dma_start3A_363] : memref<10000x128xf32, #tpu.memory_space<hbm>> -> memref<10000x128xf32, #tpu.memory_space<hbm>>
        tpu.enqueue_indirect_dma source(%dma_start3A_364 : memref<10000x128xf32, #tpu.memory_space<hbm>>) target(%arg12 : memref<128x128xf32, #tpu.memory_space<vmem>>) offsets(%dma_start3A_361 : memref<128xi32, #tpu.memory_space<vmem>>) semaphore(%arg15 : memref<!tpu.dma_semaphore, #tpu.memory_space<semaphore_mem>>)
        %dma_wait3A_365 = arith.constant 11 : i32
        %dma_wait3A_366 = arith.constant 0 : i32
        %dma_wait3A_367 = tpu.memref_slice %arg10[%dma_wait3A_365, %dma_wait3A_366] : memref<16x128xi32, #tpu.memory_space<vmem>> -> memref<1x128xi32, #tpu.memory_space<vmem>>
        %dma_wait3A_368 = tpu.memref_squeeze %dma_wait3A_367 : memref<1x128xi32, #tpu.memory_space<vmem>> -> memref<128xi32, #tpu.memory_space<vmem>>
        %dma_wait3A_369 = arith.constant 0 : i32
        %dma_wait3A_370 = arith.constant 0 : i32
        %dma_wait3A_371 = tpu.memref_slice %arg3[%dma_wait3A_369, %dma_wait3A_370] : memref<10000x128xf32, #tpu.memory_space<hbm>> -> memref<10000x128xf32, #tpu.memory_space<hbm>>
        tpu.wait_indirect_dma semaphore(%arg16 : memref<!tpu.dma_semaphore, #tpu.memory_space<semaphore_mem>>) src(%dma_wait3A_371 : memref<10000x128xf32, #tpu.memory_space<hbm>>) dst(%arg13 : memref<128x128xf32, #tpu.memory_space<vmem>>)
        %dma_start3A_372 = arith.constant 11 : i32
        %dma_start3A_373 = arith.constant 0 : i32
        %dma_start3A_374 = tpu.memref_slice %arg11[%dma_start3A_372, %dma_start3A_373] : memref<16x128xi32, #tpu.memory_space<vmem>> -> memref<1x128xi32, #tpu.memory_space<vmem>>
        %dma_start3A_375 = tpu.memref_squeeze %dma_start3A_374 : memref<1x128xi32, #tpu.memory_space<vmem>> -> memref<128xi32, #tpu.memory_space<vmem>>
        %dma_start3A_376 = arith.constant 0 : i32
        %dma_start3A_377 = arith.constant 0 : i32
        %dma_start3A_378 = tpu.memref_slice %arg9[%dma_start3A_376, %dma_start3A_377] : memref<10240x128xf32, #tpu.memory_space<vmem_shared>> -> memref<10240x128xf32, #tpu.memory_space<vmem_shared>>
        tpu.enqueue_indirect_dma source(%arg13 : memref<128x128xf32, #tpu.memory_space<vmem>>) target(%dma_start3A_378 : memref<10240x128xf32, #tpu.memory_space<vmem_shared>>) offsets(%dma_start3A_375 : memref<128xi32, #tpu.memory_space<vmem>>) semaphore(%arg18 : memref<!tpu.dma_semaphore, #tpu.memory_space<semaphore_mem>>) {add = true}
        %dma_wait3A_379 = arith.constant 11 : i32
        %dma_wait3A_380 = arith.constant 0 : i32
        %dma_wait3A_381 = tpu.memref_slice %arg11[%dma_wait3A_379, %dma_wait3A_380] : memref<16x128xi32, #tpu.memory_space<vmem>> -> memref<1x128xi32, #tpu.memory_space<vmem>>
        %dma_wait3A_382 = tpu.memref_squeeze %dma_wait3A_381 : memref<1x128xi32, #tpu.memory_space<vmem>> -> memref<128xi32, #tpu.memory_space<vmem>>
        %dma_wait3A_383 = arith.constant 0 : i32
        %dma_wait3A_384 = arith.constant 0 : i32
        %dma_wait3A_385 = tpu.memref_slice %arg9[%dma_wait3A_383, %dma_wait3A_384] : memref<10240x128xf32, #tpu.memory_space<vmem_shared>> -> memref<10240x128xf32, #tpu.memory_space<vmem_shared>>
        tpu.wait_indirect_dma semaphore(%arg18 : memref<!tpu.dma_semaphore, #tpu.memory_space<semaphore_mem>>) src(%arg13 : memref<128x128xf32, #tpu.memory_space<vmem>>) dst(%dma_wait3A_385 : memref<10240x128xf32, #tpu.memory_space<vmem_shared>>)
        %dma_start3A_386 = arith.constant 13 : i32
        %dma_start3A_387 = arith.constant 0 : i32
        %dma_start3A_388 = tpu.memref_slice %arg10[%dma_start3A_386, %dma_start3A_387] : memref<16x128xi32, #tpu.memory_space<vmem>> -> memref<1x128xi32, #tpu.memory_space<vmem>>
        %dma_start3A_389 = tpu.memref_squeeze %dma_start3A_388 : memref<1x128xi32, #tpu.memory_space<vmem>> -> memref<128xi32, #tpu.memory_space<vmem>>
        %dma_start3A_390 = arith.constant 0 : i32
        %dma_start3A_391 = arith.constant 0 : i32
        %dma_start3A_392 = tpu.memref_slice %arg3[%dma_start3A_390, %dma_start3A_391] : memref<10000x128xf32, #tpu.memory_space<hbm>> -> memref<10000x128xf32, #tpu.memory_space<hbm>>
        tpu.enqueue_indirect_dma source(%dma_start3A_392 : memref<10000x128xf32, #tpu.memory_space<hbm>>) target(%arg13 : memref<128x128xf32, #tpu.memory_space<vmem>>) offsets(%dma_start3A_389 : memref<128xi32, #tpu.memory_space<vmem>>) semaphore(%arg16 : memref<!tpu.dma_semaphore, #tpu.memory_space<semaphore_mem>>)
        %dma_wait3A_393 = arith.constant 12 : i32
        %dma_wait3A_394 = arith.constant 0 : i32
        %dma_wait3A_395 = tpu.memref_slice %arg10[%dma_wait3A_393, %dma_wait3A_394] : memref<16x128xi32, #tpu.memory_space<vmem>> -> memref<1x128xi32, #tpu.memory_space<vmem>>
        %dma_wait3A_396 = tpu.memref_squeeze %dma_wait3A_395 : memref<1x128xi32, #tpu.memory_space<vmem>> -> memref<128xi32, #tpu.memory_space<vmem>>
        %dma_wait3A_397 = arith.constant 0 : i32
        %dma_wait3A_398 = arith.constant 0 : i32
        %dma_wait3A_399 = tpu.memref_slice %arg3[%dma_wait3A_397, %dma_wait3A_398] : memref<10000x128xf32, #tpu.memory_space<hbm>> -> memref<10000x128xf32, #tpu.memory_space<hbm>>
        tpu.wait_indirect_dma semaphore(%arg15 : memref<!tpu.dma_semaphore, #tpu.memory_space<semaphore_mem>>) src(%dma_wait3A_399 : memref<10000x128xf32, #tpu.memory_space<hbm>>) dst(%arg12 : memref<128x128xf32, #tpu.memory_space<vmem>>)
        %dma_start3A_400 = arith.constant 12 : i32
        %dma_start3A_401 = arith.constant 0 : i32
        %dma_start3A_402 = tpu.memref_slice %arg11[%dma_start3A_400, %dma_start3A_401] : memref<16x128xi32, #tpu.memory_space<vmem>> -> memref<1x128xi32, #tpu.memory_space<vmem>>
        %dma_start3A_403 = tpu.memref_squeeze %dma_start3A_402 : memref<1x128xi32, #tpu.memory_space<vmem>> -> memref<128xi32, #tpu.memory_space<vmem>>
        %dma_start3A_404 = arith.constant 0 : i32
        %dma_start3A_405 = arith.constant 0 : i32
        %dma_start3A_406 = tpu.memref_slice %arg9[%dma_start3A_404, %dma_start3A_405] : memref<10240x128xf32, #tpu.memory_space<vmem_shared>> -> memref<10240x128xf32, #tpu.memory_space<vmem_shared>>
        tpu.enqueue_indirect_dma source(%arg12 : memref<128x128xf32, #tpu.memory_space<vmem>>) target(%dma_start3A_406 : memref<10240x128xf32, #tpu.memory_space<vmem_shared>>) offsets(%dma_start3A_403 : memref<128xi32, #tpu.memory_space<vmem>>) semaphore(%arg17 : memref<!tpu.dma_semaphore, #tpu.memory_space<semaphore_mem>>) {add = true}
        %dma_wait3A_407 = arith.constant 12 : i32
        %dma_wait3A_408 = arith.constant 0 : i32
        %dma_wait3A_409 = tpu.memref_slice %arg11[%dma_wait3A_407, %dma_wait3A_408] : memref<16x128xi32, #tpu.memory_space<vmem>> -> memref<1x128xi32, #tpu.memory_space<vmem>>
        %dma_wait3A_410 = tpu.memref_squeeze %dma_wait3A_409 : memref<1x128xi32, #tpu.memory_space<vmem>> -> memref<128xi32, #tpu.memory_space<vmem>>
        %dma_wait3A_411 = arith.constant 0 : i32
        %dma_wait3A_412 = arith.constant 0 : i32
        %dma_wait3A_413 = tpu.memref_slice %arg9[%dma_wait3A_411, %dma_wait3A_412] : memref<10240x128xf32, #tpu.memory_space<vmem_shared>> -> memref<10240x128xf32, #tpu.memory_space<vmem_shared>>
        tpu.wait_indirect_dma semaphore(%arg17 : memref<!tpu.dma_semaphore, #tpu.memory_space<semaphore_mem>>) src(%arg12 : memref<128x128xf32, #tpu.memory_space<vmem>>) dst(%dma_wait3A_413 : memref<10240x128xf32, #tpu.memory_space<vmem_shared>>)
        %dma_start3A_414 = arith.constant 14 : i32
        %dma_start3A_415 = arith.constant 0 : i32
        %dma_start3A_416 = tpu.memref_slice %arg10[%dma_start3A_414, %dma_start3A_415] : memref<16x128xi32, #tpu.memory_space<vmem>> -> memref<1x128xi32, #tpu.memory_space<vmem>>
        %dma_start3A_417 = tpu.memref_squeeze %dma_start3A_416 : memref<1x128xi32, #tpu.memory_space<vmem>> -> memref<128xi32, #tpu.memory_space<vmem>>
        %dma_start3A_418 = arith.constant 0 : i32
        %dma_start3A_419 = arith.constant 0 : i32
        %dma_start3A_420 = tpu.memref_slice %arg3[%dma_start3A_418, %dma_start3A_419] : memref<10000x128xf32, #tpu.memory_space<hbm>> -> memref<10000x128xf32, #tpu.memory_space<hbm>>
        tpu.enqueue_indirect_dma source(%dma_start3A_420 : memref<10000x128xf32, #tpu.memory_space<hbm>>) target(%arg12 : memref<128x128xf32, #tpu.memory_space<vmem>>) offsets(%dma_start3A_417 : memref<128xi32, #tpu.memory_space<vmem>>) semaphore(%arg15 : memref<!tpu.dma_semaphore, #tpu.memory_space<semaphore_mem>>)
        %dma_wait3A_421 = arith.constant 13 : i32
        %dma_wait3A_422 = arith.constant 0 : i32
        %dma_wait3A_423 = tpu.memref_slice %arg10[%dma_wait3A_421, %dma_wait3A_422] : memref<16x128xi32, #tpu.memory_space<vmem>> -> memref<1x128xi32, #tpu.memory_space<vmem>>
        %dma_wait3A_424 = tpu.memref_squeeze %dma_wait3A_423 : memref<1x128xi32, #tpu.memory_space<vmem>> -> memref<128xi32, #tpu.memory_space<vmem>>
        %dma_wait3A_425 = arith.constant 0 : i32
        %dma_wait3A_426 = arith.constant 0 : i32
        %dma_wait3A_427 = tpu.memref_slice %arg3[%dma_wait3A_425, %dma_wait3A_426] : memref<10000x128xf32, #tpu.memory_space<hbm>> -> memref<10000x128xf32, #tpu.memory_space<hbm>>
        tpu.wait_indirect_dma semaphore(%arg16 : memref<!tpu.dma_semaphore, #tpu.memory_space<semaphore_mem>>) src(%dma_wait3A_427 : memref<10000x128xf32, #tpu.memory_space<hbm>>) dst(%arg13 : memref<128x128xf32, #tpu.memory_space<vmem>>)
        %dma_start3A_428 = arith.constant 13 : i32
        %dma_start3A_429 = arith.constant 0 : i32
        %dma_start3A_430 = tpu.memref_slice %arg11[%dma_start3A_428, %dma_start3A_429] : memref<16x128xi32, #tpu.memory_space<vmem>> -> memref<1x128xi32, #tpu.memory_space<vmem>>
        %dma_start3A_431 = tpu.memref_squeeze %dma_start3A_430 : memref<1x128xi32, #tpu.memory_space<vmem>> -> memref<128xi32, #tpu.memory_space<vmem>>
        %dma_start3A_432 = arith.constant 0 : i32
        %dma_start3A_433 = arith.constant 0 : i32
        %dma_start3A_434 = tpu.memref_slice %arg9[%dma_start3A_432, %dma_start3A_433] : memref<10240x128xf32, #tpu.memory_space<vmem_shared>> -> memref<10240x128xf32, #tpu.memory_space<vmem_shared>>
        tpu.enqueue_indirect_dma source(%arg13 : memref<128x128xf32, #tpu.memory_space<vmem>>) target(%dma_start3A_434 : memref<10240x128xf32, #tpu.memory_space<vmem_shared>>) offsets(%dma_start3A_431 : memref<128xi32, #tpu.memory_space<vmem>>) semaphore(%arg18 : memref<!tpu.dma_semaphore, #tpu.memory_space<semaphore_mem>>) {add = true}
        %dma_wait3A_435 = arith.constant 13 : i32
        %dma_wait3A_436 = arith.constant 0 : i32
        %dma_wait3A_437 = tpu.memref_slice %arg11[%dma_wait3A_435, %dma_wait3A_436] : memref<16x128xi32, #tpu.memory_space<vmem>> -> memref<1x128xi32, #tpu.memory_space<vmem>>
        %dma_wait3A_438 = tpu.memref_squeeze %dma_wait3A_437 : memref<1x128xi32, #tpu.memory_space<vmem>> -> memref<128xi32, #tpu.memory_space<vmem>>
        %dma_wait3A_439 = arith.constant 0 : i32
        %dma_wait3A_440 = arith.constant 0 : i32
        %dma_wait3A_441 = tpu.memref_slice %arg9[%dma_wait3A_439, %dma_wait3A_440] : memref<10240x128xf32, #tpu.memory_space<vmem_shared>> -> memref<10240x128xf32, #tpu.memory_space<vmem_shared>>
        tpu.wait_indirect_dma semaphore(%arg18 : memref<!tpu.dma_semaphore, #tpu.memory_space<semaphore_mem>>) src(%arg13 : memref<128x128xf32, #tpu.memory_space<vmem>>) dst(%dma_wait3A_441 : memref<10240x128xf32, #tpu.memory_space<vmem_shared>>)
        %dma_start3A_442 = arith.constant 15 : i32
        %dma_start3A_443 = arith.constant 0 : i32
        %dma_start3A_444 = tpu.memref_slice %arg10[%dma_start3A_442, %dma_start3A_443] : memref<16x128xi32, #tpu.memory_space<vmem>> -> memref<1x128xi32, #tpu.memory_space<vmem>>
        %dma_start3A_445 = tpu.memref_squeeze %dma_start3A_444 : memref<1x128xi32, #tpu.memory_space<vmem>> -> memref<128xi32, #tpu.memory_space<vmem>>
        %dma_start3A_446 = arith.constant 0 : i32
        %dma_start3A_447 = arith.constant 0 : i32
        %dma_start3A_448 = tpu.memref_slice %arg3[%dma_start3A_446, %dma_start3A_447] : memref<10000x128xf32, #tpu.memory_space<hbm>> -> memref<10000x128xf32, #tpu.memory_space<hbm>>
        tpu.enqueue_indirect_dma source(%dma_start3A_448 : memref<10000x128xf32, #tpu.memory_space<hbm>>) target(%arg13 : memref<128x128xf32, #tpu.memory_space<vmem>>) offsets(%dma_start3A_445 : memref<128xi32, #tpu.memory_space<vmem>>) semaphore(%arg16 : memref<!tpu.dma_semaphore, #tpu.memory_space<semaphore_mem>>)
        %dma_wait3A_449 = arith.constant 14 : i32
        %dma_wait3A_450 = arith.constant 0 : i32
        %dma_wait3A_451 = tpu.memref_slice %arg10[%dma_wait3A_449, %dma_wait3A_450] : memref<16x128xi32, #tpu.memory_space<vmem>> -> memref<1x128xi32, #tpu.memory_space<vmem>>
        %dma_wait3A_452 = tpu.memref_squeeze %dma_wait3A_451 : memref<1x128xi32, #tpu.memory_space<vmem>> -> memref<128xi32, #tpu.memory_space<vmem>>
        %dma_wait3A_453 = arith.constant 0 : i32
        %dma_wait3A_454 = arith.constant 0 : i32
        %dma_wait3A_455 = tpu.memref_slice %arg3[%dma_wait3A_453, %dma_wait3A_454] : memref<10000x128xf32, #tpu.memory_space<hbm>> -> memref<10000x128xf32, #tpu.memory_space<hbm>>
        tpu.wait_indirect_dma semaphore(%arg15 : memref<!tpu.dma_semaphore, #tpu.memory_space<semaphore_mem>>) src(%dma_wait3A_455 : memref<10000x128xf32, #tpu.memory_space<hbm>>) dst(%arg12 : memref<128x128xf32, #tpu.memory_space<vmem>>)
        %dma_start3A_456 = arith.constant 14 : i32
        %dma_start3A_457 = arith.constant 0 : i32
        %dma_start3A_458 = tpu.memref_slice %arg11[%dma_start3A_456, %dma_start3A_457] : memref<16x128xi32, #tpu.memory_space<vmem>> -> memref<1x128xi32, #tpu.memory_space<vmem>>
        %dma_start3A_459 = tpu.memref_squeeze %dma_start3A_458 : memref<1x128xi32, #tpu.memory_space<vmem>> -> memref<128xi32, #tpu.memory_space<vmem>>
        %dma_start3A_460 = arith.constant 0 : i32
        %dma_start3A_461 = arith.constant 0 : i32
        %dma_start3A_462 = tpu.memref_slice %arg9[%dma_start3A_460, %dma_start3A_461] : memref<10240x128xf32, #tpu.memory_space<vmem_shared>> -> memref<10240x128xf32, #tpu.memory_space<vmem_shared>>
        tpu.enqueue_indirect_dma source(%arg12 : memref<128x128xf32, #tpu.memory_space<vmem>>) target(%dma_start3A_462 : memref<10240x128xf32, #tpu.memory_space<vmem_shared>>) offsets(%dma_start3A_459 : memref<128xi32, #tpu.memory_space<vmem>>) semaphore(%arg17 : memref<!tpu.dma_semaphore, #tpu.memory_space<semaphore_mem>>) {add = true}
        %dma_wait3A_463 = arith.constant 15 : i32
        %dma_wait3A_464 = arith.constant 0 : i32
        %dma_wait3A_465 = tpu.memref_slice %arg10[%dma_wait3A_463, %dma_wait3A_464] : memref<16x128xi32, #tpu.memory_space<vmem>> -> memref<1x128xi32, #tpu.memory_space<vmem>>
        %dma_wait3A_466 = tpu.memref_squeeze %dma_wait3A_465 : memref<1x128xi32, #tpu.memory_space<vmem>> -> memref<128xi32, #tpu.memory_space<vmem>>
        %dma_wait3A_467 = arith.constant 0 : i32
        %dma_wait3A_468 = arith.constant 0 : i32
        %dma_wait3A_469 = tpu.memref_slice %arg3[%dma_wait3A_467, %dma_wait3A_468] : memref<10000x128xf32, #tpu.memory_space<hbm>> -> memref<10000x128xf32, #tpu.memory_space<hbm>>
        tpu.wait_indirect_dma semaphore(%arg16 : memref<!tpu.dma_semaphore, #tpu.memory_space<semaphore_mem>>) src(%dma_wait3A_469 : memref<10000x128xf32, #tpu.memory_space<hbm>>) dst(%arg13 : memref<128x128xf32, #tpu.memory_space<vmem>>)
        %dma_start3A_470 = arith.constant 15 : i32
        %dma_start3A_471 = arith.constant 0 : i32
        %dma_start3A_472 = tpu.memref_slice %arg11[%dma_start3A_470, %dma_start3A_471] : memref<16x128xi32, #tpu.memory_space<vmem>> -> memref<1x128xi32, #tpu.memory_space<vmem>>
        %dma_start3A_473 = tpu.memref_squeeze %dma_start3A_472 : memref<1x128xi32, #tpu.memory_space<vmem>> -> memref<128xi32, #tpu.memory_space<vmem>>
        %dma_start3A_474 = arith.constant 0 : i32
        %dma_start3A_475 = arith.constant 0 : i32
        %dma_start3A_476 = tpu.memref_slice %arg9[%dma_start3A_474, %dma_start3A_475] : memref<10240x128xf32, #tpu.memory_space<vmem_shared>> -> memref<10240x128xf32, #tpu.memory_space<vmem_shared>>
        tpu.enqueue_indirect_dma source(%arg13 : memref<128x128xf32, #tpu.memory_space<vmem>>) target(%dma_start3A_476 : memref<10240x128xf32, #tpu.memory_space<vmem_shared>>) offsets(%dma_start3A_473 : memref<128xi32, #tpu.memory_space<vmem>>) semaphore(%arg18 : memref<!tpu.dma_semaphore, #tpu.memory_space<semaphore_mem>>) {add = true}
        %dma_wait3A_477 = arith.constant 14 : i32
        %dma_wait3A_478 = arith.constant 0 : i32
        %dma_wait3A_479 = tpu.memref_slice %arg11[%dma_wait3A_477, %dma_wait3A_478] : memref<16x128xi32, #tpu.memory_space<vmem>> -> memref<1x128xi32, #tpu.memory_space<vmem>>
        %dma_wait3A_480 = tpu.memref_squeeze %dma_wait3A_479 : memref<1x128xi32, #tpu.memory_space<vmem>> -> memref<128xi32, #tpu.memory_space<vmem>>
        %dma_wait3A_481 = arith.constant 0 : i32
        %dma_wait3A_482 = arith.constant 0 : i32
        %dma_wait3A_483 = tpu.memref_slice %arg9[%dma_wait3A_481, %dma_wait3A_482] : memref<10240x128xf32, #tpu.memory_space<vmem_shared>> -> memref<10240x128xf32, #tpu.memory_space<vmem_shared>>
        tpu.wait_indirect_dma semaphore(%arg17 : memref<!tpu.dma_semaphore, #tpu.memory_space<semaphore_mem>>) src(%arg12 : memref<128x128xf32, #tpu.memory_space<vmem>>) dst(%dma_wait3A_483 : memref<10240x128xf32, #tpu.memory_space<vmem_shared>>)
        %dma_wait3A_484 = arith.constant 15 : i32
        %dma_wait3A_485 = arith.constant 0 : i32
        %dma_wait3A_486 = tpu.memref_slice %arg11[%dma_wait3A_484, %dma_wait3A_485] : memref<16x128xi32, #tpu.memory_space<vmem>> -> memref<1x128xi32, #tpu.memory_space<vmem>>
        %dma_wait3A_487 = tpu.memref_squeeze %dma_wait3A_486 : memref<1x128xi32, #tpu.memory_space<vmem>> -> memref<128xi32, #tpu.memory_space<vmem>>
        %dma_wait3A_488 = arith.constant 0 : i32
        %dma_wait3A_489 = arith.constant 0 : i32
        %dma_wait3A_490 = tpu.memref_slice %arg9[%dma_wait3A_488, %dma_wait3A_489] : memref<10240x128xf32, #tpu.memory_space<vmem_shared>> -> memref<10240x128xf32, #tpu.memory_space<vmem_shared>>
        tpu.wait_indirect_dma semaphore(%arg18 : memref<!tpu.dma_semaphore, #tpu.memory_space<semaphore_mem>>) src(%arg13 : memref<128x128xf32, #tpu.memory_space<vmem>>) dst(%dma_wait3A_490 : memref<10240x128xf32, #tpu.memory_space<vmem_shared>>)
      }
      %scan3A_40 = arith.constant 5 : i32
    } else {
    }
    %barrier3A_25 = arith.constant 0 : index
    tpu.barrier barrier_id(%barrier3A_25)
    %eq3A_26 = arith.constant 1 : i32
    %eq3A_27 = arith.cmpi eq, %arg0, %eq3A_26 : i32
    %convert_element_type3A_28 = arith.extui %eq3A_27 : i1 to i32
    %cond3A_29 = arith.constant 0 : i32
    %cond3A_30 = arith.cmpi ne, %convert_element_type3A_28, %cond3A_29 : i32
    scf.if %cond3A_30 {
      "tpu.region"() ({
        %run_scoped3A = tpu.sem_alloc : memref<!tpu.dma_semaphore, #tpu.memory_space<semaphore_mem>>
        %dma_start3A = arith.constant 0 : i32
        %dma_start3A_36 = tpu.memref_slice %arg7[%mul3A_0, %dma_start3A] : memref<10240x128xf32, #tpu.memory_space<hbm>> -> memref<640x128xf32, #tpu.memory_space<hbm>>
        %dma_start3A_37 = arith.constant 0 : i32
        %dma_start3A_38 = tpu.memref_slice %arg9[%mul3A_0, %dma_start3A_37] : memref<10240x128xf32, #tpu.memory_space<vmem_shared>> -> memref<640x128xf32, #tpu.memory_space<vmem_shared>>
        tpu.enqueue_dma source(%dma_start3A_38 : memref<640x128xf32, #tpu.memory_space<vmem_shared>>) target(%dma_start3A_36 : memref<640x128xf32, #tpu.memory_space<hbm>>) target_semaphore(%run_scoped3A : memref<!tpu.dma_semaphore, #tpu.memory_space<semaphore_mem>>)
        %dma_wait3A = arith.constant 0 : i32
        %dma_wait3A_39 = tpu.memref_slice %arg7[%mul3A_0, %dma_wait3A] : memref<10240x128xf32, #tpu.memory_space<hbm>> -> memref<640x128xf32, #tpu.memory_space<hbm>>
        %dma_wait3A_40 = arith.constant 0 : i32
        %dma_wait3A_41 = tpu.memref_slice %arg9[%mul3A_0, %dma_wait3A_40] : memref<10240x128xf32, #tpu.memory_space<vmem_shared>> -> memref<640x128xf32, #tpu.memory_space<vmem_shared>>
        tpu.wait_dma2 semaphore(%run_scoped3A : memref<!tpu.dma_semaphore, #tpu.memory_space<semaphore_mem>>) src(%dma_wait3A_41 : memref<640x128xf32, #tpu.memory_space<vmem_shared>>) dst(%dma_wait3A_39 : memref<640x128xf32, #tpu.memory_space<hbm>>)
        tpu.yield
      }) : () -> ()
    } else {
    }
    %eq3A_31 = arith.constant 0 : i32
    %eq3A_32 = arith.cmpi eq, %arg0, %eq3A_31 : i32
    %convert_element_type3A_33 = arith.extui %eq3A_32 : i1 to i32
    %cond3A_34 = arith.constant 0 : i32
    %cond3A_35 = arith.cmpi ne, %convert_element_type3A_33, %cond3A_34 : i32
    scf.if %cond3A_35 {
      "tpu.region"() ({
        %run_scoped3A = tpu.sem_alloc : memref<!tpu.dma_semaphore, #tpu.memory_space<semaphore_mem>>
        %dma_start3A = arith.constant 0 : i32
        %dma_start3A_36 = tpu.memref_slice %arg6[%mul3A_0, %dma_start3A] : memref<10240x128xf32, #tpu.memory_space<hbm>> -> memref<640x128xf32, #tpu.memory_space<hbm>>
        %dma_start3A_37 = arith.constant 0 : i32
        %dma_start3A_38 = tpu.memref_slice %arg9[%mul3A_0, %dma_start3A_37] : memref<10240x128xf32, #tpu.memory_space<vmem_shared>> -> memref<640x128xf32, #tpu.memory_space<vmem_shared>>
        tpu.enqueue_dma source(%dma_start3A_38 : memref<640x128xf32, #tpu.memory_space<vmem_shared>>) target(%dma_start3A_36 : memref<640x128xf32, #tpu.memory_space<hbm>>) target_semaphore(%run_scoped3A : memref<!tpu.dma_semaphore, #tpu.memory_space<semaphore_mem>>)
        %dma_wait3A = arith.constant 0 : i32
        %dma_wait3A_39 = tpu.memref_slice %arg6[%mul3A_0, %dma_wait3A] : memref<10240x128xf32, #tpu.memory_space<hbm>> -> memref<640x128xf32, #tpu.memory_space<hbm>>
        %dma_wait3A_40 = arith.constant 0 : i32
        %dma_wait3A_41 = tpu.memref_slice %arg9[%mul3A_0, %dma_wait3A_40] : memref<10240x128xf32, #tpu.memory_space<vmem_shared>> -> memref<640x128xf32, #tpu.memory_space<vmem_shared>>
        tpu.wait_dma2 semaphore(%run_scoped3A : memref<!tpu.dma_semaphore, #tpu.memory_space<semaphore_mem>>) src(%dma_wait3A_41 : memref<640x128xf32, #tpu.memory_space<vmem_shared>>) dst(%dma_wait3A_39 : memref<640x128xf32, #tpu.memory_space<hbm>>)
        tpu.yield
      }) : () -> ()
      "tpu.region"() ({
        %run_scoped3A = tpu.sem_alloc : memref<!tpu.dma_semaphore, #tpu.memory_space<semaphore_mem>>
        %dma_start3A = arith.constant 0 : i32
        %dma_start3A_36 = tpu.memref_slice %arg8[%arg1, %dma_start3A] : memref<16x10240xf32, #tpu.memory_space<hbm>> -> memref<1x10240xf32, #tpu.memory_space<hbm>>
        %dma_start3A_37 = tpu.memref_squeeze %dma_start3A_36 : memref<1x10240xf32, #tpu.memory_space<hbm>> -> memref<10240xf32, #tpu.memory_space<hbm>>
        %dma_start3A_38 = arith.constant 0 : i32
        %dma_start3A_39 = tpu.memref_slice %arg8[%arg1, %dma_start3A_38] : memref<16x10240xf32, #tpu.memory_space<hbm>> -> memref<1x10240xf32, #tpu.memory_space<hbm>>
        %dma_start3A_40 = tpu.memref_squeeze %dma_start3A_39 : memref<1x10240xf32, #tpu.memory_space<hbm>> -> memref<10240xf32, #tpu.memory_space<hbm>>
        tpu.enqueue_dma source(%arg14 : memref<10240xf32, #tpu.memory_space<vmem>>) target(%dma_start3A_40 : memref<10240xf32, #tpu.memory_space<hbm>>) target_semaphore(%run_scoped3A : memref<!tpu.dma_semaphore, #tpu.memory_space<semaphore_mem>>)
        %dma_wait3A = arith.constant 0 : i32
        %dma_wait3A_41 = tpu.memref_slice %arg8[%arg1, %dma_wait3A] : memref<16x10240xf32, #tpu.memory_space<hbm>> -> memref<1x10240xf32, #tpu.memory_space<hbm>>
        %dma_wait3A_42 = tpu.memref_squeeze %dma_wait3A_41 : memref<1x10240xf32, #tpu.memory_space<hbm>> -> memref<10240xf32, #tpu.memory_space<hbm>>
        %dma_wait3A_43 = arith.constant 0 : i32
        %dma_wait3A_44 = tpu.memref_slice %arg8[%arg1, %dma_wait3A_43] : memref<16x10240xf32, #tpu.memory_space<hbm>> -> memref<1x10240xf32, #tpu.memory_space<hbm>>
        %dma_wait3A_45 = tpu.memref_squeeze %dma_wait3A_44 : memref<1x10240xf32, #tpu.memory_space<hbm>> -> memref<10240xf32, #tpu.memory_space<hbm>>
        tpu.wait_dma2 semaphore(%run_scoped3A : memref<!tpu.dma_semaphore, #tpu.memory_space<semaphore_mem>>) src(%arg14 : memref<10240xf32, #tpu.memory_space<vmem>>) dst(%dma_wait3A_45 : memref<10240xf32, #tpu.memory_space<hbm>>)
        tpu.yield
      }) : () -> ()
    } else {
    }
    return
  }
}

#map = affine_map<(d0, d1) -> (0, 0)>
#map1 = affine_map<(d0, d1) -> (0, 0, 0)>
module attributes {stable_mosaic.version = 14 : i64} {
  func.func @_sc_agg1_body(%arg0: i32, %arg1: i32, %arg2: memref<10000x128xf32, #tpu.memory_space<hbm>>, %arg3: memref<32x40x128xi32, #tpu.memory_space<hbm>>, %arg4: memref<32x40x128xi32, #tpu.memory_space<hbm>>, %arg5: memref<10240x128xf32, #tpu.memory_space<hbm>>, %arg6: memref<10240x128xf32, #tpu.memory_space<hbm>>, %arg7: memref<32x10240xf32, #tpu.memory_space<hbm>>, %arg8: memref<10240x128xf32, #tpu.memory_space<vmem_shared>>, %arg9: memref<8x128xi32, #tpu.memory_space<vmem>>, %arg10: memref<8x128xi32, #tpu.memory_space<vmem>>, %arg11: memref<128x128xf32, #tpu.memory_space<vmem>>, %arg12: memref<128x128xf32, #tpu.memory_space<vmem>>, %arg13: memref<10240xf32, #tpu.memory_space<vmem>>, %arg14: memref<!tpu.dma_semaphore, #tpu.memory_space<semaphore_mem>>, %arg15: memref<!tpu.dma_semaphore, #tpu.memory_space<semaphore_mem>>, %arg16: memref<!tpu.dma_semaphore, #tpu.memory_space<semaphore_mem>>, %arg17: memref<!tpu.dma_semaphore, #tpu.memory_space<semaphore_mem>>) attributes {dimension_semantics = [#tpu.dimension_semantics<core_parallel>, #tpu.dimension_semantics<subcore_parallel>], iteration_bounds = array<i64: 2, 16>, scalar_prefetch = 0 : i64, scratch_operands = 10 : i64, tpu.core_type = #tpu.core_type<sc_vector_subcore>, window_params = [{transform_indices = #map}, {transform_indices = #map1}, {transform_indices = #map1}, {transform_indices = #map}, {transform_indices = #map}, {transform_indices = #map}]} {
    %mul3A = arith.constant 640 : i32
    %mul3A_0 = arith.muli %arg1, %mul3A : i32
    %mul3A_1 = arith.constant 16 : i32
    %mul3A_2 = arith.muli %arg0, %mul3A_1 : i32
    %add3A = arith.addi %mul3A_2, %arg1 : i32
    %broadcast_in_dim3A = arith.constant 0.000000e+00 : f32
    %broadcast_in_dim3A_3 = vector.broadcast %broadcast_in_dim3A : f32 to vector<16xf32>
    %scan3A = arith.constant 0 : i32
    %scan3A_4 = arith.constant 128 : i32
    %scan3A_5 = arith.addi %scan3A, %scan3A_4 : i32
    %scan3A_6 = arith.constant 1 : i32
    scf.for %scan3A_33 = %scan3A to %scan3A_5 step %scan3A_6  : i32 {
      %mul3A_34 = arith.constant 1 : i32
      %mul3A_35 = arith.muli %scan3A_33, %mul3A_34 : i32
      %add3A_36 = arith.constant 0 : i32
      %add3A_37 = arith.addi %add3A_36, %mul3A_35 : i32
      %scan3A_38 = arith.constant 0 : i32
      %scan3A_39 = arith.constant 8 : i32
      %scan3A_40 = arith.addi %scan3A_38, %scan3A_39 : i32
      %scan3A_41 = arith.constant 1 : i32
      scf.for %scan3A_43 = %scan3A_38 to %scan3A_40 step %scan3A_41  : i32 {
        %mul3A_44 = arith.constant 16 : i32
        %mul3A_45 = arith.muli %scan3A_43, %mul3A_44 : i32
        %add3A_46 = arith.constant 0 : i32
        %add3A_47 = arith.addi %add3A_46, %mul3A_45 : i32
        %swap3A = arith.index_cast %add3A_37 : i32 to index
        %swap3A_48 = arith.index_cast %add3A_47 : i32 to index
        %swap3A_49 = tpu.vector_load %arg11[%swap3A, %swap3A_48] {strides = array<i32>} : memref<128x128xf32, #tpu.memory_space<vmem>>, vector<16xf32>,
        tpu.vector_store %arg11[%swap3A, %swap3A_48], %broadcast_in_dim3A_3 {strides = array<i32>} : memref<128x128xf32, #tpu.memory_space<vmem>>, vector<16xf32>,
      }
      %scan3A_42 = arith.constant 8 : i32
    }
    %scan3A_7 = arith.constant 128 : i32
    %scan3A_8 = arith.constant 0 : i32
    %scan3A_9 = arith.constant 640 : i32
    %scan3A_10 = arith.addi %scan3A_8, %scan3A_9 : i32
    %scan3A_11 = arith.constant 1 : i32
    scf.for %scan3A_33 = %scan3A_8 to %scan3A_10 step %scan3A_11  : i32 {
      %mul3A_34 = arith.constant 16 : i32
      %mul3A_35 = arith.muli %scan3A_33, %mul3A_34 : i32
      %add3A_36 = arith.constant 0 : i32
      %add3A_37 = arith.addi %add3A_36, %mul3A_35 : i32
      %swap3A = arith.index_cast %add3A_37 : i32 to index
      %swap3A_38 = tpu.vector_load %arg13[%swap3A] {strides = array<i32>} : memref<10240xf32, #tpu.memory_space<vmem>>, vector<16xf32>,
      tpu.vector_store %arg13[%swap3A], %broadcast_in_dim3A_3 {strides = array<i32>} : memref<10240xf32, #tpu.memory_space<vmem>>, vector<16xf32>,
    }
    %scan3A_12 = arith.constant 640 : i32
    %scan3A_13 = arith.constant 0 : i32
    %scan3A_14 = arith.constant 5 : i32
    %scan3A_15 = arith.addi %scan3A_13, %scan3A_14 : i32
    %scan3A_16 = arith.constant 1 : i32
    scf.for %scan3A_33 = %scan3A_13 to %scan3A_15 step %scan3A_16  : i32 {
      %mul3A_34 = arith.constant 1 : i32
      %mul3A_35 = arith.muli %scan3A_33, %mul3A_34 : i32
      %add3A_36 = arith.constant 0 : i32
      %add3A_37 = arith.addi %add3A_36, %mul3A_35 : i32
      %mul3A_38 = arith.constant 128 : i32
      %mul3A_39 = arith.muli %add3A_37, %mul3A_38 : i32
      %add3A_40 = arith.addi %mul3A_0, %mul3A_39 : i32
      "tpu.region"() ({
        %run_scoped3A = tpu.sem_alloc : memref<!tpu.dma_semaphore, #tpu.memory_space<semaphore_mem>>
        %dma_start3A = arith.constant 0 : i32
        %dma_start3A_41 = tpu.memref_slice %arg8[%add3A_40, %dma_start3A] : memref<10240x128xf32, #tpu.memory_space<vmem_shared>> -> memref<128x128xf32, #tpu.memory_space<vmem_shared>>
        %dma_start3A_42 = arith.constant 0 : i32
        %dma_start3A_43 = tpu.memref_slice %arg8[%add3A_40, %dma_start3A_42] : memref<10240x128xf32, #tpu.memory_space<vmem_shared>> -> memref<128x128xf32, #tpu.memory_space<vmem_shared>>
        tpu.enqueue_dma source(%arg11 : memref<128x128xf32, #tpu.memory_space<vmem>>) target(%dma_start3A_43 : memref<128x128xf32, #tpu.memory_space<vmem_shared>>) target_semaphore(%run_scoped3A : memref<!tpu.dma_semaphore, #tpu.memory_space<semaphore_mem>>)
        %dma_wait3A = arith.constant 0 : i32
        %dma_wait3A_44 = tpu.memref_slice %arg8[%add3A_40, %dma_wait3A] : memref<10240x128xf32, #tpu.memory_space<vmem_shared>> -> memref<128x128xf32, #tpu.memory_space<vmem_shared>>
        %dma_wait3A_45 = arith.constant 0 : i32
        %dma_wait3A_46 = tpu.memref_slice %arg8[%add3A_40, %dma_wait3A_45] : memref<10240x128xf32, #tpu.memory_space<vmem_shared>> -> memref<128x128xf32, #tpu.memory_space<vmem_shared>>
        tpu.wait_dma2 semaphore(%run_scoped3A : memref<!tpu.dma_semaphore, #tpu.memory_space<semaphore_mem>>) src(%arg11 : memref<128x128xf32, #tpu.memory_space<vmem>>) dst(%dma_wait3A_46 : memref<128x128xf32, #tpu.memory_space<vmem_shared>>)
        tpu.yield
      }) : () -> ()
    }
    %scan3A_17 = arith.constant 5 : i32
    %barrier3A = arith.constant 0 : index
    tpu.barrier barrier_id(%barrier3A)
    %broadcast_in_dim3A_18 = arith.constant 1.000000e+00 : f32
    %broadcast_in_dim3A_19 = vector.broadcast %broadcast_in_dim3A_18 : f32 to vector<16xf32>
    %scan3A_20 = arith.constant 0 : i32
    %scan3A_21 = arith.constant 5 : i32
    %scan3A_22 = arith.addi %scan3A_20, %scan3A_21 : i32
    %scan3A_23 = arith.constant 1 : i32
    scf.for %scan3A_33 = %scan3A_20 to %scan3A_22 step %scan3A_23  : i32 {
      %mul3A_34 = arith.constant 8 : i32
      %mul3A_35 = arith.muli %scan3A_33, %mul3A_34 : i32
      %add3A_36 = arith.constant 0 : i32
      %add3A_37 = arith.addi %add3A_36, %mul3A_35 : i32
      "tpu.region"() ({
        %run_scoped3A = tpu.sem_alloc : memref<!tpu.dma_semaphore, #tpu.memory_space<semaphore_mem>>
        %dma_start3A_515 = arith.constant 0 : i32
        %dma_start3A_516 = tpu.memref_slice %arg3[%add3A, %add3A_37, %dma_start3A_515] : memref<32x40x128xi32, #tpu.memory_space<hbm>> -> memref<1x8x128xi32, #tpu.memory_space<hbm>>
        %dma_start3A_517 = tpu.memref_squeeze %dma_start3A_516 : memref<1x8x128xi32, #tpu.memory_space<hbm>> -> memref<8x128xi32, #tpu.memory_space<hbm>>
        %dma_start3A_518 = arith.constant 0 : i32
        %dma_start3A_519 = tpu.memref_slice %arg3[%add3A, %add3A_37, %dma_start3A_518] : memref<32x40x128xi32, #tpu.memory_space<hbm>> -> memref<1x8x128xi32, #tpu.memory_space<hbm>>
        %dma_start3A_520 = tpu.memref_squeeze %dma_start3A_519 : memref<1x8x128xi32, #tpu.memory_space<hbm>> -> memref<8x128xi32, #tpu.memory_space<hbm>>
        tpu.enqueue_dma source(%dma_start3A_520 : memref<8x128xi32, #tpu.memory_space<hbm>>) target(%arg9 : memref<8x128xi32, #tpu.memory_space<vmem>>) target_semaphore(%run_scoped3A : memref<!tpu.dma_semaphore, #tpu.memory_space<semaphore_mem>>)
        %dma_wait3A_521 = arith.constant 0 : i32
        %dma_wait3A_522 = tpu.memref_slice %arg3[%add3A, %add3A_37, %dma_wait3A_521] : memref<32x40x128xi32, #tpu.memory_space<hbm>> -> memref<1x8x128xi32, #tpu.memory_space<hbm>>
        %dma_wait3A_523 = tpu.memref_squeeze %dma_wait3A_522 : memref<1x8x128xi32, #tpu.memory_space<hbm>> -> memref<8x128xi32, #tpu.memory_space<hbm>>
        %dma_wait3A_524 = arith.constant 0 : i32
        %dma_wait3A_525 = tpu.memref_slice %arg3[%add3A, %add3A_37, %dma_wait3A_524] : memref<32x40x128xi32, #tpu.memory_space<hbm>> -> memref<1x8x128xi32, #tpu.memory_space<hbm>>
        %dma_wait3A_526 = tpu.memref_squeeze %dma_wait3A_525 : memref<1x8x128xi32, #tpu.memory_space<hbm>> -> memref<8x128xi32, #tpu.memory_space<hbm>>
        tpu.wait_dma2 semaphore(%run_scoped3A : memref<!tpu.dma_semaphore, #tpu.memory_space<semaphore_mem>>) src(%dma_wait3A_526 : memref<8x128xi32, #tpu.memory_space<hbm>>) dst(%arg9 : memref<8x128xi32, #tpu.memory_space<vmem>>)
        tpu.yield
      }) : () -> ()
      "tpu.region"() ({
        %run_scoped3A = tpu.sem_alloc : memref<!tpu.dma_semaphore, #tpu.memory_space<semaphore_mem>>
        %dma_start3A_515 = arith.constant 0 : i32
        %dma_start3A_516 = tpu.memref_slice %arg4[%add3A, %add3A_37, %dma_start3A_515] : memref<32x40x128xi32, #tpu.memory_space<hbm>> -> memref<1x8x128xi32, #tpu.memory_space<hbm>>
        %dma_start3A_517 = tpu.memref_squeeze %dma_start3A_516 : memref<1x8x128xi32, #tpu.memory_space<hbm>> -> memref<8x128xi32, #tpu.memory_space<hbm>>
        %dma_start3A_518 = arith.constant 0 : i32
        %dma_start3A_519 = tpu.memref_slice %arg4[%add3A, %add3A_37, %dma_start3A_518] : memref<32x40x128xi32, #tpu.memory_space<hbm>> -> memref<1x8x128xi32, #tpu.memory_space<hbm>>
        %dma_start3A_520 = tpu.memref_squeeze %dma_start3A_519 : memref<1x8x128xi32, #tpu.memory_space<hbm>> -> memref<8x128xi32, #tpu.memory_space<hbm>>
        tpu.enqueue_dma source(%dma_start3A_520 : memref<8x128xi32, #tpu.memory_space<hbm>>) target(%arg10 : memref<8x128xi32, #tpu.memory_space<vmem>>) target_semaphore(%run_scoped3A : memref<!tpu.dma_semaphore, #tpu.memory_space<semaphore_mem>>)
        %dma_wait3A_521 = arith.constant 0 : i32
        %dma_wait3A_522 = tpu.memref_slice %arg4[%add3A, %add3A_37, %dma_wait3A_521] : memref<32x40x128xi32, #tpu.memory_space<hbm>> -> memref<1x8x128xi32, #tpu.memory_space<hbm>>
        %dma_wait3A_523 = tpu.memref_squeeze %dma_wait3A_522 : memref<1x8x128xi32, #tpu.memory_space<hbm>> -> memref<8x128xi32, #tpu.memory_space<hbm>>
        %dma_wait3A_524 = arith.constant 0 : i32
        %dma_wait3A_525 = tpu.memref_slice %arg4[%add3A, %add3A_37, %dma_wait3A_524] : memref<32x40x128xi32, #tpu.memory_space<hbm>> -> memref<1x8x128xi32, #tpu.memory_space<hbm>>
        %dma_wait3A_526 = tpu.memref_squeeze %dma_wait3A_525 : memref<1x8x128xi32, #tpu.memory_space<hbm>> -> memref<8x128xi32, #tpu.memory_space<hbm>>
        tpu.wait_dma2 semaphore(%run_scoped3A : memref<!tpu.dma_semaphore, #tpu.memory_space<semaphore_mem>>) src(%dma_wait3A_526 : memref<8x128xi32, #tpu.memory_space<hbm>>) dst(%arg10 : memref<8x128xi32, #tpu.memory_space<vmem>>)
        tpu.yield
      }) : () -> ()
      %dma_start3A = arith.constant 0 : i32
      %dma_start3A_38 = arith.constant 0 : i32
      %dma_start3A_39 = tpu.memref_slice %arg9[%dma_start3A, %dma_start3A_38] : memref<8x128xi32, #tpu.memory_space<vmem>> -> memref<1x128xi32, #tpu.memory_space<vmem>>
      %dma_start3A_40 = tpu.memref_squeeze %dma_start3A_39 : memref<1x128xi32, #tpu.memory_space<vmem>> -> memref<128xi32, #tpu.memory_space<vmem>>
      %dma_start3A_41 = arith.constant 0 : i32
      %dma_start3A_42 = arith.constant 0 : i32
      %dma_start3A_43 = tpu.memref_slice %arg2[%dma_start3A_41, %dma_start3A_42] : memref<10000x128xf32, #tpu.memory_space<hbm>> -> memref<10000x128xf32, #tpu.memory_space<hbm>>
      tpu.enqueue_indirect_dma source(%dma_start3A_43 : memref<10000x128xf32, #tpu.memory_space<hbm>>) target(%arg11 : memref<128x128xf32, #tpu.memory_space<vmem>>) offsets(%dma_start3A_40 : memref<128xi32, #tpu.memory_space<vmem>>) semaphore(%arg14 : memref<!tpu.dma_semaphore, #tpu.memory_space<semaphore_mem>>)
      %dma_start3A_44 = arith.constant 1 : i32
      %dma_start3A_45 = arith.constant 0 : i32
      %dma_start3A_46 = tpu.memref_slice %arg9[%dma_start3A_44, %dma_start3A_45] : memref<8x128xi32, #tpu.memory_space<vmem>> -> memref<1x128xi32, #tpu.memory_space<vmem>>
      %dma_start3A_47 = tpu.memref_squeeze %dma_start3A_46 : memref<1x128xi32, #tpu.memory_space<vmem>> -> memref<128xi32, #tpu.memory_space<vmem>>
      %dma_start3A_48 = arith.constant 0 : i32
      %dma_start3A_49 = arith.constant 0 : i32
      %dma_start3A_50 = tpu.memref_slice %arg2[%dma_start3A_48, %dma_start3A_49] : memref<10000x128xf32, #tpu.memory_space<hbm>> -> memref<10000x128xf32, #tpu.memory_space<hbm>>
      tpu.enqueue_indirect_dma source(%dma_start3A_50 : memref<10000x128xf32, #tpu.memory_space<hbm>>) target(%arg12 : memref<128x128xf32, #tpu.memory_space<vmem>>) offsets(%dma_start3A_47 : memref<128xi32, #tpu.memory_space<vmem>>) semaphore(%arg15 : memref<!tpu.dma_semaphore, #tpu.memory_space<semaphore_mem>>)
      %dma_wait3A = arith.constant 0 : i32
      %dma_wait3A_51 = arith.constant 0 : i32
      %dma_wait3A_52 = tpu.memref_slice %arg9[%dma_wait3A, %dma_wait3A_51] : memref<8x128xi32, #tpu.memory_space<vmem>> -> memref<1x128xi32, #tpu.memory_space<vmem>>
      %dma_wait3A_53 = tpu.memref_squeeze %dma_wait3A_52 : memref<1x128xi32, #tpu.memory_space<vmem>> -> memref<128xi32, #tpu.memory_space<vmem>>
      %dma_wait3A_54 = arith.constant 0 : i32
      %dma_wait3A_55 = arith.constant 0 : i32
      %dma_wait3A_56 = tpu.memref_slice %arg2[%dma_wait3A_54, %dma_wait3A_55] : memref<10000x128xf32, #tpu.memory_space<hbm>> -> memref<10000x128xf32, #tpu.memory_space<hbm>>
      tpu.wait_indirect_dma semaphore(%arg14 : memref<!tpu.dma_semaphore, #tpu.memory_space<semaphore_mem>>) src(%dma_wait3A_56 : memref<10000x128xf32, #tpu.memory_space<hbm>>) dst(%arg11 : memref<128x128xf32, #tpu.memory_space<vmem>>)
      %dma_start3A_57 = arith.constant 0 : i32
      %dma_start3A_58 = arith.constant 0 : i32
      %dma_start3A_59 = tpu.memref_slice %arg10[%dma_start3A_57, %dma_start3A_58] : memref<8x128xi32, #tpu.memory_space<vmem>> -> memref<1x128xi32, #tpu.memory_space<vmem>>
      %dma_start3A_60 = tpu.memref_squeeze %dma_start3A_59 : memref<1x128xi32, #tpu.memory_space<vmem>> -> memref<128xi32, #tpu.memory_space<vmem>>
      %dma_start3A_61 = arith.constant 0 : i32
      %dma_start3A_62 = arith.constant 0 : i32
      %dma_start3A_63 = tpu.memref_slice %arg8[%dma_start3A_61, %dma_start3A_62] : memref<10240x128xf32, #tpu.memory_space<vmem_shared>> -> memref<10240x128xf32, #tpu.memory_space<vmem_shared>>
      tpu.enqueue_indirect_dma source(%arg11 : memref<128x128xf32, #tpu.memory_space<vmem>>) target(%dma_start3A_63 : memref<10240x128xf32, #tpu.memory_space<vmem_shared>>) offsets(%dma_start3A_60 : memref<128xi32, #tpu.memory_space<vmem>>) semaphore(%arg16 : memref<!tpu.dma_semaphore, #tpu.memory_space<semaphore_mem>>) {add = true}
      %get3A = arith.constant 0 : i32
      %get3A_64 = arith.index_cast %get3A : i32 to index
      %get3A_65 = arith.constant 0 : index
      %get3A_66 = tpu.vector_load %arg10[%get3A_64, %get3A_65] {strides = array<i32>} : memref<8x128xi32, #tpu.memory_space<vmem>>, vector<16xi32>,
      tpu.vector_store_idx %arg13[%get3A_66], %broadcast_in_dim3A_19 {add = true} : memref<10240xf32, #tpu.memory_space<vmem>>[vector<16xi32>], vector<16xf32>,
      %get3A_67 = arith.constant 0 : i32
      %get3A_68 = arith.index_cast %get3A_67 : i32 to index
      %get3A_69 = arith.constant 16 : index
      %get3A_70 = tpu.vector_load %arg10[%get3A_68, %get3A_69] {strides = array<i32>} : memref<8x128xi32, #tpu.memory_space<vmem>>, vector<16xi32>,
      tpu.vector_store_idx %arg13[%get3A_70], %broadcast_in_dim3A_19 {add = true} : memref<10240xf32, #tpu.memory_space<vmem>>[vector<16xi32>], vector<16xf32>,
      %get3A_71 = arith.constant 0 : i32
      %get3A_72 = arith.index_cast %get3A_71 : i32 to index
      %get3A_73 = arith.constant 32 : index
      %get3A_74 = tpu.vector_load %arg10[%get3A_72, %get3A_73] {strides = array<i32>} : memref<8x128xi32, #tpu.memory_space<vmem>>, vector<16xi32>,
      tpu.vector_store_idx %arg13[%get3A_74], %broadcast_in_dim3A_19 {add = true} : memref<10240xf32, #tpu.memory_space<vmem>>[vector<16xi32>], vector<16xf32>,
      %get3A_75 = arith.constant 0 : i32
      %get3A_76 = arith.index_cast %get3A_75 : i32 to index
      %get3A_77 = arith.constant 48 : index
      %get3A_78 = tpu.vector_load %arg10[%get3A_76, %get3A_77] {strides = array<i32>} : memref<8x128xi32, #tpu.memory_space<vmem>>, vector<16xi32>,
      tpu.vector_store_idx %arg13[%get3A_78], %broadcast_in_dim3A_19 {add = true} : memref<10240xf32, #tpu.memory_space<vmem>>[vector<16xi32>], vector<16xf32>,
      %get3A_79 = arith.constant 0 : i32
      %get3A_80 = arith.index_cast %get3A_79 : i32 to index
      %get3A_81 = arith.constant 64 : index
      %get3A_82 = tpu.vector_load %arg10[%get3A_80, %get3A_81] {strides = array<i32>} : memref<8x128xi32, #tpu.memory_space<vmem>>, vector<16xi32>,
      tpu.vector_store_idx %arg13[%get3A_82], %broadcast_in_dim3A_19 {add = true} : memref<10240xf32, #tpu.memory_space<vmem>>[vector<16xi32>], vector<16xf32>,
      %get3A_83 = arith.constant 0 : i32
      %get3A_84 = arith.index_cast %get3A_83 : i32 to index
      %get3A_85 = arith.constant 80 : index
      %get3A_86 = tpu.vector_load %arg10[%get3A_84, %get3A_85] {strides = array<i32>} : memref<8x128xi32, #tpu.memory_space<vmem>>, vector<16xi32>,
      tpu.vector_store_idx %arg13[%get3A_86], %broadcast_in_dim3A_19 {add = true} : memref<10240xf32, #tpu.memory_space<vmem>>[vector<16xi32>], vector<16xf32>,
      %get3A_87 = arith.constant 0 : i32
      %get3A_88 = arith.index_cast %get3A_87 : i32 to index
      %get3A_89 = arith.constant 96 : index
      %get3A_90 = tpu.vector_load %arg10[%get3A_88, %get3A_89] {strides = array<i32>} : memref<8x128xi32, #tpu.memory_space<vmem>>, vector<16xi32>,
      tpu.vector_store_idx %arg13[%get3A_90], %broadcast_in_dim3A_19 {add = true} : memref<10240xf32, #tpu.memory_space<vmem>>[vector<16xi32>], vector<16xf32>,
      %get3A_91 = arith.constant 0 : i32
      %get3A_92 = arith.index_cast %get3A_91 : i32 to index
      %get3A_93 = arith.constant 112 : index
      %get3A_94 = tpu.vector_load %arg10[%get3A_92, %get3A_93] {strides = array<i32>} : memref<8x128xi32, #tpu.memory_space<vmem>>, vector<16xi32>,
      tpu.vector_store_idx %arg13[%get3A_94], %broadcast_in_dim3A_19 {add = true} : memref<10240xf32, #tpu.memory_space<vmem>>[vector<16xi32>], vector<16xf32>,
      %dma_wait3A_95 = arith.constant 0 : i32
      %dma_wait3A_96 = arith.constant 0 : i32
      %dma_wait3A_97 = tpu.memref_slice %arg10[%dma_wait3A_95, %dma_wait3A_96] : memref<8x128xi32, #tpu.memory_space<vmem>> -> memref<1x128xi32, #tpu.memory_space<vmem>>
      %dma_wait3A_98 = tpu.memref_squeeze %dma_wait3A_97 : memref<1x128xi32, #tpu.memory_space<vmem>> -> memref<128xi32, #tpu.memory_space<vmem>>
      %dma_wait3A_99 = arith.constant 0 : i32
      %dma_wait3A_100 = arith.constant 0 : i32
      %dma_wait3A_101 = tpu.memref_slice %arg8[%dma_wait3A_99, %dma_wait3A_100] : memref<10240x128xf32, #tpu.memory_space<vmem_shared>> -> memref<10240x128xf32, #tpu.memory_space<vmem_shared>>
      tpu.wait_indirect_dma semaphore(%arg16 : memref<!tpu.dma_semaphore, #tpu.memory_space<semaphore_mem>>) src(%arg11 : memref<128x128xf32, #tpu.memory_space<vmem>>) dst(%dma_wait3A_101 : memref<10240x128xf32, #tpu.memory_space<vmem_shared>>)
      %dma_start3A_102 = arith.constant 2 : i32
      %dma_start3A_103 = arith.constant 0 : i32
      %dma_start3A_104 = tpu.memref_slice %arg9[%dma_start3A_102, %dma_start3A_103] : memref<8x128xi32, #tpu.memory_space<vmem>> -> memref<1x128xi32, #tpu.memory_space<vmem>>
      %dma_start3A_105 = tpu.memref_squeeze %dma_start3A_104 : memref<1x128xi32, #tpu.memory_space<vmem>> -> memref<128xi32, #tpu.memory_space<vmem>>
      %dma_start3A_106 = arith.constant 0 : i32
      %dma_start3A_107 = arith.constant 0 : i32
      %dma_start3A_108 = tpu.memref_slice %arg2[%dma_start3A_106, %dma_start3A_107] : memref<10000x128xf32, #tpu.memory_space<hbm>> -> memref<10000x128xf32, #tpu.memory_space<hbm>>
      tpu.enqueue_indirect_dma source(%dma_start3A_108 : memref<10000x128xf32, #tpu.memory_space<hbm>>) target(%arg11 : memref<128x128xf32, #tpu.memory_space<vmem>>) offsets(%dma_start3A_105 : memref<128xi32, #tpu.memory_space<vmem>>) semaphore(%arg14 : memref<!tpu.dma_semaphore, #tpu.memory_space<semaphore_mem>>)
      %dma_wait3A_109 = arith.constant 1 : i32
      %dma_wait3A_110 = arith.constant 0 : i32
      %dma_wait3A_111 = tpu.memref_slice %arg9[%dma_wait3A_109, %dma_wait3A_110] : memref<8x128xi32, #tpu.memory_space<vmem>> -> memref<1x128xi32, #tpu.memory_space<vmem>>
      %dma_wait3A_112 = tpu.memref_squeeze %dma_wait3A_111 : memref<1x128xi32, #tpu.memory_space<vmem>> -> memref<128xi32, #tpu.memory_space<vmem>>
      %dma_wait3A_113 = arith.constant 0 : i32
      %dma_wait3A_114 = arith.constant 0 : i32
      %dma_wait3A_115 = tpu.memref_slice %arg2[%dma_wait3A_113, %dma_wait3A_114] : memref<10000x128xf32, #tpu.memory_space<hbm>> -> memref<10000x128xf32, #tpu.memory_space<hbm>>
      tpu.wait_indirect_dma semaphore(%arg15 : memref<!tpu.dma_semaphore, #tpu.memory_space<semaphore_mem>>) src(%dma_wait3A_115 : memref<10000x128xf32, #tpu.memory_space<hbm>>) dst(%arg12 : memref<128x128xf32, #tpu.memory_space<vmem>>)
      %dma_start3A_116 = arith.constant 1 : i32
      %dma_start3A_117 = arith.constant 0 : i32
      %dma_start3A_118 = tpu.memref_slice %arg10[%dma_start3A_116, %dma_start3A_117] : memref<8x128xi32, #tpu.memory_space<vmem>> -> memref<1x128xi32, #tpu.memory_space<vmem>>
      %dma_start3A_119 = tpu.memref_squeeze %dma_start3A_118 : memref<1x128xi32, #tpu.memory_space<vmem>> -> memref<128xi32, #tpu.memory_space<vmem>>
      %dma_start3A_120 = arith.constant 0 : i32
      %dma_start3A_121 = arith.constant 0 : i32
      %dma_start3A_122 = tpu.memref_slice %arg8[%dma_start3A_120, %dma_start3A_121] : memref<10240x128xf32, #tpu.memory_space<vmem_shared>> -> memref<10240x128xf32, #tpu.memory_space<vmem_shared>>
      tpu.enqueue_indirect_dma source(%arg12 : memref<128x128xf32, #tpu.memory_space<vmem>>) target(%dma_start3A_122 : memref<10240x128xf32, #tpu.memory_space<vmem_shared>>) offsets(%dma_start3A_119 : memref<128xi32, #tpu.memory_space<vmem>>) semaphore(%arg17 : memref<!tpu.dma_semaphore, #tpu.memory_space<semaphore_mem>>) {add = true}
      %get3A_123 = arith.constant 1 : i32
      %get3A_124 = arith.index_cast %get3A_123 : i32 to index
      %get3A_125 = arith.constant 0 : index
      %get3A_126 = tpu.vector_load %arg10[%get3A_124, %get3A_125] {strides = array<i32>} : memref<8x128xi32, #tpu.memory_space<vmem>>, vector<16xi32>,
      tpu.vector_store_idx %arg13[%get3A_126], %broadcast_in_dim3A_19 {add = true} : memref<10240xf32, #tpu.memory_space<vmem>>[vector<16xi32>], vector<16xf32>,
      %get3A_127 = arith.constant 1 : i32
      %get3A_128 = arith.index_cast %get3A_127 : i32 to index
      %get3A_129 = arith.constant 16 : index
      %get3A_130 = tpu.vector_load %arg10[%get3A_128, %get3A_129] {strides = array<i32>} : memref<8x128xi32, #tpu.memory_space<vmem>>, vector<16xi32>,
      tpu.vector_store_idx %arg13[%get3A_130], %broadcast_in_dim3A_19 {add = true} : memref<10240xf32, #tpu.memory_space<vmem>>[vector<16xi32>], vector<16xf32>,
      %get3A_131 = arith.constant 1 : i32
      %get3A_132 = arith.index_cast %get3A_131 : i32 to index
      %get3A_133 = arith.constant 32 : index
      %get3A_134 = tpu.vector_load %arg10[%get3A_132, %get3A_133] {strides = array<i32>} : memref<8x128xi32, #tpu.memory_space<vmem>>, vector<16xi32>,
      tpu.vector_store_idx %arg13[%get3A_134], %broadcast_in_dim3A_19 {add = true} : memref<10240xf32, #tpu.memory_space<vmem>>[vector<16xi32>], vector<16xf32>,
      %get3A_135 = arith.constant 1 : i32
      %get3A_136 = arith.index_cast %get3A_135 : i32 to index
      %get3A_137 = arith.constant 48 : index
      %get3A_138 = tpu.vector_load %arg10[%get3A_136, %get3A_137] {strides = array<i32>} : memref<8x128xi32, #tpu.memory_space<vmem>>, vector<16xi32>,
      tpu.vector_store_idx %arg13[%get3A_138], %broadcast_in_dim3A_19 {add = true} : memref<10240xf32, #tpu.memory_space<vmem>>[vector<16xi32>], vector<16xf32>,
      %get3A_139 = arith.constant 1 : i32
      %get3A_140 = arith.index_cast %get3A_139 : i32 to index
      %get3A_141 = arith.constant 64 : index
      %get3A_142 = tpu.vector_load %arg10[%get3A_140, %get3A_141] {strides = array<i32>} : memref<8x128xi32, #tpu.memory_space<vmem>>, vector<16xi32>,
      tpu.vector_store_idx %arg13[%get3A_142], %broadcast_in_dim3A_19 {add = true} : memref<10240xf32, #tpu.memory_space<vmem>>[vector<16xi32>], vector<16xf32>,
      %get3A_143 = arith.constant 1 : i32
      %get3A_144 = arith.index_cast %get3A_143 : i32 to index
      %get3A_145 = arith.constant 80 : index
      %get3A_146 = tpu.vector_load %arg10[%get3A_144, %get3A_145] {strides = array<i32>} : memref<8x128xi32, #tpu.memory_space<vmem>>, vector<16xi32>,
      tpu.vector_store_idx %arg13[%get3A_146], %broadcast_in_dim3A_19 {add = true} : memref<10240xf32, #tpu.memory_space<vmem>>[vector<16xi32>], vector<16xf32>,
      %get3A_147 = arith.constant 1 : i32
      %get3A_148 = arith.index_cast %get3A_147 : i32 to index
      %get3A_149 = arith.constant 96 : index
      %get3A_150 = tpu.vector_load %arg10[%get3A_148, %get3A_149] {strides = array<i32>} : memref<8x128xi32, #tpu.memory_space<vmem>>, vector<16xi32>,
      tpu.vector_store_idx %arg13[%get3A_150], %broadcast_in_dim3A_19 {add = true} : memref<10240xf32, #tpu.memory_space<vmem>>[vector<16xi32>], vector<16xf32>,
      %get3A_151 = arith.constant 1 : i32
      %get3A_152 = arith.index_cast %get3A_151 : i32 to index
      %get3A_153 = arith.constant 112 : index
      %get3A_154 = tpu.vector_load %arg10[%get3A_152, %get3A_153] {strides = array<i32>} : memref<8x128xi32, #tpu.memory_space<vmem>>, vector<16xi32>,
      tpu.vector_store_idx %arg13[%get3A_154], %broadcast_in_dim3A_19 {add = true} : memref<10240xf32, #tpu.memory_space<vmem>>[vector<16xi32>], vector<16xf32>,
      %dma_wait3A_155 = arith.constant 1 : i32
      %dma_wait3A_156 = arith.constant 0 : i32
      %dma_wait3A_157 = tpu.memref_slice %arg10[%dma_wait3A_155, %dma_wait3A_156] : memref<8x128xi32, #tpu.memory_space<vmem>> -> memref<1x128xi32, #tpu.memory_space<vmem>>
      %dma_wait3A_158 = tpu.memref_squeeze %dma_wait3A_157 : memref<1x128xi32, #tpu.memory_space<vmem>> -> memref<128xi32, #tpu.memory_space<vmem>>
      %dma_wait3A_159 = arith.constant 0 : i32
      %dma_wait3A_160 = arith.constant 0 : i32
      %dma_wait3A_161 = tpu.memref_slice %arg8[%dma_wait3A_159, %dma_wait3A_160] : memref<10240x128xf32, #tpu.memory_space<vmem_shared>> -> memref<10240x128xf32, #tpu.memory_space<vmem_shared>>
      tpu.wait_indirect_dma semaphore(%arg17 : memref<!tpu.dma_semaphore, #tpu.memory_space<semaphore_mem>>) src(%arg12 : memref<128x128xf32, #tpu.memory_space<vmem>>) dst(%dma_wait3A_161 : memref<10240x128xf32, #tpu.memory_space<vmem_shared>>)
      %dma_start3A_162 = arith.constant 3 : i32
      %dma_start3A_163 = arith.constant 0 : i32
      %dma_start3A_164 = tpu.memref_slice %arg9[%dma_start3A_162, %dma_start3A_163] : memref<8x128xi32, #tpu.memory_space<vmem>> -> memref<1x128xi32, #tpu.memory_space<vmem>>
      %dma_start3A_165 = tpu.memref_squeeze %dma_start3A_164 : memref<1x128xi32, #tpu.memory_space<vmem>> -> memref<128xi32, #tpu.memory_space<vmem>>
      %dma_start3A_166 = arith.constant 0 : i32
      %dma_start3A_167 = arith.constant 0 : i32
      %dma_start3A_168 = tpu.memref_slice %arg2[%dma_start3A_166, %dma_start3A_167] : memref<10000x128xf32, #tpu.memory_space<hbm>> -> memref<10000x128xf32, #tpu.memory_space<hbm>>
      tpu.enqueue_indirect_dma source(%dma_start3A_168 : memref<10000x128xf32, #tpu.memory_space<hbm>>) target(%arg12 : memref<128x128xf32, #tpu.memory_space<vmem>>) offsets(%dma_start3A_165 : memref<128xi32, #tpu.memory_space<vmem>>) semaphore(%arg15 : memref<!tpu.dma_semaphore, #tpu.memory_space<semaphore_mem>>)
      %dma_wait3A_169 = arith.constant 2 : i32
      %dma_wait3A_170 = arith.constant 0 : i32
      %dma_wait3A_171 = tpu.memref_slice %arg9[%dma_wait3A_169, %dma_wait3A_170] : memref<8x128xi32, #tpu.memory_space<vmem>> -> memref<1x128xi32, #tpu.memory_space<vmem>>
      %dma_wait3A_172 = tpu.memref_squeeze %dma_wait3A_171 : memref<1x128xi32, #tpu.memory_space<vmem>> -> memref<128xi32, #tpu.memory_space<vmem>>
      %dma_wait3A_173 = arith.constant 0 : i32
      %dma_wait3A_174 = arith.constant 0 : i32
      %dma_wait3A_175 = tpu.memref_slice %arg2[%dma_wait3A_173, %dma_wait3A_174] : memref<10000x128xf32, #tpu.memory_space<hbm>> -> memref<10000x128xf32, #tpu.memory_space<hbm>>
      tpu.wait_indirect_dma semaphore(%arg14 : memref<!tpu.dma_semaphore, #tpu.memory_space<semaphore_mem>>) src(%dma_wait3A_175 : memref<10000x128xf32, #tpu.memory_space<hbm>>) dst(%arg11 : memref<128x128xf32, #tpu.memory_space<vmem>>)
      %dma_start3A_176 = arith.constant 2 : i32
      %dma_start3A_177 = arith.constant 0 : i32
      %dma_start3A_178 = tpu.memref_slice %arg10[%dma_start3A_176, %dma_start3A_177] : memref<8x128xi32, #tpu.memory_space<vmem>> -> memref<1x128xi32, #tpu.memory_space<vmem>>
      %dma_start3A_179 = tpu.memref_squeeze %dma_start3A_178 : memref<1x128xi32, #tpu.memory_space<vmem>> -> memref<128xi32, #tpu.memory_space<vmem>>
      %dma_start3A_180 = arith.constant 0 : i32
      %dma_start3A_181 = arith.constant 0 : i32
      %dma_start3A_182 = tpu.memref_slice %arg8[%dma_start3A_180, %dma_start3A_181] : memref<10240x128xf32, #tpu.memory_space<vmem_shared>> -> memref<10240x128xf32, #tpu.memory_space<vmem_shared>>
      tpu.enqueue_indirect_dma source(%arg11 : memref<128x128xf32, #tpu.memory_space<vmem>>) target(%dma_start3A_182 : memref<10240x128xf32, #tpu.memory_space<vmem_shared>>) offsets(%dma_start3A_179 : memref<128xi32, #tpu.memory_space<vmem>>) semaphore(%arg16 : memref<!tpu.dma_semaphore, #tpu.memory_space<semaphore_mem>>) {add = true}
      %get3A_183 = arith.constant 2 : i32
      %get3A_184 = arith.index_cast %get3A_183 : i32 to index
      %get3A_185 = arith.constant 0 : index
      %get3A_186 = tpu.vector_load %arg10[%get3A_184, %get3A_185] {strides = array<i32>} : memref<8x128xi32, #tpu.memory_space<vmem>>, vector<16xi32>,
      tpu.vector_store_idx %arg13[%get3A_186], %broadcast_in_dim3A_19 {add = true} : memref<10240xf32, #tpu.memory_space<vmem>>[vector<16xi32>], vector<16xf32>,
      %get3A_187 = arith.constant 2 : i32
      %get3A_188 = arith.index_cast %get3A_187 : i32 to index
      %get3A_189 = arith.constant 16 : index
      %get3A_190 = tpu.vector_load %arg10[%get3A_188, %get3A_189] {strides = array<i32>} : memref<8x128xi32, #tpu.memory_space<vmem>>, vector<16xi32>,
      tpu.vector_store_idx %arg13[%get3A_190], %broadcast_in_dim3A_19 {add = true} : memref<10240xf32, #tpu.memory_space<vmem>>[vector<16xi32>], vector<16xf32>,
      %get3A_191 = arith.constant 2 : i32
      %get3A_192 = arith.index_cast %get3A_191 : i32 to index
      %get3A_193 = arith.constant 32 : index
      %get3A_194 = tpu.vector_load %arg10[%get3A_192, %get3A_193] {strides = array<i32>} : memref<8x128xi32, #tpu.memory_space<vmem>>, vector<16xi32>,
      tpu.vector_store_idx %arg13[%get3A_194], %broadcast_in_dim3A_19 {add = true} : memref<10240xf32, #tpu.memory_space<vmem>>[vector<16xi32>], vector<16xf32>,
      %get3A_195 = arith.constant 2 : i32
      %get3A_196 = arith.index_cast %get3A_195 : i32 to index
      %get3A_197 = arith.constant 48 : index
      %get3A_198 = tpu.vector_load %arg10[%get3A_196, %get3A_197] {strides = array<i32>} : memref<8x128xi32, #tpu.memory_space<vmem>>, vector<16xi32>,
      tpu.vector_store_idx %arg13[%get3A_198], %broadcast_in_dim3A_19 {add = true} : memref<10240xf32, #tpu.memory_space<vmem>>[vector<16xi32>], vector<16xf32>,
      %get3A_199 = arith.constant 2 : i32
      %get3A_200 = arith.index_cast %get3A_199 : i32 to index
      %get3A_201 = arith.constant 64 : index
      %get3A_202 = tpu.vector_load %arg10[%get3A_200, %get3A_201] {strides = array<i32>} : memref<8x128xi32, #tpu.memory_space<vmem>>, vector<16xi32>,
      tpu.vector_store_idx %arg13[%get3A_202], %broadcast_in_dim3A_19 {add = true} : memref<10240xf32, #tpu.memory_space<vmem>>[vector<16xi32>], vector<16xf32>,
      %get3A_203 = arith.constant 2 : i32
      %get3A_204 = arith.index_cast %get3A_203 : i32 to index
      %get3A_205 = arith.constant 80 : index
      %get3A_206 = tpu.vector_load %arg10[%get3A_204, %get3A_205] {strides = array<i32>} : memref<8x128xi32, #tpu.memory_space<vmem>>, vector<16xi32>,
      tpu.vector_store_idx %arg13[%get3A_206], %broadcast_in_dim3A_19 {add = true} : memref<10240xf32, #tpu.memory_space<vmem>>[vector<16xi32>], vector<16xf32>,
      %get3A_207 = arith.constant 2 : i32
      %get3A_208 = arith.index_cast %get3A_207 : i32 to index
      %get3A_209 = arith.constant 96 : index
      %get3A_210 = tpu.vector_load %arg10[%get3A_208, %get3A_209] {strides = array<i32>} : memref<8x128xi32, #tpu.memory_space<vmem>>, vector<16xi32>,
      tpu.vector_store_idx %arg13[%get3A_210], %broadcast_in_dim3A_19 {add = true} : memref<10240xf32, #tpu.memory_space<vmem>>[vector<16xi32>], vector<16xf32>,
      %get3A_211 = arith.constant 2 : i32
      %get3A_212 = arith.index_cast %get3A_211 : i32 to index
      %get3A_213 = arith.constant 112 : index
      %get3A_214 = tpu.vector_load %arg10[%get3A_212, %get3A_213] {strides = array<i32>} : memref<8x128xi32, #tpu.memory_space<vmem>>, vector<16xi32>,
      tpu.vector_store_idx %arg13[%get3A_214], %broadcast_in_dim3A_19 {add = true} : memref<10240xf32, #tpu.memory_space<vmem>>[vector<16xi32>], vector<16xf32>,
      %dma_wait3A_215 = arith.constant 2 : i32
      %dma_wait3A_216 = arith.constant 0 : i32
      %dma_wait3A_217 = tpu.memref_slice %arg10[%dma_wait3A_215, %dma_wait3A_216] : memref<8x128xi32, #tpu.memory_space<vmem>> -> memref<1x128xi32, #tpu.memory_space<vmem>>
      %dma_wait3A_218 = tpu.memref_squeeze %dma_wait3A_217 : memref<1x128xi32, #tpu.memory_space<vmem>> -> memref<128xi32, #tpu.memory_space<vmem>>
      %dma_wait3A_219 = arith.constant 0 : i32
      %dma_wait3A_220 = arith.constant 0 : i32
      %dma_wait3A_221 = tpu.memref_slice %arg8[%dma_wait3A_219, %dma_wait3A_220] : memref<10240x128xf32, #tpu.memory_space<vmem_shared>> -> memref<10240x128xf32, #tpu.memory_space<vmem_shared>>
      tpu.wait_indirect_dma semaphore(%arg16 : memref<!tpu.dma_semaphore, #tpu.memory_space<semaphore_mem>>) src(%arg11 : memref<128x128xf32, #tpu.memory_space<vmem>>) dst(%dma_wait3A_221 : memref<10240x128xf32, #tpu.memory_space<vmem_shared>>)
      %dma_start3A_222 = arith.constant 4 : i32
      %dma_start3A_223 = arith.constant 0 : i32
      %dma_start3A_224 = tpu.memref_slice %arg9[%dma_start3A_222, %dma_start3A_223] : memref<8x128xi32, #tpu.memory_space<vmem>> -> memref<1x128xi32, #tpu.memory_space<vmem>>
      %dma_start3A_225 = tpu.memref_squeeze %dma_start3A_224 : memref<1x128xi32, #tpu.memory_space<vmem>> -> memref<128xi32, #tpu.memory_space<vmem>>
      %dma_start3A_226 = arith.constant 0 : i32
      %dma_start3A_227 = arith.constant 0 : i32
      %dma_start3A_228 = tpu.memref_slice %arg2[%dma_start3A_226, %dma_start3A_227] : memref<10000x128xf32, #tpu.memory_space<hbm>> -> memref<10000x128xf32, #tpu.memory_space<hbm>>
      tpu.enqueue_indirect_dma source(%dma_start3A_228 : memref<10000x128xf32, #tpu.memory_space<hbm>>) target(%arg11 : memref<128x128xf32, #tpu.memory_space<vmem>>) offsets(%dma_start3A_225 : memref<128xi32, #tpu.memory_space<vmem>>) semaphore(%arg14 : memref<!tpu.dma_semaphore, #tpu.memory_space<semaphore_mem>>)
      %dma_wait3A_229 = arith.constant 3 : i32
      %dma_wait3A_230 = arith.constant 0 : i32
      %dma_wait3A_231 = tpu.memref_slice %arg9[%dma_wait3A_229, %dma_wait3A_230] : memref<8x128xi32, #tpu.memory_space<vmem>> -> memref<1x128xi32, #tpu.memory_space<vmem>>
      %dma_wait3A_232 = tpu.memref_squeeze %dma_wait3A_231 : memref<1x128xi32, #tpu.memory_space<vmem>> -> memref<128xi32, #tpu.memory_space<vmem>>
      %dma_wait3A_233 = arith.constant 0 : i32
      %dma_wait3A_234 = arith.constant 0 : i32
      %dma_wait3A_235 = tpu.memref_slice %arg2[%dma_wait3A_233, %dma_wait3A_234] : memref<10000x128xf32, #tpu.memory_space<hbm>> -> memref<10000x128xf32, #tpu.memory_space<hbm>>
      tpu.wait_indirect_dma semaphore(%arg15 : memref<!tpu.dma_semaphore, #tpu.memory_space<semaphore_mem>>) src(%dma_wait3A_235 : memref<10000x128xf32, #tpu.memory_space<hbm>>) dst(%arg12 : memref<128x128xf32, #tpu.memory_space<vmem>>)
      %dma_start3A_236 = arith.constant 3 : i32
      %dma_start3A_237 = arith.constant 0 : i32
      %dma_start3A_238 = tpu.memref_slice %arg10[%dma_start3A_236, %dma_start3A_237] : memref<8x128xi32, #tpu.memory_space<vmem>> -> memref<1x128xi32, #tpu.memory_space<vmem>>
      %dma_start3A_239 = tpu.memref_squeeze %dma_start3A_238 : memref<1x128xi32, #tpu.memory_space<vmem>> -> memref<128xi32, #tpu.memory_space<vmem>>
      %dma_start3A_240 = arith.constant 0 : i32
      %dma_start3A_241 = arith.constant 0 : i32
      %dma_start3A_242 = tpu.memref_slice %arg8[%dma_start3A_240, %dma_start3A_241] : memref<10240x128xf32, #tpu.memory_space<vmem_shared>> -> memref<10240x128xf32, #tpu.memory_space<vmem_shared>>
      tpu.enqueue_indirect_dma source(%arg12 : memref<128x128xf32, #tpu.memory_space<vmem>>) target(%dma_start3A_242 : memref<10240x128xf32, #tpu.memory_space<vmem_shared>>) offsets(%dma_start3A_239 : memref<128xi32, #tpu.memory_space<vmem>>) semaphore(%arg17 : memref<!tpu.dma_semaphore, #tpu.memory_space<semaphore_mem>>) {add = true}
      %get3A_243 = arith.constant 3 : i32
      %get3A_244 = arith.index_cast %get3A_243 : i32 to index
      %get3A_245 = arith.constant 0 : index
      %get3A_246 = tpu.vector_load %arg10[%get3A_244, %get3A_245] {strides = array<i32>} : memref<8x128xi32, #tpu.memory_space<vmem>>, vector<16xi32>,
      tpu.vector_store_idx %arg13[%get3A_246], %broadcast_in_dim3A_19 {add = true} : memref<10240xf32, #tpu.memory_space<vmem>>[vector<16xi32>], vector<16xf32>,
      %get3A_247 = arith.constant 3 : i32
      %get3A_248 = arith.index_cast %get3A_247 : i32 to index
      %get3A_249 = arith.constant 16 : index
      %get3A_250 = tpu.vector_load %arg10[%get3A_248, %get3A_249] {strides = array<i32>} : memref<8x128xi32, #tpu.memory_space<vmem>>, vector<16xi32>,
      tpu.vector_store_idx %arg13[%get3A_250], %broadcast_in_dim3A_19 {add = true} : memref<10240xf32, #tpu.memory_space<vmem>>[vector<16xi32>], vector<16xf32>,
      %get3A_251 = arith.constant 3 : i32
      %get3A_252 = arith.index_cast %get3A_251 : i32 to index
      %get3A_253 = arith.constant 32 : index
      %get3A_254 = tpu.vector_load %arg10[%get3A_252, %get3A_253] {strides = array<i32>} : memref<8x128xi32, #tpu.memory_space<vmem>>, vector<16xi32>,
      tpu.vector_store_idx %arg13[%get3A_254], %broadcast_in_dim3A_19 {add = true} : memref<10240xf32, #tpu.memory_space<vmem>>[vector<16xi32>], vector<16xf32>,
      %get3A_255 = arith.constant 3 : i32
      %get3A_256 = arith.index_cast %get3A_255 : i32 to index
      %get3A_257 = arith.constant 48 : index
      %get3A_258 = tpu.vector_load %arg10[%get3A_256, %get3A_257] {strides = array<i32>} : memref<8x128xi32, #tpu.memory_space<vmem>>, vector<16xi32>,
      tpu.vector_store_idx %arg13[%get3A_258], %broadcast_in_dim3A_19 {add = true} : memref<10240xf32, #tpu.memory_space<vmem>>[vector<16xi32>], vector<16xf32>,
      %get3A_259 = arith.constant 3 : i32
      %get3A_260 = arith.index_cast %get3A_259 : i32 to index
      %get3A_261 = arith.constant 64 : index
      %get3A_262 = tpu.vector_load %arg10[%get3A_260, %get3A_261] {strides = array<i32>} : memref<8x128xi32, #tpu.memory_space<vmem>>, vector<16xi32>,
      tpu.vector_store_idx %arg13[%get3A_262], %broadcast_in_dim3A_19 {add = true} : memref<10240xf32, #tpu.memory_space<vmem>>[vector<16xi32>], vector<16xf32>,
      %get3A_263 = arith.constant 3 : i32
      %get3A_264 = arith.index_cast %get3A_263 : i32 to index
      %get3A_265 = arith.constant 80 : index
      %get3A_266 = tpu.vector_load %arg10[%get3A_264, %get3A_265] {strides = array<i32>} : memref<8x128xi32, #tpu.memory_space<vmem>>, vector<16xi32>,
      tpu.vector_store_idx %arg13[%get3A_266], %broadcast_in_dim3A_19 {add = true} : memref<10240xf32, #tpu.memory_space<vmem>>[vector<16xi32>], vector<16xf32>,
      %get3A_267 = arith.constant 3 : i32
      %get3A_268 = arith.index_cast %get3A_267 : i32 to index
      %get3A_269 = arith.constant 96 : index
      %get3A_270 = tpu.vector_load %arg10[%get3A_268, %get3A_269] {strides = array<i32>} : memref<8x128xi32, #tpu.memory_space<vmem>>, vector<16xi32>,
      tpu.vector_store_idx %arg13[%get3A_270], %broadcast_in_dim3A_19 {add = true} : memref<10240xf32, #tpu.memory_space<vmem>>[vector<16xi32>], vector<16xf32>,
      %get3A_271 = arith.constant 3 : i32
      %get3A_272 = arith.index_cast %get3A_271 : i32 to index
      %get3A_273 = arith.constant 112 : index
      %get3A_274 = tpu.vector_load %arg10[%get3A_272, %get3A_273] {strides = array<i32>} : memref<8x128xi32, #tpu.memory_space<vmem>>, vector<16xi32>,
      tpu.vector_store_idx %arg13[%get3A_274], %broadcast_in_dim3A_19 {add = true} : memref<10240xf32, #tpu.memory_space<vmem>>[vector<16xi32>], vector<16xf32>,
      %dma_wait3A_275 = arith.constant 3 : i32
      %dma_wait3A_276 = arith.constant 0 : i32
      %dma_wait3A_277 = tpu.memref_slice %arg10[%dma_wait3A_275, %dma_wait3A_276] : memref<8x128xi32, #tpu.memory_space<vmem>> -> memref<1x128xi32, #tpu.memory_space<vmem>>
      %dma_wait3A_278 = tpu.memref_squeeze %dma_wait3A_277 : memref<1x128xi32, #tpu.memory_space<vmem>> -> memref<128xi32, #tpu.memory_space<vmem>>
      %dma_wait3A_279 = arith.constant 0 : i32
      %dma_wait3A_280 = arith.constant 0 : i32
      %dma_wait3A_281 = tpu.memref_slice %arg8[%dma_wait3A_279, %dma_wait3A_280] : memref<10240x128xf32, #tpu.memory_space<vmem_shared>> -> memref<10240x128xf32, #tpu.memory_space<vmem_shared>>
      tpu.wait_indirect_dma semaphore(%arg17 : memref<!tpu.dma_semaphore, #tpu.memory_space<semaphore_mem>>) src(%arg12 : memref<128x128xf32, #tpu.memory_space<vmem>>) dst(%dma_wait3A_281 : memref<10240x128xf32, #tpu.memory_space<vmem_shared>>)
      %dma_start3A_282 = arith.constant 5 : i32
      %dma_start3A_283 = arith.constant 0 : i32
      %dma_start3A_284 = tpu.memref_slice %arg9[%dma_start3A_282, %dma_start3A_283] : memref<8x128xi32, #tpu.memory_space<vmem>> -> memref<1x128xi32, #tpu.memory_space<vmem>>
      %dma_start3A_285 = tpu.memref_squeeze %dma_start3A_284 : memref<1x128xi32, #tpu.memory_space<vmem>> -> memref<128xi32, #tpu.memory_space<vmem>>
      %dma_start3A_286 = arith.constant 0 : i32
      %dma_start3A_287 = arith.constant 0 : i32
      %dma_start3A_288 = tpu.memref_slice %arg2[%dma_start3A_286, %dma_start3A_287] : memref<10000x128xf32, #tpu.memory_space<hbm>> -> memref<10000x128xf32, #tpu.memory_space<hbm>>
      tpu.enqueue_indirect_dma source(%dma_start3A_288 : memref<10000x128xf32, #tpu.memory_space<hbm>>) target(%arg12 : memref<128x128xf32, #tpu.memory_space<vmem>>) offsets(%dma_start3A_285 : memref<128xi32, #tpu.memory_space<vmem>>) semaphore(%arg15 : memref<!tpu.dma_semaphore, #tpu.memory_space<semaphore_mem>>)
      %dma_wait3A_289 = arith.constant 4 : i32
      %dma_wait3A_290 = arith.constant 0 : i32
      %dma_wait3A_291 = tpu.memref_slice %arg9[%dma_wait3A_289, %dma_wait3A_290] : memref<8x128xi32, #tpu.memory_space<vmem>> -> memref<1x128xi32, #tpu.memory_space<vmem>>
      %dma_wait3A_292 = tpu.memref_squeeze %dma_wait3A_291 : memref<1x128xi32, #tpu.memory_space<vmem>> -> memref<128xi32, #tpu.memory_space<vmem>>
      %dma_wait3A_293 = arith.constant 0 : i32
      %dma_wait3A_294 = arith.constant 0 : i32
      %dma_wait3A_295 = tpu.memref_slice %arg2[%dma_wait3A_293, %dma_wait3A_294] : memref<10000x128xf32, #tpu.memory_space<hbm>> -> memref<10000x128xf32, #tpu.memory_space<hbm>>
      tpu.wait_indirect_dma semaphore(%arg14 : memref<!tpu.dma_semaphore, #tpu.memory_space<semaphore_mem>>) src(%dma_wait3A_295 : memref<10000x128xf32, #tpu.memory_space<hbm>>) dst(%arg11 : memref<128x128xf32, #tpu.memory_space<vmem>>)
      %dma_start3A_296 = arith.constant 4 : i32
      %dma_start3A_297 = arith.constant 0 : i32
      %dma_start3A_298 = tpu.memref_slice %arg10[%dma_start3A_296, %dma_start3A_297] : memref<8x128xi32, #tpu.memory_space<vmem>> -> memref<1x128xi32, #tpu.memory_space<vmem>>
      %dma_start3A_299 = tpu.memref_squeeze %dma_start3A_298 : memref<1x128xi32, #tpu.memory_space<vmem>> -> memref<128xi32, #tpu.memory_space<vmem>>
      %dma_start3A_300 = arith.constant 0 : i32
      %dma_start3A_301 = arith.constant 0 : i32
      %dma_start3A_302 = tpu.memref_slice %arg8[%dma_start3A_300, %dma_start3A_301] : memref<10240x128xf32, #tpu.memory_space<vmem_shared>> -> memref<10240x128xf32, #tpu.memory_space<vmem_shared>>
      tpu.enqueue_indirect_dma source(%arg11 : memref<128x128xf32, #tpu.memory_space<vmem>>) target(%dma_start3A_302 : memref<10240x128xf32, #tpu.memory_space<vmem_shared>>) offsets(%dma_start3A_299 : memref<128xi32, #tpu.memory_space<vmem>>) semaphore(%arg16 : memref<!tpu.dma_semaphore, #tpu.memory_space<semaphore_mem>>) {add = true}
      %get3A_303 = arith.constant 4 : i32
      %get3A_304 = arith.index_cast %get3A_303 : i32 to index
      %get3A_305 = arith.constant 0 : index
      %get3A_306 = tpu.vector_load %arg10[%get3A_304, %get3A_305] {strides = array<i32>} : memref<8x128xi32, #tpu.memory_space<vmem>>, vector<16xi32>,
      tpu.vector_store_idx %arg13[%get3A_306], %broadcast_in_dim3A_19 {add = true} : memref<10240xf32, #tpu.memory_space<vmem>>[vector<16xi32>], vector<16xf32>,
      %get3A_307 = arith.constant 4 : i32
      %get3A_308 = arith.index_cast %get3A_307 : i32 to index
      %get3A_309 = arith.constant 16 : index
      %get3A_310 = tpu.vector_load %arg10[%get3A_308, %get3A_309] {strides = array<i32>} : memref<8x128xi32, #tpu.memory_space<vmem>>, vector<16xi32>,
      tpu.vector_store_idx %arg13[%get3A_310], %broadcast_in_dim3A_19 {add = true} : memref<10240xf32, #tpu.memory_space<vmem>>[vector<16xi32>], vector<16xf32>,
      %get3A_311 = arith.constant 4 : i32
      %get3A_312 = arith.index_cast %get3A_311 : i32 to index
      %get3A_313 = arith.constant 32 : index
      %get3A_314 = tpu.vector_load %arg10[%get3A_312, %get3A_313] {strides = array<i32>} : memref<8x128xi32, #tpu.memory_space<vmem>>, vector<16xi32>,
      tpu.vector_store_idx %arg13[%get3A_314], %broadcast_in_dim3A_19 {add = true} : memref<10240xf32, #tpu.memory_space<vmem>>[vector<16xi32>], vector<16xf32>,
      %get3A_315 = arith.constant 4 : i32
      %get3A_316 = arith.index_cast %get3A_315 : i32 to index
      %get3A_317 = arith.constant 48 : index
      %get3A_318 = tpu.vector_load %arg10[%get3A_316, %get3A_317] {strides = array<i32>} : memref<8x128xi32, #tpu.memory_space<vmem>>, vector<16xi32>,
      tpu.vector_store_idx %arg13[%get3A_318], %broadcast_in_dim3A_19 {add = true} : memref<10240xf32, #tpu.memory_space<vmem>>[vector<16xi32>], vector<16xf32>,
      %get3A_319 = arith.constant 4 : i32
      %get3A_320 = arith.index_cast %get3A_319 : i32 to index
      %get3A_321 = arith.constant 64 : index
      %get3A_322 = tpu.vector_load %arg10[%get3A_320, %get3A_321] {strides = array<i32>} : memref<8x128xi32, #tpu.memory_space<vmem>>, vector<16xi32>,
      tpu.vector_store_idx %arg13[%get3A_322], %broadcast_in_dim3A_19 {add = true} : memref<10240xf32, #tpu.memory_space<vmem>>[vector<16xi32>], vector<16xf32>,
      %get3A_323 = arith.constant 4 : i32
      %get3A_324 = arith.index_cast %get3A_323 : i32 to index
      %get3A_325 = arith.constant 80 : index
      %get3A_326 = tpu.vector_load %arg10[%get3A_324, %get3A_325] {strides = array<i32>} : memref<8x128xi32, #tpu.memory_space<vmem>>, vector<16xi32>,
      tpu.vector_store_idx %arg13[%get3A_326], %broadcast_in_dim3A_19 {add = true} : memref<10240xf32, #tpu.memory_space<vmem>>[vector<16xi32>], vector<16xf32>,
      %get3A_327 = arith.constant 4 : i32
      %get3A_328 = arith.index_cast %get3A_327 : i32 to index
      %get3A_329 = arith.constant 96 : index
      %get3A_330 = tpu.vector_load %arg10[%get3A_328, %get3A_329] {strides = array<i32>} : memref<8x128xi32, #tpu.memory_space<vmem>>, vector<16xi32>,
      tpu.vector_store_idx %arg13[%get3A_330], %broadcast_in_dim3A_19 {add = true} : memref<10240xf32, #tpu.memory_space<vmem>>[vector<16xi32>], vector<16xf32>,
      %get3A_331 = arith.constant 4 : i32
      %get3A_332 = arith.index_cast %get3A_331 : i32 to index
      %get3A_333 = arith.constant 112 : index
      %get3A_334 = tpu.vector_load %arg10[%get3A_332, %get3A_333] {strides = array<i32>} : memref<8x128xi32, #tpu.memory_space<vmem>>, vector<16xi32>,
      tpu.vector_store_idx %arg13[%get3A_334], %broadcast_in_dim3A_19 {add = true} : memref<10240xf32, #tpu.memory_space<vmem>>[vector<16xi32>], vector<16xf32>,
      %dma_wait3A_335 = arith.constant 4 : i32
      %dma_wait3A_336 = arith.constant 0 : i32
      %dma_wait3A_337 = tpu.memref_slice %arg10[%dma_wait3A_335, %dma_wait3A_336] : memref<8x128xi32, #tpu.memory_space<vmem>> -> memref<1x128xi32, #tpu.memory_space<vmem>>
      %dma_wait3A_338 = tpu.memref_squeeze %dma_wait3A_337 : memref<1x128xi32, #tpu.memory_space<vmem>> -> memref<128xi32, #tpu.memory_space<vmem>>
      %dma_wait3A_339 = arith.constant 0 : i32
      %dma_wait3A_340 = arith.constant 0 : i32
      %dma_wait3A_341 = tpu.memref_slice %arg8[%dma_wait3A_339, %dma_wait3A_340] : memref<10240x128xf32, #tpu.memory_space<vmem_shared>> -> memref<10240x128xf32, #tpu.memory_space<vmem_shared>>
      tpu.wait_indirect_dma semaphore(%arg16 : memref<!tpu.dma_semaphore, #tpu.memory_space<semaphore_mem>>) src(%arg11 : memref<128x128xf32, #tpu.memory_space<vmem>>) dst(%dma_wait3A_341 : memref<10240x128xf32, #tpu.memory_space<vmem_shared>>)
      %dma_start3A_342 = arith.constant 6 : i32
      %dma_start3A_343 = arith.constant 0 : i32
      %dma_start3A_344 = tpu.memref_slice %arg9[%dma_start3A_342, %dma_start3A_343] : memref<8x128xi32, #tpu.memory_space<vmem>> -> memref<1x128xi32, #tpu.memory_space<vmem>>
      %dma_start3A_345 = tpu.memref_squeeze %dma_start3A_344 : memref<1x128xi32, #tpu.memory_space<vmem>> -> memref<128xi32, #tpu.memory_space<vmem>>
      %dma_start3A_346 = arith.constant 0 : i32
      %dma_start3A_347 = arith.constant 0 : i32
      %dma_start3A_348 = tpu.memref_slice %arg2[%dma_start3A_346, %dma_start3A_347] : memref<10000x128xf32, #tpu.memory_space<hbm>> -> memref<10000x128xf32, #tpu.memory_space<hbm>>
      tpu.enqueue_indirect_dma source(%dma_start3A_348 : memref<10000x128xf32, #tpu.memory_space<hbm>>) target(%arg11 : memref<128x128xf32, #tpu.memory_space<vmem>>) offsets(%dma_start3A_345 : memref<128xi32, #tpu.memory_space<vmem>>) semaphore(%arg14 : memref<!tpu.dma_semaphore, #tpu.memory_space<semaphore_mem>>)
      %dma_wait3A_349 = arith.constant 5 : i32
      %dma_wait3A_350 = arith.constant 0 : i32
      %dma_wait3A_351 = tpu.memref_slice %arg9[%dma_wait3A_349, %dma_wait3A_350] : memref<8x128xi32, #tpu.memory_space<vmem>> -> memref<1x128xi32, #tpu.memory_space<vmem>>
      %dma_wait3A_352 = tpu.memref_squeeze %dma_wait3A_351 : memref<1x128xi32, #tpu.memory_space<vmem>> -> memref<128xi32, #tpu.memory_space<vmem>>
      %dma_wait3A_353 = arith.constant 0 : i32
      %dma_wait3A_354 = arith.constant 0 : i32
      %dma_wait3A_355 = tpu.memref_slice %arg2[%dma_wait3A_353, %dma_wait3A_354] : memref<10000x128xf32, #tpu.memory_space<hbm>> -> memref<10000x128xf32, #tpu.memory_space<hbm>>
      tpu.wait_indirect_dma semaphore(%arg15 : memref<!tpu.dma_semaphore, #tpu.memory_space<semaphore_mem>>) src(%dma_wait3A_355 : memref<10000x128xf32, #tpu.memory_space<hbm>>) dst(%arg12 : memref<128x128xf32, #tpu.memory_space<vmem>>)
      %dma_start3A_356 = arith.constant 5 : i32
      %dma_start3A_357 = arith.constant 0 : i32
      %dma_start3A_358 = tpu.memref_slice %arg10[%dma_start3A_356, %dma_start3A_357] : memref<8x128xi32, #tpu.memory_space<vmem>> -> memref<1x128xi32, #tpu.memory_space<vmem>>
      %dma_start3A_359 = tpu.memref_squeeze %dma_start3A_358 : memref<1x128xi32, #tpu.memory_space<vmem>> -> memref<128xi32, #tpu.memory_space<vmem>>
      %dma_start3A_360 = arith.constant 0 : i32
      %dma_start3A_361 = arith.constant 0 : i32
      %dma_start3A_362 = tpu.memref_slice %arg8[%dma_start3A_360, %dma_start3A_361] : memref<10240x128xf32, #tpu.memory_space<vmem_shared>> -> memref<10240x128xf32, #tpu.memory_space<vmem_shared>>
      tpu.enqueue_indirect_dma source(%arg12 : memref<128x128xf32, #tpu.memory_space<vmem>>) target(%dma_start3A_362 : memref<10240x128xf32, #tpu.memory_space<vmem_shared>>) offsets(%dma_start3A_359 : memref<128xi32, #tpu.memory_space<vmem>>) semaphore(%arg17 : memref<!tpu.dma_semaphore, #tpu.memory_space<semaphore_mem>>) {add = true}
      %get3A_363 = arith.constant 5 : i32
      %get3A_364 = arith.index_cast %get3A_363 : i32 to index
      %get3A_365 = arith.constant 0 : index
      %get3A_366 = tpu.vector_load %arg10[%get3A_364, %get3A_365] {strides = array<i32>} : memref<8x128xi32, #tpu.memory_space<vmem>>, vector<16xi32>,
      tpu.vector_store_idx %arg13[%get3A_366], %broadcast_in_dim3A_19 {add = true} : memref<10240xf32, #tpu.memory_space<vmem>>[vector<16xi32>], vector<16xf32>,
      %get3A_367 = arith.constant 5 : i32
      %get3A_368 = arith.index_cast %get3A_367 : i32 to index
      %get3A_369 = arith.constant 16 : index
      %get3A_370 = tpu.vector_load %arg10[%get3A_368, %get3A_369] {strides = array<i32>} : memref<8x128xi32, #tpu.memory_space<vmem>>, vector<16xi32>,
      tpu.vector_store_idx %arg13[%get3A_370], %broadcast_in_dim3A_19 {add = true} : memref<10240xf32, #tpu.memory_space<vmem>>[vector<16xi32>], vector<16xf32>,
      %get3A_371 = arith.constant 5 : i32
      %get3A_372 = arith.index_cast %get3A_371 : i32 to index
      %get3A_373 = arith.constant 32 : index
      %get3A_374 = tpu.vector_load %arg10[%get3A_372, %get3A_373] {strides = array<i32>} : memref<8x128xi32, #tpu.memory_space<vmem>>, vector<16xi32>,
      tpu.vector_store_idx %arg13[%get3A_374], %broadcast_in_dim3A_19 {add = true} : memref<10240xf32, #tpu.memory_space<vmem>>[vector<16xi32>], vector<16xf32>,
      %get3A_375 = arith.constant 5 : i32
      %get3A_376 = arith.index_cast %get3A_375 : i32 to index
      %get3A_377 = arith.constant 48 : index
      %get3A_378 = tpu.vector_load %arg10[%get3A_376, %get3A_377] {strides = array<i32>} : memref<8x128xi32, #tpu.memory_space<vmem>>, vector<16xi32>,
      tpu.vector_store_idx %arg13[%get3A_378], %broadcast_in_dim3A_19 {add = true} : memref<10240xf32, #tpu.memory_space<vmem>>[vector<16xi32>], vector<16xf32>,
      %get3A_379 = arith.constant 5 : i32
      %get3A_380 = arith.index_cast %get3A_379 : i32 to index
      %get3A_381 = arith.constant 64 : index
      %get3A_382 = tpu.vector_load %arg10[%get3A_380, %get3A_381] {strides = array<i32>} : memref<8x128xi32, #tpu.memory_space<vmem>>, vector<16xi32>,
      tpu.vector_store_idx %arg13[%get3A_382], %broadcast_in_dim3A_19 {add = true} : memref<10240xf32, #tpu.memory_space<vmem>>[vector<16xi32>], vector<16xf32>,
      %get3A_383 = arith.constant 5 : i32
      %get3A_384 = arith.index_cast %get3A_383 : i32 to index
      %get3A_385 = arith.constant 80 : index
      %get3A_386 = tpu.vector_load %arg10[%get3A_384, %get3A_385] {strides = array<i32>} : memref<8x128xi32, #tpu.memory_space<vmem>>, vector<16xi32>,
      tpu.vector_store_idx %arg13[%get3A_386], %broadcast_in_dim3A_19 {add = true} : memref<10240xf32, #tpu.memory_space<vmem>>[vector<16xi32>], vector<16xf32>,
      %get3A_387 = arith.constant 5 : i32
      %get3A_388 = arith.index_cast %get3A_387 : i32 to index
      %get3A_389 = arith.constant 96 : index
      %get3A_390 = tpu.vector_load %arg10[%get3A_388, %get3A_389] {strides = array<i32>} : memref<8x128xi32, #tpu.memory_space<vmem>>, vector<16xi32>,
      tpu.vector_store_idx %arg13[%get3A_390], %broadcast_in_dim3A_19 {add = true} : memref<10240xf32, #tpu.memory_space<vmem>>[vector<16xi32>], vector<16xf32>,
      %get3A_391 = arith.constant 5 : i32
      %get3A_392 = arith.index_cast %get3A_391 : i32 to index
      %get3A_393 = arith.constant 112 : index
      %get3A_394 = tpu.vector_load %arg10[%get3A_392, %get3A_393] {strides = array<i32>} : memref<8x128xi32, #tpu.memory_space<vmem>>, vector<16xi32>,
      tpu.vector_store_idx %arg13[%get3A_394], %broadcast_in_dim3A_19 {add = true} : memref<10240xf32, #tpu.memory_space<vmem>>[vector<16xi32>], vector<16xf32>,
      %dma_wait3A_395 = arith.constant 5 : i32
      %dma_wait3A_396 = arith.constant 0 : i32
      %dma_wait3A_397 = tpu.memref_slice %arg10[%dma_wait3A_395, %dma_wait3A_396] : memref<8x128xi32, #tpu.memory_space<vmem>> -> memref<1x128xi32, #tpu.memory_space<vmem>>
      %dma_wait3A_398 = tpu.memref_squeeze %dma_wait3A_397 : memref<1x128xi32, #tpu.memory_space<vmem>> -> memref<128xi32, #tpu.memory_space<vmem>>
      %dma_wait3A_399 = arith.constant 0 : i32
      %dma_wait3A_400 = arith.constant 0 : i32
      %dma_wait3A_401 = tpu.memref_slice %arg8[%dma_wait3A_399, %dma_wait3A_400] : memref<10240x128xf32, #tpu.memory_space<vmem_shared>> -> memref<10240x128xf32, #tpu.memory_space<vmem_shared>>
      tpu.wait_indirect_dma semaphore(%arg17 : memref<!tpu.dma_semaphore, #tpu.memory_space<semaphore_mem>>) src(%arg12 : memref<128x128xf32, #tpu.memory_space<vmem>>) dst(%dma_wait3A_401 : memref<10240x128xf32, #tpu.memory_space<vmem_shared>>)
      %dma_start3A_402 = arith.constant 7 : i32
      %dma_start3A_403 = arith.constant 0 : i32
      %dma_start3A_404 = tpu.memref_slice %arg9[%dma_start3A_402, %dma_start3A_403] : memref<8x128xi32, #tpu.memory_space<vmem>> -> memref<1x128xi32, #tpu.memory_space<vmem>>
      %dma_start3A_405 = tpu.memref_squeeze %dma_start3A_404 : memref<1x128xi32, #tpu.memory_space<vmem>> -> memref<128xi32, #tpu.memory_space<vmem>>
      %dma_start3A_406 = arith.constant 0 : i32
      %dma_start3A_407 = arith.constant 0 : i32
      %dma_start3A_408 = tpu.memref_slice %arg2[%dma_start3A_406, %dma_start3A_407] : memref<10000x128xf32, #tpu.memory_space<hbm>> -> memref<10000x128xf32, #tpu.memory_space<hbm>>
      tpu.enqueue_indirect_dma source(%dma_start3A_408 : memref<10000x128xf32, #tpu.memory_space<hbm>>) target(%arg12 : memref<128x128xf32, #tpu.memory_space<vmem>>) offsets(%dma_start3A_405 : memref<128xi32, #tpu.memory_space<vmem>>) semaphore(%arg15 : memref<!tpu.dma_semaphore, #tpu.memory_space<semaphore_mem>>)
      %dma_wait3A_409 = arith.constant 6 : i32
      %dma_wait3A_410 = arith.constant 0 : i32
      %dma_wait3A_411 = tpu.memref_slice %arg9[%dma_wait3A_409, %dma_wait3A_410] : memref<8x128xi32, #tpu.memory_space<vmem>> -> memref<1x128xi32, #tpu.memory_space<vmem>>
      %dma_wait3A_412 = tpu.memref_squeeze %dma_wait3A_411 : memref<1x128xi32, #tpu.memory_space<vmem>> -> memref<128xi32, #tpu.memory_space<vmem>>
      %dma_wait3A_413 = arith.constant 0 : i32
      %dma_wait3A_414 = arith.constant 0 : i32
      %dma_wait3A_415 = tpu.memref_slice %arg2[%dma_wait3A_413, %dma_wait3A_414] : memref<10000x128xf32, #tpu.memory_space<hbm>> -> memref<10000x128xf32, #tpu.memory_space<hbm>>
      tpu.wait_indirect_dma semaphore(%arg14 : memref<!tpu.dma_semaphore, #tpu.memory_space<semaphore_mem>>) src(%dma_wait3A_415 : memref<10000x128xf32, #tpu.memory_space<hbm>>) dst(%arg11 : memref<128x128xf32, #tpu.memory_space<vmem>>)
      %dma_start3A_416 = arith.constant 6 : i32
      %dma_start3A_417 = arith.constant 0 : i32
      %dma_start3A_418 = tpu.memref_slice %arg10[%dma_start3A_416, %dma_start3A_417] : memref<8x128xi32, #tpu.memory_space<vmem>> -> memref<1x128xi32, #tpu.memory_space<vmem>>
      %dma_start3A_419 = tpu.memref_squeeze %dma_start3A_418 : memref<1x128xi32, #tpu.memory_space<vmem>> -> memref<128xi32, #tpu.memory_space<vmem>>
      %dma_start3A_420 = arith.constant 0 : i32
      %dma_start3A_421 = arith.constant 0 : i32
      %dma_start3A_422 = tpu.memref_slice %arg8[%dma_start3A_420, %dma_start3A_421] : memref<10240x128xf32, #tpu.memory_space<vmem_shared>> -> memref<10240x128xf32, #tpu.memory_space<vmem_shared>>
      tpu.enqueue_indirect_dma source(%arg11 : memref<128x128xf32, #tpu.memory_space<vmem>>) target(%dma_start3A_422 : memref<10240x128xf32, #tpu.memory_space<vmem_shared>>) offsets(%dma_start3A_419 : memref<128xi32, #tpu.memory_space<vmem>>) semaphore(%arg16 : memref<!tpu.dma_semaphore, #tpu.memory_space<semaphore_mem>>) {add = true}
      %get3A_423 = arith.constant 6 : i32
      %get3A_424 = arith.index_cast %get3A_423 : i32 to index
      %get3A_425 = arith.constant 0 : index
      %get3A_426 = tpu.vector_load %arg10[%get3A_424, %get3A_425] {strides = array<i32>} : memref<8x128xi32, #tpu.memory_space<vmem>>, vector<16xi32>,
      tpu.vector_store_idx %arg13[%get3A_426], %broadcast_in_dim3A_19 {add = true} : memref<10240xf32, #tpu.memory_space<vmem>>[vector<16xi32>], vector<16xf32>,
      %get3A_427 = arith.constant 6 : i32
      %get3A_428 = arith.index_cast %get3A_427 : i32 to index
      %get3A_429 = arith.constant 16 : index
      %get3A_430 = tpu.vector_load %arg10[%get3A_428, %get3A_429] {strides = array<i32>} : memref<8x128xi32, #tpu.memory_space<vmem>>, vector<16xi32>,
      tpu.vector_store_idx %arg13[%get3A_430], %broadcast_in_dim3A_19 {add = true} : memref<10240xf32, #tpu.memory_space<vmem>>[vector<16xi32>], vector<16xf32>,
      %get3A_431 = arith.constant 6 : i32
      %get3A_432 = arith.index_cast %get3A_431 : i32 to index
      %get3A_433 = arith.constant 32 : index
      %get3A_434 = tpu.vector_load %arg10[%get3A_432, %get3A_433] {strides = array<i32>} : memref<8x128xi32, #tpu.memory_space<vmem>>, vector<16xi32>,
      tpu.vector_store_idx %arg13[%get3A_434], %broadcast_in_dim3A_19 {add = true} : memref<10240xf32, #tpu.memory_space<vmem>>[vector<16xi32>], vector<16xf32>,
      %get3A_435 = arith.constant 6 : i32
      %get3A_436 = arith.index_cast %get3A_435 : i32 to index
      %get3A_437 = arith.constant 48 : index
      %get3A_438 = tpu.vector_load %arg10[%get3A_436, %get3A_437] {strides = array<i32>} : memref<8x128xi32, #tpu.memory_space<vmem>>, vector<16xi32>,
      tpu.vector_store_idx %arg13[%get3A_438], %broadcast_in_dim3A_19 {add = true} : memref<10240xf32, #tpu.memory_space<vmem>>[vector<16xi32>], vector<16xf32>,
      %get3A_439 = arith.constant 6 : i32
      %get3A_440 = arith.index_cast %get3A_439 : i32 to index
      %get3A_441 = arith.constant 64 : index
      %get3A_442 = tpu.vector_load %arg10[%get3A_440, %get3A_441] {strides = array<i32>} : memref<8x128xi32, #tpu.memory_space<vmem>>, vector<16xi32>,
      tpu.vector_store_idx %arg13[%get3A_442], %broadcast_in_dim3A_19 {add = true} : memref<10240xf32, #tpu.memory_space<vmem>>[vector<16xi32>], vector<16xf32>,
      %get3A_443 = arith.constant 6 : i32
      %get3A_444 = arith.index_cast %get3A_443 : i32 to index
      %get3A_445 = arith.constant 80 : index
      %get3A_446 = tpu.vector_load %arg10[%get3A_444, %get3A_445] {strides = array<i32>} : memref<8x128xi32, #tpu.memory_space<vmem>>, vector<16xi32>,
      tpu.vector_store_idx %arg13[%get3A_446], %broadcast_in_dim3A_19 {add = true} : memref<10240xf32, #tpu.memory_space<vmem>>[vector<16xi32>], vector<16xf32>,
      %get3A_447 = arith.constant 6 : i32
      %get3A_448 = arith.index_cast %get3A_447 : i32 to index
      %get3A_449 = arith.constant 96 : index
      %get3A_450 = tpu.vector_load %arg10[%get3A_448, %get3A_449] {strides = array<i32>} : memref<8x128xi32, #tpu.memory_space<vmem>>, vector<16xi32>,
      tpu.vector_store_idx %arg13[%get3A_450], %broadcast_in_dim3A_19 {add = true} : memref<10240xf32, #tpu.memory_space<vmem>>[vector<16xi32>], vector<16xf32>,
      %get3A_451 = arith.constant 6 : i32
      %get3A_452 = arith.index_cast %get3A_451 : i32 to index
      %get3A_453 = arith.constant 112 : index
      %get3A_454 = tpu.vector_load %arg10[%get3A_452, %get3A_453] {strides = array<i32>} : memref<8x128xi32, #tpu.memory_space<vmem>>, vector<16xi32>,
      tpu.vector_store_idx %arg13[%get3A_454], %broadcast_in_dim3A_19 {add = true} : memref<10240xf32, #tpu.memory_space<vmem>>[vector<16xi32>], vector<16xf32>,
      %dma_wait3A_455 = arith.constant 7 : i32
      %dma_wait3A_456 = arith.constant 0 : i32
      %dma_wait3A_457 = tpu.memref_slice %arg9[%dma_wait3A_455, %dma_wait3A_456] : memref<8x128xi32, #tpu.memory_space<vmem>> -> memref<1x128xi32, #tpu.memory_space<vmem>>
      %dma_wait3A_458 = tpu.memref_squeeze %dma_wait3A_457 : memref<1x128xi32, #tpu.memory_space<vmem>> -> memref<128xi32, #tpu.memory_space<vmem>>
      %dma_wait3A_459 = arith.constant 0 : i32
      %dma_wait3A_460 = arith.constant 0 : i32
      %dma_wait3A_461 = tpu.memref_slice %arg2[%dma_wait3A_459, %dma_wait3A_460] : memref<10000x128xf32, #tpu.memory_space<hbm>> -> memref<10000x128xf32, #tpu.memory_space<hbm>>
      tpu.wait_indirect_dma semaphore(%arg15 : memref<!tpu.dma_semaphore, #tpu.memory_space<semaphore_mem>>) src(%dma_wait3A_461 : memref<10000x128xf32, #tpu.memory_space<hbm>>) dst(%arg12 : memref<128x128xf32, #tpu.memory_space<vmem>>)
      %dma_start3A_462 = arith.constant 7 : i32
      %dma_start3A_463 = arith.constant 0 : i32
      %dma_start3A_464 = tpu.memref_slice %arg10[%dma_start3A_462, %dma_start3A_463] : memref<8x128xi32, #tpu.memory_space<vmem>> -> memref<1x128xi32, #tpu.memory_space<vmem>>
      %dma_start3A_465 = tpu.memref_squeeze %dma_start3A_464 : memref<1x128xi32, #tpu.memory_space<vmem>> -> memref<128xi32, #tpu.memory_space<vmem>>
      %dma_start3A_466 = arith.constant 0 : i32
      %dma_start3A_467 = arith.constant 0 : i32
      %dma_start3A_468 = tpu.memref_slice %arg8[%dma_start3A_466, %dma_start3A_467] : memref<10240x128xf32, #tpu.memory_space<vmem_shared>> -> memref<10240x128xf32, #tpu.memory_space<vmem_shared>>
      tpu.enqueue_indirect_dma source(%arg12 : memref<128x128xf32, #tpu.memory_space<vmem>>) target(%dma_start3A_468 : memref<10240x128xf32, #tpu.memory_space<vmem_shared>>) offsets(%dma_start3A_465 : memref<128xi32, #tpu.memory_space<vmem>>) semaphore(%arg17 : memref<!tpu.dma_semaphore, #tpu.memory_space<semaphore_mem>>) {add = true}
      %get3A_469 = arith.constant 7 : i32
      %get3A_470 = arith.index_cast %get3A_469 : i32 to index
      %get3A_471 = arith.constant 0 : index
      %get3A_472 = tpu.vector_load %arg10[%get3A_470, %get3A_471] {strides = array<i32>} : memref<8x128xi32, #tpu.memory_space<vmem>>, vector<16xi32>,
      tpu.vector_store_idx %arg13[%get3A_472], %broadcast_in_dim3A_19 {add = true} : memref<10240xf32, #tpu.memory_space<vmem>>[vector<16xi32>], vector<16xf32>,
      %get3A_473 = arith.constant 7 : i32
      %get3A_474 = arith.index_cast %get3A_473 : i32 to index
      %get3A_475 = arith.constant 16 : index
      %get3A_476 = tpu.vector_load %arg10[%get3A_474, %get3A_475] {strides = array<i32>} : memref<8x128xi32, #tpu.memory_space<vmem>>, vector<16xi32>,
      tpu.vector_store_idx %arg13[%get3A_476], %broadcast_in_dim3A_19 {add = true} : memref<10240xf32, #tpu.memory_space<vmem>>[vector<16xi32>], vector<16xf32>,
      %get3A_477 = arith.constant 7 : i32
      %get3A_478 = arith.index_cast %get3A_477 : i32 to index
      %get3A_479 = arith.constant 32 : index
      %get3A_480 = tpu.vector_load %arg10[%get3A_478, %get3A_479] {strides = array<i32>} : memref<8x128xi32, #tpu.memory_space<vmem>>, vector<16xi32>,
      tpu.vector_store_idx %arg13[%get3A_480], %broadcast_in_dim3A_19 {add = true} : memref<10240xf32, #tpu.memory_space<vmem>>[vector<16xi32>], vector<16xf32>,
      %get3A_481 = arith.constant 7 : i32
      %get3A_482 = arith.index_cast %get3A_481 : i32 to index
      %get3A_483 = arith.constant 48 : index
      %get3A_484 = tpu.vector_load %arg10[%get3A_482, %get3A_483] {strides = array<i32>} : memref<8x128xi32, #tpu.memory_space<vmem>>, vector<16xi32>,
      tpu.vector_store_idx %arg13[%get3A_484], %broadcast_in_dim3A_19 {add = true} : memref<10240xf32, #tpu.memory_space<vmem>>[vector<16xi32>], vector<16xf32>,
      %get3A_485 = arith.constant 7 : i32
      %get3A_486 = arith.index_cast %get3A_485 : i32 to index
      %get3A_487 = arith.constant 64 : index
      %get3A_488 = tpu.vector_load %arg10[%get3A_486, %get3A_487] {strides = array<i32>} : memref<8x128xi32, #tpu.memory_space<vmem>>, vector<16xi32>,
      tpu.vector_store_idx %arg13[%get3A_488], %broadcast_in_dim3A_19 {add = true} : memref<10240xf32, #tpu.memory_space<vmem>>[vector<16xi32>], vector<16xf32>,
      %get3A_489 = arith.constant 7 : i32
      %get3A_490 = arith.index_cast %get3A_489 : i32 to index
      %get3A_491 = arith.constant 80 : index
      %get3A_492 = tpu.vector_load %arg10[%get3A_490, %get3A_491] {strides = array<i32>} : memref<8x128xi32, #tpu.memory_space<vmem>>, vector<16xi32>,
      tpu.vector_store_idx %arg13[%get3A_492], %broadcast_in_dim3A_19 {add = true} : memref<10240xf32, #tpu.memory_space<vmem>>[vector<16xi32>], vector<16xf32>,
      %get3A_493 = arith.constant 7 : i32
      %get3A_494 = arith.index_cast %get3A_493 : i32 to index
      %get3A_495 = arith.constant 96 : index
      %get3A_496 = tpu.vector_load %arg10[%get3A_494, %get3A_495] {strides = array<i32>} : memref<8x128xi32, #tpu.memory_space<vmem>>, vector<16xi32>,
      tpu.vector_store_idx %arg13[%get3A_496], %broadcast_in_dim3A_19 {add = true} : memref<10240xf32, #tpu.memory_space<vmem>>[vector<16xi32>], vector<16xf32>,
      %get3A_497 = arith.constant 7 : i32
      %get3A_498 = arith.index_cast %get3A_497 : i32 to index
      %get3A_499 = arith.constant 112 : index
      %get3A_500 = tpu.vector_load %arg10[%get3A_498, %get3A_499] {strides = array<i32>} : memref<8x128xi32, #tpu.memory_space<vmem>>, vector<16xi32>,
      tpu.vector_store_idx %arg13[%get3A_500], %broadcast_in_dim3A_19 {add = true} : memref<10240xf32, #tpu.memory_space<vmem>>[vector<16xi32>], vector<16xf32>,
      %dma_wait3A_501 = arith.constant 6 : i32
      %dma_wait3A_502 = arith.constant 0 : i32
      %dma_wait3A_503 = tpu.memref_slice %arg10[%dma_wait3A_501, %dma_wait3A_502] : memref<8x128xi32, #tpu.memory_space<vmem>> -> memref<1x128xi32, #tpu.memory_space<vmem>>
      %dma_wait3A_504 = tpu.memref_squeeze %dma_wait3A_503 : memref<1x128xi32, #tpu.memory_space<vmem>> -> memref<128xi32, #tpu.memory_space<vmem>>
      %dma_wait3A_505 = arith.constant 0 : i32
      %dma_wait3A_506 = arith.constant 0 : i32
      %dma_wait3A_507 = tpu.memref_slice %arg8[%dma_wait3A_505, %dma_wait3A_506] : memref<10240x128xf32, #tpu.memory_space<vmem_shared>> -> memref<10240x128xf32, #tpu.memory_space<vmem_shared>>
      tpu.wait_indirect_dma semaphore(%arg16 : memref<!tpu.dma_semaphore, #tpu.memory_space<semaphore_mem>>) src(%arg11 : memref<128x128xf32, #tpu.memory_space<vmem>>) dst(%dma_wait3A_507 : memref<10240x128xf32, #tpu.memory_space<vmem_shared>>)
      %dma_wait3A_508 = arith.constant 7 : i32
      %dma_wait3A_509 = arith.constant 0 : i32
      %dma_wait3A_510 = tpu.memref_slice %arg10[%dma_wait3A_508, %dma_wait3A_509] : memref<8x128xi32, #tpu.memory_space<vmem>> -> memref<1x128xi32, #tpu.memory_space<vmem>>
      %dma_wait3A_511 = tpu.memref_squeeze %dma_wait3A_510 : memref<1x128xi32, #tpu.memory_space<vmem>> -> memref<128xi32, #tpu.memory_space<vmem>>
      %dma_wait3A_512 = arith.constant 0 : i32
      %dma_wait3A_513 = arith.constant 0 : i32
      %dma_wait3A_514 = tpu.memref_slice %arg8[%dma_wait3A_512, %dma_wait3A_513] : memref<10240x128xf32, #tpu.memory_space<vmem_shared>> -> memref<10240x128xf32, #tpu.memory_space<vmem_shared>>
      tpu.wait_indirect_dma semaphore(%arg17 : memref<!tpu.dma_semaphore, #tpu.memory_space<semaphore_mem>>) src(%arg12 : memref<128x128xf32, #tpu.memory_space<vmem>>) dst(%dma_wait3A_514 : memref<10240x128xf32, #tpu.memory_space<vmem_shared>>)
    }
    %scan3A_24 = arith.constant 5 : i32
    %barrier3A_25 = arith.constant 0 : index
    tpu.barrier barrier_id(%barrier3A_25)
    "tpu.region"() ({
      %run_scoped3A = tpu.sem_alloc : memref<!tpu.dma_semaphore, #tpu.memory_space<semaphore_mem>>
      %dma_start3A = arith.constant 0 : i32
      %dma_start3A_33 = tpu.memref_slice %arg7[%add3A, %dma_start3A] : memref<32x10240xf32, #tpu.memory_space<hbm>> -> memref<1x10240xf32, #tpu.memory_space<hbm>>
      %dma_start3A_34 = tpu.memref_squeeze %dma_start3A_33 : memref<1x10240xf32, #tpu.memory_space<hbm>> -> memref<10240xf32, #tpu.memory_space<hbm>>
      %dma_start3A_35 = arith.constant 0 : i32
      %dma_start3A_36 = tpu.memref_slice %arg7[%add3A, %dma_start3A_35] : memref<32x10240xf32, #tpu.memory_space<hbm>> -> memref<1x10240xf32, #tpu.memory_space<hbm>>
      %dma_start3A_37 = tpu.memref_squeeze %dma_start3A_36 : memref<1x10240xf32, #tpu.memory_space<hbm>> -> memref<10240xf32, #tpu.memory_space<hbm>>
      tpu.enqueue_dma source(%arg13 : memref<10240xf32, #tpu.memory_space<vmem>>) target(%dma_start3A_37 : memref<10240xf32, #tpu.memory_space<hbm>>) target_semaphore(%run_scoped3A : memref<!tpu.dma_semaphore, #tpu.memory_space<semaphore_mem>>)
      %dma_wait3A = arith.constant 0 : i32
      %dma_wait3A_38 = tpu.memref_slice %arg7[%add3A, %dma_wait3A] : memref<32x10240xf32, #tpu.memory_space<hbm>> -> memref<1x10240xf32, #tpu.memory_space<hbm>>
      %dma_wait3A_39 = tpu.memref_squeeze %dma_wait3A_38 : memref<1x10240xf32, #tpu.memory_space<hbm>> -> memref<10240xf32, #tpu.memory_space<hbm>>
      %dma_wait3A_40 = arith.constant 0 : i32
      %dma_wait3A_41 = tpu.memref_slice %arg7[%add3A, %dma_wait3A_40] : memref<32x10240xf32, #tpu.memory_space<hbm>> -> memref<1x10240xf32, #tpu.memory_space<hbm>>
      %dma_wait3A_42 = tpu.memref_squeeze %dma_wait3A_41 : memref<1x10240xf32, #tpu.memory_space<hbm>> -> memref<10240xf32, #tpu.memory_space<hbm>>
      tpu.wait_dma2 semaphore(%run_scoped3A : memref<!tpu.dma_semaphore, #tpu.memory_space<semaphore_mem>>) src(%arg13 : memref<10240xf32, #tpu.memory_space<vmem>>) dst(%dma_wait3A_42 : memref<10240xf32, #tpu.memory_space<hbm>>)
      tpu.yield
    }) : () -> ()
    %eq3A = arith.constant 0 : i32
    %eq3A_26 = arith.cmpi eq, %arg0, %eq3A : i32
    %convert_element_type3A = arith.extui %eq3A_26 : i1 to i32
    %cond3A = arith.constant 0 : i32
    %cond3A_27 = arith.cmpi ne, %convert_element_type3A, %cond3A : i32
    scf.if %cond3A_27 {
      "tpu.region"() ({
        %run_scoped3A = tpu.sem_alloc : memref<!tpu.dma_semaphore, #tpu.memory_space<semaphore_mem>>
        %dma_start3A = arith.constant 0 : i32
        %dma_start3A_33 = tpu.memref_slice %arg5[%mul3A_0, %dma_start3A] : memref<10240x128xf32, #tpu.memory_space<hbm>> -> memref<640x128xf32, #tpu.memory_space<hbm>>
        %dma_start3A_34 = arith.constant 0 : i32
        %dma_start3A_35 = tpu.memref_slice %arg8[%mul3A_0, %dma_start3A_34] : memref<10240x128xf32, #tpu.memory_space<vmem_shared>> -> memref<640x128xf32, #tpu.memory_space<vmem_shared>>
        tpu.enqueue_dma source(%dma_start3A_35 : memref<640x128xf32, #tpu.memory_space<vmem_shared>>) target(%dma_start3A_33 : memref<640x128xf32, #tpu.memory_space<hbm>>) target_semaphore(%run_scoped3A : memref<!tpu.dma_semaphore, #tpu.memory_space<semaphore_mem>>)
        %dma_wait3A = arith.constant 0 : i32
        %dma_wait3A_36 = tpu.memref_slice %arg5[%mul3A_0, %dma_wait3A] : memref<10240x128xf32, #tpu.memory_space<hbm>> -> memref<640x128xf32, #tpu.memory_space<hbm>>
        %dma_wait3A_37 = arith.constant 0 : i32
        %dma_wait3A_38 = tpu.memref_slice %arg8[%mul3A_0, %dma_wait3A_37] : memref<10240x128xf32, #tpu.memory_space<vmem_shared>> -> memref<640x128xf32, #tpu.memory_space<vmem_shared>>
        tpu.wait_dma2 semaphore(%run_scoped3A : memref<!tpu.dma_semaphore, #tpu.memory_space<semaphore_mem>>) src(%dma_wait3A_38 : memref<640x128xf32, #tpu.memory_space<vmem_shared>>) dst(%dma_wait3A_36 : memref<640x128xf32, #tpu.memory_space<hbm>>)
        tpu.yield
      }) : () -> ()
    } else {
    }
    %eq3A_28 = arith.constant 1 : i32
    %eq3A_29 = arith.cmpi eq, %arg0, %eq3A_28 : i32
    %convert_element_type3A_30 = arith.extui %eq3A_29 : i1 to i32
    %cond3A_31 = arith.constant 0 : i32
    %cond3A_32 = arith.cmpi ne, %convert_element_type3A_30, %cond3A_31 : i32
    scf.if %cond3A_32 {
      "tpu.region"() ({
        %run_scoped3A = tpu.sem_alloc : memref<!tpu.dma_semaphore, #tpu.memory_space<semaphore_mem>>
        %dma_start3A = arith.constant 0 : i32
        %dma_start3A_33 = tpu.memref_slice %arg6[%mul3A_0, %dma_start3A] : memref<10240x128xf32, #tpu.memory_space<hbm>> -> memref<640x128xf32, #tpu.memory_space<hbm>>
        %dma_start3A_34 = arith.constant 0 : i32
        %dma_start3A_35 = tpu.memref_slice %arg8[%mul3A_0, %dma_start3A_34] : memref<10240x128xf32, #tpu.memory_space<vmem_shared>> -> memref<640x128xf32, #tpu.memory_space<vmem_shared>>
        tpu.enqueue_dma source(%dma_start3A_35 : memref<640x128xf32, #tpu.memory_space<vmem_shared>>) target(%dma_start3A_33 : memref<640x128xf32, #tpu.memory_space<hbm>>) target_semaphore(%run_scoped3A : memref<!tpu.dma_semaphore, #tpu.memory_space<semaphore_mem>>)
        %dma_wait3A = arith.constant 0 : i32
        %dma_wait3A_36 = tpu.memref_slice %arg6[%mul3A_0, %dma_wait3A] : memref<10240x128xf32, #tpu.memory_space<hbm>> -> memref<640x128xf32, #tpu.memory_space<hbm>>
        %dma_wait3A_37 = arith.constant 0 : i32
        %dma_wait3A_38 = tpu.memref_slice %arg8[%mul3A_0, %dma_wait3A_37] : memref<10240x128xf32, #tpu.memory_space<vmem_shared>> -> memref<640x128xf32, #tpu.memory_space<vmem_shared>>
        tpu.wait_dma2 semaphore(%run_scoped3A : memref<!tpu.dma_semaphore, #tpu.memory_space<semaphore_mem>>) src(%dma_wait3A_38 : memref<640x128xf32, #tpu.memory_space<vmem_shared>>) dst(%dma_wait3A_36 : memref<640x128xf32, #tpu.memory_space<hbm>>)
        tpu.yield
      }) : () -> ()
    } else {
    }
    return
  }
}

module attributes {stable_mosaic.version = 14 : i64} {
  func.func @_wfold_body(%arg0: i32, %arg1: memref<256x256xf32, #tpu.memory_space<vmem>>, %arg2: memref<256x256xf32, #tpu.memory_space<vmem>>, %arg3: memref<256x128xf32, #tpu.memory_space<vmem>>, %arg4: memref<256x128xf32, #tpu.memory_space<vmem>>, %arg5: memref<1x256xf32, #tpu.memory_space<vmem>>, %arg6: memref<1x128xf32, #tpu.memory_space<vmem>>, %arg7: memref<256x128xf32, #tpu.memory_space<vmem>>, %arg8: memref<256x128xf32, #tpu.memory_space<vmem>>, %arg9: memref<1x128xf32, #tpu.memory_space<vmem>>) attributes {dimension_semantics = [#tpu.dimension_semantics<arbitrary>], iteration_bounds = array<i64: 1>, scalar_prefetch = 0 : i64, scratch_operands = 0 : i64, tpu.core_type = #tpu.core_type<tc>, window_params = [{pipeline_mode = #tpu.pipeline_mode<synchronous>, transform_indices = @transform_0, window_bounds = array<i64: 256, 256>}, {pipeline_mode = #tpu.pipeline_mode<synchronous>, transform_indices = @transform_1, window_bounds = array<i64: 256, 256>}, {pipeline_mode = #tpu.pipeline_mode<synchronous>, transform_indices = @transform_2, window_bounds = array<i64: 256, 128>}, {pipeline_mode = #tpu.pipeline_mode<synchronous>, transform_indices = @transform_3, window_bounds = array<i64: 256, 128>}, {pipeline_mode = #tpu.pipeline_mode<synchronous>, transform_indices = @transform_4, window_bounds = array<i64: 1, 256>}, {pipeline_mode = #tpu.pipeline_mode<synchronous>, transform_indices = @transform_5, window_bounds = array<i64: 1, 128>}, {pipeline_mode = #tpu.pipeline_mode<synchronous>, transform_indices = @transform_6, window_bounds = array<i64: 256, 128>}, {pipeline_mode = #tpu.pipeline_mode<synchronous>, transform_indices = @transform_7, window_bounds = array<i64: 256, 128>}, {pipeline_mode = #tpu.pipeline_mode<synchronous>, transform_indices = @transform_8, window_bounds = array<i64: 1, 128>}]} {
    %get3A = arith.constant 0 : index
    %get3A_0 = arith.constant 0 : index
    %get3A_1 = vector.load %arg4[%get3A, %get3A_0] : memref<256x128xf32, #tpu.memory_space<vmem>>, vector<256x128xf32>
    %get3A_2 = arith.constant 0 : index
    %get3A_3 = arith.constant 0 : index
    %get3A_4 = vector.load %arg1[%get3A_2, %get3A_3] : memref<256x256xf32, #tpu.memory_space<vmem>>, vector<256x256xf32>
    %dot_general3A = arith.constant dense<0.000000e+00> : vector<256x128xf32>
    %dot_general3A_5 = tpu.matmul %get3A_4, %get3A_1, %dot_general3A {dimension_numbers = #tpu.dot_dimension_numbers<[1], [0], [0], [1], [0, 0, 1, 1], [], []>, transpose_lhs_hint = false} : vector<256x256xf32>, vector<256x128xf32>, vector<256x128xf32> -> vector<256x128xf32>
    %swap3A = arith.constant 0 : index
    %swap3A_6 = arith.constant 0 : index
    %swap3A_7 = vector.load %arg7[%swap3A, %swap3A_6] : memref<256x128xf32, #tpu.memory_space<vmem>>, vector<256x128xf32>
    tpu.vector_store %arg7[%swap3A, %swap3A_6], %dot_general3A_5 {strides = array<i32>} : memref<256x128xf32, #tpu.memory_space<vmem>>, vector<256x128xf32>,
    %get3A_8 = arith.constant 0 : index
    %get3A_9 = arith.constant 0 : index
    %get3A_10 = vector.load %arg3[%get3A_8, %get3A_9] : memref<256x128xf32, #tpu.memory_space<vmem>>, vector<256x128xf32>
    %get3A_11 = arith.constant 0 : index
    %get3A_12 = arith.constant 0 : index
    %get3A_13 = vector.load %arg2[%get3A_11, %get3A_12] : memref<256x256xf32, #tpu.memory_space<vmem>>, vector<256x256xf32>
    %dot_general3A_14 = arith.constant dense<0.000000e+00> : vector<256x128xf32>
    %dot_general3A_15 = tpu.matmul %get3A_13, %get3A_1, %dot_general3A_14 {dimension_numbers = #tpu.dot_dimension_numbers<[1], [0], [0], [1], [0, 0, 1, 1], [], []>, transpose_lhs_hint = false} : vector<256x256xf32>, vector<256x128xf32>, vector<256x128xf32> -> vector<256x128xf32>
    %add3A = arith.addf %get3A_10, %dot_general3A_15 : vector<256x128xf32>
    %swap3A_16 = arith.constant 0 : index
    %swap3A_17 = arith.constant 0 : index
    %swap3A_18 = vector.load %arg8[%swap3A_16, %swap3A_17] : memref<256x128xf32, #tpu.memory_space<vmem>>, vector<256x128xf32>
    tpu.vector_store %arg8[%swap3A_16, %swap3A_17], %add3A {strides = array<i32>} : memref<256x128xf32, #tpu.memory_space<vmem>>, vector<256x128xf32>,
    %get3A_19 = arith.constant 0 : index
    %get3A_20 = arith.constant 0 : index
    %get3A_21 = vector.load %arg6[%get3A_19, %get3A_20] : memref<1x128xf32, #tpu.memory_space<vmem>>, vector<1x128xf32>
    %get3A_22 = arith.constant 0 : index
    %get3A_23 = arith.constant 0 : index
    %get3A_24 = vector.load %arg5[%get3A_22, %get3A_23] : memref<1x256xf32, #tpu.memory_space<vmem>>, vector<1x256xf32>
    %dot_general3A_25 = arith.constant dense<0.000000e+00> : vector<1x128xf32>
    %dot_general3A_26 = tpu.matmul %get3A_24, %get3A_1, %dot_general3A_25 {dimension_numbers = #tpu.dot_dimension_numbers<[1], [0], [0], [1], [0, 0, 1, 1], [], []>, transpose_lhs_hint = false} : vector<1x256xf32>, vector<256x128xf32>, vector<1x128xf32> -> vector<1x128xf32>
    %add3A_27 = arith.addf %get3A_21, %dot_general3A_26 : vector<1x128xf32>
    %swap3A_28 = arith.constant 0 : index
    %swap3A_29 = arith.constant 0 : index
    %swap3A_30 = vector.load %arg9[%swap3A_28, %swap3A_29] : memref<1x128xf32, #tpu.memory_space<vmem>>, vector<1x128xf32>
    tpu.vector_store %arg9[%swap3A_28, %swap3A_29], %add3A_27 {strides = array<i32>} : memref<1x128xf32, #tpu.memory_space<vmem>>, vector<1x128xf32>,
    return
  }
  func.func @transform_0(%arg0: i32) -> (i32, i32) {
    %c0_i32 = arith.constant 0 : i32
    %c0_i32_0 = arith.constant 0 : i32
    %c0_i32_1 = arith.constant 0 : i32
    return %c0_i32, %c0_i32_0 : i32, i32
  }
  func.func @transform_1(%arg0: i32) -> (i32, i32) {
    %c0_i32 = arith.constant 0 : i32
    %c0_i32_0 = arith.constant 0 : i32
    %c0_i32_1 = arith.constant 0 : i32
    return %c0_i32, %c0_i32_0 : i32, i32
  }
  func.func @transform_2(%arg0: i32) -> (i32, i32) {
    %c0_i32 = arith.constant 0 : i32
    %c0_i32_0 = arith.constant 0 : i32
    %c0_i32_1 = arith.constant 0 : i32
    return %c0_i32, %c0_i32_0 : i32, i32
  }
  func.func @transform_3(%arg0: i32) -> (i32, i32) {
    %c0_i32 = arith.constant 0 : i32
    %c0_i32_0 = arith.constant 0 : i32
    %c0_i32_1 = arith.constant 0 : i32
    return %c0_i32, %c0_i32_0 : i32, i32
  }
  func.func @transform_4(%arg0: i32) -> (i32, i32) {
    %c0_i32 = arith.constant 0 : i32
    %c0_i32_0 = arith.constant 0 : i32
    %c0_i32_1 = arith.constant 0 : i32
    return %c0_i32, %c0_i32_0 : i32, i32
  }
  func.func @transform_5(%arg0: i32) -> (i32, i32) {
    %c0_i32 = arith.constant 0 : i32
    %c0_i32_0 = arith.constant 0 : i32
    %c0_i32_1 = arith.constant 0 : i32
    return %c0_i32, %c0_i32_0 : i32, i32
  }
  func.func @transform_6(%arg0: i32) -> (i32, i32) {
    %c0_i32 = arith.constant 0 : i32
    %c0_i32_0 = arith.constant 0 : i32
    %c0_i32_1 = arith.constant 0 : i32
    return %c0_i32, %c0_i32_0 : i32, i32
  }
  func.func @transform_7(%arg0: i32) -> (i32, i32) {
    %c0_i32 = arith.constant 0 : i32
    %c0_i32_0 = arith.constant 0 : i32
    %c0_i32_1 = arith.constant 0 : i32
    return %c0_i32, %c0_i32_0 : i32, i32
  }
  func.func @transform_8(%arg0: i32) -> (i32, i32) {
    %c0_i32 = arith.constant 0 : i32
    %c0_i32_0 = arith.constant 0 : i32
    %c0_i32_1 = arith.constant 0 : i32
    return %c0_i32, %c0_i32_0 : i32, i32
  }
}

module attributes {stable_mosaic.version = 14 : i64} {
  func.func @_layer_body(%arg0: i32, %arg1: memref<1024x128xf32, #tpu.memory_space<vmem>>, %arg2: memref<1024x128xf32, #tpu.memory_space<vmem>>, %arg3: memref<16x1024xf32, #tpu.memory_space<vmem>>, %arg4: memref<1024x256xf32, #tpu.memory_space<vmem>>, %arg5: memref<256x256xf32, #tpu.memory_space<vmem>>, %arg6: memref<256x256xf32, #tpu.memory_space<vmem>>, %arg7: memref<1x256xf32, #tpu.memory_space<vmem>>, %arg8: memref<256x128xf32, #tpu.memory_space<vmem>>, %arg9: memref<1024x128xf32, #tpu.memory_space<vmem>>, %arg10: memref<1024x128xf32, #tpu.memory_space<vmem>>, %arg11: memref<1024x128xf32, #tpu.memory_space<vmem>>) attributes {dimension_semantics = [#tpu.dimension_semantics<arbitrary>], iteration_bounds = array<i64: 10>, scalar_prefetch = 0 : i64, scratch_operands = 0 : i64, tpu.core_type = #tpu.core_type<tc>, window_params = [{transform_indices = @transform_0, window_bounds = array<i64: 1024, 128>}, {transform_indices = @transform_1, window_bounds = array<i64: 1024, 128>}, {transform_indices = @transform_2, window_bounds = array<i64: 16, 1024>}, {transform_indices = @transform_3, window_bounds = array<i64: 1024, 256>}, {pipeline_mode = #tpu.pipeline_mode<synchronous>, transform_indices = @transform_4, window_bounds = array<i64: 256, 256>}, {pipeline_mode = #tpu.pipeline_mode<synchronous>, transform_indices = @transform_5, window_bounds = array<i64: 256, 256>}, {pipeline_mode = #tpu.pipeline_mode<synchronous>, transform_indices = @transform_6, window_bounds = array<i64: 1, 256>}, {pipeline_mode = #tpu.pipeline_mode<synchronous>, transform_indices = @transform_7, window_bounds = array<i64: 256, 128>}, {transform_indices = @transform_8, window_bounds = array<i64: 1024, 128>}, {transform_indices = @transform_9, window_bounds = array<i64: 1024, 128>}, {transform_indices = @transform_10, window_bounds = array<i64: 1024, 128>}]} {
    %get3A = arith.constant 0 : index
    %get3A_0 = arith.constant 0 : index
    %get3A_1 = vector.load %arg3[%get3A, %get3A_0] : memref<16x1024xf32, #tpu.memory_space<vmem>>, vector<16x1024xf32>
    %transpose3A = tpu.transpose %get3A_1, [1, 0] : vector<16x1024xf32> -> vector<1024x16xf32>
    %reduce_sum3A = arith.constant dense<0.000000e+00> : vector<1024xf32>
    %reduce_sum3A_2 = vector.multi_reduction <add>, %transpose3A, %reduce_sum3A [1] : vector<1024x16xf32> to vector<1024xf32>
    %broadcast_in_dim3A = vector.shape_cast %reduce_sum3A_2 : vector<1024xf32> to vector<1024x1xf32>
    %max3A = arith.constant 1.000000e+00 : f32
    %max3A_3 = vector.broadcast %max3A : f32 to vector<1024x1xf32>
    %max3A_4 = arith.maximumf %broadcast_in_dim3A, %max3A_3 : vector<1024x1xf32>
    %div3A = arith.constant 1.000000e+00 : f32
    %div3A_5 = vector.broadcast %div3A : f32 to vector<1024x1xf32>
    %div3A_6 = arith.divf %div3A_5, %max3A_4 : vector<1024x1xf32>
    %get3A_7 = arith.constant 0 : index
    %get3A_8 = arith.constant 0 : index
    %get3A_9 = vector.load %arg5[%get3A_7, %get3A_8] : memref<256x256xf32, #tpu.memory_space<vmem>>, vector<256x256xf32>
    %get3A_10 = arith.constant 0 : index
    %get3A_11 = arith.constant 0 : index
    %get3A_12 = vector.load %arg1[%get3A_10, %get3A_11] : memref<1024x128xf32, #tpu.memory_space<vmem>>, vector<1024x128xf32>
    %mul3A = vector.broadcast %div3A_6 : vector<1024x1xf32> to vector<1024x128xf32>
    %mul3A_13 = arith.mulf %get3A_12, %mul3A : vector<1024x128xf32>
    %slice3A = vector.extract_strided_slice %get3A_9 {offsets = [0, 0], sizes = [128, 256], strides = [1, 1]} : vector<256x256xf32> to vector<128x256xf32>
    %dot_general3A = arith.constant dense<0.000000e+00> : vector<1024x256xf32>
    %dot_general3A_14 = tpu.matmul %mul3A_13, %slice3A, %dot_general3A {dimension_numbers = #tpu.dot_dimension_numbers<[1], [0], [0], [1], [0, 0, 1, 1], [], []>, transpose_lhs_hint = false} : vector<1024x128xf32>, vector<128x256xf32>, vector<1024x256xf32> -> vector<1024x256xf32>
    %get3A_15 = arith.constant 0 : index
    %get3A_16 = arith.constant 0 : index
    %get3A_17 = vector.load %arg2[%get3A_15, %get3A_16] : memref<1024x128xf32, #tpu.memory_space<vmem>>, vector<1024x128xf32>
    %mul3A_18 = vector.broadcast %div3A_6 : vector<1024x1xf32> to vector<1024x128xf32>
    %mul3A_19 = arith.mulf %get3A_17, %mul3A_18 : vector<1024x128xf32>
    %slice3A_20 = vector.extract_strided_slice %get3A_9 {offsets = [128, 0], sizes = [128, 256], strides = [1, 1]} : vector<256x256xf32> to vector<128x256xf32>
    %dot_general3A_21 = arith.constant dense<0.000000e+00> : vector<1024x256xf32>
    %dot_general3A_22 = tpu.matmul %mul3A_19, %slice3A_20, %dot_general3A_21 {dimension_numbers = #tpu.dot_dimension_numbers<[1], [0], [0], [1], [0, 0, 1, 1], [], []>, transpose_lhs_hint = false} : vector<1024x128xf32>, vector<128x256xf32>, vector<1024x256xf32> -> vector<1024x256xf32>
    %add3A = arith.addf %dot_general3A_14, %dot_general3A_22 : vector<1024x256xf32>
    %get3A_23 = arith.constant 0 : index
    %get3A_24 = arith.constant 0 : index
    %get3A_25 = vector.load %arg4[%get3A_23, %get3A_24] : memref<1024x256xf32, #tpu.memory_space<vmem>>, vector<1024x256xf32>
    %get3A_26 = arith.constant 0 : index
    %get3A_27 = arith.constant 0 : index
    %get3A_28 = vector.load %arg6[%get3A_26, %get3A_27] : memref<256x256xf32, #tpu.memory_space<vmem>>, vector<256x256xf32>
    %dot_general3A_29 = arith.constant dense<0.000000e+00> : vector<1024x256xf32>
    %dot_general3A_30 = tpu.matmul %get3A_25, %get3A_28, %dot_general3A_29 {dimension_numbers = #tpu.dot_dimension_numbers<[1], [0], [0], [1], [0, 0, 1, 1], [], []>, transpose_lhs_hint = false} : vector<1024x256xf32>, vector<256x256xf32>, vector<1024x256xf32> -> vector<1024x256xf32>
    %add3A_31 = arith.addf %add3A, %dot_general3A_30 : vector<1024x256xf32>
    %get3A_32 = arith.constant 0 : index
    %get3A_33 = arith.constant 0 : index
    %get3A_34 = vector.load %arg7[%get3A_32, %get3A_33] : memref<1x256xf32, #tpu.memory_space<vmem>>, vector<1x256xf32>
    %add3A_35 = vector.broadcast %get3A_34 : vector<1x256xf32> to vector<1024x256xf32>
    %add3A_36 = arith.addf %add3A_31, %add3A_35 : vector<1024x256xf32>
    %max3A_37 = arith.constant 0.000000e+00 : f32
    %max3A_38 = vector.broadcast %max3A_37 : f32 to vector<1024x256xf32>
    %max3A_39 = arith.maximumf %add3A_36, %max3A_38 : vector<1024x256xf32>
    %slice3A_40 = vector.extract_strided_slice %max3A_39 {offsets = [0, 0], sizes = [1024, 128], strides = [1, 1]} : vector<1024x256xf32> to vector<1024x128xf32>
    %swap3A = arith.constant 0 : index
    %swap3A_41 = arith.constant 0 : index
    %swap3A_42 = vector.load %arg9[%swap3A, %swap3A_41] : memref<1024x128xf32, #tpu.memory_space<vmem>>, vector<1024x128xf32>
    tpu.vector_store %arg9[%swap3A, %swap3A_41], %slice3A_40 {strides = array<i32>} : memref<1024x128xf32, #tpu.memory_space<vmem>>, vector<1024x128xf32>,
    %slice3A_43 = vector.extract_strided_slice %max3A_39 {offsets = [0, 128], sizes = [1024, 128], strides = [1, 1]} : vector<1024x256xf32> to vector<1024x128xf32>
    %swap3A_44 = arith.constant 0 : index
    %swap3A_45 = arith.constant 0 : index
    %swap3A_46 = vector.load %arg10[%swap3A_44, %swap3A_45] : memref<1024x128xf32, #tpu.memory_space<vmem>>, vector<1024x128xf32>
    tpu.vector_store %arg10[%swap3A_44, %swap3A_45], %slice3A_43 {strides = array<i32>} : memref<1024x128xf32, #tpu.memory_space<vmem>>, vector<1024x128xf32>,
    %get3A_47 = arith.constant 0 : index
    %get3A_48 = arith.constant 0 : index
    %get3A_49 = vector.load %arg8[%get3A_47, %get3A_48] : memref<256x128xf32, #tpu.memory_space<vmem>>, vector<256x128xf32>
    %dot_general3A_50 = arith.constant dense<0.000000e+00> : vector<1024x128xf32>
    %dot_general3A_51 = tpu.matmul %max3A_39, %get3A_49, %dot_general3A_50 {dimension_numbers = #tpu.dot_dimension_numbers<[1], [0], [0], [1], [0, 0, 1, 1], [], []>, transpose_lhs_hint = false} : vector<1024x256xf32>, vector<256x128xf32>, vector<1024x128xf32> -> vector<1024x128xf32>
    %swap3A_52 = arith.constant 0 : index
    %swap3A_53 = arith.constant 0 : index
    %swap3A_54 = vector.load %arg11[%swap3A_52, %swap3A_53] : memref<1024x128xf32, #tpu.memory_space<vmem>>, vector<1024x128xf32>
    tpu.vector_store %arg11[%swap3A_52, %swap3A_53], %dot_general3A_51 {strides = array<i32>} : memref<1024x128xf32, #tpu.memory_space<vmem>>, vector<1024x128xf32>,
    return
  }
  func.func @transform_0(%arg0: i32) -> (i32, i32) {
    %c0_i32 = arith.constant 0 : i32
    %c0_i32_0 = arith.constant 0 : i32
    return %arg0, %c0_i32 : i32, i32
  }
  func.func @transform_1(%arg0: i32) -> (i32, i32) {
    %c0_i32 = arith.constant 0 : i32
    %c0_i32_0 = arith.constant 0 : i32
    return %arg0, %c0_i32 : i32, i32
  }
  func.func @transform_2(%arg0: i32) -> (i32, i32) {
    %c0_i32 = arith.constant 0 : i32
    %c0_i32_0 = arith.constant 0 : i32
    return %c0_i32, %arg0 : i32, i32
  }
  func.func @transform_3(%arg0: i32) -> (i32, i32) {
    %c0_i32 = arith.constant 0 : i32
    %c0_i32_0 = arith.constant 0 : i32
    return %arg0, %c0_i32 : i32, i32
  }
  func.func @transform_4(%arg0: i32) -> (i32, i32) {
    %c0_i32 = arith.constant 0 : i32
    %c0_i32_0 = arith.constant 0 : i32
    %c0_i32_1 = arith.constant 0 : i32
    return %c0_i32, %c0_i32_0 : i32, i32
  }
  func.func @transform_5(%arg0: i32) -> (i32, i32) {
    %c0_i32 = arith.constant 0 : i32
    %c0_i32_0 = arith.constant 0 : i32
    %c0_i32_1 = arith.constant 0 : i32
    return %c0_i32, %c0_i32_0 : i32, i32
  }
  func.func @transform_6(%arg0: i32) -> (i32, i32) {
    %c0_i32 = arith.constant 0 : i32
    %c0_i32_0 = arith.constant 0 : i32
    %c0_i32_1 = arith.constant 0 : i32
    return %c0_i32, %c0_i32_0 : i32, i32
  }
  func.func @transform_7(%arg0: i32) -> (i32, i32) {
    %c0_i32 = arith.constant 0 : i32
    %c0_i32_0 = arith.constant 0 : i32
    %c0_i32_1 = arith.constant 0 : i32
    return %c0_i32, %c0_i32_0 : i32, i32
  }
  func.func @transform_8(%arg0: i32) -> (i32, i32) {
    %c0_i32 = arith.constant 0 : i32
    %c0_i32_0 = arith.constant 0 : i32
    return %arg0, %c0_i32 : i32, i32
  }
  func.func @transform_9(%arg0: i32) -> (i32, i32) {
    %c0_i32 = arith.constant 0 : i32
    %c0_i32_0 = arith.constant 0 : i32
    return %arg0, %c0_i32 : i32, i32
  }
  func.func @transform_10(%arg0: i32) -> (i32, i32) {
    %c0_i32 = arith.constant 0 : i32
    %c0_i32_0 = arith.constant 0 : i32
    return %arg0, %c0_i32 : i32, i32
  }
}

module attributes {stable_mosaic.version = 14 : i64} {
  func.func @_v0_body(%arg0: i32, %arg1: memref<1024x128xf32, #tpu.memory_space<vmem>>, %arg2: memref<1024x128xf32, #tpu.memory_space<vmem>>, %arg3: memref<256x128xf32, #tpu.memory_space<vmem>>, %arg4: memref<1024x128xf32, #tpu.memory_space<vmem>>) attributes {dimension_semantics = [#tpu.dimension_semantics<arbitrary>], iteration_bounds = array<i64: 10>, scalar_prefetch = 0 : i64, scratch_operands = 0 : i64, tpu.core_type = #tpu.core_type<tc>, window_params = [{transform_indices = @transform_0, window_bounds = array<i64: 1024, 128>}, {transform_indices = @transform_1, window_bounds = array<i64: 1024, 128>}, {pipeline_mode = #tpu.pipeline_mode<synchronous>, transform_indices = @transform_2, window_bounds = array<i64: 256, 128>}, {transform_indices = @transform_3, window_bounds = array<i64: 1024, 128>}]} {
    %get3A = arith.constant 0 : index
    %get3A_0 = arith.constant 0 : index
    %get3A_1 = vector.load %arg3[%get3A, %get3A_0] : memref<256x128xf32, #tpu.memory_space<vmem>>, vector<256x128xf32>
    %get3A_2 = arith.constant 0 : index
    %get3A_3 = arith.constant 0 : index
    %get3A_4 = vector.load %arg1[%get3A_2, %get3A_3] : memref<1024x128xf32, #tpu.memory_space<vmem>>, vector<1024x128xf32>
    %slice3A = vector.extract_strided_slice %get3A_1 {offsets = [0, 0], sizes = [128, 128], strides = [1, 1]} : vector<256x128xf32> to vector<128x128xf32>
    %dot_general3A = arith.constant dense<0.000000e+00> : vector<1024x128xf32>
    %dot_general3A_5 = tpu.matmul %get3A_4, %slice3A, %dot_general3A {dimension_numbers = #tpu.dot_dimension_numbers<[1], [0], [0], [1], [0, 0, 1, 1], [], []>, transpose_lhs_hint = false} : vector<1024x128xf32>, vector<128x128xf32>, vector<1024x128xf32> -> vector<1024x128xf32>
    %get3A_6 = arith.constant 0 : index
    %get3A_7 = arith.constant 0 : index
    %get3A_8 = vector.load %arg2[%get3A_6, %get3A_7] : memref<1024x128xf32, #tpu.memory_space<vmem>>, vector<1024x128xf32>
    %slice3A_9 = vector.extract_strided_slice %get3A_1 {offsets = [128, 0], sizes = [128, 128], strides = [1, 1]} : vector<256x128xf32> to vector<128x128xf32>
    %dot_general3A_10 = arith.constant dense<0.000000e+00> : vector<1024x128xf32>
    %dot_general3A_11 = tpu.matmul %get3A_8, %slice3A_9, %dot_general3A_10 {dimension_numbers = #tpu.dot_dimension_numbers<[1], [0], [0], [1], [0, 0, 1, 1], [], []>, transpose_lhs_hint = false} : vector<1024x128xf32>, vector<128x128xf32>, vector<1024x128xf32> -> vector<1024x128xf32>
    %add3A = arith.addf %dot_general3A_5, %dot_general3A_11 : vector<1024x128xf32>
    %swap3A = arith.constant 0 : index
    %swap3A_12 = arith.constant 0 : index
    %swap3A_13 = vector.load %arg4[%swap3A, %swap3A_12] : memref<1024x128xf32, #tpu.memory_space<vmem>>, vector<1024x128xf32>
    tpu.vector_store %arg4[%swap3A, %swap3A_12], %add3A {strides = array<i32>} : memref<1024x128xf32, #tpu.memory_space<vmem>>, vector<1024x128xf32>,
    return
  }
  func.func @transform_0(%arg0: i32) -> (i32, i32) {
    %c0_i32 = arith.constant 0 : i32
    %c0_i32_0 = arith.constant 0 : i32
    return %arg0, %c0_i32 : i32, i32
  }
  func.func @transform_1(%arg0: i32) -> (i32, i32) {
    %c0_i32 = arith.constant 0 : i32
    %c0_i32_0 = arith.constant 0 : i32
    return %arg0, %c0_i32 : i32, i32
  }
  func.func @transform_2(%arg0: i32) -> (i32, i32) {
    %c0_i32 = arith.constant 0 : i32
    %c0_i32_0 = arith.constant 0 : i32
    %c0_i32_1 = arith.constant 0 : i32
    return %c0_i32, %c0_i32_0 : i32, i32
  }
  func.func @transform_3(%arg0: i32) -> (i32, i32) {
    %c0_i32 = arith.constant 0 : i32
    %c0_i32_0 = arith.constant 0 : i32
    return %arg0, %c0_i32 : i32, i32
  }
}

module attributes {stable_mosaic.version = 14 : i64} {
  func.func @_final_body(%arg0: i32, %arg1: memref<1024x128xf32, #tpu.memory_space<vmem>>, %arg2: memref<1024x128xf32, #tpu.memory_space<vmem>>, %arg3: memref<1024x128xf32, #tpu.memory_space<vmem>>, %arg4: memref<32x1024xf32, #tpu.memory_space<vmem>>, %arg5: memref<1x128xf32, #tpu.memory_space<vmem>>, %arg6: memref<1024x128xf32, #tpu.memory_space<vmem>>) attributes {dimension_semantics = [#tpu.dimension_semantics<arbitrary>], iteration_bounds = array<i64: 10>, scalar_prefetch = 0 : i64, scratch_operands = 0 : i64, tpu.core_type = #tpu.core_type<tc>, window_params = [{transform_indices = @transform_0, window_bounds = array<i64: 1024, 128>}, {transform_indices = @transform_1, window_bounds = array<i64: 1024, 128>}, {transform_indices = @transform_2, window_bounds = array<i64: 1024, 128>}, {transform_indices = @transform_3, window_bounds = array<i64: 32, 1024>}, {pipeline_mode = #tpu.pipeline_mode<synchronous>, transform_indices = @transform_4, window_bounds = array<i64: 1, 128>}, {transform_indices = @transform_5, window_bounds = array<i64: 1024, 128>}]} {
    %get3A = arith.constant 0 : index
    %get3A_0 = arith.constant 0 : index
    %get3A_1 = vector.load %arg4[%get3A, %get3A_0] : memref<32x1024xf32, #tpu.memory_space<vmem>>, vector<32x1024xf32>
    %transpose3A = tpu.transpose %get3A_1, [1, 0] : vector<32x1024xf32> -> vector<1024x32xf32>
    %reduce_sum3A = arith.constant dense<0.000000e+00> : vector<1024xf32>
    %reduce_sum3A_2 = vector.multi_reduction <add>, %transpose3A, %reduce_sum3A [1] : vector<1024x32xf32> to vector<1024xf32>
    %broadcast_in_dim3A = vector.shape_cast %reduce_sum3A_2 : vector<1024xf32> to vector<1024x1xf32>
    %max3A = arith.constant 1.000000e+00 : f32
    %max3A_3 = vector.broadcast %max3A : f32 to vector<1024x1xf32>
    %max3A_4 = arith.maximumf %broadcast_in_dim3A, %max3A_3 : vector<1024x1xf32>
    %div3A = arith.constant 1.000000e+00 : f32
    %div3A_5 = vector.broadcast %div3A : f32 to vector<1024x1xf32>
    %div3A_6 = arith.divf %div3A_5, %max3A_4 : vector<1024x1xf32>
    %get3A_7 = arith.constant 0 : index
    %get3A_8 = arith.constant 0 : index
    %get3A_9 = vector.load %arg1[%get3A_7, %get3A_8] : memref<1024x128xf32, #tpu.memory_space<vmem>>, vector<1024x128xf32>
    %get3A_10 = arith.constant 0 : index
    %get3A_11 = arith.constant 0 : index
    %get3A_12 = vector.load %arg2[%get3A_10, %get3A_11] : memref<1024x128xf32, #tpu.memory_space<vmem>>, vector<1024x128xf32>
    %get3A_13 = arith.constant 0 : index
    %get3A_14 = arith.constant 0 : index
    %get3A_15 = vector.load %arg3[%get3A_13, %get3A_14] : memref<1024x128xf32, #tpu.memory_space<vmem>>, vector<1024x128xf32>
    %add3A = arith.addf %get3A_12, %get3A_15 : vector<1024x128xf32>
    %mul3A = vector.broadcast %div3A_6 : vector<1024x1xf32> to vector<1024x128xf32>
    %mul3A_16 = arith.mulf %add3A, %mul3A : vector<1024x128xf32>
    %add3A_17 = arith.addf %get3A_9, %mul3A_16 : vector<1024x128xf32>
    %get3A_18 = arith.constant 0 : index
    %get3A_19 = arith.constant 0 : index
    %get3A_20 = vector.load %arg5[%get3A_18, %get3A_19] : memref<1x128xf32, #tpu.memory_space<vmem>>, vector<1x128xf32>
    %add3A_21 = vector.broadcast %get3A_20 : vector<1x128xf32> to vector<1024x128xf32>
    %add3A_22 = arith.addf %add3A_17, %add3A_21 : vector<1024x128xf32>
    %reduce_max3A = arith.constant dense<0xFF800000> : vector<1024xf32>
    %reduce_max3A_23 = vector.multi_reduction <maximumf>, %add3A_22, %reduce_max3A [1] : vector<1024x128xf32> to vector<1024xf32>
    %broadcast_in_dim3A_24 = vector.shape_cast %reduce_max3A_23 : vector<1024xf32> to vector<1024x1xf32>
    %sub3A = vector.broadcast %broadcast_in_dim3A_24 : vector<1024x1xf32> to vector<1024x128xf32>
    %sub3A_25 = arith.subf %add3A_22, %sub3A : vector<1024x128xf32>
    %exp3A = math.exp %sub3A_25 : vector<1024x128xf32>
    %reduce_sum3A_26 = arith.constant dense<0.000000e+00> : vector<1024xf32>
    %reduce_sum3A_27 = vector.multi_reduction <add>, %exp3A, %reduce_sum3A_26 [1] : vector<1024x128xf32> to vector<1024xf32>
    %broadcast_in_dim3A_28 = vector.shape_cast %reduce_sum3A_27 : vector<1024xf32> to vector<1024x1xf32>
    %log3A = math.log %broadcast_in_dim3A_28 : vector<1024x1xf32>
    %add3A_29 = arith.addf %log3A, %broadcast_in_dim3A_24 : vector<1024x1xf32>
    %sub3A_30 = vector.broadcast %add3A_29 : vector<1024x1xf32> to vector<1024x128xf32>
    %sub3A_31 = arith.subf %add3A_22, %sub3A_30 : vector<1024x128xf32>
    %swap3A = arith.constant 0 : index
    %swap3A_32 = arith.constant 0 : index
    %swap3A_33 = vector.load %arg6[%swap3A, %swap3A_32] : memref<1024x128xf32, #tpu.memory_space<vmem>>, vector<1024x128xf32>
    tpu.vector_store %arg6[%swap3A, %swap3A_32], %sub3A_31 {strides = array<i32>} : memref<1024x128xf32, #tpu.memory_space<vmem>>, vector<1024x128xf32>,
    return
  }
  func.func @transform_0(%arg0: i32) -> (i32, i32) {
    %c0_i32 = arith.constant 0 : i32
    %c0_i32_0 = arith.constant 0 : i32
    return %arg0, %c0_i32 : i32, i32
  }
  func.func @transform_1(%arg0: i32) -> (i32, i32) {
    %c0_i32 = arith.constant 0 : i32
    %c0_i32_0 = arith.constant 0 : i32
    return %arg0, %c0_i32 : i32, i32
  }
  func.func @transform_2(%arg0: i32) -> (i32, i32) {
    %c0_i32 = arith.constant 0 : i32
    %c0_i32_0 = arith.constant 0 : i32
    return %arg0, %c0_i32 : i32, i32
  }
  func.func @transform_3(%arg0: i32) -> (i32, i32) {
    %c0_i32 = arith.constant 0 : i32
    %c0_i32_0 = arith.constant 0 : i32
    return %c0_i32, %arg0 : i32, i32
  }
  func.func @transform_4(%arg0: i32) -> (i32, i32) {
    %c0_i32 = arith.constant 0 : i32
    %c0_i32_0 = arith.constant 0 : i32
    %c0_i32_1 = arith.constant 0 : i32
    return %c0_i32, %c0_i32_0 : i32, i32
  }
  func.func @transform_5(%arg0: i32) -> (i32, i32) {
    %c0_i32 = arith.constant 0 : i32
    %c0_i32_0 = arith.constant 0 : i32
    return %arg0, %c0_i32 : i32, i32
  }
}

</mosaic_0001>

<sc_bundles>
// kernel: kernel.11.cloned.1.call-start
scs
__scs_entry_jumppad:
0x0: {  	(pc) =	sbr.rel $0x88, $3  }
0x1: {  	(tag) =	ssettag $0x0;
	lr =	simm.s32 $0x1  }
0x2: {  	[smem:$0x3F96] =	sst lr;
	_ =	strace $0xD0000000  }
0x3: {  	_ = 	snop  }
0x4: {  	_ = 	snop  }
0x5: {  	_ = 	snop  }
0x6: {  	_ = 	snop  }
0x7: {  	_ = 	snop  }
__scs_overlays_trampoline_lowered:
0x8: {  	[smem:$0x3FA5] =	sst s0  }
0x9: {  	[smem:$0x3FA6] =	sst s1  }
0xa: {  	[smem:$0x3FA7] =	sst s2  }
0xb: {  	[smem:$0x3FA8] =	sst s3  }
0xc: {  	[smem:$0x3FA9] =	sst s4  }
0xd: {  	[smem:$0x3FAA] =	sst s5  }
0xe: {  	[smem:$0x3FAB] =	sst s6  }
0xf: {  	[smem:$0x3FAC] =	sst s7  }
0x10: {  	[smem:$0x3FAD] =	sst s8  }
0x11: {  	[smem:$0x3FAE] =	sst s9;
	s0 =	simm.s32 @!p0 $0x0  }
0x12: {  	s1 =	sld [smem:$0x3F94];
	s0 =	simm.s32 @p0 $0x1  }
0x13: {  	[smem:$0x3FAF] =	sst s0;
	s0 =	simm.s32 @!p1 $0x0  }
0x14: {  	s2 =	sld [smem:$0x3F93];
	s0 =	simm.s32 @p1 $0x1  }
0x15: {  	[smem:$0x3FB0] =	sst s0;
	s0 =	simm.s32 @!p2 $0x0  }
0x16: {  	s3 =	sld [smem:$0x3FDB];
	s0 =	simm.s32 @p2 $0x1  }
0x17: {  	s4 =	simm.s32 $0x1BF5;
	[smem:$0x3FB2] =	sst s0  }
0x18: {  	s0 =	sld [smem:$0x3F95];
	_ =	swait.ge [sflag:s4], $0x0  }
0x19: {  	s7 =	sld [smem:$0x3F96]  }
0x1a: {  	s8 =	sadd.s32 $0xFFFFE003, lr  }
0x1b: {  	s9 =	sadd.s32 $0xFFFFFEF7, lr;
	s5 =	simm.s32 $0xFFFFFFFF;
	p2 =	slt.u32 s8, $0xFFFFF086  }
0x1c: {  	p1 =	slt.u32 s9, $0xF7A;
	s5 =	simm.s32 @!p2 $0x0  }
0x1d: {  	s5 =	simm.s32 @p1 $0x1;
	p0 =	seq.s32 s7, s2  }
0x1e: {  	s7 =	smul.u32 @!p0 $0xF7A, s2;
	p2 =	seq.s32 @!p0 s5, $0x0  }
0x1f: {  	s9 =	smul.u32 $0xF7A, s1;
	s8 =	simm.s32 @!p0 $0x1BF5;
	p2 =	por !p2, p0  }
0x20: {  	[sflag:s8] =	ssyncset.s32 @!p0 $0xFFFFF086;
	s6 =	sadd.s32 @!p0 s3, s7;
	s7 =	simm.s32 @!p0 $0x108  }
0x21: {  	s3 =	sadd.s32 s3, s9;
	s6 =	sadd.s32 @!p0 $0x88, s6;
	s7 =	simm.s32 @p2 $0x1082  }
0x22: {  	[simem:s7], [sflag:s8] =	dma.local @!p0 [hbm:s6], $0xF7A  }
0x23: {  	s9 =	sor.u32 $0xD0000000, s2;
	s6 =	simm.s32 $0x108;
	_ =	swait.ge @!p0 [sflag:s8], $0x0  }
0x24: {  	s3 =	sadd.s32 $0x88, s3;
	s6 =	simm.s32 @!p1 $0x1082;
	[sflag:s4] =	ssyncset.s32 $0xFFFFF086  }
0x25: {  	[simem:s6], [sflag:s4] =	dma.local [hbm:s3], $0xF7A  }
0x26: {  	[smem:$0x3F96] =	sst s1;
	(tag) =	ssettag s2;
	_ =	strace s9  }
0x27: {  	s1 =	sld [smem:$0x3FA6]  }
0x28: {  	s2 =	sld [smem:$0x3FA7]  }
0x29: {  	s4 =	sld [smem:$0x3FA9]  }
0x2a: {  	p0 =	seq.s32 s5, $0x0;
	s5 =	sld [smem:$0x3FAA]  }
0x2b: {  	s6 =	sld [smem:$0x3FAB]  }
0x2c: {  	s7 =	sld [smem:$0x3FAC]  }
0x2d: {  	s3 =	simm.s32 $0x108;
	s8 =	sld [smem:$0x3FAD]  }
0x2e: {  	s3 =	simm.s32 @!p0 $0x1082;
	s9 =	sld [smem:$0x3FAE]  }
0x2f: {  	lr =	sadd.s32 s0, s3;
	s0 =	sld [smem:$0x3FA5]  }
0x30: {  	s3 =	sld [smem:$0x3FA8]  }
0x31: {  	[smem:$0x3FB1] =	sst s10  }
0x32: {  	s10 =	sld [smem:$0x3FAF];
	_ =	sdelay $0x3  }
0x33: {  	p0 =	seq.s32 s10, $0x1;
	s10 =	sld [smem:$0x3FB1];
	_ =	sdelay $0x3  }
0x34: {  	[smem:$0x3FB1] =	sst s10  }
0x35: {  	s10 =	sld [smem:$0x3FB0];
	_ =	sdelay $0x3  }
0x36: {  	p1 =	seq.s32 s10, $0x1;
	s10 =	sld [smem:$0x3FB1];
	_ =	sdelay $0x3  }
0x37: {  	[smem:$0x3FB1] =	sst s10  }
0x38: {  	s10 =	sld [smem:$0x3FB2]  }
0x39: {  	_ = 	snop;
	(pc) =	sbr.ind lr, $3  }
0x3a: {  	_ = 	snop  }
0x3b: {  	_ = 	snop  }
0x3c: {  	p2 =	seq.s32 s10, $0x1;
	s10 =	sld [smem:$0x3FB1]  }
0x3d: {  	_ =	shalt  }
0x3e: {  	_ =	shalt  }
0x3f: {  	_ =	shalt  }
0x40: {  	_ =	shalt  }
0x41: {  	_ =	shalt  }
0x42: {  	_ =	shalt  }
0x43: {  	_ =	shalt  }
0x44: {  	_ =	shalt  }
0x45: {  	_ =	shalt  }
0x46: {  	_ =	shalt  }
0x47: {  	_ =	shalt  }
0x48: {  	_ =	shalt  }
0x49: {  	_ =	shalt  }
0x4a: {  	_ =	shalt  }
0x4b: {  	_ =	shalt  }
0x4c: {  	_ =	shalt  }
0x4d: {  	_ =	shalt  }
0x4e: {  	_ =	shalt  }
0x4f: {  	_ =	shalt  }
0x50: {  	_ =	shalt  }
0x51: {  	_ =	shalt  }
0x52: {  	_ =	shalt  }
0x53: {  	_ =	shalt  }
0x54: {  	_ =	shalt  }
0x55: {  	_ =	shalt  }
0x56: {  	_ =	shalt  }
0x57: {  	_ =	shalt  }
0x58: {  	_ =	shalt  }
0x59: {  	_ =	shalt  }
0x5a: {  	_ =	shalt  }
0x5b: {  	_ =	shalt  }
0x5c: {  	_ =	shalt  }
0x5d: {  	_ =	shalt  }
0x5e: {  	_ =	shalt  }
0x5f: {  	_ =	shalt  }
0x60: {  	_ =	shalt  }
0x61: {  	_ =	shalt  }
0x62: {  	_ =	shalt  }
0x63: {  	_ =	shalt  }
0x64: {  	_ =	shalt  }
0x65: {  	_ =	shalt  }
0x66: {  	_ =	shalt  }
0x67: {  	_ =	shalt  }
0x68: {  	_ =	shalt  }
0x69: {  	_ =	shalt  }
0x6a: {  	_ =	shalt  }
0x6b: {  	_ =	shalt  }
0x6c: {  	_ =	shalt  }
0x6d: {  	_ =	shalt  }
0x6e: {  	_ =	shalt  }
0x6f: {  	_ =	shalt  }
0x70: {  	_ =	shalt  }
0x71: {  	_ =	shalt  }
0x72: {  	_ =	shalt  }
0x73: {  	_ =	shalt  }
0x74: {  	_ =	shalt  }
0x75: {  	_ =	shalt  }
0x76: {  	_ =	shalt  }
0x77: {  	_ =	shalt  }
0x78: {  	_ =	shalt  }
0x79: {  	_ =	shalt  }
0x7a: {  	_ =	shalt  }
0x7b: {  	_ =	shalt  }
0x7c: {  	_ =	shalt  }
0x7d: {  	_ =	shalt  }
0x7e: {  	_ =	shalt  }
0x7f: {  	_ =	shalt  }
0x80: {  	_ =	shalt  }
0x81: {  	_ =	shalt  }
0x82: {  	_ =	shalt  }
0x83: {  	_ =	shalt  }
0x84: {  	_ =	shalt  }
0x85: {  	_ =	shalt  }
0x86: {  	_ =	shalt  }
0x87: {  	_ =	shalt  }
.Lfunc_end0:
.L_simem_size_0:
called_computation.1_lowered:
.L_overlay_start_0:
0x88: {  	s2 =	sld [smem:$0x3FD9]  }
0x89: {  	s3 =	sld [smem:$0x3FFE];
	_ =	sdelay $0x1  }
0x8a: {  	s1 =	srdreg.scid  }
0x8b: {  	s0 =	sand.u32 $0x1, s1  }
0x8c: {  	s17 =	sshll.u32 s0, $0xA;
	s2 =	sadd.s32 s3, s2  }
0x8d: {  	s2 =	sadd.s32 s2, s17  }
0x8e: {  	[smem:$0x3FBD] =	sst s2  }
0x8f: {  	_ = 	snop  }
0x90: {  	s2 =	sld [smem:$0x3FD0];
	(tm) =	ssettm $0x1  }
0x91: {  	s18 =	sld [smem:$0x3FFB];
	_ =	sdelay $0x3  }
0x92: {  	_ =	strace s18  }
0x93: {  	s3 =	sld [smem:$0x3FFC];
	_ =	sdelay $0x3  }
0x94: {  	_ =	strace s3  }
0x95: {  	s3 =	sld [smem:$0x3FFD];
	_ =	sdelay $0x3  }
0x96: {  	_ =	strace s3  }
0x97: {  	_ =	strace $0x8FFFFFFF  }
0x98: {  	s19 =	sld [smem:$0x3FDB];
	_ =	sdelay $0x1  }
0x99: {  	s4 =	simm.s32 $_scs_section_size  }
0x9a: {  	s5 =	simm.s32 $_size__tile_overlayer_lowered;
	s6 =	simm.s32 $_tile_overlayer_lowered  }
0x9b: {  	s22 =	simm.s32 $0x1BFF;
	s21 =	sshll.u32 s6, $0x1;
	s3 =	sadd.s32 s4, s19  }
0x9c: {  	s7 =	simm.s32 $0x0;
	s20 =	sshll.u32 s5, $0x1;
	s5 =	sadd.s32 s21, s3  }
0x9d: {  	[timem:s7], [sflag:s22] =	dma.local [hbm:s5], s20  }
0x9e: {  	_ =	swait.ge [sflag:s22], s20  }
0x9f: {  	s4 =	ssub.s32 $0x0, s20;
	[sflag:s22] =	ssyncset.done $0x0  }
0xa0: {  	[sflag:s22] =	ssyncadd.s32 s4;
	_ =	sdelay $0x1  }
0xa1: {  	s23 =	simm.s32 $0x1B8B  }
0xa2: {  	_ =	swait.ge [sflag:s23], $0x1  }
0xa3: {  	[sflag:s23] =	ssyncset.done $0x0  }
0xa4: {  	s25 =	simm.s32 $0x1B8E;
	s24 =	sld [smem:$0x3FFE];
	[sflag:s23] =	ssyncadd.s32 $0xFFFFFFFF  }
0xa5: {  	s26 =	simm.s32 $execute0_lowered;
	[smem:$0x3FD2] =	sst s25  }
0xa6: {  	s5 =	sshll.u32 s26, $0x1;
	_ =	strace $0x80000049;
	[dreg:$0x1] =	wrdreg $0xFFFFFFFF  }
0xa7: {  	s28 =	simm.s32 $_size_execute0_lowered;
	s3 =	sadd.s32 s3, s5;
	[dreg:$0x0] =	wrdreg $0x0  }
0xa8: {  	s5 =	sshll.u32 s28, $0x1;
	[dreg:$0x2] =	wrdreg s3  }
0xa9: {  	[dreg:$0x3] =	wrdreg s5  }
0xaa: {  	[dreg:$0x4] =	wrdreg $0xC0  }
0xab: {  	_ =	task [dreg:s7], $0x5FFFF  }
0xac: {  	[dreg:$0x1] =	wrdreg $0xFFFFFFFF  }
0xad: {  	[dreg:$0x0] =	wrdreg $0x60  }
0xae: {  	[dreg:$0x2] =	wrdreg s2  }
0xaf: {  	[dreg:$0x3] =	wrdreg s24  }
0xb0: {  	[dreg:$0x4] =	wrdreg $0x0  }
0xb1: {  	[dreg:$0x5] =	wrdreg $0x9  }
0xb2: {  	_ =	task.clear_ibuf [dreg:s7], $0x6FFFF;
	_ =	strace $0x90000049  }
0xb3: {  	s29 =	simm.s32 $0x9;
	_ =	strace $0x8000004B  }
0xb4: {  	_ =	swait.ge [sflag:s29], $0x1  }
0xb5: {  	[sflag:s29] =	ssyncadd.s32 $0xFFFFFFFF  }
0xb6: {  	_ =	strace $0x9000004B  }
0xb7: {  	_ =	sfence  }
0xb8: {  	s30 =	sld [smem:$0x0];
	_ =	sdelay $0x2  }
0xb9: {  	s31 =	sshll.u32 s1, $0xD;
	s1 =	sshrl.u32 s1, $0x2  }
0xba: {  	s3 =	sand.u32 $0x4000, s31;
	s1 =	sadd.s32 s1, s30  }
0xbb: {  	s0 =	sor.u32 s3, s0;
	s1 =	sshll.u32 s1, $0x11  }
0xbc: {  	s0 =	sor.u32 s1, s0  }
0xbd: {  	s0 =	sadd.s32 $0x8F2B, s0  }
0xbe: {  	[sflag:s0] =	ssyncadd.remote.s32 $0x1  }
0xbf: {  	_ =	sfence.sel $0xFFFF  }
0xc0: {  	[dreg:$0x0] =	wrdreg $0xFFFFFFFF;
	(pc) =	sbr.abs _section_cstart, $3  }
0xc1: {  	[dreg:$0x1] =	wrdreg $0xFFFFFFFF  }
0xc2: {  	_ =	task.clear_ibuf [dreg:s7], $0x2FFFF;
	_ =	strace $0x9FFFFFFF  }
0xc3: {  	(tm) =	ssettm $0x7FFFFFFF  }
tec
execute0_lowered:
.L_overlay_start_1:
0x0: {  	(tag) =	ssettag $0x1  }
0x1: {  	s1 =	rddreg [dreg:$0x0]  }
0x2: {  	s0 =	rddreg [dreg:$0x1]  }
0x3: {  	s3 =	rddreg [dreg:$0x2]  }
0x4: {  	s2 =	srdreg.scid;
	s11 =	stileid.u32  }
0x5: {  	s4 =	simm.s32 $0x0;
	s26 =	simm.s32 $0x14080;
	s28 =	simm.s32 $0x14500  }
0x6: {  	s29 =	simm.s32 $0x14200;
	s30 =	simm.s32 $0x14580;
	s7 =	smul.u32 $0x1400, s11  }
0x7: {  	s31 =	simm.s32 $0x14280;
	s2 =	sand.u32 $0x1, s2;
	s8 =	smul.u32 $0x50000, s11  }
0x8: {  	[smem:$0x7FF] =	sst s4;
	s13 =	sshll.u32 s11, $0x7;
	s19 =	smul.u32 $0x2800, s11  }
0x9: {  	s5 =	smul.u32 $0x14000, s2;
	s6 =	sshll.u32 s2, $0x4;
	_ =	strace $0x8000004A  }
0xa: {  	s14 =	ssub.s32 $0x2, s2;
	p0 =	seq.s32 s2, $0x1;
	[dreg:$0x6] =	wrdreg s26  }
0xb: {  	s26 =	simm.s32 $0x14180;
	s2 =	simm.s32 $0x14300;
	s6 =	sor.u32 s11, s6  }
0xc: {  	s16 =	sshrl.u32 s14, $0x1;
	s17 =	sshrl.u32 s8, $0x2;
	s5 =	sadd.s32 s7, s5  }
0xd: {  	s8 =	simm.s32 $0x14700;
	s6 =	sshrl.u32 s6, $0x3;
	s5 =	sshrl.u32 s5, $0x3  }
0xe: {  	s7 =	sand.u32 $0x380, s13;
	s9 =	sadd.s32 s5, s0;
	s5 =	sadd.s32 s17, s3  }
0xf: {  	s13 =	simm.s32 $0x14800;
	s20 =	sadd.s32 $0x4000, s5;
	[dreg:$0xe] =	wrdreg s5  }
0x10: {  	s6 =	smul.u32 $0x14000, s6;
	s21 =	sadd.s32 $0x8000, s5;
	[dreg:$0x9] =	wrdreg s20  }
0x11: {  	s17 =	simm.s32 $0x80;
	s22 =	sadd.s32 $0xC000, s5;
	[dreg:$0xa] =	wrdreg s21  }
0x12: {  	s6 =	sor.u32 s7, s6;
	s23 =	sadd.s32 $0x10000, s5;
	[dreg:$0xb] =	wrdreg s22  }
0x13: {  	s24 =	sadd.s32 $0x38600, s9;
	s25 =	sadd.s32 $0x33600, s9;
	[dreg:$0xc] =	wrdreg s23  }
0x14: {  	s7 =	simm.s32 $0x14380;
	s9 =	simm.s32 $0x14780;
	[dreg:$0x4] =	wrdreg s24  }
0x15: {  	s15 =	sshrl.u32 s6, $0x3;
	s6 =	ssub.s32 s14, s16;
	[dreg:$0x5] =	wrdreg s25  }
0x16: {  	s14 =	simm.s32 $0x5;
	s16 =	simm.s32 $0x14400;
	s20 =	simm.s32 $0x1C800  }
0x17: {  	s21 =	simm.s32 $0x3;
	s22 =	simm.s32 $0x14100;
	s23 =	simm.s32 $0x2  }
0x18: {  	s24 =	simm.s32 $0x14480;
	s25 =	simm.s32 $0x4;
	s6 =	smax.u32 s6, $0x1  }
0x19: {  	s10 =	sadd.s32 s15, s0;
	[dreg:$0x8] =	wrdreg s6;
	s6 =	simm.s32 $0x3D600  }
0x1a: {  	s15 =	simm.s32 $0x14000;
	s18 =	sadd.s32 $0x65600, s10;
	s6 =	simm.s32 @!p0 $0x2400  }
0x1b: {  	s10 =	simm.s32 $0x0;
	[dreg:$0x7] =	wrdreg s18;
	s0 =	sadd.s32 s6, s0  }
0x1c: {  	s18 =	simm.s32 $0x18800;
	s6 =	simm.s32 $0x14680;
	s0 =	sadd.s32 s0, s19  }
0x1d: {  	v0 =	vimm.f32 $0.0e+00;
	v1 =	vimm.f32 $1.000000000e+00;
	s19 =	simm.s32 $0x1;
	[dreg:$0xd] =	wrdreg s0;
	s0 =	simm.s32 $0x14600  }
.LBB2_1:
0x1e: {  	s11 =	simm.s32 $0x0;
	s12 =	simm.s32 $0x200  }
.LBB2_2:
0x1f: {  	p0 =	sne.s32 s12, $0xFE00;
	[tilespmem:s11+$0x14870] =	vst v0  }
0x20: {  	[tilespmem:s11+$0x14800] =	vst v0  }
0x21: {  	[tilespmem:s11+$0x14810] =	vst v0  }
.Ltmp0:
0x22: {  	[tilespmem:s11+$0x14820] =	vst v0;
	(pc) =	sbr.rel @p0 .LBB2_2-.Ltmp0, $4  }
0x23: {  	[tilespmem:s11+$0x14830] =	vst v0  }
0x24: {  	[tilespmem:s11+$0x14840] =	vst v0  }
0x25: {  	[tilespmem:s11+$0x14850] =	vst v0  }
0x26: {  	[tilespmem:s11+$0x14860] =	vst v0;
	s11 =	sshra.s32 s12, $0x2;
	s12 =	sadd.s32 $0x200, s12  }
0x27: {  	[tilespmem:s11+$0x14870] =	vst v0  }
0x28: {  	[tilespmem:s11+$0x14800] =	vst v0  }
0x29: {  	[tilespmem:s11+$0x14810] =	vst v0  }
0x2a: {  	[tilespmem:s11+$0x14820] =	vst v0  }
0x2b: {  	[tilespmem:s11+$0x14830] =	vst v0  }
0x2c: {  	[tilespmem:s11+$0x14840] =	vst v0  }
0x2d: {  	[tilespmem:s11+$0x14850] =	vst v0  }
0x2e: {  	[tilespmem:s11+$0x14860] =	vst v0;
	s11 =	simm.s32 $0x40;
	s12 =	simm.s32 $0x0  }
.LBB2_4:
0x2f: {  	p0 =	sne.s32 s11, $0x9FC0;
	[tilespmem:s12+$0x1C800] =	vst v0;
	s12 =	smov.u32 s11;
	s11 =	sadd.s32 $0x40, s11  }
.Ltmp1:
0x30: {  	(pc) =	sbr.rel @p0 .LBB2_4-.Ltmp1, $2  }
0x31: {  	_ =	sdelay $0x2  }
0x32: {  	s12 =	sshra.s32 s12, $0x2  }
0x33: {  	[tilespmem:s12+$0x1C800] =	vst v0;
	s5 =	rddreg [dreg:$0xe]  }
0x34: {  	[spmem:s5] =	stream.linear.scatter [tilespmem:s13], [sflag:$0x5], $0x4000, $0x38;
	[tilespmem:$0x1F000] =	vst v63  }
0x35: {  	_ =	swait.ge [sflag:s14], $0x4000  }
0x36: {  	[sflag:s14] =	ssyncset.done $0x0  }
0x37: {  	s11 =	rddreg [dreg:$0x9];
	[sflag:s14] =	ssyncadd.s32 $0xFFFFC000  }
0x38: {  	[spmem:s11] =	stream.linear.scatter [tilespmem:s13], [sflag:$0x5], $0x4000, $0x38;
	[tilespmem:$0x1F000] =	vst v63  }
0x39: {  	_ =	swait.ge [sflag:s14], $0x4000  }
0x3a: {  	[sflag:s14] =	ssyncset.done $0x0  }
0x3b: {  	s12 =	rddreg [dreg:$0xa];
	[sflag:s14] =	ssyncadd.s32 $0xFFFFC000  }
0x3c: {  	[spmem:s12] =	stream.linear.scatter [tilespmem:s13], [sflag:$0x5], $0x4000, $0x38;
	[tilespmem:$0x1F000] =	vst v63  }
0x3d: {  	_ =	swait.ge [sflag:s14], $0x4000  }
0x3e: {  	[sflag:s14] =	ssyncset.done $0x0  }
0x3f: {  	s5 =	rddreg [dreg:$0xb];
	[sflag:s14] =	ssyncadd.s32 $0xFFFFC000  }
0x40: {  	[spmem:s5] =	stream.linear.scatter [tilespmem:s13], [sflag:$0x5], $0x4000, $0x38;
	[tilespmem:$0x1F000] =	vst v63  }
0x41: {  	_ =	swait.ge [sflag:s14], $0x4000  }
0x42: {  	[sflag:s14] =	ssyncset.done $0x0  }
0x43: {  	s12 =	rddreg [dreg:$0xc];
	[sflag:s14] =	ssyncadd.s32 $0xFFFFC000  }
0x44: {  	[spmem:s12] =	stream.linear.scatter [tilespmem:s13], [sflag:$0x5], $0x4000, $0x38;
	[tilespmem:$0x1F000] =	vst v63  }
0x45: {  	_ =	swait.ge [sflag:s14], $0x4000  }
0x46: {  	[sflag:s14] =	ssyncset.done $0x0  }
0x47: {  	[sflag:s14] =	ssyncadd.s32 $0xFFFFC000  }
0x48: {  	s11 =	simm.s32 $0x0;
	[bflag:$0x0] =	sbarrier.arrive $0xFFFF  }
.LBB2_6:
0x49: {  	s12 =	rddreg [dreg:$0x5]  }
0x4a: {  	s12 =	sadd.s32 s11, s12  }
0x4b: {  	[tilespmem:s15], [sflag:$0x5] =	stream.linear.gather [hbm4b:s12+s4], $0x400, $0x38;
	[tilespmem:$0x1F000] =	vst v63  }
0x4c: {  	_ =	swait.ge [sflag:s14], $0x400  }
0x4d: {  	s5 =	rddreg [dreg:$0x4];
	[sflag:s14] =	ssyncset.done $0x0  }
0x4e: {  	[sflag:s14] =	ssyncadd.s32 $0xFFFFFC00;
	s12 =	sadd.s32 s11, s5  }
0x4f: {  	[tilespmem:s16], [sflag:$0x5] =	stream.linear.gather [hbm4b:s12+s4], $0x400, $0x38;
	[tilespmem:$0x1F000] =	vst v63  }
0x50: {  	_ =	swait.ge [sflag:s14], $0x400  }
0x51: {  	[sflag:s14] =	ssyncset.done $0x0  }
0x52: {  	[sflag:s14] =	ssyncadd.s32 $0xFFFFFC00  }
0x53: {  	[tilespmem:s13], [sflag:$0x1] =	stream.indirect.gather [hbm4b:s1+s17], $0x80, s15, s17, $0xb8;
	[tilespmem:$0x1F000] =	vst v63  }
0x54: {  	s5 =	rddreg [dreg:$0x6]  }
0x55: {  	[tilespmem:s18], [sflag:$0x2] =	stream.indirect.gather [hbm4b:s1+s17], $0x80, s5, s17, $0xb8;
	[tilespmem:$0x1F000] =	vst v63  }
0x56: {  	_ =	swait.ge [sflag:s19], $0x4000  }
0x57: {  	[sflag:s19] =	ssyncset.done $0x0  }
0x58: {  	[sflag:s19] =	ssyncadd.s32 $0xFFFFC000  }
0x59: {  	[spmem:s3] =	stream.indirect.scatter.add.f32 [tilespmem:s13], [sflag:$0x3], $0x80, s16, s17, $0xb8;
	[tilespmem:$0x1F000] =	vst v63  }
0x5a: {  	v2 =	vld [tilespmem:$0x14400];
	_ =	sdelay $0x7  }
0x5b: {  	[tilespmem:v2+s20+$0x0] =	vst.idx.add.f32.msk $0xffff, v1  }
0x5c: {  	v2 =	vld [tilespmem:$0x14410];
	_ =	sdelay $0x7  }
0x5d: {  	[tilespmem:v2+s20+$0x0] =	vst.idx.add.f32.msk $0xffff, v1  }
0x5e: {  	v2 =	vld [tilespmem:$0x14420];
	_ =	sdelay $0x7  }
0x5f: {  	[tilespmem:v2+s20+$0x0] =	vst.idx.add.f32.msk $0xffff, v1  }
0x60: {  	v2 =	vld [tilespmem:$0x14430];
	_ =	sdelay $0x7  }
0x61: {  	[tilespmem:v2+s20+$0x0] =	vst.idx.add.f32.msk $0xffff, v1  }
0x62: {  	v2 =	vld [tilespmem:$0x14440];
	_ =	sdelay $0x7  }
0x63: {  	[tilespmem:v2+s20+$0x0] =	vst.idx.add.f32.msk $0xffff, v1  }
0x64: {  	v2 =	vld [tilespmem:$0x14450];
	_ =	sdelay $0x7  }
0x65: {  	[tilespmem:v2+s20+$0x0] =	vst.idx.add.f32.msk $0xffff, v1  }
0x66: {  	v2 =	vld [tilespmem:$0x14460];
	_ =	sdelay $0x7  }
0x67: {  	[tilespmem:v2+s20+$0x0] =	vst.idx.add.f32.msk $0xffff, v1  }
0x68: {  	v2 =	vld [tilespmem:$0x14470];
	_ =	sdelay $0x7  }
0x69: {  	[tilespmem:v2+s20+$0x0] =	vst.idx.add.f32.msk $0xffff, v1  }
0x6a: {  	_ =	swait.ge [sflag:s21], $0x4000  }
0x6b: {  	[sflag:s21] =	ssyncset.done $0x0  }
0x6c: {  	[sflag:s21] =	ssyncadd.s32 $0xFFFFC000  }
0x6d: {  	[tilespmem:s13], [sflag:$0x1] =	stream.indirect.gather [hbm4b:s1+s17], $0x80, s22, s17, $0xb8;
	[tilespmem:$0x1F000] =	vst v63  }
0x6e: {  	_ =	swait.ge [sflag:s23], $0x4000  }
0x6f: {  	[sflag:s23] =	ssyncset.done $0x0  }
0x70: {  	[sflag:s23] =	ssyncadd.s32 $0xFFFFC000  }
0x71: {  	[spmem:s3] =	stream.indirect.scatter.add.f32 [tilespmem:s18], [sflag:$0x4], $0x80, s24, s17, $0xb8;
	[tilespmem:$0x1F000] =	vst v63  }
0x72: {  	v2 =	vld [tilespmem:$0x14480];
	_ =	sdelay $0x7  }
0x73: {  	[tilespmem:v2+s20+$0x0] =	vst.idx.add.f32.msk $0xffff, v1  }
0x74: {  	v2 =	vld [tilespmem:$0x14490];
	_ =	sdelay $0x7  }
0x75: {  	[tilespmem:v2+s20+$0x0] =	vst.idx.add.f32.msk $0xffff, v1  }
0x76: {  	v2 =	vld [tilespmem:$0x144A0];
	_ =	sdelay $0x7  }
0x77: {  	[tilespmem:v2+s20+$0x0] =	vst.idx.add.f32.msk $0xffff, v1  }
0x78: {  	v2 =	vld [tilespmem:$0x144B0];
	_ =	sdelay $0x7  }
0x79: {  	[tilespmem:v2+s20+$0x0] =	vst.idx.add.f32.msk $0xffff, v1  }
0x7a: {  	v2 =	vld [tilespmem:$0x144C0];
	_ =	sdelay $0x7  }
0x7b: {  	[tilespmem:v2+s20+$0x0] =	vst.idx.add.f32.msk $0xffff, v1  }
0x7c: {  	v2 =	vld [tilespmem:$0x144D0];
	_ =	sdelay $0x7  }
0x7d: {  	[tilespmem:v2+s20+$0x0] =	vst.idx.add.f32.msk $0xffff, v1  }
0x7e: {  	v2 =	vld [tilespmem:$0x144E0];
	_ =	sdelay $0x7  }
0x7f: {  	[tilespmem:v2+s20+$0x0] =	vst.idx.add.f32.msk $0xffff, v1  }
0x80: {  	v2 =	vld [tilespmem:$0x144F0];
	_ =	sdelay $0x7  }
0x81: {  	[tilespmem:v2+s20+$0x0] =	vst.idx.add.f32.msk $0xffff, v1  }
0x82: {  	_ =	swait.ge [sflag:s25], $0x4000  }
0x83: {  	[sflag:s25] =	ssyncset.done $0x0  }
0x84: {  	[sflag:s25] =	ssyncadd.s32 $0xFFFFC000  }
0x85: {  	[tilespmem:s18], [sflag:$0x2] =	stream.indirect.gather [hbm4b:s1+s17], $0x80, s26, s17, $0xb8;
	[tilespmem:$0x1F000] =	vst v63  }
0x86: {  	_ =	swait.ge [sflag:s19], $0x4000  }
0x87: {  	[sflag:s19] =	ssyncset.done $0x0  }
0x88: {  	[sflag:s19] =	ssyncadd.s32 $0xFFFFC000  }
0x89: {  	[spmem:s3] =	stream.indirect.scatter.add.f32 [tilespmem:s13], [sflag:$0x3], $0x80, s28, s17, $0xb8;
	[tilespmem:$0x1F000] =	vst v63  }
0x8a: {  	v2 =	vld [tilespmem:$0x14500];
	_ =	sdelay $0x7  }
0x8b: {  	[tilespmem:v2+s20+$0x0] =	vst.idx.add.f32.msk $0xffff, v1  }
0x8c: {  	v2 =	vld [tilespmem:$0x14510];
	_ =	sdelay $0x7  }
0x8d: {  	[tilespmem:v2+s20+$0x0] =	vst.idx.add.f32.msk $0xffff, v1  }
0x8e: {  	v2 =	vld [tilespmem:$0x14520];
	_ =	sdelay $0x7  }
0x8f: {  	[tilespmem:v2+s20+$0x0] =	vst.idx.add.f32.msk $0xffff, v1  }
0x90: {  	v2 =	vld [tilespmem:$0x14530];
	_ =	sdelay $0x7  }
0x91: {  	[tilespmem:v2+s20+$0x0] =	vst.idx.add.f32.msk $0xffff, v1  }
0x92: {  	v2 =	vld [tilespmem:$0x14540];
	_ =	sdelay $0x7  }
0x93: {  	[tilespmem:v2+s20+$0x0] =	vst.idx.add.f32.msk $0xffff, v1  }
0x94: {  	v2 =	vld [tilespmem:$0x14550];
	_ =	sdelay $0x7  }
0x95: {  	[tilespmem:v2+s20+$0x0] =	vst.idx.add.f32.msk $0xffff, v1  }
0x96: {  	v2 =	vld [tilespmem:$0x14560];
	_ =	sdelay $0x7  }
0x97: {  	[tilespmem:v2+s20+$0x0] =	vst.idx.add.f32.msk $0xffff, v1  }
0x98: {  	v2 =	vld [tilespmem:$0x14570];
	_ =	sdelay $0x7  }
0x99: {  	[tilespmem:v2+s20+$0x0] =	vst.idx.add.f32.msk $0xffff, v1  }
0x9a: {  	_ =	swait.ge [sflag:s21], $0x4000  }
0x9b: {  	[sflag:s21] =	ssyncset.done $0x0  }
0x9c: {  	[sflag:s21] =	ssyncadd.s32 $0xFFFFC000  }
0x9d: {  	[tilespmem:s13], [sflag:$0x1] =	stream.indirect.gather [hbm4b:s1+s17], $0x80, s29, s17, $0xb8;
	[tilespmem:$0x1F000] =	vst v63  }
0x9e: {  	_ =	swait.ge [sflag:s23], $0x4000  }
0x9f: {  	[sflag:s23] =	ssyncset.done $0x0  }
0xa0: {  	[sflag:s23] =	ssyncadd.s32 $0xFFFFC000  }
0xa1: {  	[spmem:s3] =	stream.indirect.scatter.add.f32 [tilespmem:s18], [sflag:$0x4], $0x80, s30, s17, $0xb8;
	[tilespmem:$0x1F000] =	vst v63  }
0xa2: {  	v2 =	vld [tilespmem:$0x14580];
	_ =	sdelay $0x7  }
0xa3: {  	[tilespmem:v2+s20+$0x0] =	vst.idx.add.f32.msk $0xffff, v1  }
0xa4: {  	v2 =	vld [tilespmem:$0x14590];
	_ =	sdelay $0x7  }
0xa5: {  	[tilespmem:v2+s20+$0x0] =	vst.idx.add.f32.msk $0xffff, v1  }
0xa6: {  	v2 =	vld [tilespmem:$0x145A0];
	_ =	sdelay $0x7  }
0xa7: {  	[tilespmem:v2+s20+$0x0] =	vst.idx.add.f32.msk $0xffff, v1  }
0xa8: {  	v2 =	vld [tilespmem:$0x145B0];
	_ =	sdelay $0x7  }
0xa9: {  	[tilespmem:v2+s20+$0x0] =	vst.idx.add.f32.msk $0xffff, v1  }
0xaa: {  	v2 =	vld [tilespmem:$0x145C0];
	_ =	sdelay $0x7  }
0xab: {  	[tilespmem:v2+s20+$0x0] =	vst.idx.add.f32.msk $0xffff, v1  }
0xac: {  	v2 =	vld [tilespmem:$0x145D0];
	_ =	sdelay $0x7  }
0xad: {  	[tilespmem:v2+s20+$0x0] =	vst.idx.add.f32.msk $0xffff, v1  }
0xae: {  	v2 =	vld [tilespmem:$0x145E0];
	_ =	sdelay $0x7  }
0xaf: {  	[tilespmem:v2+s20+$0x0] =	vst.idx.add.f32.msk $0xffff, v1  }
0xb0: {  	v2 =	vld [tilespmem:$0x145F0];
	_ =	sdelay $0x7  }
0xb1: {  	[tilespmem:v2+s20+$0x0] =	vst.idx.add.f32.msk $0xffff, v1  }
0xb2: {  	_ =	swait.ge [sflag:s25], $0x4000  }
0xb3: {  	[sflag:s25] =	ssyncset.done $0x0  }
0xb4: {  	[sflag:s25] =	ssyncadd.s32 $0xFFFFC000  }
0xb5: {  	[tilespmem:s18], [sflag:$0x2] =	stream.indirect.gather [hbm4b:s1+s17], $0x80, s31, s17, $0xb8;
	[tilespmem:$0x1F000] =	vst v63  }
0xb6: {  	_ =	swait.ge [sflag:s19], $0x4000  }
0xb7: {  	[sflag:s19] =	ssyncset.done $0x0  }
0xb8: {  	[sflag:s19] =	ssyncadd.s32 $0xFFFFC000  }
0xb9: {  	[spmem:s3] =	stream.indirect.scatter.add.f32 [tilespmem:s13], [sflag:$0x3], $0x80, s0, s17, $0xb8;
	[tilespmem:$0x1F000] =	vst v63  }
0xba: {  	v2 =	vld [tilespmem:$0x14600];
	_ =	sdelay $0x7  }
0xbb: {  	[tilespmem:v2+s20+$0x0] =	vst.idx.add.f32.msk $0xffff, v1  }
0xbc: {  	v2 =	vld [tilespmem:$0x14610];
	_ =	sdelay $0x7  }
0xbd: {  	[tilespmem:v2+s20+$0x0] =	vst.idx.add.f32.msk $0xffff, v1  }
0xbe: {  	v2 =	vld [tilespmem:$0x14620];
	_ =	sdelay $0x7  }
0xbf: {  	[tilespmem:v2+s20+$0x0] =	vst.idx.add.f32.msk $0xffff, v1  }
0xc0: {  	v2 =	vld [tilespmem:$0x14630];
	_ =	sdelay $0x7  }
0xc1: {  	[tilespmem:v2+s20+$0x0] =	vst.idx.add.f32.msk $0xffff, v1  }
0xc2: {  	v2 =	vld [tilespmem:$0x14640];
	_ =	sdelay $0x7  }
0xc3: {  	[tilespmem:v2+s20+$0x0] =	vst.idx.add.f32.msk $0xffff, v1  }
0xc4: {  	v2 =	vld [tilespmem:$0x14650];
	_ =	sdelay $0x7  }
0xc5: {  	[tilespmem:v2+s20+$0x0] =	vst.idx.add.f32.msk $0xffff, v1  }
0xc6: {  	v2 =	vld [tilespmem:$0x14660];
	_ =	sdelay $0x7  }
0xc7: {  	[tilespmem:v2+s20+$0x0] =	vst.idx.add.f32.msk $0xffff, v1  }
0xc8: {  	v2 =	vld [tilespmem:$0x14670];
	_ =	sdelay $0x7  }
0xc9: {  	[tilespmem:v2+s20+$0x0] =	vst.idx.add.f32.msk $0xffff, v1  }
0xca: {  	_ =	swait.ge [sflag:s21], $0x4000  }
0xcb: {  	[sflag:s21] =	ssyncset.done $0x0  }
0xcc: {  	[sflag:s21] =	ssyncadd.s32 $0xFFFFC000  }
0xcd: {  	[tilespmem:s13], [sflag:$0x1] =	stream.indirect.gather [hbm4b:s1+s17], $0x80, s2, s17, $0xb8;
	[tilespmem:$0x1F000] =	vst v63  }
0xce: {  	_ =	swait.ge [sflag:s23], $0x4000  }
0xcf: {  	[sflag:s23] =	ssyncset.done $0x0  }
0xd0: {  	[sflag:s23] =	ssyncadd.s32 $0xFFFFC000  }
0xd1: {  	[spmem:s3] =	stream.indirect.scatter.add.f32 [tilespmem:s18], [sflag:$0x4], $0x80, s6, s17, $0xb8;
	[tilespmem:$0x1F000] =	vst v63  }
0xd2: {  	v2 =	vld [tilespmem:$0x14680];
	_ =	sdelay $0x7  }
0xd3: {  	[tilespmem:v2+s20+$0x0] =	vst.idx.add.f32.msk $0xffff, v1  }
0xd4: {  	v2 =	vld [tilespmem:$0x14690];
	_ =	sdelay $0x7  }
0xd5: {  	[tilespmem:v2+s20+$0x0] =	vst.idx.add.f32.msk $0xffff, v1  }
0xd6: {  	v2 =	vld [tilespmem:$0x146A0];
	_ =	sdelay $0x7  }
0xd7: {  	[tilespmem:v2+s20+$0x0] =	vst.idx.add.f32.msk $0xffff, v1  }
0xd8: {  	v2 =	vld [tilespmem:$0x146B0];
	_ =	sdelay $0x7  }
0xd9: {  	[tilespmem:v2+s20+$0x0] =	vst.idx.add.f32.msk $0xffff, v1  }
0xda: {  	v2 =	vld [tilespmem:$0x146C0];
	_ =	sdelay $0x7  }
0xdb: {  	[tilespmem:v2+s20+$0x0] =	vst.idx.add.f32.msk $0xffff, v1  }
0xdc: {  	v2 =	vld [tilespmem:$0x146D0];
	_ =	sdelay $0x7  }
0xdd: {  	[tilespmem:v2+s20+$0x0] =	vst.idx.add.f32.msk $0xffff, v1  }
0xde: {  	v2 =	vld [tilespmem:$0x146E0];
	_ =	sdelay $0x7  }
0xdf: {  	[tilespmem:v2+s20+$0x0] =	vst.idx.add.f32.msk $0xffff, v1  }
0xe0: {  	v2 =	vld [tilespmem:$0x146F0];
	_ =	sdelay $0x7  }
0xe1: {  	[tilespmem:v2+s20+$0x0] =	vst.idx.add.f32.msk $0xffff, v1  }
0xe2: {  	_ =	swait.ge [sflag:s25], $0x4000  }
0xe3: {  	[sflag:s25] =	ssyncset.done $0x0  }
0xe4: {  	[sflag:s25] =	ssyncadd.s32 $0xFFFFC000  }
0xe5: {  	[tilespmem:s18], [sflag:$0x2] =	stream.indirect.gather [hbm4b:s1+s17], $0x80, s7, s17, $0xb8;
	[tilespmem:$0x1F000] =	vst v63  }
0xe6: {  	_ =	swait.ge [sflag:s19], $0x4000  }
0xe7: {  	[sflag:s19] =	ssyncset.done $0x0  }
0xe8: {  	[sflag:s19] =	ssyncadd.s32 $0xFFFFC000  }
0xe9: {  	[spmem:s3] =	stream.indirect.scatter.add.f32 [tilespmem:s13], [sflag:$0x3], $0x80, s8, s17, $0xb8;
	[tilespmem:$0x1F000] =	vst v63  }
0xea: {  	v2 =	vld [tilespmem:$0x14700];
	_ =	sdelay $0x7  }
0xeb: {  	[tilespmem:v2+s20+$0x0] =	vst.idx.add.f32.msk $0xffff, v1  }
0xec: {  	v2 =	vld [tilespmem:$0x14710];
	_ =	sdelay $0x7  }
0xed: {  	[tilespmem:v2+s20+$0x0] =	vst.idx.add.f32.msk $0xffff, v1  }
0xee: {  	v2 =	vld [tilespmem:$0x14720];
	_ =	sdelay $0x7  }
0xef: {  	[tilespmem:v2+s20+$0x0] =	vst.idx.add.f32.msk $0xffff, v1  }
0xf0: {  	v2 =	vld [tilespmem:$0x14730];
	_ =	sdelay $0x7  }
0xf1: {  	[tilespmem:v2+s20+$0x0] =	vst.idx.add.f32.msk $0xffff, v1  }
0xf2: {  	v2 =	vld [tilespmem:$0x14740];
	_ =	sdelay $0x7  }
0xf3: {  	[tilespmem:v2+s20+$0x0] =	vst.idx.add.f32.msk $0xffff, v1  }
0xf4: {  	v2 =	vld [tilespmem:$0x14750];
	_ =	sdelay $0x7  }
0xf5: {  	[tilespmem:v2+s20+$0x0] =	vst.idx.add.f32.msk $0xffff, v1  }
0xf6: {  	v2 =	vld [tilespmem:$0x14760];
	_ =	sdelay $0x7  }
0xf7: {  	[tilespmem:v2+s20+$0x0] =	vst.idx.add.f32.msk $0xffff, v1  }
0xf8: {  	v2 =	vld [tilespmem:$0x14770];
	_ =	sdelay $0x7  }
0xf9: {  	[tilespmem:v2+s20+$0x0] =	vst.idx.add.f32.msk $0xffff, v1  }
0xfa: {  	_ =	swait.ge [sflag:s23], $0x4000  }
0xfb: {  	[sflag:s23] =	ssyncset.done $0x0  }
0xfc: {  	[sflag:s23] =	ssyncadd.s32 $0xFFFFC000  }
0xfd: {  	[spmem:s3] =	stream.indirect.scatter.add.f32 [tilespmem:s18], [sflag:$0x4], $0x80, s9, s17, $0xb8;
	[tilespmem:$0x1F000] =	vst v63  }
0xfe: {  	v2 =	vld [tilespmem:$0x14780];
	_ =	sdelay $0x7  }
0xff: {  	[tilespmem:v2+s20+$0x0] =	vst.idx.add.f32.msk $0xffff, v1  }
0x100: {  	v2 =	vld [tilespmem:$0x14790];
	_ =	sdelay $0x7  }
0x101: {  	[tilespmem:v2+s20+$0x0] =	vst.idx.add.f32.msk $0xffff, v1  }
0x102: {  	v2 =	vld [tilespmem:$0x147A0];
	_ =	sdelay $0x7  }
0x103: {  	[tilespmem:v2+s20+$0x0] =	vst.idx.add.f32.msk $0xffff, v1  }
0x104: {  	v2 =	vld [tilespmem:$0x147B0];
	_ =	sdelay $0x7  }
0x105: {  	[tilespmem:v2+s20+$0x0] =	vst.idx.add.f32.msk $0xffff, v1  }
0x106: {  	v2 =	vld [tilespmem:$0x147C0];
	_ =	sdelay $0x7  }
0x107: {  	[tilespmem:v2+s20+$0x0] =	vst.idx.add.f32.msk $0xffff, v1  }
0x108: {  	v2 =	vld [tilespmem:$0x147D0];
	_ =	sdelay $0x7  }
0x109: {  	[tilespmem:v2+s20+$0x0] =	vst.idx.add.f32.msk $0xffff, v1  }
0x10a: {  	v2 =	vld [tilespmem:$0x147E0];
	_ =	sdelay $0x7  }
0x10b: {  	[tilespmem:v2+s20+$0x0] =	vst.idx.add.f32.msk $0xffff, v1  }
0x10c: {  	v2 =	vld [tilespmem:$0x147F0];
	_ =	sdelay $0x7  }
0x10d: {  	[tilespmem:v2+s20+$0x0] =	vst.idx.add.f32.msk $0xffff, v1  }
0x10e: {  	p0 =	sne.s32 s11, $0x200;
	_ =	swait.ge [sflag:s21], $0x4000  }
.Ltmp2:
0x10f: {  	[sflag:s21] =	ssyncset.done $0x0;
	(pc) =	sbr.rel @p0 .LBB2_6-.Ltmp2, $4  }
0x110: {  	[sflag:s21] =	ssyncadd.s32 $0xFFFFC000  }
0x111: {  	_ =	swait.ge [sflag:s25], $0x4000  }
0x112: {  	[sflag:s25] =	ssyncset.done $0x0  }
0x113: {  	s11 =	sadd.s32 $0x80, s11;
	[sflag:s25] =	ssyncadd.s32 $0xFFFFC000  }
0x114: {  	[bflag:$0x0] =	sbarrier.arrive $0xFFFF  }
0x115: {  	s5 =	simm.s32 $0x400;
	s11 =	rddreg [dreg:$0x7]  }
0x116: {  	[hbm4b:s11+s17] =	stream.strided.scatter [tilespmem:s20], [sflag:$0x5], $0x2800, s5, s17, $0x38;
	[tilespmem:$0x1F000] =	vst v63  }
0x117: {  	s5 =	stileid.u32  }
0x118: {  	_ =	swait.ge [sflag:s14], $0x2800;
	s11 =	sshll.u32 s5, $0x6  }
0x119: {  	[sflag:s14] =	ssyncset.done $0x0;
	s11 =	sor.u32 $0x1C05, s11;
	s12 =	rddreg [dreg:$0xe]  }
0x11a: {  	s5 =	rddreg [dreg:$0xd];
	[sflag:s14] =	ssyncadd.s32 $0xFFFFD800;
	s12 =	sshrl.u32 s12, $0x3  }
0x11b: {  	[hbm:s5], [sflag:s11] =	dma.local [spmem:s12], $0x2800  }
0x11c: {  	_ =	swait.ge [sflag:s14], $0x2800  }
0x11d: {  	s10 =	sadd.s32 $0x1, s10;
	s12 =	rddreg [dreg:$0x8]  }
0x11e: {  	p0 =	sne.s32 s10, s12  }
.Ltmp3:
0x11f: {  	_ = 	snop;
	(pc) =	sbr.rel @p0 .LBB2_1-.Ltmp3, $3  }
0x120: {  	_ =	sdelay $0x1  }
0x121: {  	[sflag:s14] =	ssyncset.done $0x0  }
0x122: {  	[sflag:s14] =	ssyncadd.s32 $0xFFFFD800  }
0x123: {  	_ =	sfence.sel $0x180000  }
0x124: {  	[bflag:$0x0] =	sbarrier.arrive $0xFFFF  }
0x125: {  	_ =	strace $0x9000004A  }
0x126: {  	s0 =	stileid.u32;
	[bflag:$0x2] =	sbarrier.arrive $0xFFFF  }
0x127: {  	p0 =	sne.s32 s0, $0x0;
	s0 =	rddreg [dreg:$0x3]  }
0x128: {  	s0 =	sadd.s32 @!p0 $0x100000, s0  }
0x129: {  	[sflag:s0] =	ssyncadd.tile.s32 @!p0 $0x1;
	_ =	shalt  }
.Lfunc_end2:
_tile_overlayer_lowered:
.L_overlay_start_2:
0x12a: {  	(tag) =	ssettag $0x2  }
0x12b: {  	s0 =	rddreg [dreg:$0x0];
	s2 =	stileid.u32  }
0x12c: {  	s1 =	rddreg [dreg:$0x1];
	p0 =	sne.s32 s2, $0x0  }
0x12d: {  	s3 =	rddreg [dreg:$0x2];
	[bflag:$0x3] =	sbarrier.arrive $0xFFFF;
	s2 =	simm.s32 @!p0 $0x1C05  }
0x12e: {  	[timem:s3], [sflag:s2] =	dma.local @!p0 [hbm:s0], s1  }
0x12f: {  	s0 =	simm.s32 @!p0 $0x5  }
0x130: {  	_ =	swait.ge @!p0 [sflag:s0], s1  }
0x131: {  	s1 =	ssub.s32 @!p0 $0x0, s1;
	[sflag:s0] =	ssyncset.done @!p0 $0x0  }
0x132: {  	[sflag:s0] =	ssyncadd.s32 @!p0 s1  }
0x133: {  	[bflag:$0x3] =	sbarrier.arrive $0xFFFF  }
0x134: {  	_ =	shalt  }

// kernel: kernel.8.cloned.1.call-start
scs
__scs_entry_jumppad:
0x0: {  	(pc) =	sbr.rel $0x88, $3  }
0x1: {  	(tag) =	ssettag $0x0;
	lr =	simm.s32 $0x1  }
0x2: {  	[smem:$0x3F96] =	sst lr;
	_ =	strace $0xD0000000  }
0x3: {  	_ = 	snop  }
0x4: {  	_ = 	snop  }
0x5: {  	_ = 	snop  }
0x6: {  	_ = 	snop  }
0x7: {  	_ = 	snop  }
__scs_overlays_trampoline_lowered:
0x8: {  	[smem:$0x3FA5] =	sst s0  }
0x9: {  	[smem:$0x3FA6] =	sst s1  }
0xa: {  	[smem:$0x3FA7] =	sst s2  }
0xb: {  	[smem:$0x3FA8] =	sst s3  }
0xc: {  	[smem:$0x3FA9] =	sst s4  }
0xd: {  	[smem:$0x3FAA] =	sst s5  }
0xe: {  	[smem:$0x3FAB] =	sst s6  }
0xf: {  	[smem:$0x3FAC] =	sst s7  }
0x10: {  	[smem:$0x3FAD] =	sst s8  }
0x11: {  	[smem:$0x3FAE] =	sst s9;
	s0 =	simm.s32 @!p0 $0x0  }
0x12: {  	s1 =	sld [smem:$0x3F94];
	s0 =	simm.s32 @p0 $0x1  }
0x13: {  	[smem:$0x3FAF] =	sst s0;
	s0 =	simm.s32 @!p1 $0x0  }
0x14: {  	s2 =	sld [smem:$0x3F93];
	s0 =	simm.s32 @p1 $0x1  }
0x15: {  	[smem:$0x3FB0] =	sst s0;
	s0 =	simm.s32 @!p2 $0x0  }
0x16: {  	s3 =	sld [smem:$0x3FDB];
	s0 =	simm.s32 @p2 $0x1  }
0x17: {  	s4 =	simm.s32 $0x1BF5;
	[smem:$0x3FB2] =	sst s0  }
0x18: {  	s0 =	sld [smem:$0x3F95];
	_ =	swait.ge [sflag:s4], $0x0  }
0x19: {  	s7 =	sld [smem:$0x3F96]  }
0x1a: {  	s8 =	sadd.s32 $0xFFFFE003, lr  }
0x1b: {  	s9 =	sadd.s32 $0xFFFFFEF7, lr;
	s5 =	simm.s32 $0xFFFFFFFF;
	p2 =	slt.u32 s8, $0xFFFFF086  }
0x1c: {  	p1 =	slt.u32 s9, $0xF7A;
	s5 =	simm.s32 @!p2 $0x0  }
0x1d: {  	s5 =	simm.s32 @p1 $0x1;
	p0 =	seq.s32 s7, s2  }
0x1e: {  	s7 =	smul.u32 @!p0 $0xF7A, s2;
	p2 =	seq.s32 @!p0 s5, $0x0  }
0x1f: {  	s9 =	smul.u32 $0xF7A, s1;
	s8 =	simm.s32 @!p0 $0x1BF5;
	p2 =	por !p2, p0  }
0x20: {  	[sflag:s8] =	ssyncset.s32 @!p0 $0xFFFFF086;
	s6 =	sadd.s32 @!p0 s3, s7;
	s7 =	simm.s32 @!p0 $0x108  }
0x21: {  	s3 =	sadd.s32 s3, s9;
	s6 =	sadd.s32 @!p0 $0x88, s6;
	s7 =	simm.s32 @p2 $0x1082  }
0x22: {  	[simem:s7], [sflag:s8] =	dma.local @!p0 [hbm:s6], $0xF7A  }
0x23: {  	s9 =	sor.u32 $0xD0000000, s2;
	s6 =	simm.s32 $0x108;
	_ =	swait.ge @!p0 [sflag:s8], $0x0  }
0x24: {  	s3 =	sadd.s32 $0x88, s3;
	s6 =	simm.s32 @!p1 $0x1082;
	[sflag:s4] =	ssyncset.s32 $0xFFFFF086  }
0x25: {  	[simem:s6], [sflag:s4] =	dma.local [hbm:s3], $0xF7A  }
0x26: {  	[smem:$0x3F96] =	sst s1;
	(tag) =	ssettag s2;
	_ =	strace s9  }
0x27: {  	s1 =	sld [smem:$0x3FA6]  }
0x28: {  	s2 =	sld [smem:$0x3FA7]  }
0x29: {  	s4 =	sld [smem:$0x3FA9]  }
0x2a: {  	p0 =	seq.s32 s5, $0x0;
	s5 =	sld [smem:$0x3FAA]  }
0x2b: {  	s6 =	sld [smem:$0x3FAB]  }
0x2c: {  	s7 =	sld [smem:$0x3FAC]  }
0x2d: {  	s3 =	simm.s32 $0x108;
	s8 =	sld [smem:$0x3FAD]  }
0x2e: {  	s3 =	simm.s32 @!p0 $0x1082;
	s9 =	sld [smem:$0x3FAE]  }
0x2f: {  	lr =	sadd.s32 s0, s3;
	s0 =	sld [smem:$0x3FA5]  }
0x30: {  	s3 =	sld [smem:$0x3FA8]  }
0x31: {  	[smem:$0x3FB1] =	sst s10  }
0x32: {  	s10 =	sld [smem:$0x3FAF];
	_ =	sdelay $0x3  }
0x33: {  	p0 =	seq.s32 s10, $0x1;
	s10 =	sld [smem:$0x3FB1];
	_ =	sdelay $0x3  }
0x34: {  	[smem:$0x3FB1] =	sst s10  }
0x35: {  	s10 =	sld [smem:$0x3FB0];
	_ =	sdelay $0x3  }
0x36: {  	p1 =	seq.s32 s10, $0x1;
	s10 =	sld [smem:$0x3FB1];
	_ =	sdelay $0x3  }
0x37: {  	[smem:$0x3FB1] =	sst s10  }
0x38: {  	s10 =	sld [smem:$0x3FB2]  }
0x39: {  	_ = 	snop;
	(pc) =	sbr.ind lr, $3  }
0x3a: {  	_ = 	snop  }
0x3b: {  	_ = 	snop  }
0x3c: {  	p2 =	seq.s32 s10, $0x1;
	s10 =	sld [smem:$0x3FB1]  }
0x3d: {  	_ =	shalt  }
0x3e: {  	_ =	shalt  }
0x3f: {  	_ =	shalt  }
0x40: {  	_ =	shalt  }
0x41: {  	_ =	shalt  }
0x42: {  	_ =	shalt  }
0x43: {  	_ =	shalt  }
0x44: {  	_ =	shalt  }
0x45: {  	_ =	shalt  }
0x46: {  	_ =	shalt  }
0x47: {  	_ =	shalt  }
0x48: {  	_ =	shalt  }
0x49: {  	_ =	shalt  }
0x4a: {  	_ =	shalt  }
0x4b: {  	_ =	shalt  }
0x4c: {  	_ =	shalt  }
0x4d: {  	_ =	shalt  }
0x4e: {  	_ =	shalt  }
0x4f: {  	_ =	shalt  }
0x50: {  	_ =	shalt  }
0x51: {  	_ =	shalt  }
0x52: {  	_ =	shalt  }
0x53: {  	_ =	shalt  }
0x54: {  	_ =	shalt  }
0x55: {  	_ =	shalt  }
0x56: {  	_ =	shalt  }
0x57: {  	_ =	shalt  }
0x58: {  	_ =	shalt  }
0x59: {  	_ =	shalt  }
0x5a: {  	_ =	shalt  }
0x5b: {  	_ =	shalt  }
0x5c: {  	_ =	shalt  }
0x5d: {  	_ =	shalt  }
0x5e: {  	_ =	shalt  }
0x5f: {  	_ =	shalt  }
0x60: {  	_ =	shalt  }
0x61: {  	_ =	shalt  }
0x62: {  	_ =	shalt  }
0x63: {  	_ =	shalt  }
0x64: {  	_ =	shalt  }
0x65: {  	_ =	shalt  }
0x66: {  	_ =	shalt  }
0x67: {  	_ =	shalt  }
0x68: {  	_ =	shalt  }
0x69: {  	_ =	shalt  }
0x6a: {  	_ =	shalt  }
0x6b: {  	_ =	shalt  }
0x6c: {  	_ =	shalt  }
0x6d: {  	_ =	shalt  }
0x6e: {  	_ =	shalt  }
0x6f: {  	_ =	shalt  }
0x70: {  	_ =	shalt  }
0x71: {  	_ =	shalt  }
0x72: {  	_ =	shalt  }
0x73: {  	_ =	shalt  }
0x74: {  	_ =	shalt  }
0x75: {  	_ =	shalt  }
0x76: {  	_ =	shalt  }
0x77: {  	_ =	shalt  }
0x78: {  	_ =	shalt  }
0x79: {  	_ =	shalt  }
0x7a: {  	_ =	shalt  }
0x7b: {  	_ =	shalt  }
0x7c: {  	_ =	shalt  }
0x7d: {  	_ =	shalt  }
0x7e: {  	_ =	shalt  }
0x7f: {  	_ =	shalt  }
0x80: {  	_ =	shalt  }
0x81: {  	_ =	shalt  }
0x82: {  	_ =	shalt  }
0x83: {  	_ =	shalt  }
0x84: {  	_ =	shalt  }
0x85: {  	_ =	shalt  }
0x86: {  	_ =	shalt  }
0x87: {  	_ =	shalt  }
.Lfunc_end0:
.L_simem_size_0:
called_computation_lowered:
.L_overlay_start_0:
0x88: {  	s2 =	sld [smem:$0x3FD9]  }
0x89: {  	s3 =	sld [smem:$0x3FFE];
	_ =	sdelay $0x1  }
0x8a: {  	s1 =	srdreg.scid  }
0x8b: {  	s0 =	sand.u32 $0x1, s1  }
0x8c: {  	s17 =	sshll.u32 s0, $0xA;
	s2 =	sadd.s32 s3, s2  }
0x8d: {  	s2 =	sadd.s32 s2, s17  }
0x8e: {  	[smem:$0x3FBD] =	sst s2  }
0x8f: {  	_ = 	snop  }
0x90: {  	s2 =	sld [smem:$0x3FD0];
	(tm) =	ssettm $0x1  }
0x91: {  	s18 =	sld [smem:$0x3FFB];
	_ =	sdelay $0x3  }
0x92: {  	_ =	strace s18  }
0x93: {  	s3 =	sld [smem:$0x3FFC];
	_ =	sdelay $0x3  }
0x94: {  	_ =	strace s3  }
0x95: {  	s3 =	sld [smem:$0x3FFD];
	_ =	sdelay $0x3  }
0x96: {  	_ =	strace s3  }
0x97: {  	_ =	strace $0x8FFFFFFF  }
0x98: {  	s19 =	sld [smem:$0x3FDB];
	_ =	sdelay $0x1  }
0x99: {  	s4 =	simm.s32 $_scs_section_size  }
0x9a: {  	s5 =	simm.s32 $_size__tile_overlayer_lowered;
	s6 =	simm.s32 $_tile_overlayer_lowered  }
0x9b: {  	s22 =	simm.s32 $0x1BFF;
	s21 =	sshll.u32 s6, $0x1;
	s3 =	sadd.s32 s4, s19  }
0x9c: {  	s7 =	simm.s32 $0x0;
	s20 =	sshll.u32 s5, $0x1;
	s5 =	sadd.s32 s21, s3  }
0x9d: {  	[timem:s7], [sflag:s22] =	dma.local [hbm:s5], s20  }
0x9e: {  	_ =	swait.ge [sflag:s22], s20  }
0x9f: {  	s4 =	ssub.s32 $0x0, s20;
	[sflag:s22] =	ssyncset.done $0x0  }
0xa0: {  	[sflag:s22] =	ssyncadd.s32 s4;
	_ =	sdelay $0x1  }
0xa1: {  	s23 =	simm.s32 $0x1B8B  }
0xa2: {  	_ =	swait.ge [sflag:s23], $0x1  }
0xa3: {  	[sflag:s23] =	ssyncset.done $0x0  }
0xa4: {  	s25 =	simm.s32 $0x1B8E;
	s24 =	sld [smem:$0x3FFE];
	[sflag:s23] =	ssyncadd.s32 $0xFFFFFFFF  }
0xa5: {  	s26 =	simm.s32 $execute0_lowered;
	[smem:$0x3FD2] =	sst s25  }
0xa6: {  	s5 =	sshll.u32 s26, $0x1;
	_ =	strace $0x80000046;
	[dreg:$0x1] =	wrdreg $0xFFFFFFFF  }
0xa7: {  	s28 =	simm.s32 $_size_execute0_lowered;
	s3 =	sadd.s32 s3, s5;
	[dreg:$0x0] =	wrdreg $0x0  }
0xa8: {  	s5 =	sshll.u32 s28, $0x1;
	[dreg:$0x2] =	wrdreg s3  }
0xa9: {  	[dreg:$0x3] =	wrdreg s5  }
0xaa: {  	[dreg:$0x4] =	wrdreg $0xC0  }
0xab: {  	_ =	task [dreg:s7], $0x5FFFF  }
0xac: {  	[dreg:$0x1] =	wrdreg $0xFFFFFFFF  }
0xad: {  	[dreg:$0x0] =	wrdreg $0x60  }
0xae: {  	[dreg:$0x2] =	wrdreg s24  }
0xaf: {  	[dreg:$0x3] =	wrdreg s2  }
0xb0: {  	[dreg:$0x4] =	wrdreg $0x0  }
0xb1: {  	[dreg:$0x5] =	wrdreg $0x9  }
0xb2: {  	_ =	task.clear_ibuf [dreg:s7], $0x6FFFF;
	_ =	strace $0x90000046  }
0xb3: {  	s29 =	simm.s32 $0x9;
	_ =	strace $0x80000048  }
0xb4: {  	_ =	swait.ge [sflag:s29], $0x1  }
0xb5: {  	[sflag:s29] =	ssyncadd.s32 $0xFFFFFFFF  }
0xb6: {  	_ =	strace $0x90000048  }
0xb7: {  	_ =	sfence  }
0xb8: {  	s30 =	sld [smem:$0x0];
	_ =	sdelay $0x2  }
0xb9: {  	s31 =	sshll.u32 s1, $0xD;
	s1 =	sshrl.u32 s1, $0x2  }
0xba: {  	s3 =	sand.u32 $0x4000, s31;
	s1 =	sadd.s32 s1, s30  }
0xbb: {  	s0 =	sor.u32 s3, s0;
	s1 =	sshll.u32 s1, $0x11  }
0xbc: {  	s0 =	sor.u32 s1, s0  }
0xbd: {  	s0 =	sadd.s32 $0x8F2B, s0  }
0xbe: {  	[sflag:s0] =	ssyncadd.remote.s32 $0x1  }
0xbf: {  	_ =	sfence.sel $0xFFFF  }
0xc0: {  	[dreg:$0x0] =	wrdreg $0xFFFFFFFF;
	(pc) =	sbr.abs _section_cstart, $3  }
0xc1: {  	[dreg:$0x1] =	wrdreg $0xFFFFFFFF  }
0xc2: {  	_ =	task.clear_ibuf [dreg:s7], $0x2FFFF;
	_ =	strace $0x9FFFFFFF  }
0xc3: {  	(tm) =	ssettm $0x7FFFFFFF  }
tec
execute0_lowered:
.L_overlay_start_1:
0x0: {  	(tag) =	ssettag $0x1  }
0x1: {  	s0 =	rddreg [dreg:$0x0]  }
0x2: {  	s2 =	rddreg [dreg:$0x1]  }
0x3: {  	s3 =	rddreg [dreg:$0x2];
	s4 =	simm.s32 $0x0  }
0x4: {  	s30 =	stileid.u32;
	s8 =	srdreg.scid;
	s17 =	simm.s32 $0x15000  }
0x5: {  	s29 =	simm.s32 $0x2;
	s31 =	simm.s32 $0x4;
	s11 =	simm.s32 $0x14200  }
0x6: {  	s12 =	simm.s32 $0x14980;
	s13 =	simm.s32 $0x14280;
	s14 =	simm.s32 $0x14A00  }
0x7: {  	[smem:$0x7FF] =	sst s4;
	s1 =	smul.u32 $0x500, s30;
	s5 =	sadd.s32 $0x2400, s0  }
0x8: {  	s18 =	smul.u32 $0x2800, s30;
	s6 =	sshrl.u32 s30, $0x3;
	s7 =	sshll.u32 s30, $0x7  }
0x9: {  	s8 =	sand.u32 $0x1, s8;
	s9 =	smul.u32 $0x50000, s30;
	_ =	strace $0x80000047  }
0xa: {  	[dreg:$0x4] =	wrdreg s5;
	s6 =	smul.u32 $0x14000, s6;
	s7 =	sand.u32 $0x380, s7  }
0xb: {  	s19 =	ssub.s32 $0x2, s8;
	p0 =	sne.s32 s8, $0x0;
	s8 =	simm.s32 $0x14100  }
0xc: {  	s1 =	sadd.s32 s1, s0;
	s5 =	sadd.s32 s18, s0;
	s10 =	sshrl.u32 s19, $0x1  }
0xd: {  	s9 =	sshrl.u32 s9, $0x2;
	s18 =	simm.s32 $0x5;
	s6 =	sor.u32 s7, s6  }
0xe: {  	s20 =	ssub.s32 s19, s10;
	s21 =	sadd.s32 s9, s3;
	s22 =	sadd.s32 $0x6A600, s5  }
0xf: {  	s5 =	sadd.s32 $0x3D600, s5;
	s15 =	sadd.s32 $0x2E600, s1;
	s16 =	sadd.s32 $0x29600, s1  }
0x10: {  	s19 =	simm.s32 $0x14000;
	s1 =	simm.s32 $0x0;
	[dreg:$0x6] =	wrdreg s22  }
0x11: {  	s9 =	simm.s32 $0x14880;
	s10 =	simm.s32 $0x14900;
	[dreg:$0x7] =	wrdreg s5  }
0x12: {  	s6 =	sshrl.u32 s6, $0x3;
	s23 =	smax.u32 s20, $0x1;
	[dreg:$0x5] =	wrdreg s21  }
0x13: {  	s24 =	sadd.s32 $0x4000, s21;
	s25 =	sadd.s32 $0x8000, s21;
	[dreg:$0x9] =	wrdreg s23  }
0x14: {  	s26 =	sadd.s32 $0xC000, s21;
	s28 =	sadd.s32 $0x10000, s21;
	[dreg:$0xa] =	wrdreg s24  }
.Ltmp0:
0x15: {  	s20 =	simm.s32 $0x14800;
	[dreg:$0xb] =	wrdreg s25;
	(pc) =	sbr.rel .LBB2_1-.Ltmp0, $4  }
0x16: {  	s21 =	simm.s32 $0x80;
	s5 =	simm.s32 $0x14A80;
	[dreg:$0xc] =	wrdreg s26  }
0x17: {  	s0 =	sadd.s32 s6, s0;
	[dreg:$0xd] =	wrdreg s28;
	s23 =	simm.s32 $0x19000  }
0x18: {  	s24 =	simm.s32 $0x1;
	s25 =	simm.s32 $0x1D000;
	s0 =	sadd.s32 $0x65600, s0  }
0x19: {  	v0 =	vimm.f32 $0.0e+00;
	v1 =	vimm.f32 $1.000000000e+00;
	s26 =	simm.s32 $0x3;
	s6 =	simm.s32 $0x14300;
	[dreg:$0x8] =	wrdreg s0  }
.LBB2_10:
0x1a: {  	s0 =	sadd.s32 s22, s16;
	[sflag:s31] =	ssyncadd.s32 $0xFFFFC000  }
0x1b: {  	[tilespmem:s19], [sflag:$0x5] =	stream.linear.gather [hbm4b:s0+s4], $0x800, $0x38;
	[tilespmem:$0x1F800] =	vst v63  }
0x1c: {  	_ =	swait.ge [sflag:s18], $0x800  }
0x1d: {  	[sflag:s18] =	ssyncset.done $0x0  }
0x1e: {  	s28 =	sadd.s32 s22, s15;
	[sflag:s18] =	ssyncadd.s32 $0xFFFFF800  }
0x1f: {  	[tilespmem:s20], [sflag:$0x5] =	stream.linear.gather [hbm4b:s28+s4], $0x800, $0x38;
	[tilespmem:$0x1F800] =	vst v63  }
0x20: {  	_ =	swait.ge [sflag:s18], $0x800  }
0x21: {  	[sflag:s18] =	ssyncset.done $0x0  }
0x22: {  	[sflag:s18] =	ssyncadd.s32 $0xFFFFF800  }
0x23: {  	[tilespmem:s17], [sflag:$0x1] =	stream.indirect.gather [hbm4b:s2+s21], $0x80, s19, s21, $0xb8;
	[tilespmem:$0x1F800] =	vst v63  }
0x24: {  	_ = 	snop  }
0x25: {  	[tilespmem:s23], [sflag:$0x2] =	stream.indirect.gather [hbm4b:s2+s21], $0x80, s7, s21, $0xb8;
	[tilespmem:$0x1F800] =	vst v63  }
0x26: {  	_ =	swait.ge [sflag:s24], $0x4000  }
0x27: {  	[sflag:s24] =	ssyncset.done $0x0  }
0x28: {  	[sflag:s24] =	ssyncadd.s32 $0xFFFFC000  }
0x29: {  	[spmem:s3] =	stream.indirect.scatter.add.f32 [tilespmem:s17], [sflag:$0x3], $0x80, s20, s21, $0xb8;
	[tilespmem:$0x1F800] =	vst v63  }
0x2a: {  	_ =	swait.ge [sflag:s26], $0x4000  }
0x2b: {  	[sflag:s26] =	ssyncset.done $0x0  }
0x2c: {  	[sflag:s26] =	ssyncadd.s32 $0xFFFFC000  }
0x2d: {  	[tilespmem:s17], [sflag:$0x1] =	stream.indirect.gather [hbm4b:s2+s21], $0x80, s8, s21, $0xb8;
	[tilespmem:$0x1F800] =	vst v63  }
0x2e: {  	_ =	swait.ge [sflag:s29], $0x4000  }
0x2f: {  	[sflag:s29] =	ssyncset.done $0x0  }
0x30: {  	[sflag:s29] =	ssyncadd.s32 $0xFFFFC000  }
0x31: {  	[spmem:s3] =	stream.indirect.scatter.add.f32 [tilespmem:s23], [sflag:$0x4], $0x80, s9, s21, $0xb8;
	[tilespmem:$0x1F800] =	vst v63  }
0x32: {  	_ =	swait.ge [sflag:s31], $0x4000  }
0x33: {  	[sflag:s31] =	ssyncset.done $0x0  }
0x34: {  	[sflag:s31] =	ssyncadd.s32 $0xFFFFC000  }
0x35: {  	[tilespmem:s23], [sflag:$0x2] =	stream.indirect.gather [hbm4b:s2+s21], $0x80, s1, s21, $0xb8;
	[tilespmem:$0x1F800] =	vst v63  }
0x36: {  	_ =	swait.ge [sflag:s24], $0x4000  }
0x37: {  	[sflag:s24] =	ssyncset.done $0x0  }
0x38: {  	[sflag:s24] =	ssyncadd.s32 $0xFFFFC000  }
0x39: {  	[spmem:s3] =	stream.indirect.scatter.add.f32 [tilespmem:s17], [sflag:$0x3], $0x80, s10, s21, $0xb8;
	[tilespmem:$0x1F800] =	vst v63  }
0x3a: {  	_ =	swait.ge [sflag:s26], $0x4000  }
0x3b: {  	[sflag:s26] =	ssyncset.done $0x0  }
0x3c: {  	[sflag:s26] =	ssyncadd.s32 $0xFFFFC000  }
0x3d: {  	[tilespmem:s17], [sflag:$0x1] =	stream.indirect.gather [hbm4b:s2+s21], $0x80, s11, s21, $0xb8;
	[tilespmem:$0x1F800] =	vst v63  }
0x3e: {  	_ =	swait.ge [sflag:s29], $0x4000  }
0x3f: {  	[sflag:s29] =	ssyncset.done $0x0  }
0x40: {  	[sflag:s29] =	ssyncadd.s32 $0xFFFFC000  }
0x41: {  	[spmem:s3] =	stream.indirect.scatter.add.f32 [tilespmem:s23], [sflag:$0x4], $0x80, s12, s21, $0xb8;
	[tilespmem:$0x1F800] =	vst v63  }
0x42: {  	_ =	swait.ge [sflag:s31], $0x4000  }
0x43: {  	[sflag:s31] =	ssyncset.done $0x0  }
0x44: {  	[sflag:s31] =	ssyncadd.s32 $0xFFFFC000  }
0x45: {  	[tilespmem:s23], [sflag:$0x2] =	stream.indirect.gather [hbm4b:s2+s21], $0x80, s13, s21, $0xb8;
	[tilespmem:$0x1F800] =	vst v63  }
0x46: {  	_ =	swait.ge [sflag:s24], $0x4000  }
0x47: {  	[sflag:s24] =	ssyncset.done $0x0  }
0x48: {  	[sflag:s24] =	ssyncadd.s32 $0xFFFFC000  }
0x49: {  	[spmem:s3] =	stream.indirect.scatter.add.f32 [tilespmem:s17], [sflag:$0x3], $0x80, s14, s21, $0xb8;
	[tilespmem:$0x1F800] =	vst v63  }
0x4a: {  	_ =	swait.ge [sflag:s26], $0x4000  }
0x4b: {  	[sflag:s26] =	ssyncset.done $0x0  }
0x4c: {  	[sflag:s26] =	ssyncadd.s32 $0xFFFFC000  }
0x4d: {  	[tilespmem:s17], [sflag:$0x1] =	stream.indirect.gather [hbm4b:s2+s21], $0x80, s6, s21, $0xb8;
	[tilespmem:$0x1F800] =	vst v63  }
0x4e: {  	_ =	swait.ge [sflag:s29], $0x4000  }
0x4f: {  	[sflag:s29] =	ssyncset.done $0x0  }
0x50: {  	[sflag:s29] =	ssyncadd.s32 $0xFFFFC000  }
0x51: {  	[spmem:s3] =	stream.indirect.scatter.add.f32 [tilespmem:s23], [sflag:$0x4], $0x80, s5, s21, $0xb8;
	[tilespmem:$0x1F800] =	vst v63  }
0x52: {  	_ =	swait.ge [sflag:s31], $0x4000  }
0x53: {  	[sflag:s31] =	ssyncset.done $0x0  }
0x54: {  	s22 =	simm.s32 $0x14380;
	[sflag:s31] =	ssyncadd.s32 $0xFFFFC000  }
0x55: {  	[tilespmem:s23], [sflag:$0x2] =	stream.indirect.gather [hbm4b:s2+s21], $0x80, s22, s21, $0xb8;
	[tilespmem:$0x1F800] =	vst v63  }
0x56: {  	_ =	swait.ge [sflag:s24], $0x4000  }
0x57: {  	[sflag:s24] =	ssyncset.done $0x0  }
0x58: {  	s28 =	simm.s32 $0x14B00;
	[sflag:s24] =	ssyncadd.s32 $0xFFFFC000  }
0x59: {  	[spmem:s3] =	stream.indirect.scatter.add.f32 [tilespmem:s17], [sflag:$0x3], $0x80, s28, s21, $0xb8;
	[tilespmem:$0x1F800] =	vst v63  }
0x5a: {  	_ =	swait.ge [sflag:s26], $0x4000  }
0x5b: {  	[sflag:s26] =	ssyncset.done $0x0  }
0x5c: {  	s1 =	simm.s32 $0x14400;
	[sflag:s26] =	ssyncadd.s32 $0xFFFFC000  }
0x5d: {  	[tilespmem:s17], [sflag:$0x1] =	stream.indirect.gather [hbm4b:s2+s21], $0x80, s1, s21, $0xb8;
	[tilespmem:$0x1F800] =	vst v63  }
0x5e: {  	_ =	swait.ge [sflag:s29], $0x4000  }
0x5f: {  	[sflag:s29] =	ssyncset.done $0x0  }
0x60: {  	s7 =	simm.s32 $0x14B80;
	[sflag:s29] =	ssyncadd.s32 $0xFFFFC000  }
0x61: {  	[spmem:s3] =	stream.indirect.scatter.add.f32 [tilespmem:s23], [sflag:$0x4], $0x80, s7, s21, $0xb8;
	[tilespmem:$0x1F800] =	vst v63  }
0x62: {  	_ =	swait.ge [sflag:s31], $0x4000  }
0x63: {  	[sflag:s31] =	ssyncset.done $0x0  }
0x64: {  	s22 =	simm.s32 $0x14480;
	[sflag:s31] =	ssyncadd.s32 $0xFFFFC000  }
0x65: {  	[tilespmem:s23], [sflag:$0x2] =	stream.indirect.gather [hbm4b:s2+s21], $0x80, s22, s21, $0xb8;
	[tilespmem:$0x1F800] =	vst v63  }
0x66: {  	_ =	swait.ge [sflag:s24], $0x4000  }
0x67: {  	[sflag:s24] =	ssyncset.done $0x0  }
0x68: {  	s28 =	simm.s32 $0x14C00;
	[sflag:s24] =	ssyncadd.s32 $0xFFFFC000  }
0x69: {  	[spmem:s3] =	stream.indirect.scatter.add.f32 [tilespmem:s17], [sflag:$0x3], $0x80, s28, s21, $0xb8;
	[tilespmem:$0x1F800] =	vst v63  }
0x6a: {  	_ =	swait.ge [sflag:s26], $0x4000  }
0x6b: {  	[sflag:s26] =	ssyncset.done $0x0  }
0x6c: {  	s1 =	simm.s32 $0x14500;
	[sflag:s26] =	ssyncadd.s32 $0xFFFFC000  }
0x6d: {  	[tilespmem:s17], [sflag:$0x1] =	stream.indirect.gather [hbm4b:s2+s21], $0x80, s1, s21, $0xb8;
	[tilespmem:$0x1F800] =	vst v63  }
0x6e: {  	_ =	swait.ge [sflag:s29], $0x4000  }
0x6f: {  	[sflag:s29] =	ssyncset.done $0x0  }
0x70: {  	s7 =	simm.s32 $0x14C80;
	[sflag:s29] =	ssyncadd.s32 $0xFFFFC000  }
0x71: {  	[spmem:s3] =	stream.indirect.scatter.add.f32 [tilespmem:s23], [sflag:$0x4], $0x80, s7, s21, $0xb8;
	[tilespmem:$0x1F800] =	vst v63  }
0x72: {  	_ =	swait.ge [sflag:s31], $0x4000  }
0x73: {  	[sflag:s31] =	ssyncset.done $0x0  }
0x74: {  	s22 =	simm.s32 $0x14580;
	[sflag:s31] =	ssyncadd.s32 $0xFFFFC000  }
0x75: {  	[tilespmem:s23], [sflag:$0x2] =	stream.indirect.gather [hbm4b:s2+s21], $0x80, s22, s21, $0xb8;
	[tilespmem:$0x1F800] =	vst v63  }
0x76: {  	_ =	swait.ge [sflag:s24], $0x4000  }
0x77: {  	[sflag:s24] =	ssyncset.done $0x0  }
0x78: {  	s28 =	simm.s32 $0x14D00;
	[sflag:s24] =	ssyncadd.s32 $0xFFFFC000  }
0x79: {  	[spmem:s3] =	stream.indirect.scatter.add.f32 [tilespmem:s17], [sflag:$0x3], $0x80, s28, s21, $0xb8;
	[tilespmem:$0x1F800] =	vst v63  }
0x7a: {  	_ =	swait.ge [sflag:s26], $0x4000  }
0x7b: {  	[sflag:s26] =	ssyncset.done $0x0  }
0x7c: {  	s1 =	simm.s32 $0x14600;
	[sflag:s26] =	ssyncadd.s32 $0xFFFFC000  }
0x7d: {  	[tilespmem:s17], [sflag:$0x1] =	stream.indirect.gather [hbm4b:s2+s21], $0x80, s1, s21, $0xb8;
	[tilespmem:$0x1F800] =	vst v63  }
0x7e: {  	_ =	swait.ge [sflag:s29], $0x4000  }
0x7f: {  	[sflag:s29] =	ssyncset.done $0x0  }
0x80: {  	s7 =	simm.s32 $0x14D80;
	[sflag:s29] =	ssyncadd.s32 $0xFFFFC000  }
0x81: {  	[spmem:s3] =	stream.indirect.scatter.add.f32 [tilespmem:s23], [sflag:$0x4], $0x80, s7, s21, $0xb8;
	[tilespmem:$0x1F800] =	vst v63  }
0x82: {  	_ =	swait.ge [sflag:s31], $0x4000  }
0x83: {  	[sflag:s31] =	ssyncset.done $0x0  }
0x84: {  	s22 =	simm.s32 $0x14680;
	[sflag:s31] =	ssyncadd.s32 $0xFFFFC000  }
0x85: {  	[tilespmem:s23], [sflag:$0x2] =	stream.indirect.gather [hbm4b:s2+s21], $0x80, s22, s21, $0xb8;
	[tilespmem:$0x1F800] =	vst v63  }
0x86: {  	_ =	swait.ge [sflag:s24], $0x4000  }
0x87: {  	[sflag:s24] =	ssyncset.done $0x0  }
0x88: {  	s28 =	simm.s32 $0x14E00;
	[sflag:s24] =	ssyncadd.s32 $0xFFFFC000  }
0x89: {  	[spmem:s3] =	stream.indirect.scatter.add.f32 [tilespmem:s17], [sflag:$0x3], $0x80, s28, s21, $0xb8;
	[tilespmem:$0x1F800] =	vst v63  }
0x8a: {  	_ =	swait.ge [sflag:s26], $0x4000  }
0x8b: {  	[sflag:s26] =	ssyncset.done $0x0  }
0x8c: {  	s1 =	simm.s32 $0x14700;
	[sflag:s26] =	ssyncadd.s32 $0xFFFFC000  }
0x8d: {  	[tilespmem:s17], [sflag:$0x1] =	stream.indirect.gather [hbm4b:s2+s21], $0x80, s1, s21, $0xb8;
	[tilespmem:$0x1F800] =	vst v63  }
0x8e: {  	_ =	swait.ge [sflag:s29], $0x4000  }
0x8f: {  	[sflag:s29] =	ssyncset.done $0x0  }
0x90: {  	s7 =	simm.s32 $0x14E80;
	[sflag:s29] =	ssyncadd.s32 $0xFFFFC000  }
0x91: {  	[spmem:s3] =	stream.indirect.scatter.add.f32 [tilespmem:s23], [sflag:$0x4], $0x80, s7, s21, $0xb8;
	[tilespmem:$0x1F800] =	vst v63  }
0x92: {  	_ =	swait.ge [sflag:s31], $0x4000  }
0x93: {  	[sflag:s31] =	ssyncset.done $0x0  }
0x94: {  	s22 =	simm.s32 $0x14780;
	[sflag:s31] =	ssyncadd.s32 $0xFFFFC000  }
0x95: {  	[tilespmem:s23], [sflag:$0x2] =	stream.indirect.gather [hbm4b:s2+s21], $0x80, s22, s21, $0xb8;
	[tilespmem:$0x1F800] =	vst v63  }
0x96: {  	_ =	swait.ge [sflag:s24], $0x4000  }
0x97: {  	[sflag:s24] =	ssyncset.done $0x0  }
0x98: {  	s28 =	simm.s32 $0x14F00;
	[sflag:s24] =	ssyncadd.s32 $0xFFFFC000  }
0x99: {  	[spmem:s3] =	stream.indirect.scatter.add.f32 [tilespmem:s17], [sflag:$0x3], $0x80, s28, s21, $0xb8;
	[tilespmem:$0x1F800] =	vst v63  }
0x9a: {  	_ =	swait.ge [sflag:s29], $0x4000  }
0x9b: {  	[sflag:s29] =	ssyncset.done $0x0  }
0x9c: {  	s1 =	simm.s32 $0x14F80;
	[sflag:s29] =	ssyncadd.s32 $0xFFFFC000  }
0x9d: {  	[spmem:s3] =	stream.indirect.scatter.add.f32 [tilespmem:s23], [sflag:$0x4], $0x80, s1, s21, $0xb8;
	[tilespmem:$0x1F800] =	vst v63  }
0x9e: {  	_ =	swait.ge [sflag:s26], $0x4000  }
0x9f: {  	[sflag:s26] =	ssyncset.done $0x0  }
0xa0: {  	[sflag:s26] =	ssyncadd.s32 $0xFFFFC000  }
0xa1: {  	_ =	swait.ge [sflag:s31], $0x4000  }
0xa2: {  	[sflag:s31] =	ssyncset.done $0x0  }
0xa3: {  	[sflag:s31] =	ssyncadd.s32 $0xFFFFC000  }
0xa4: {  	s30 =	stileid.u32;
	[bflag:$0x0] =	sbarrier.arrive $0xFFFF  }
0xa5: {  	s7 =	sshll.u32 s30, $0x6;
	s22 =	rddreg [dreg:$0x5]  }
0xa6: {  	s0 =	sor.u32 $0x1C05, s7;
	s28 =	rddreg [dreg:$0x6];
	s7 =	sshrl.u32 s22, $0x3  }
0xa7: {  	[hbm:s28], [sflag:s0] =	dma.local [spmem:s7], $0x2800  }
0xa8: {  	s1 =	rddreg [dreg:$0xe]  }
.LBB2_11:
0xa9: {  	_ =	swait.ge [sflag:s18], $0x2800  }
0xaa: {  	s1 =	sadd.s32 $0x1, s1;
	s0 =	rddreg [dreg:$0x9]  }
0xab: {  	p1 =	sne.s32 s1, s0  }
.Ltmp1:
0xac: {  	_ = 	snop;
	(pc) =	sbr.rel @!p1 .LBB2_12-.Ltmp1, $3  }
0xad: {  	_ =	sdelay $0x1  }
0xae: {  	[sflag:s18] =	ssyncset.done $0x0  }
0xaf: {  	[sflag:s18] =	ssyncadd.s32 $0xFFFFD800  }
.LBB2_1:
0xb0: {  	s22 =	simm.s32 $0x0;
	s28 =	simm.s32 $0x200  }
.LBB2_2:
0xb1: {  	p1 =	sne.s32 s28, $0xFE00;
	[tilespmem:s22+$0x15070] =	vst v0  }
0xb2: {  	[tilespmem:s22+$0x15000] =	vst v0  }
0xb3: {  	[tilespmem:s22+$0x15010] =	vst v0  }
.Ltmp2:
0xb4: {  	[tilespmem:s22+$0x15020] =	vst v0;
	(pc) =	sbr.rel @p1 .LBB2_2-.Ltmp2, $4  }
0xb5: {  	[tilespmem:s22+$0x15030] =	vst v0  }
0xb6: {  	[tilespmem:s22+$0x15040] =	vst v0  }
0xb7: {  	[tilespmem:s22+$0x15050] =	vst v0  }
0xb8: {  	[tilespmem:s22+$0x15060] =	vst v0;
	s22 =	sshra.s32 s28, $0x2;
	s28 =	sadd.s32 $0x200, s28  }
0xb9: {  	[tilespmem:s22+$0x15070] =	vst v0  }
0xba: {  	[tilespmem:s22+$0x15000] =	vst v0  }
0xbb: {  	[tilespmem:s22+$0x15010] =	vst v0  }
0xbc: {  	[tilespmem:s22+$0x15020] =	vst v0  }
0xbd: {  	[tilespmem:s22+$0x15030] =	vst v0  }
0xbe: {  	[tilespmem:s22+$0x15040] =	vst v0  }
0xbf: {  	[dreg:$0xe] =	wrdreg s1;
	[tilespmem:s22+$0x15050] =	vst v0  }
0xc0: {  	[tilespmem:s22+$0x15060] =	vst v0;
	s22 =	simm.s32 $0x40;
	s28 =	simm.s32 $0x0;
	s0 =	rddreg [dreg:$0x4]  }
.LBB2_4:
0xc1: {  	p1 =	sne.s32 s22, $0x9FC0;
	[tilespmem:s28+$0x1D000] =	vst v0;
	s28 =	smov.u32 s22;
	s22 =	sadd.s32 $0x40, s22  }
.Ltmp3:
0xc2: {  	(pc) =	sbr.rel @p1 .LBB2_4-.Ltmp3, $2  }
0xc3: {  	_ =	sdelay $0x2  }
0xc4: {  	s28 =	sshra.s32 s28, $0x2  }
0xc5: {  	[tilespmem:s28+$0x1D000] =	vst v0;
	s7 =	rddreg [dreg:$0x5]  }
0xc6: {  	[spmem:s7] =	stream.linear.scatter [tilespmem:s17], [sflag:$0x5], $0x4000, $0x38;
	[tilespmem:$0x1F800] =	vst v63  }
0xc7: {  	_ =	swait.ge [sflag:s18], $0x4000  }
0xc8: {  	[sflag:s18] =	ssyncset.done $0x0  }
0xc9: {  	s28 =	rddreg [dreg:$0xa];
	[sflag:s18] =	ssyncadd.s32 $0xFFFFC000  }
0xca: {  	[spmem:s28] =	stream.linear.scatter [tilespmem:s17], [sflag:$0x5], $0x4000, $0x38;
	[tilespmem:$0x1F800] =	vst v63  }
0xcb: {  	_ =	swait.ge [sflag:s18], $0x4000  }
0xcc: {  	[sflag:s18] =	ssyncset.done $0x0  }
0xcd: {  	s1 =	rddreg [dreg:$0xb];
	[sflag:s18] =	ssyncadd.s32 $0xFFFFC000  }
0xce: {  	[spmem:s1] =	stream.linear.scatter [tilespmem:s17], [sflag:$0x5], $0x4000, $0x38;
	[tilespmem:$0x1F800] =	vst v63  }
0xcf: {  	_ =	swait.ge [sflag:s18], $0x4000  }
0xd0: {  	[sflag:s18] =	ssyncset.done $0x0  }
0xd1: {  	s22 =	rddreg [dreg:$0xc];
	[sflag:s18] =	ssyncadd.s32 $0xFFFFC000  }
0xd2: {  	[spmem:s22] =	stream.linear.scatter [tilespmem:s17], [sflag:$0x5], $0x4000, $0x38;
	[tilespmem:$0x1F800] =	vst v63  }
0xd3: {  	_ =	swait.ge [sflag:s18], $0x4000  }
0xd4: {  	[sflag:s18] =	ssyncset.done $0x0  }
0xd5: {  	s28 =	rddreg [dreg:$0xd];
	[sflag:s18] =	ssyncadd.s32 $0xFFFFC000  }
0xd6: {  	[spmem:s28] =	stream.linear.scatter [tilespmem:s17], [sflag:$0x5], $0x4000, $0x38;
	[tilespmem:$0x1F800] =	vst v63  }
.Ltmp4:
0xd7: {  	_ =	swait.ge [sflag:s18], $0x4000;
	(pc) =	sbr.rel @p0 .LBB2_8-.Ltmp4, $4  }
0xd8: {  	[sflag:s18] =	ssyncset.done $0x0  }
0xd9: {  	[sflag:s18] =	ssyncadd.s32 $0xFFFFC000  }
0xda: {  	[bflag:$0x0] =	sbarrier.arrive $0xFFFF  }
0xdb: {  	s7 =	simm.s32 $0x14080;
	s1 =	simm.s32 $0x14180;
	s22 =	simm.s32 $0x0  }
.LBB2_6:
0xdc: {  	s28 =	sadd.s32 s22, s16  }
0xdd: {  	[tilespmem:s19], [sflag:$0x5] =	stream.linear.gather [hbm4b:s28+s4], $0x800, $0x38;
	[tilespmem:$0x1F800] =	vst v63  }
0xde: {  	_ =	swait.ge [sflag:s18], $0x800  }
0xdf: {  	[sflag:s18] =	ssyncset.done $0x0  }
0xe0: {  	s28 =	sadd.s32 s22, s15;
	[sflag:s18] =	ssyncadd.s32 $0xFFFFF800  }
0xe1: {  	[tilespmem:s20], [sflag:$0x5] =	stream.linear.gather [hbm4b:s28+s4], $0x800, $0x38;
	[tilespmem:$0x1F800] =	vst v63  }
0xe2: {  	_ =	swait.ge [sflag:s18], $0x800  }
0xe3: {  	[sflag:s18] =	ssyncset.done $0x0  }
0xe4: {  	[sflag:s18] =	ssyncadd.s32 $0xFFFFF800  }
0xe5: {  	[tilespmem:s17], [sflag:$0x1] =	stream.indirect.gather [hbm4b:s0+s21], $0x80, s19, s21, $0xb8;
	[tilespmem:$0x1F800] =	vst v63  }
0xe6: {  	_ = 	snop  }
0xe7: {  	[tilespmem:s23], [sflag:$0x2] =	stream.indirect.gather [hbm4b:s0+s21], $0x80, s7, s21, $0xb8;
	[tilespmem:$0x1F800] =	vst v63  }
0xe8: {  	_ =	swait.ge [sflag:s24], $0x4000  }
0xe9: {  	[sflag:s24] =	ssyncset.done $0x0  }
0xea: {  	[sflag:s24] =	ssyncadd.s32 $0xFFFFC000  }
0xeb: {  	[spmem:s3] =	stream.indirect.scatter.add.f32 [tilespmem:s17], [sflag:$0x3], $0x80, s20, s21, $0xb8;
	[tilespmem:$0x1F800] =	vst v63  }
0xec: {  	v2 =	vld [tilespmem:$0x14800];
	_ =	sdelay $0x7  }
0xed: {  	[tilespmem:v2+s25+$0x0] =	vst.idx.add.f32.msk $0xffff, v1  }
0xee: {  	v2 =	vld [tilespmem:$0x14810];
	_ =	sdelay $0x7  }
0xef: {  	[tilespmem:v2+s25+$0x0] =	vst.idx.add.f32.msk $0xffff, v1  }
0xf0: {  	v2 =	vld [tilespmem:$0x14820];
	_ =	sdelay $0x7  }
0xf1: {  	[tilespmem:v2+s25+$0x0] =	vst.idx.add.f32.msk $0xffff, v1  }
0xf2: {  	v2 =	vld [tilespmem:$0x14830];
	_ =	sdelay $0x7  }
0xf3: {  	[tilespmem:v2+s25+$0x0] =	vst.idx.add.f32.msk $0xffff, v1  }
0xf4: {  	v2 =	vld [tilespmem:$0x14840];
	_ =	sdelay $0x7  }
0xf5: {  	[tilespmem:v2+s25+$0x0] =	vst.idx.add.f32.msk $0xffff, v1  }
0xf6: {  	v2 =	vld [tilespmem:$0x14850];
	_ =	sdelay $0x7  }
0xf7: {  	[tilespmem:v2+s25+$0x0] =	vst.idx.add.f32.msk $0xffff, v1  }
0xf8: {  	v2 =	vld [tilespmem:$0x14860];
	_ =	sdelay $0x7  }
0xf9: {  	[tilespmem:v2+s25+$0x0] =	vst.idx.add.f32.msk $0xffff, v1  }
0xfa: {  	v2 =	vld [tilespmem:$0x14870];
	_ =	sdelay $0x7  }
0xfb: {  	[tilespmem:v2+s25+$0x0] =	vst.idx.add.f32.msk $0xffff, v1  }
0xfc: {  	_ =	swait.ge [sflag:s26], $0x4000  }
0xfd: {  	[sflag:s26] =	ssyncset.done $0x0  }
0xfe: {  	[sflag:s26] =	ssyncadd.s32 $0xFFFFC000  }
0xff: {  	[tilespmem:s17], [sflag:$0x1] =	stream.indirect.gather [hbm4b:s0+s21], $0x80, s8, s21, $0xb8;
	[tilespmem:$0x1F800] =	vst v63  }
0x100: {  	_ =	swait.ge [sflag:s29], $0x4000  }
0x101: {  	[sflag:s29] =	ssyncset.done $0x0  }
0x102: {  	[sflag:s29] =	ssyncadd.s32 $0xFFFFC000  }
0x103: {  	[spmem:s3] =	stream.indirect.scatter.add.f32 [tilespmem:s23], [sflag:$0x4], $0x80, s9, s21, $0xb8;
	[tilespmem:$0x1F800] =	vst v63  }
0x104: {  	v2 =	vld [tilespmem:$0x14880];
	_ =	sdelay $0x7  }
0x105: {  	[tilespmem:v2+s25+$0x0] =	vst.idx.add.f32.msk $0xffff, v1  }
0x106: {  	v2 =	vld [tilespmem:$0x14890];
	_ =	sdelay $0x7  }
0x107: {  	[tilespmem:v2+s25+$0x0] =	vst.idx.add.f32.msk $0xffff, v1  }
0x108: {  	v2 =	vld [tilespmem:$0x148A0];
	_ =	sdelay $0x7  }
0x109: {  	[tilespmem:v2+s25+$0x0] =	vst.idx.add.f32.msk $0xffff, v1  }
0x10a: {  	v2 =	vld [tilespmem:$0x148B0];
	_ =	sdelay $0x7  }
0x10b: {  	[tilespmem:v2+s25+$0x0] =	vst.idx.add.f32.msk $0xffff, v1  }
0x10c: {  	v2 =	vld [tilespmem:$0x148C0];
	_ =	sdelay $0x7  }
0x10d: {  	[tilespmem:v2+s25+$0x0] =	vst.idx.add.f32.msk $0xffff, v1  }
0x10e: {  	v2 =	vld [tilespmem:$0x148D0];
	_ =	sdelay $0x7  }
0x10f: {  	[tilespmem:v2+s25+$0x0] =	vst.idx.add.f32.msk $0xffff, v1  }
0x110: {  	v2 =	vld [tilespmem:$0x148E0];
	_ =	sdelay $0x7  }
0x111: {  	[tilespmem:v2+s25+$0x0] =	vst.idx.add.f32.msk $0xffff, v1  }
0x112: {  	v2 =	vld [tilespmem:$0x148F0];
	_ =	sdelay $0x7  }
0x113: {  	[tilespmem:v2+s25+$0x0] =	vst.idx.add.f32.msk $0xffff, v1  }
0x114: {  	_ =	swait.ge [sflag:s31], $0x4000  }
0x115: {  	[sflag:s31] =	ssyncset.done $0x0  }
0x116: {  	[sflag:s31] =	ssyncadd.s32 $0xFFFFC000  }
0x117: {  	[tilespmem:s23], [sflag:$0x2] =	stream.indirect.gather [hbm4b:s0+s21], $0x80, s1, s21, $0xb8;
	[tilespmem:$0x1F800] =	vst v63  }
0x118: {  	_ =	swait.ge [sflag:s24], $0x4000  }
0x119: {  	[sflag:s24] =	ssyncset.done $0x0  }
0x11a: {  	[sflag:s24] =	ssyncadd.s32 $0xFFFFC000  }
0x11b: {  	[spmem:s3] =	stream.indirect.scatter.add.f32 [tilespmem:s17], [sflag:$0x3], $0x80, s10, s21, $0xb8;
	[tilespmem:$0x1F800] =	vst v63  }
0x11c: {  	v2 =	vld [tilespmem:$0x14900];
	_ =	sdelay $0x7  }
0x11d: {  	[tilespmem:v2+s25+$0x0] =	vst.idx.add.f32.msk $0xffff, v1  }
0x11e: {  	v2 =	vld [tilespmem:$0x14910];
	_ =	sdelay $0x7  }
0x11f: {  	[tilespmem:v2+s25+$0x0] =	vst.idx.add.f32.msk $0xffff, v1  }
0x120: {  	v2 =	vld [tilespmem:$0x14920];
	_ =	sdelay $0x7  }
0x121: {  	[tilespmem:v2+s25+$0x0] =	vst.idx.add.f32.msk $0xffff, v1  }
0x122: {  	v2 =	vld [tilespmem:$0x14930];
	_ =	sdelay $0x7  }
0x123: {  	[tilespmem:v2+s25+$0x0] =	vst.idx.add.f32.msk $0xffff, v1  }
0x124: {  	v2 =	vld [tilespmem:$0x14940];
	_ =	sdelay $0x7  }
0x125: {  	[tilespmem:v2+s25+$0x0] =	vst.idx.add.f32.msk $0xffff, v1  }
0x126: {  	v2 =	vld [tilespmem:$0x14950];
	_ =	sdelay $0x7  }
0x127: {  	[tilespmem:v2+s25+$0x0] =	vst.idx.add.f32.msk $0xffff, v1  }
0x128: {  	v2 =	vld [tilespmem:$0x14960];
	_ =	sdelay $0x7  }
0x129: {  	[tilespmem:v2+s25+$0x0] =	vst.idx.add.f32.msk $0xffff, v1  }
0x12a: {  	v2 =	vld [tilespmem:$0x14970];
	_ =	sdelay $0x7  }
0x12b: {  	[tilespmem:v2+s25+$0x0] =	vst.idx.add.f32.msk $0xffff, v1  }
0x12c: {  	_ =	swait.ge [sflag:s26], $0x4000  }
0x12d: {  	[sflag:s26] =	ssyncset.done $0x0  }
0x12e: {  	[sflag:s26] =	ssyncadd.s32 $0xFFFFC000  }
0x12f: {  	[tilespmem:s17], [sflag:$0x1] =	stream.indirect.gather [hbm4b:s0+s21], $0x80, s11, s21, $0xb8;
	[tilespmem:$0x1F800] =	vst v63  }
0x130: {  	_ =	swait.ge [sflag:s29], $0x4000  }
0x131: {  	[sflag:s29] =	ssyncset.done $0x0  }
0x132: {  	[sflag:s29] =	ssyncadd.s32 $0xFFFFC000  }
0x133: {  	[spmem:s3] =	stream.indirect.scatter.add.f32 [tilespmem:s23], [sflag:$0x4], $0x80, s12, s21, $0xb8;
	[tilespmem:$0x1F800] =	vst v63  }
0x134: {  	v2 =	vld [tilespmem:$0x14980];
	_ =	sdelay $0x7  }
0x135: {  	[tilespmem:v2+s25+$0x0] =	vst.idx.add.f32.msk $0xffff, v1  }
0x136: {  	v2 =	vld [tilespmem:$0x14990];
	_ =	sdelay $0x7  }
0x137: {  	[tilespmem:v2+s25+$0x0] =	vst.idx.add.f32.msk $0xffff, v1  }
0x138: {  	v2 =	vld [tilespmem:$0x149A0];
	_ =	sdelay $0x7  }
0x139: {  	[tilespmem:v2+s25+$0x0] =	vst.idx.add.f32.msk $0xffff, v1  }
0x13a: {  	v2 =	vld [tilespmem:$0x149B0];
	_ =	sdelay $0x7  }
0x13b: {  	[tilespmem:v2+s25+$0x0] =	vst.idx.add.f32.msk $0xffff, v1  }
0x13c: {  	v2 =	vld [tilespmem:$0x149C0];
	_ =	sdelay $0x7  }
0x13d: {  	[tilespmem:v2+s25+$0x0] =	vst.idx.add.f32.msk $0xffff, v1  }
0x13e: {  	v2 =	vld [tilespmem:$0x149D0];
	_ =	sdelay $0x7  }
0x13f: {  	[tilespmem:v2+s25+$0x0] =	vst.idx.add.f32.msk $0xffff, v1  }
0x140: {  	v2 =	vld [tilespmem:$0x149E0];
	_ =	sdelay $0x7  }
0x141: {  	[tilespmem:v2+s25+$0x0] =	vst.idx.add.f32.msk $0xffff, v1  }
0x142: {  	v2 =	vld [tilespmem:$0x149F0];
	_ =	sdelay $0x7  }
0x143: {  	[tilespmem:v2+s25+$0x0] =	vst.idx.add.f32.msk $0xffff, v1  }
0x144: {  	_ =	swait.ge [sflag:s31], $0x4000  }
0x145: {  	[sflag:s31] =	ssyncset.done $0x0  }
0x146: {  	[sflag:s31] =	ssyncadd.s32 $0xFFFFC000  }
0x147: {  	[tilespmem:s23], [sflag:$0x2] =	stream.indirect.gather [hbm4b:s0+s21], $0x80, s13, s21, $0xb8;
	[tilespmem:$0x1F800] =	vst v63  }
0x148: {  	_ =	swait.ge [sflag:s24], $0x4000  }
0x149: {  	[sflag:s24] =	ssyncset.done $0x0  }
0x14a: {  	[sflag:s24] =	ssyncadd.s32 $0xFFFFC000  }
0x14b: {  	[spmem:s3] =	stream.indirect.scatter.add.f32 [tilespmem:s17], [sflag:$0x3], $0x80, s14, s21, $0xb8;
	[tilespmem:$0x1F800] =	vst v63  }
0x14c: {  	v2 =	vld [tilespmem:$0x14A00];
	_ =	sdelay $0x7  }
0x14d: {  	[tilespmem:v2+s25+$0x0] =	vst.idx.add.f32.msk $0xffff, v1  }
0x14e: {  	v2 =	vld [tilespmem:$0x14A10];
	_ =	sdelay $0x7  }
0x14f: {  	[tilespmem:v2+s25+$0x0] =	vst.idx.add.f32.msk $0xffff, v1  }
0x150: {  	v2 =	vld [tilespmem:$0x14A20];
	_ =	sdelay $0x7  }
0x151: {  	[tilespmem:v2+s25+$0x0] =	vst.idx.add.f32.msk $0xffff, v1  }
0x152: {  	v2 =	vld [tilespmem:$0x14A30];
	_ =	sdelay $0x7  }
0x153: {  	[tilespmem:v2+s25+$0x0] =	vst.idx.add.f32.msk $0xffff, v1  }
0x154: {  	v2 =	vld [tilespmem:$0x14A40];
	_ =	sdelay $0x7  }
0x155: {  	[tilespmem:v2+s25+$0x0] =	vst.idx.add.f32.msk $0xffff, v1  }
0x156: {  	v2 =	vld [tilespmem:$0x14A50];
	_ =	sdelay $0x7  }
0x157: {  	[tilespmem:v2+s25+$0x0] =	vst.idx.add.f32.msk $0xffff, v1  }
0x158: {  	v2 =	vld [tilespmem:$0x14A60];
	_ =	sdelay $0x7  }
0x159: {  	[tilespmem:v2+s25+$0x0] =	vst.idx.add.f32.msk $0xffff, v1  }
0x15a: {  	v2 =	vld [tilespmem:$0x14A70];
	_ =	sdelay $0x7  }
0x15b: {  	[tilespmem:v2+s25+$0x0] =	vst.idx.add.f32.msk $0xffff, v1  }
0x15c: {  	_ =	swait.ge [sflag:s26], $0x4000  }
0x15d: {  	[sflag:s26] =	ssyncset.done $0x0  }
0x15e: {  	[sflag:s26] =	ssyncadd.s32 $0xFFFFC000  }
0x15f: {  	[tilespmem:s17], [sflag:$0x1] =	stream.indirect.gather [hbm4b:s0+s21], $0x80, s6, s21, $0xb8;
	[tilespmem:$0x1F800] =	vst v63  }
0x160: {  	_ =	swait.ge [sflag:s29], $0x4000  }
0x161: {  	[sflag:s29] =	ssyncset.done $0x0  }
0x162: {  	[sflag:s29] =	ssyncadd.s32 $0xFFFFC000  }
0x163: {  	[spmem:s3] =	stream.indirect.scatter.add.f32 [tilespmem:s23], [sflag:$0x4], $0x80, s5, s21, $0xb8;
	[tilespmem:$0x1F800] =	vst v63  }
0x164: {  	v2 =	vld [tilespmem:$0x14A80];
	_ =	sdelay $0x7  }
0x165: {  	[tilespmem:v2+s25+$0x0] =	vst.idx.add.f32.msk $0xffff, v1  }
0x166: {  	v2 =	vld [tilespmem:$0x14A90];
	_ =	sdelay $0x7  }
0x167: {  	[tilespmem:v2+s25+$0x0] =	vst.idx.add.f32.msk $0xffff, v1  }
0x168: {  	v2 =	vld [tilespmem:$0x14AA0];
	_ =	sdelay $0x7  }
0x169: {  	[tilespmem:v2+s25+$0x0] =	vst.idx.add.f32.msk $0xffff, v1  }
0x16a: {  	v2 =	vld [tilespmem:$0x14AB0];
	_ =	sdelay $0x7  }
0x16b: {  	[tilespmem:v2+s25+$0x0] =	vst.idx.add.f32.msk $0xffff, v1  }
0x16c: {  	v2 =	vld [tilespmem:$0x14AC0];
	_ =	sdelay $0x7  }
0x16d: {  	[tilespmem:v2+s25+$0x0] =	vst.idx.add.f32.msk $0xffff, v1  }
0x16e: {  	v2 =	vld [tilespmem:$0x14AD0];
	_ =	sdelay $0x7  }
0x16f: {  	[tilespmem:v2+s25+$0x0] =	vst.idx.add.f32.msk $0xffff, v1  }
0x170: {  	v2 =	vld [tilespmem:$0x14AE0];
	_ =	sdelay $0x7  }
0x171: {  	[tilespmem:v2+s25+$0x0] =	vst.idx.add.f32.msk $0xffff, v1  }
0x172: {  	v2 =	vld [tilespmem:$0x14AF0];
	_ =	sdelay $0x7  }
0x173: {  	[tilespmem:v2+s25+$0x0] =	vst.idx.add.f32.msk $0xffff, v1  }
0x174: {  	_ =	swait.ge [sflag:s31], $0x4000  }
0x175: {  	[sflag:s31] =	ssyncset.done $0x0  }
0x176: {  	s28 =	simm.s32 $0x14380;
	[sflag:s31] =	ssyncadd.s32 $0xFFFFC000  }
0x177: {  	[tilespmem:s23], [sflag:$0x2] =	stream.indirect.gather [hbm4b:s0+s21], $0x80, s28, s21, $0xb8;
	[tilespmem:$0x1F800] =	vst v63  }
0x178: {  	_ =	swait.ge [sflag:s24], $0x4000  }
0x179: {  	[sflag:s24] =	ssyncset.done $0x0  }
0x17a: {  	s28 =	simm.s32 $0x14B00;
	[sflag:s24] =	ssyncadd.s32 $0xFFFFC000  }
0x17b: {  	[spmem:s3] =	stream.indirect.scatter.add.f32 [tilespmem:s17], [sflag:$0x3], $0x80, s28, s21, $0xb8;
	[tilespmem:$0x1F800] =	vst v63  }
0x17c: {  	v2 =	vld [tilespmem:$0x14B00];
	_ =	sdelay $0x7  }
0x17d: {  	[tilespmem:v2+s25+$0x0] =	vst.idx.add.f32.msk $0xffff, v1  }
0x17e: {  	v2 =	vld [tilespmem:$0x14B10];
	_ =	sdelay $0x7  }
0x17f: {  	[tilespmem:v2+s25+$0x0] =	vst.idx.add.f32.msk $0xffff, v1  }
0x180: {  	v2 =	vld [tilespmem:$0x14B20];
	_ =	sdelay $0x7  }
0x181: {  	[tilespmem:v2+s25+$0x0] =	vst.idx.add.f32.msk $0xffff, v1  }
0x182: {  	v2 =	vld [tilespmem:$0x14B30];
	_ =	sdelay $0x7  }
0x183: {  	[tilespmem:v2+s25+$0x0] =	vst.idx.add.f32.msk $0xffff, v1  }
0x184: {  	v2 =	vld [tilespmem:$0x14B40];
	_ =	sdelay $0x7  }
0x185: {  	[tilespmem:v2+s25+$0x0] =	vst.idx.add.f32.msk $0xffff, v1  }
0x186: {  	v2 =	vld [tilespmem:$0x14B50];
	_ =	sdelay $0x7  }
0x187: {  	[tilespmem:v2+s25+$0x0] =	vst.idx.add.f32.msk $0xffff, v1  }
0x188: {  	v2 =	vld [tilespmem:$0x14B60];
	_ =	sdelay $0x7  }
0x189: {  	[tilespmem:v2+s25+$0x0] =	vst.idx.add.f32.msk $0xffff, v1  }
0x18a: {  	v2 =	vld [tilespmem:$0x14B70];
	_ =	sdelay $0x7  }
0x18b: {  	[tilespmem:v2+s25+$0x0] =	vst.idx.add.f32.msk $0xffff, v1  }
0x18c: {  	_ =	swait.ge [sflag:s26], $0x4000  }
0x18d: {  	[sflag:s26] =	ssyncset.done $0x0  }
0x18e: {  	s28 =	simm.s32 $0x14400;
	[sflag:s26] =	ssyncadd.s32 $0xFFFFC000  }
0x18f: {  	[tilespmem:s17], [sflag:$0x1] =	stream.indirect.gather [hbm4b:s0+s21], $0x80, s28, s21, $0xb8;
	[tilespmem:$0x1F800] =	vst v63  }
0x190: {  	_ =	swait.ge [sflag:s29], $0x4000  }
0x191: {  	[sflag:s29] =	ssyncset.done $0x0  }
0x192: {  	s28 =	simm.s32 $0x14B80;
	[sflag:s29] =	ssyncadd.s32 $0xFFFFC000  }
0x193: {  	[spmem:s3] =	stream.indirect.scatter.add.f32 [tilespmem:s23], [sflag:$0x4], $0x80, s28, s21, $0xb8;
	[tilespmem:$0x1F800] =	vst v63  }
0x194: {  	v2 =	vld [tilespmem:$0x14B80];
	_ =	sdelay $0x7  }
0x195: {  	[tilespmem:v2+s25+$0x0] =	vst.idx.add.f32.msk $0xffff, v1  }
0x196: {  	v2 =	vld [tilespmem:$0x14B90];
	_ =	sdelay $0x7  }
0x197: {  	[tilespmem:v2+s25+$0x0] =	vst.idx.add.f32.msk $0xffff, v1  }
0x198: {  	v2 =	vld [tilespmem:$0x14BA0];
	_ =	sdelay $0x7  }
0x199: {  	[tilespmem:v2+s25+$0x0] =	vst.idx.add.f32.msk $0xffff, v1  }
0x19a: {  	v2 =	vld [tilespmem:$0x14BB0];
	_ =	sdelay $0x7  }
0x19b: {  	[tilespmem:v2+s25+$0x0] =	vst.idx.add.f32.msk $0xffff, v1  }
0x19c: {  	v2 =	vld [tilespmem:$0x14BC0];
	_ =	sdelay $0x7  }
0x19d: {  	[tilespmem:v2+s25+$0x0] =	vst.idx.add.f32.msk $0xffff, v1  }
0x19e: {  	v2 =	vld [tilespmem:$0x14BD0];
	_ =	sdelay $0x7  }
0x19f: {  	[tilespmem:v2+s25+$0x0] =	vst.idx.add.f32.msk $0xffff, v1  }
0x1a0: {  	v2 =	vld [tilespmem:$0x14BE0];
	_ =	sdelay $0x7  }
0x1a1: {  	[tilespmem:v2+s25+$0x0] =	vst.idx.add.f32.msk $0xffff, v1  }
0x1a2: {  	v2 =	vld [tilespmem:$0x14BF0];
	_ =	sdelay $0x7  }
0x1a3: {  	[tilespmem:v2+s25+$0x0] =	vst.idx.add.f32.msk $0xffff, v1  }
0x1a4: {  	_ =	swait.ge [sflag:s31], $0x4000  }
0x1a5: {  	[sflag:s31] =	ssyncset.done $0x0  }
0x1a6: {  	s28 =	simm.s32 $0x14480;
	[sflag:s31] =	ssyncadd.s32 $0xFFFFC000  }
0x1a7: {  	[tilespmem:s23], [sflag:$0x2] =	stream.indirect.gather [hbm4b:s0+s21], $0x80, s28, s21, $0xb8;
	[tilespmem:$0x1F800] =	vst v63  }
0x1a8: {  	_ =	swait.ge [sflag:s24], $0x4000  }
0x1a9: {  	[sflag:s24] =	ssyncset.done $0x0  }
0x1aa: {  	s28 =	simm.s32 $0x14C00;
	[sflag:s24] =	ssyncadd.s32 $0xFFFFC000  }
0x1ab: {  	[spmem:s3] =	stream.indirect.scatter.add.f32 [tilespmem:s17], [sflag:$0x3], $0x80, s28, s21, $0xb8;
	[tilespmem:$0x1F800] =	vst v63  }
0x1ac: {  	v2 =	vld [tilespmem:$0x14C00];
	_ =	sdelay $0x7  }
0x1ad: {  	[tilespmem:v2+s25+$0x0] =	vst.idx.add.f32.msk $0xffff, v1  }
0x1ae: {  	v2 =	vld [tilespmem:$0x14C10];
	_ =	sdelay $0x7  }
0x1af: {  	[tilespmem:v2+s25+$0x0] =	vst.idx.add.f32.msk $0xffff, v1  }
0x1b0: {  	v2 =	vld [tilespmem:$0x14C20];
	_ =	sdelay $0x7  }
0x1b1: {  	[tilespmem:v2+s25+$0x0] =	vst.idx.add.f32.msk $0xffff, v1  }
0x1b2: {  	v2 =	vld [tilespmem:$0x14C30];
	_ =	sdelay $0x7  }
0x1b3: {  	[tilespmem:v2+s25+$0x0] =	vst.idx.add.f32.msk $0xffff, v1  }
0x1b4: {  	v2 =	vld [tilespmem:$0x14C40];
	_ =	sdelay $0x7  }
0x1b5: {  	[tilespmem:v2+s25+$0x0] =	vst.idx.add.f32.msk $0xffff, v1  }
0x1b6: {  	v2 =	vld [tilespmem:$0x14C50];
	_ =	sdelay $0x7  }
0x1b7: {  	[tilespmem:v2+s25+$0x0] =	vst.idx.add.f32.msk $0xffff, v1  }
0x1b8: {  	v2 =	vld [tilespmem:$0x14C60];
	_ =	sdelay $0x7  }
0x1b9: {  	[tilespmem:v2+s25+$0x0] =	vst.idx.add.f32.msk $0xffff, v1  }
0x1ba: {  	v2 =	vld [tilespmem:$0x14C70];
	_ =	sdelay $0x7  }
0x1bb: {  	[tilespmem:v2+s25+$0x0] =	vst.idx.add.f32.msk $0xffff, v1  }
0x1bc: {  	_ =	swait.ge [sflag:s26], $0x4000  }
0x1bd: {  	[sflag:s26] =	ssyncset.done $0x0  }
0x1be: {  	s28 =	simm.s32 $0x14500;
	[sflag:s26] =	ssyncadd.s32 $0xFFFFC000  }
0x1bf: {  	[tilespmem:s17], [sflag:$0x1] =	stream.indirect.gather [hbm4b:s0+s21], $0x80, s28, s21, $0xb8;
	[tilespmem:$0x1F800] =	vst v63  }
0x1c0: {  	_ =	swait.ge [sflag:s29], $0x4000  }
0x1c1: {  	[sflag:s29] =	ssyncset.done $0x0  }
0x1c2: {  	s28 =	simm.s32 $0x14C80;
	[sflag:s29] =	ssyncadd.s32 $0xFFFFC000  }
0x1c3: {  	[spmem:s3] =	stream.indirect.scatter.add.f32 [tilespmem:s23], [sflag:$0x4], $0x80, s28, s21, $0xb8;
	[tilespmem:$0x1F800] =	vst v63  }
0x1c4: {  	v2 =	vld [tilespmem:$0x14C80];
	_ =	sdelay $0x7  }
0x1c5: {  	[tilespmem:v2+s25+$0x0] =	vst.idx.add.f32.msk $0xffff, v1  }
0x1c6: {  	v2 =	vld [tilespmem:$0x14C90];
	_ =	sdelay $0x7  }
0x1c7: {  	[tilespmem:v2+s25+$0x0] =	vst.idx.add.f32.msk $0xffff, v1  }
0x1c8: {  	v2 =	vld [tilespmem:$0x14CA0];
	_ =	sdelay $0x7  }
0x1c9: {  	[tilespmem:v2+s25+$0x0] =	vst.idx.add.f32.msk $0xffff, v1  }
0x1ca: {  	v2 =	vld [tilespmem:$0x14CB0];
	_ =	sdelay $0x7  }
0x1cb: {  	[tilespmem:v2+s25+$0x0] =	vst.idx.add.f32.msk $0xffff, v1  }
0x1cc: {  	v2 =	vld [tilespmem:$0x14CC0];
	_ =	sdelay $0x7  }
0x1cd: {  	[tilespmem:v2+s25+$0x0] =	vst.idx.add.f32.msk $0xffff, v1  }
0x1ce: {  	v2 =	vld [tilespmem:$0x14CD0];
	_ =	sdelay $0x7  }
0x1cf: {  	[tilespmem:v2+s25+$0x0] =	vst.idx.add.f32.msk $0xffff, v1  }
0x1d0: {  	v2 =	vld [tilespmem:$0x14CE0];
	_ =	sdelay $0x7  }
0x1d1: {  	[tilespmem:v2+s25+$0x0] =	vst.idx.add.f32.msk $0xffff, v1  }
0x1d2: {  	v2 =	vld [tilespmem:$0x14CF0];
	_ =	sdelay $0x7  }
0x1d3: {  	[tilespmem:v2+s25+$0x0] =	vst.idx.add.f32.msk $0xffff, v1  }
0x1d4: {  	_ =	swait.ge [sflag:s31], $0x4000  }
0x1d5: {  	[sflag:s31] =	ssyncset.done $0x0  }
0x1d6: {  	s28 =	simm.s32 $0x14580;
	[sflag:s31] =	ssyncadd.s32 $0xFFFFC000  }
0x1d7: {  	[tilespmem:s23], [sflag:$0x2] =	stream.indirect.gather [hbm4b:s0+s21], $0x80, s28, s21, $0xb8;
	[tilespmem:$0x1F800] =	vst v63  }
0x1d8: {  	_ =	swait.ge [sflag:s24], $0x4000  }
0x1d9: {  	[sflag:s24] =	ssyncset.done $0x0  }
0x1da: {  	s28 =	simm.s32 $0x14D00;
	[sflag:s24] =	ssyncadd.s32 $0xFFFFC000  }
0x1db: {  	[spmem:s3] =	stream.indirect.scatter.add.f32 [tilespmem:s17], [sflag:$0x3], $0x80, s28, s21, $0xb8;
	[tilespmem:$0x1F800] =	vst v63  }
0x1dc: {  	v2 =	vld [tilespmem:$0x14D00];
	_ =	sdelay $0x7  }
0x1dd: {  	[tilespmem:v2+s25+$0x0] =	vst.idx.add.f32.msk $0xffff, v1  }
0x1de: {  	v2 =	vld [tilespmem:$0x14D10];
	_ =	sdelay $0x7  }
0x1df: {  	[tilespmem:v2+s25+$0x0] =	vst.idx.add.f32.msk $0xffff, v1  }
0x1e0: {  	v2 =	vld [tilespmem:$0x14D20];
	_ =	sdelay $0x7  }
0x1e1: {  	[tilespmem:v2+s25+$0x0] =	vst.idx.add.f32.msk $0xffff, v1  }
0x1e2: {  	v2 =	vld [tilespmem:$0x14D30];
	_ =	sdelay $0x7  }
0x1e3: {  	[tilespmem:v2+s25+$0x0] =	vst.idx.add.f32.msk $0xffff, v1  }
0x1e4: {  	v2 =	vld [tilespmem:$0x14D40];
	_ =	sdelay $0x7  }
0x1e5: {  	[tilespmem:v2+s25+$0x0] =	vst.idx.add.f32.msk $0xffff, v1  }
0x1e6: {  	v2 =	vld [tilespmem:$0x14D50];
	_ =	sdelay $0x7  }
0x1e7: {  	[tilespmem:v2+s25+$0x0] =	vst.idx.add.f32.msk $0xffff, v1  }
0x1e8: {  	v2 =	vld [tilespmem:$0x14D60];
	_ =	sdelay $0x7  }
0x1e9: {  	[tilespmem:v2+s25+$0x0] =	vst.idx.add.f32.msk $0xffff, v1  }
0x1ea: {  	v2 =	vld [tilespmem:$0x14D70];
	_ =	sdelay $0x7  }
0x1eb: {  	[tilespmem:v2+s25+$0x0] =	vst.idx.add.f32.msk $0xffff, v1  }
0x1ec: {  	_ =	swait.ge [sflag:s26], $0x4000  }
0x1ed: {  	[sflag:s26] =	ssyncset.done $0x0  }
0x1ee: {  	s28 =	simm.s32 $0x14600;
	[sflag:s26] =	ssyncadd.s32 $0xFFFFC000  }
0x1ef: {  	[tilespmem:s17], [sflag:$0x1] =	stream.indirect.gather [hbm4b:s0+s21], $0x80, s28, s21, $0xb8;
	[tilespmem:$0x1F800] =	vst v63  }
0x1f0: {  	_ =	swait.ge [sflag:s29], $0x4000  }
0x1f1: {  	[sflag:s29] =	ssyncset.done $0x0  }
0x1f2: {  	s28 =	simm.s32 $0x14D80;
	[sflag:s29] =	ssyncadd.s32 $0xFFFFC000  }
0x1f3: {  	[spmem:s3] =	stream.indirect.scatter.add.f32 [tilespmem:s23], [sflag:$0x4], $0x80, s28, s21, $0xb8;
	[tilespmem:$0x1F800] =	vst v63  }
0x1f4: {  	v2 =	vld [tilespmem:$0x14D80];
	_ =	sdelay $0x7  }
0x1f5: {  	[tilespmem:v2+s25+$0x0] =	vst.idx.add.f32.msk $0xffff, v1  }
0x1f6: {  	v2 =	vld [tilespmem:$0x14D90];
	_ =	sdelay $0x7  }
0x1f7: {  	[tilespmem:v2+s25+$0x0] =	vst.idx.add.f32.msk $0xffff, v1  }
0x1f8: {  	v2 =	vld [tilespmem:$0x14DA0];
	_ =	sdelay $0x7  }
0x1f9: {  	[tilespmem:v2+s25+$0x0] =	vst.idx.add.f32.msk $0xffff, v1  }
0x1fa: {  	v2 =	vld [tilespmem:$0x14DB0];
	_ =	sdelay $0x7  }
0x1fb: {  	[tilespmem:v2+s25+$0x0] =	vst.idx.add.f32.msk $0xffff, v1  }
0x1fc: {  	v2 =	vld [tilespmem:$0x14DC0];
	_ =	sdelay $0x7  }
0x1fd: {  	[tilespmem:v2+s25+$0x0] =	vst.idx.add.f32.msk $0xffff, v1  }
0x1fe: {  	v2 =	vld [tilespmem:$0x14DD0];
	_ =	sdelay $0x7  }
0x1ff: {  	[tilespmem:v2+s25+$0x0] =	vst.idx.add.f32.msk $0xffff, v1  }
0x200: {  	v2 =	vld [tilespmem:$0x14DE0];
	_ =	sdelay $0x7  }
0x201: {  	[tilespmem:v2+s25+$0x0] =	vst.idx.add.f32.msk $0xffff, v1  }
0x202: {  	v2 =	vld [tilespmem:$0x14DF0];
	_ =	sdelay $0x7  }
0x203: {  	[tilespmem:v2+s25+$0x0] =	vst.idx.add.f32.msk $0xffff, v1  }
0x204: {  	_ =	swait.ge [sflag:s31], $0x4000  }
0x205: {  	[sflag:s31] =	ssyncset.done $0x0  }
0x206: {  	s28 =	simm.s32 $0x14680;
	[sflag:s31] =	ssyncadd.s32 $0xFFFFC000  }
0x207: {  	[tilespmem:s23], [sflag:$0x2] =	stream.indirect.gather [hbm4b:s0+s21], $0x80, s28, s21, $0xb8;
	[tilespmem:$0x1F800] =	vst v63  }
0x208: {  	_ =	swait.ge [sflag:s24], $0x4000  }
0x209: {  	[sflag:s24] =	ssyncset.done $0x0  }
0x20a: {  	s28 =	simm.s32 $0x14E00;
	[sflag:s24] =	ssyncadd.s32 $0xFFFFC000  }
0x20b: {  	[spmem:s3] =	stream.indirect.scatter.add.f32 [tilespmem:s17], [sflag:$0x3], $0x80, s28, s21, $0xb8;
	[tilespmem:$0x1F800] =	vst v63  }
0x20c: {  	v2 =	vld [tilespmem:$0x14E00];
	_ =	sdelay $0x7  }
0x20d: {  	[tilespmem:v2+s25+$0x0] =	vst.idx.add.f32.msk $0xffff, v1  }
0x20e: {  	v2 =	vld [tilespmem:$0x14E10];
	_ =	sdelay $0x7  }
0x20f: {  	[tilespmem:v2+s25+$0x0] =	vst.idx.add.f32.msk $0xffff, v1  }
0x210: {  	v2 =	vld [tilespmem:$0x14E20];
	_ =	sdelay $0x7  }
0x211: {  	[tilespmem:v2+s25+$0x0] =	vst.idx.add.f32.msk $0xffff, v1  }
0x212: {  	v2 =	vld [tilespmem:$0x14E30];
	_ =	sdelay $0x7  }
0x213: {  	[tilespmem:v2+s25+$0x0] =	vst.idx.add.f32.msk $0xffff, v1  }
0x214: {  	v2 =	vld [tilespmem:$0x14E40];
	_ =	sdelay $0x7  }
0x215: {  	[tilespmem:v2+s25+$0x0] =	vst.idx.add.f32.msk $0xffff, v1  }
0x216: {  	v2 =	vld [tilespmem:$0x14E50];
	_ =	sdelay $0x7  }
0x217: {  	[tilespmem:v2+s25+$0x0] =	vst.idx.add.f32.msk $0xffff, v1  }
0x218: {  	v2 =	vld [tilespmem:$0x14E60];
	_ =	sdelay $0x7  }
0x219: {  	[tilespmem:v2+s25+$0x0] =	vst.idx.add.f32.msk $0xffff, v1  }
0x21a: {  	v2 =	vld [tilespmem:$0x14E70];
	_ =	sdelay $0x7  }
0x21b: {  	[tilespmem:v2+s25+$0x0] =	vst.idx.add.f32.msk $0xffff, v1  }
0x21c: {  	_ =	swait.ge [sflag:s26], $0x4000  }
0x21d: {  	[sflag:s26] =	ssyncset.done $0x0  }
0x21e: {  	s28 =	simm.s32 $0x14700;
	[sflag:s26] =	ssyncadd.s32 $0xFFFFC000  }
0x21f: {  	[tilespmem:s17], [sflag:$0x1] =	stream.indirect.gather [hbm4b:s0+s21], $0x80, s28, s21, $0xb8;
	[tilespmem:$0x1F800] =	vst v63  }
0x220: {  	_ =	swait.ge [sflag:s29], $0x4000  }
0x221: {  	[sflag:s29] =	ssyncset.done $0x0  }
0x222: {  	s28 =	simm.s32 $0x14E80;
	[sflag:s29] =	ssyncadd.s32 $0xFFFFC000  }
0x223: {  	[spmem:s3] =	stream.indirect.scatter.add.f32 [tilespmem:s23], [sflag:$0x4], $0x80, s28, s21, $0xb8;
	[tilespmem:$0x1F800] =	vst v63  }
0x224: {  	v2 =	vld [tilespmem:$0x14E80];
	_ =	sdelay $0x7  }
0x225: {  	[tilespmem:v2+s25+$0x0] =	vst.idx.add.f32.msk $0xffff, v1  }
0x226: {  	v2 =	vld [tilespmem:$0x14E90];
	_ =	sdelay $0x7  }
0x227: {  	[tilespmem:v2+s25+$0x0] =	vst.idx.add.f32.msk $0xffff, v1  }
0x228: {  	v2 =	vld [tilespmem:$0x14EA0];
	_ =	sdelay $0x7  }
0x229: {  	[tilespmem:v2+s25+$0x0] =	vst.idx.add.f32.msk $0xffff, v1  }
0x22a: {  	v2 =	vld [tilespmem:$0x14EB0];
	_ =	sdelay $0x7  }
0x22b: {  	[tilespmem:v2+s25+$0x0] =	vst.idx.add.f32.msk $0xffff, v1  }
0x22c: {  	v2 =	vld [tilespmem:$0x14EC0];
	_ =	sdelay $0x7  }
0x22d: {  	[tilespmem:v2+s25+$0x0] =	vst.idx.add.f32.msk $0xffff, v1  }
0x22e: {  	v2 =	vld [tilespmem:$0x14ED0];
	_ =	sdelay $0x7  }
0x22f: {  	[tilespmem:v2+s25+$0x0] =	vst.idx.add.f32.msk $0xffff, v1  }
0x230: {  	v2 =	vld [tilespmem:$0x14EE0];
	_ =	sdelay $0x7  }
0x231: {  	[tilespmem:v2+s25+$0x0] =	vst.idx.add.f32.msk $0xffff, v1  }
0x232: {  	v2 =	vld [tilespmem:$0x14EF0];
	_ =	sdelay $0x7  }
0x233: {  	[tilespmem:v2+s25+$0x0] =	vst.idx.add.f32.msk $0xffff, v1  }
0x234: {  	_ =	swait.ge [sflag:s31], $0x4000  }
0x235: {  	[sflag:s31] =	ssyncset.done $0x0  }
0x236: {  	s28 =	simm.s32 $0x14780;
	[sflag:s31] =	ssyncadd.s32 $0xFFFFC000  }
0x237: {  	[tilespmem:s23], [sflag:$0x2] =	stream.indirect.gather [hbm4b:s0+s21], $0x80, s28, s21, $0xb8;
	[tilespmem:$0x1F800] =	vst v63  }
0x238: {  	_ =	swait.ge [sflag:s24], $0x4000  }
0x239: {  	[sflag:s24] =	ssyncset.done $0x0  }
0x23a: {  	s28 =	simm.s32 $0x14F00;
	[sflag:s24] =	ssyncadd.s32 $0xFFFFC000  }
0x23b: {  	[spmem:s3] =	stream.indirect.scatter.add.f32 [tilespmem:s17], [sflag:$0x3], $0x80, s28, s21, $0xb8;
	[tilespmem:$0x1F800] =	vst v63  }
0x23c: {  	v2 =	vld [tilespmem:$0x14F00];
	_ =	sdelay $0x7  }
0x23d: {  	[tilespmem:v2+s25+$0x0] =	vst.idx.add.f32.msk $0xffff, v1  }
0x23e: {  	v2 =	vld [tilespmem:$0x14F10];
	_ =	sdelay $0x7  }
0x23f: {  	[tilespmem:v2+s25+$0x0] =	vst.idx.add.f32.msk $0xffff, v1  }
0x240: {  	v2 =	vld [tilespmem:$0x14F20];
	_ =	sdelay $0x7  }
0x241: {  	[tilespmem:v2+s25+$0x0] =	vst.idx.add.f32.msk $0xffff, v1  }
0x242: {  	v2 =	vld [tilespmem:$0x14F30];
	_ =	sdelay $0x7  }
0x243: {  	[tilespmem:v2+s25+$0x0] =	vst.idx.add.f32.msk $0xffff, v1  }
0x244: {  	v2 =	vld [tilespmem:$0x14F40];
	_ =	sdelay $0x7  }
0x245: {  	[tilespmem:v2+s25+$0x0] =	vst.idx.add.f32.msk $0xffff, v1  }
0x246: {  	v2 =	vld [tilespmem:$0x14F50];
	_ =	sdelay $0x7  }
0x247: {  	[tilespmem:v2+s25+$0x0] =	vst.idx.add.f32.msk $0xffff, v1  }
0x248: {  	v2 =	vld [tilespmem:$0x14F60];
	_ =	sdelay $0x7  }
0x249: {  	[tilespmem:v2+s25+$0x0] =	vst.idx.add.f32.msk $0xffff, v1  }
0x24a: {  	v2 =	vld [tilespmem:$0x14F70];
	_ =	sdelay $0x7  }
0x24b: {  	[tilespmem:v2+s25+$0x0] =	vst.idx.add.f32.msk $0xffff, v1  }
0x24c: {  	_ =	swait.ge [sflag:s29], $0x4000  }
0x24d: {  	[sflag:s29] =	ssyncset.done $0x0  }
0x24e: {  	s28 =	simm.s32 $0x14F80;
	[sflag:s29] =	ssyncadd.s32 $0xFFFFC000  }
0x24f: {  	[spmem:s3] =	stream.indirect.scatter.add.f32 [tilespmem:s23], [sflag:$0x4], $0x80, s28, s21, $0xb8;
	[tilespmem:$0x1F800] =	vst v63  }
0x250: {  	v2 =	vld [tilespmem:$0x14F80];
	_ =	sdelay $0x7  }
0x251: {  	[tilespmem:v2+s25+$0x0] =	vst.idx.add.f32.msk $0xffff, v1  }
0x252: {  	v2 =	vld [tilespmem:$0x14F90];
	_ =	sdelay $0x7  }
0x253: {  	[tilespmem:v2+s25+$0x0] =	vst.idx.add.f32.msk $0xffff, v1  }
0x254: {  	v2 =	vld [tilespmem:$0x14FA0];
	_ =	sdelay $0x7  }
0x255: {  	[tilespmem:v2+s25+$0x0] =	vst.idx.add.f32.msk $0xffff, v1  }
0x256: {  	v2 =	vld [tilespmem:$0x14FB0];
	_ =	sdelay $0x7  }
0x257: {  	[tilespmem:v2+s25+$0x0] =	vst.idx.add.f32.msk $0xffff, v1  }
0x258: {  	v2 =	vld [tilespmem:$0x14FC0];
	_ =	sdelay $0x7  }
0x259: {  	[tilespmem:v2+s25+$0x0] =	vst.idx.add.f32.msk $0xffff, v1  }
0x25a: {  	v2 =	vld [tilespmem:$0x14FD0];
	_ =	sdelay $0x7  }
0x25b: {  	[tilespmem:v2+s25+$0x0] =	vst.idx.add.f32.msk $0xffff, v1  }
0x25c: {  	v2 =	vld [tilespmem:$0x14FE0];
	_ =	sdelay $0x7  }
0x25d: {  	[tilespmem:v2+s25+$0x0] =	vst.idx.add.f32.msk $0xffff, v1  }
0x25e: {  	v2 =	vld [tilespmem:$0x14FF0];
	_ =	sdelay $0x7  }
0x25f: {  	[tilespmem:v2+s25+$0x0] =	vst.idx.add.f32.msk $0xffff, v1  }
0x260: {  	p1 =	seq.s32 s22, $0x400;
	_ =	swait.ge [sflag:s26], $0x4000  }
.Ltmp5:
0x261: {  	[sflag:s26] =	ssyncset.done $0x0;
	(pc) =	sbr.rel @!p1 .LBB2_6-.Ltmp5, $4  }
0x262: {  	[sflag:s26] =	ssyncadd.s32 $0xFFFFC000  }
0x263: {  	_ =	swait.ge [sflag:s31], $0x4000  }
0x264: {  	[sflag:s31] =	ssyncset.done $0x0  }
0x265: {  	s22 =	sadd.s32 $0x100, s22;
	[sflag:s31] =	ssyncadd.s32 $0xFFFFC000  }
0x266: {  	[bflag:$0x0] =	sbarrier.arrive $0xFFFF  }
0x267: {  	s0 =	sshll.u32 s30, $0x6;
	s7 =	rddreg [dreg:$0x5]  }
0x268: {  	s0 =	sor.u32 $0x1C05, s0;
	s22 =	rddreg [dreg:$0x7];
	s7 =	sshrl.u32 s7, $0x3  }
0x269: {  	[hbm:s22], [sflag:s0] =	dma.local [spmem:s7], $0x2800  }
.Ltmp6:
0x26a: {  	_ =	swait.ge [sflag:s18], $0x2800;
	(pc) =	sbr.rel .LBB2_11-.Ltmp6, $4  }
0x26b: {  	[sflag:s18] =	ssyncset.done $0x0  }
0x26c: {  	s1 =	simm.s32 $0x400;
	s28 =	rddreg [dreg:$0x8];
	[sflag:s18] =	ssyncadd.s32 $0xFFFFD800  }
0x26d: {  	[hbm4b:s28+s21] =	stream.strided.scatter [tilespmem:s25], [sflag:$0x5], $0x2800, s1, s21, $0x38;
	[tilespmem:$0x1F800] =	vst v63  }
0x26e: {  	s1 =	rddreg [dreg:$0xe]  }
.LBB2_8:
0x26f: {  	s22 =	sadd.s32 $0x0, s16  }
0x270: {  	[tilespmem:s19], [sflag:$0x5] =	stream.linear.gather [hbm4b:s22+s4], $0x800, $0x38;
	[tilespmem:$0x1F800] =	vst v63  }
0x271: {  	_ =	swait.ge [sflag:s18], $0x800  }
0x272: {  	[sflag:s18] =	ssyncset.done $0x0  }
0x273: {  	s0 =	sadd.s32 $0x0, s15;
	[sflag:s18] =	ssyncadd.s32 $0xFFFFF800  }
0x274: {  	[tilespmem:s20], [sflag:$0x5] =	stream.linear.gather [hbm4b:s0+s4], $0x800, $0x38;
	[tilespmem:$0x1F800] =	vst v63  }
0x275: {  	_ =	swait.ge [sflag:s18], $0x800  }
0x276: {  	[sflag:s18] =	ssyncset.done $0x0  }
0x277: {  	[sflag:s18] =	ssyncadd.s32 $0xFFFFF800  }
0x278: {  	[tilespmem:s17], [sflag:$0x1] =	stream.indirect.gather [hbm4b:s2+s21], $0x80, s19, s21, $0xb8;
	[tilespmem:$0x1F800] =	vst v63  }
0x279: {  	_ = 	snop  }
0x27a: {  	[tilespmem:s23], [sflag:$0x2] =	stream.indirect.gather [hbm4b:s2+s21], $0x80, s7, s21, $0xb8;
	[tilespmem:$0x1F800] =	vst v63  }
0x27b: {  	_ =	swait.ge [sflag:s24], $0x4000  }
0x27c: {  	[sflag:s24] =	ssyncset.done $0x0  }
0x27d: {  	[sflag:s24] =	ssyncadd.s32 $0xFFFFC000  }
0x27e: {  	[spmem:s3] =	stream.indirect.scatter.add.f32 [tilespmem:s17], [sflag:$0x3], $0x80, s20, s21, $0xb8;
	[tilespmem:$0x1F800] =	vst v63  }
0x27f: {  	_ =	swait.ge [sflag:s26], $0x4000  }
0x280: {  	[sflag:s26] =	ssyncset.done $0x0  }
0x281: {  	[sflag:s26] =	ssyncadd.s32 $0xFFFFC000  }
0x282: {  	[tilespmem:s17], [sflag:$0x1] =	stream.indirect.gather [hbm4b:s2+s21], $0x80, s8, s21, $0xb8;
	[tilespmem:$0x1F800] =	vst v63  }
0x283: {  	_ =	swait.ge [sflag:s29], $0x4000  }
0x284: {  	[sflag:s29] =	ssyncset.done $0x0  }
0x285: {  	[sflag:s29] =	ssyncadd.s32 $0xFFFFC000  }
0x286: {  	[spmem:s3] =	stream.indirect.scatter.add.f32 [tilespmem:s23], [sflag:$0x4], $0x80, s9, s21, $0xb8;
	[tilespmem:$0x1F800] =	vst v63  }
0x287: {  	_ =	swait.ge [sflag:s31], $0x4000  }
0x288: {  	[sflag:s31] =	ssyncset.done $0x0  }
0x289: {  	[sflag:s31] =	ssyncadd.s32 $0xFFFFC000  }
0x28a: {  	[tilespmem:s23], [sflag:$0x2] =	stream.indirect.gather [hbm4b:s2+s21], $0x80, s1, s21, $0xb8;
	[tilespmem:$0x1F800] =	vst v63  }
0x28b: {  	_ =	swait.ge [sflag:s24], $0x4000  }
0x28c: {  	[sflag:s24] =	ssyncset.done $0x0  }
0x28d: {  	[sflag:s24] =	ssyncadd.s32 $0xFFFFC000  }
0x28e: {  	[spmem:s3] =	stream.indirect.scatter.add.f32 [tilespmem:s17], [sflag:$0x3], $0x80, s10, s21, $0xb8;
	[tilespmem:$0x1F800] =	vst v63  }
0x28f: {  	_ =	swait.ge [sflag:s26], $0x4000  }
0x290: {  	[sflag:s26] =	ssyncset.done $0x0  }
0x291: {  	[sflag:s26] =	ssyncadd.s32 $0xFFFFC000  }
0x292: {  	[tilespmem:s17], [sflag:$0x1] =	stream.indirect.gather [hbm4b:s2+s21], $0x80, s11, s21, $0xb8;
	[tilespmem:$0x1F800] =	vst v63  }
0x293: {  	_ =	swait.ge [sflag:s29], $0x4000  }
0x294: {  	[sflag:s29] =	ssyncset.done $0x0  }
0x295: {  	[sflag:s29] =	ssyncadd.s32 $0xFFFFC000  }
0x296: {  	[spmem:s3] =	stream.indirect.scatter.add.f32 [tilespmem:s23], [sflag:$0x4], $0x80, s12, s21, $0xb8;
	[tilespmem:$0x1F800] =	vst v63  }
0x297: {  	_ =	swait.ge [sflag:s31], $0x4000  }
0x298: {  	[sflag:s31] =	ssyncset.done $0x0  }
0x299: {  	[sflag:s31] =	ssyncadd.s32 $0xFFFFC000  }
0x29a: {  	[tilespmem:s23], [sflag:$0x2] =	stream.indirect.gather [hbm4b:s2+s21], $0x80, s13, s21, $0xb8;
	[tilespmem:$0x1F800] =	vst v63  }
0x29b: {  	_ =	swait.ge [sflag:s24], $0x4000  }
0x29c: {  	[sflag:s24] =	ssyncset.done $0x0  }
0x29d: {  	[sflag:s24] =	ssyncadd.s32 $0xFFFFC000  }
0x29e: {  	[spmem:s3] =	stream.indirect.scatter.add.f32 [tilespmem:s17], [sflag:$0x3], $0x80, s14, s21, $0xb8;
	[tilespmem:$0x1F800] =	vst v63  }
0x29f: {  	_ =	swait.ge [sflag:s26], $0x4000  }
0x2a0: {  	[sflag:s26] =	ssyncset.done $0x0  }
0x2a1: {  	[sflag:s26] =	ssyncadd.s32 $0xFFFFC000  }
0x2a2: {  	[tilespmem:s17], [sflag:$0x1] =	stream.indirect.gather [hbm4b:s2+s21], $0x80, s6, s21, $0xb8;
	[tilespmem:$0x1F800] =	vst v63  }
0x2a3: {  	_ =	swait.ge [sflag:s29], $0x4000  }
0x2a4: {  	[sflag:s29] =	ssyncset.done $0x0  }
0x2a5: {  	[sflag:s29] =	ssyncadd.s32 $0xFFFFC000  }
0x2a6: {  	[spmem:s3] =	stream.indirect.scatter.add.f32 [tilespmem:s23], [sflag:$0x4], $0x80, s5, s21, $0xb8;
	[tilespmem:$0x1F800] =	vst v63  }
0x2a7: {  	_ =	swait.ge [sflag:s31], $0x4000  }
0x2a8: {  	[sflag:s31] =	ssyncset.done $0x0  }
0x2a9: {  	s0 =	simm.s32 $0x14380;
	[sflag:s31] =	ssyncadd.s32 $0xFFFFC000  }
0x2aa: {  	[tilespmem:s23], [sflag:$0x2] =	stream.indirect.gather [hbm4b:s2+s21], $0x80, s0, s21, $0xb8;
	[tilespmem:$0x1F800] =	vst v63  }
0x2ab: {  	_ =	swait.ge [sflag:s24], $0x4000  }
0x2ac: {  	[sflag:s24] =	ssyncset.done $0x0  }
0x2ad: {  	s7 =	simm.s32 $0x14B00;
	[sflag:s24] =	ssyncadd.s32 $0xFFFFC000  }
0x2ae: {  	[spmem:s3] =	stream.indirect.scatter.add.f32 [tilespmem:s17], [sflag:$0x3], $0x80, s7, s21, $0xb8;
	[tilespmem:$0x1F800] =	vst v63  }
0x2af: {  	_ =	swait.ge [sflag:s26], $0x4000  }
0x2b0: {  	[sflag:s26] =	ssyncset.done $0x0  }
0x2b1: {  	s22 =	simm.s32 $0x14400;
	[sflag:s26] =	ssyncadd.s32 $0xFFFFC000  }
0x2b2: {  	[tilespmem:s17], [sflag:$0x1] =	stream.indirect.gather [hbm4b:s2+s21], $0x80, s22, s21, $0xb8;
	[tilespmem:$0x1F800] =	vst v63  }
0x2b3: {  	_ =	swait.ge [sflag:s29], $0x4000  }
0x2b4: {  	[sflag:s29] =	ssyncset.done $0x0  }
0x2b5: {  	s30 =	simm.s32 $0x14B80;
	[sflag:s29] =	ssyncadd.s32 $0xFFFFC000  }
0x2b6: {  	[spmem:s3] =	stream.indirect.scatter.add.f32 [tilespmem:s23], [sflag:$0x4], $0x80, s30, s21, $0xb8;
	[tilespmem:$0x1F800] =	vst v63  }
0x2b7: {  	_ =	swait.ge [sflag:s31], $0x4000  }
0x2b8: {  	[sflag:s31] =	ssyncset.done $0x0  }
0x2b9: {  	s7 =	simm.s32 $0x14480;
	[sflag:s31] =	ssyncadd.s32 $0xFFFFC000  }
0x2ba: {  	[tilespmem:s23], [sflag:$0x2] =	stream.indirect.gather [hbm4b:s2+s21], $0x80, s7, s21, $0xb8;
	[tilespmem:$0x1F800] =	vst v63  }
0x2bb: {  	_ =	swait.ge [sflag:s24], $0x4000  }
0x2bc: {  	[sflag:s24] =	ssyncset.done $0x0  }
0x2bd: {  	s22 =	simm.s32 $0x14C00;
	[sflag:s24] =	ssyncadd.s32 $0xFFFFC000  }
0x2be: {  	[spmem:s3] =	stream.indirect.scatter.add.f32 [tilespmem:s17], [sflag:$0x3], $0x80, s22, s21, $0xb8;
	[tilespmem:$0x1F800] =	vst v63  }
0x2bf: {  	_ =	swait.ge [sflag:s26], $0x4000  }
0x2c0: {  	[sflag:s26] =	ssyncset.done $0x0  }
0x2c1: {  	s30 =	simm.s32 $0x14500;
	[sflag:s26] =	ssyncadd.s32 $0xFFFFC000  }
0x2c2: {  	[tilespmem:s17], [sflag:$0x1] =	stream.indirect.gather [hbm4b:s2+s21], $0x80, s30, s21, $0xb8;
	[tilespmem:$0x1F800] =	vst v63  }
0x2c3: {  	_ =	swait.ge [sflag:s29], $0x4000  }
0x2c4: {  	[sflag:s29] =	ssyncset.done $0x0  }
0x2c5: {  	s7 =	simm.s32 $0x14C80;
	[sflag:s29] =	ssyncadd.s32 $0xFFFFC000  }
0x2c6: {  	[spmem:s3] =	stream.indirect.scatter.add.f32 [tilespmem:s23], [sflag:$0x4], $0x80, s7, s21, $0xb8;
	[tilespmem:$0x1F800] =	vst v63  }
0x2c7: {  	_ =	swait.ge [sflag:s31], $0x4000  }
0x2c8: {  	[sflag:s31] =	ssyncset.done $0x0  }
0x2c9: {  	s22 =	simm.s32 $0x14580;
	[sflag:s31] =	ssyncadd.s32 $0xFFFFC000  }
0x2ca: {  	[tilespmem:s23], [sflag:$0x2] =	stream.indirect.gather [hbm4b:s2+s21], $0x80, s22, s21, $0xb8;
	[tilespmem:$0x1F800] =	vst v63  }
0x2cb: {  	_ =	swait.ge [sflag:s24], $0x4000  }
0x2cc: {  	[sflag:s24] =	ssyncset.done $0x0  }
0x2cd: {  	s30 =	simm.s32 $0x14D00;
	[sflag:s24] =	ssyncadd.s32 $0xFFFFC000  }
0x2ce: {  	[spmem:s3] =	stream.indirect.scatter.add.f32 [tilespmem:s17], [sflag:$0x3], $0x80, s30, s21, $0xb8;
	[tilespmem:$0x1F800] =	vst v63  }
0x2cf: {  	_ =	swait.ge [sflag:s26], $0x4000  }
0x2d0: {  	[sflag:s26] =	ssyncset.done $0x0  }
0x2d1: {  	s7 =	simm.s32 $0x14600;
	[sflag:s26] =	ssyncadd.s32 $0xFFFFC000  }
0x2d2: {  	[tilespmem:s17], [sflag:$0x1] =	stream.indirect.gather [hbm4b:s2+s21], $0x80, s7, s21, $0xb8;
	[tilespmem:$0x1F800] =	vst v63  }
0x2d3: {  	_ =	swait.ge [sflag:s29], $0x4000  }
0x2d4: {  	[sflag:s29] =	ssyncset.done $0x0  }
0x2d5: {  	s22 =	simm.s32 $0x14D80;
	[sflag:s29] =	ssyncadd.s32 $0xFFFFC000  }
0x2d6: {  	[spmem:s3] =	stream.indirect.scatter.add.f32 [tilespmem:s23], [sflag:$0x4], $0x80, s22, s21, $0xb8;
	[tilespmem:$0x1F800] =	vst v63  }
0x2d7: {  	_ =	swait.ge [sflag:s31], $0x4000  }
0x2d8: {  	[sflag:s31] =	ssyncset.done $0x0  }
0x2d9: {  	s30 =	simm.s32 $0x14680;
	[sflag:s31] =	ssyncadd.s32 $0xFFFFC000  }
0x2da: {  	[tilespmem:s23], [sflag:$0x2] =	stream.indirect.gather [hbm4b:s2+s21], $0x80, s30, s21, $0xb8;
	[tilespmem:$0x1F800] =	vst v63  }
0x2db: {  	_ =	swait.ge [sflag:s24], $0x4000  }
0x2dc: {  	[sflag:s24] =	ssyncset.done $0x0  }
0x2dd: {  	s7 =	simm.s32 $0x14E00;
	[sflag:s24] =	ssyncadd.s32 $0xFFFFC000  }
0x2de: {  	[spmem:s3] =	stream.indirect.scatter.add.f32 [tilespmem:s17], [sflag:$0x3], $0x80, s7, s21, $0xb8;
	[tilespmem:$0x1F800] =	vst v63  }
0x2df: {  	_ =	swait.ge [sflag:s26], $0x4000  }
0x2e0: {  	[sflag:s26] =	ssyncset.done $0x0  }
0x2e1: {  	s22 =	simm.s32 $0x14700;
	[sflag:s26] =	ssyncadd.s32 $0xFFFFC000  }
0x2e2: {  	[tilespmem:s17], [sflag:$0x1] =	stream.indirect.gather [hbm4b:s2+s21], $0x80, s22, s21, $0xb8;
	[tilespmem:$0x1F800] =	vst v63  }
0x2e3: {  	_ =	swait.ge [sflag:s29], $0x4000  }
0x2e4: {  	[sflag:s29] =	ssyncset.done $0x0  }
0x2e5: {  	s30 =	simm.s32 $0x14E80;
	[sflag:s29] =	ssyncadd.s32 $0xFFFFC000  }
0x2e6: {  	[spmem:s3] =	stream.indirect.scatter.add.f32 [tilespmem:s23], [sflag:$0x4], $0x80, s30, s21, $0xb8;
	[tilespmem:$0x1F800] =	vst v63  }
0x2e7: {  	_ =	swait.ge [sflag:s31], $0x4000  }
0x2e8: {  	[sflag:s31] =	ssyncset.done $0x0  }
0x2e9: {  	s7 =	simm.s32 $0x14780;
	[sflag:s31] =	ssyncadd.s32 $0xFFFFC000  }
0x2ea: {  	[tilespmem:s23], [sflag:$0x2] =	stream.indirect.gather [hbm4b:s2+s21], $0x80, s7, s21, $0xb8;
	[tilespmem:$0x1F800] =	vst v63  }
0x2eb: {  	_ =	swait.ge [sflag:s24], $0x4000  }
0x2ec: {  	[sflag:s24] =	ssyncset.done $0x0  }
0x2ed: {  	s22 =	simm.s32 $0x14F00;
	[sflag:s24] =	ssyncadd.s32 $0xFFFFC000  }
0x2ee: {  	[spmem:s3] =	stream.indirect.scatter.add.f32 [tilespmem:s17], [sflag:$0x3], $0x80, s22, s21, $0xb8;
	[tilespmem:$0x1F800] =	vst v63  }
0x2ef: {  	_ =	swait.ge [sflag:s29], $0x4000  }
0x2f0: {  	[sflag:s29] =	ssyncset.done $0x0  }
0x2f1: {  	s30 =	simm.s32 $0x14F80;
	[sflag:s29] =	ssyncadd.s32 $0xFFFFC000  }
0x2f2: {  	[spmem:s3] =	stream.indirect.scatter.add.f32 [tilespmem:s23], [sflag:$0x4], $0x80, s30, s21, $0xb8;
	[tilespmem:$0x1F800] =	vst v63  }
0x2f3: {  	_ =	swait.ge [sflag:s26], $0x4000  }
0x2f4: {  	[sflag:s26] =	ssyncset.done $0x0  }
0x2f5: {  	[sflag:s26] =	ssyncadd.s32 $0xFFFFC000  }
0x2f6: {  	_ =	swait.ge [sflag:s31], $0x4000  }
0x2f7: {  	s28 =	simm.s32 $0x200;
	s22 =	simm.s32 $0x100;
	[sflag:s31] =	ssyncset.done $0x0  }
.LBB2_9:
0x2f8: {  	s0 =	sadd.s32 s22, s16  }
0x2f9: {  	[sflag:s31] =	ssyncadd.s32 $0xFFFFC000;
	s7 =	smov.u32 s28;
	s30 =	sadd.s32 $0x100, s28  }
0x2fa: {  	[tilespmem:s19], [sflag:$0x5] =	stream.linear.gather [hbm4b:s0+s4], $0x800, $0x38;
	[tilespmem:$0x1F800] =	vst v63  }
0x2fb: {  	p1 =	seq.s32 s28, $0x400;
	_ =	swait.ge [sflag:s18], $0x800  }
0x2fc: {  	s0 =	sadd.s32 s22, s15;
	[sflag:s18] =	ssyncset.done $0x0  }
0x2fd: {  	s22 =	smov.u32 s7;
	s7 =	simm.s32 $0x14080;
	[sflag:s18] =	ssyncadd.s32 $0xFFFFF800  }
0x2fe: {  	[tilespmem:s20], [sflag:$0x5] =	stream.linear.gather [hbm4b:s0+s4], $0x800, $0x38;
	[tilespmem:$0x1F800] =	vst v63  }
0x2ff: {  	_ =	swait.ge [sflag:s18], $0x800  }
0x300: {  	[sflag:s18] =	ssyncset.done $0x0  }
0x301: {  	[sflag:s18] =	ssyncadd.s32 $0xFFFFF800  }
0x302: {  	[tilespmem:s17], [sflag:$0x1] =	stream.indirect.gather [hbm4b:s2+s21], $0x80, s19, s21, $0xb8;
	[tilespmem:$0x1F800] =	vst v63  }
0x303: {  	_ = 	snop  }
0x304: {  	[tilespmem:s23], [sflag:$0x2] =	stream.indirect.gather [hbm4b:s2+s21], $0x80, s7, s21, $0xb8;
	[tilespmem:$0x1F800] =	vst v63  }
0x305: {  	_ =	swait.ge [sflag:s24], $0x4000  }
0x306: {  	[sflag:s24] =	ssyncset.done $0x0  }
0x307: {  	[sflag:s24] =	ssyncadd.s32 $0xFFFFC000  }
0x308: {  	[spmem:s3] =	stream.indirect.scatter.add.f32 [tilespmem:s17], [sflag:$0x3], $0x80, s20, s21, $0xb8;
	[tilespmem:$0x1F800] =	vst v63  }
0x309: {  	_ =	swait.ge [sflag:s26], $0x4000  }
0x30a: {  	[sflag:s26] =	ssyncset.done $0x0  }
0x30b: {  	[sflag:s26] =	ssyncadd.s32 $0xFFFFC000  }
0x30c: {  	[tilespmem:s17], [sflag:$0x1] =	stream.indirect.gather [hbm4b:s2+s21], $0x80, s8, s21, $0xb8;
	[tilespmem:$0x1F800] =	vst v63  }
0x30d: {  	_ =	swait.ge [sflag:s29], $0x4000  }
0x30e: {  	[sflag:s29] =	ssyncset.done $0x0  }
0x30f: {  	[sflag:s29] =	ssyncadd.s32 $0xFFFFC000  }
0x310: {  	[spmem:s3] =	stream.indirect.scatter.add.f32 [tilespmem:s23], [sflag:$0x4], $0x80, s9, s21, $0xb8;
	[tilespmem:$0x1F800] =	vst v63  }
0x311: {  	_ =	swait.ge [sflag:s31], $0x4000  }
0x312: {  	[sflag:s31] =	ssyncset.done $0x0  }
0x313: {  	[sflag:s31] =	ssyncadd.s32 $0xFFFFC000  }
0x314: {  	[tilespmem:s23], [sflag:$0x2] =	stream.indirect.gather [hbm4b:s2+s21], $0x80, s1, s21, $0xb8;
	[tilespmem:$0x1F800] =	vst v63  }
0x315: {  	_ =	swait.ge [sflag:s24], $0x4000  }
0x316: {  	[sflag:s24] =	ssyncset.done $0x0  }
0x317: {  	[sflag:s24] =	ssyncadd.s32 $0xFFFFC000  }
0x318: {  	[spmem:s3] =	stream.indirect.scatter.add.f32 [tilespmem:s17], [sflag:$0x3], $0x80, s10, s21, $0xb8;
	[tilespmem:$0x1F800] =	vst v63  }
0x319: {  	_ =	swait.ge [sflag:s26], $0x4000  }
0x31a: {  	[sflag:s26] =	ssyncset.done $0x0  }
0x31b: {  	[sflag:s26] =	ssyncadd.s32 $0xFFFFC000  }
0x31c: {  	[tilespmem:s17], [sflag:$0x1] =	stream.indirect.gather [hbm4b:s2+s21], $0x80, s11, s21, $0xb8;
	[tilespmem:$0x1F800] =	vst v63  }
0x31d: {  	_ =	swait.ge [sflag:s29], $0x4000  }
0x31e: {  	[sflag:s29] =	ssyncset.done $0x0  }
0x31f: {  	[sflag:s29] =	ssyncadd.s32 $0xFFFFC000  }
0x320: {  	[spmem:s3] =	stream.indirect.scatter.add.f32 [tilespmem:s23], [sflag:$0x4], $0x80, s12, s21, $0xb8;
	[tilespmem:$0x1F800] =	vst v63  }
0x321: {  	_ =	swait.ge [sflag:s31], $0x4000  }
0x322: {  	[sflag:s31] =	ssyncset.done $0x0  }
0x323: {  	[sflag:s31] =	ssyncadd.s32 $0xFFFFC000  }
0x324: {  	[tilespmem:s23], [sflag:$0x2] =	stream.indirect.gather [hbm4b:s2+s21], $0x80, s13, s21, $0xb8;
	[tilespmem:$0x1F800] =	vst v63  }
0x325: {  	_ =	swait.ge [sflag:s24], $0x4000  }
0x326: {  	[sflag:s24] =	ssyncset.done $0x0  }
0x327: {  	[sflag:s24] =	ssyncadd.s32 $0xFFFFC000  }
0x328: {  	[spmem:s3] =	stream.indirect.scatter.add.f32 [tilespmem:s17], [sflag:$0x3], $0x80, s14, s21, $0xb8;
	[tilespmem:$0x1F800] =	vst v63  }
0x329: {  	_ =	swait.ge [sflag:s26], $0x4000  }
0x32a: {  	[sflag:s26] =	ssyncset.done $0x0  }
0x32b: {  	[sflag:s26] =	ssyncadd.s32 $0xFFFFC000  }
0x32c: {  	[tilespmem:s17], [sflag:$0x1] =	stream.indirect.gather [hbm4b:s2+s21], $0x80, s6, s21, $0xb8;
	[tilespmem:$0x1F800] =	vst v63  }
0x32d: {  	_ =	swait.ge [sflag:s29], $0x4000  }
0x32e: {  	[sflag:s29] =	ssyncset.done $0x0  }
0x32f: {  	[sflag:s29] =	ssyncadd.s32 $0xFFFFC000  }
0x330: {  	[spmem:s3] =	stream.indirect.scatter.add.f32 [tilespmem:s23], [sflag:$0x4], $0x80, s5, s21, $0xb8;
	[tilespmem:$0x1F800] =	vst v63  }
0x331: {  	_ =	swait.ge [sflag:s31], $0x4000  }
0x332: {  	[sflag:s31] =	ssyncset.done $0x0  }
0x333: {  	s0 =	simm.s32 $0x14380;
	[sflag:s31] =	ssyncadd.s32 $0xFFFFC000  }
0x334: {  	[tilespmem:s23], [sflag:$0x2] =	stream.indirect.gather [hbm4b:s2+s21], $0x80, s0, s21, $0xb8;
	[tilespmem:$0x1F800] =	vst v63  }
0x335: {  	_ =	swait.ge [sflag:s24], $0x4000  }
0x336: {  	[sflag:s24] =	ssyncset.done $0x0  }
0x337: {  	s0 =	simm.s32 $0x14B00;
	[sflag:s24] =	ssyncadd.s32 $0xFFFFC000  }
0x338: {  	[spmem:s3] =	stream.indirect.scatter.add.f32 [tilespmem:s17], [sflag:$0x3], $0x80, s0, s21, $0xb8;
	[tilespmem:$0x1F800] =	vst v63  }
0x339: {  	_ =	swait.ge [sflag:s26], $0x4000  }
0x33a: {  	[sflag:s26] =	ssyncset.done $0x0  }
0x33b: {  	s0 =	simm.s32 $0x14400;
	[sflag:s26] =	ssyncadd.s32 $0xFFFFC000  }
0x33c: {  	[tilespmem:s17], [sflag:$0x1] =	stream.indirect.gather [hbm4b:s2+s21], $0x80, s0, s21, $0xb8;
	[tilespmem:$0x1F800] =	vst v63  }
0x33d: {  	_ =	swait.ge [sflag:s29], $0x4000  }
0x33e: {  	[sflag:s29] =	ssyncset.done $0x0  }
0x33f: {  	s0 =	simm.s32 $0x14B80;
	[sflag:s29] =	ssyncadd.s32 $0xFFFFC000  }
0x340: {  	[spmem:s3] =	stream.indirect.scatter.add.f32 [tilespmem:s23], [sflag:$0x4], $0x80, s0, s21, $0xb8;
	[tilespmem:$0x1F800] =	vst v63  }
0x341: {  	_ =	swait.ge [sflag:s31], $0x4000  }
0x342: {  	[sflag:s31] =	ssyncset.done $0x0  }
0x343: {  	s0 =	simm.s32 $0x14480;
	[sflag:s31] =	ssyncadd.s32 $0xFFFFC000  }
0x344: {  	[tilespmem:s23], [sflag:$0x2] =	stream.indirect.gather [hbm4b:s2+s21], $0x80, s0, s21, $0xb8;
	[tilespmem:$0x1F800] =	vst v63  }
0x345: {  	_ =	swait.ge [sflag:s24], $0x4000  }
0x346: {  	[sflag:s24] =	ssyncset.done $0x0  }
0x347: {  	s0 =	simm.s32 $0x14C00;
	[sflag:s24] =	ssyncadd.s32 $0xFFFFC000  }
0x348: {  	[spmem:s3] =	stream.indirect.scatter.add.f32 [tilespmem:s17], [sflag:$0x3], $0x80, s0, s21, $0xb8;
	[tilespmem:$0x1F800] =	vst v63  }
0x349: {  	_ =	swait.ge [sflag:s26], $0x4000  }
0x34a: {  	[sflag:s26] =	ssyncset.done $0x0  }
0x34b: {  	s0 =	simm.s32 $0x14500;
	[sflag:s26] =	ssyncadd.s32 $0xFFFFC000  }
0x34c: {  	[tilespmem:s17], [sflag:$0x1] =	stream.indirect.gather [hbm4b:s2+s21], $0x80, s0, s21, $0xb8;
	[tilespmem:$0x1F800] =	vst v63  }
0x34d: {  	_ =	swait.ge [sflag:s29], $0x4000  }
0x34e: {  	[sflag:s29] =	ssyncset.done $0x0  }
0x34f: {  	s0 =	simm.s32 $0x14C80;
	[sflag:s29] =	ssyncadd.s32 $0xFFFFC000  }
0x350: {  	[spmem:s3] =	stream.indirect.scatter.add.f32 [tilespmem:s23], [sflag:$0x4], $0x80, s0, s21, $0xb8;
	[tilespmem:$0x1F800] =	vst v63  }
0x351: {  	_ =	swait.ge [sflag:s31], $0x4000  }
0x352: {  	[sflag:s31] =	ssyncset.done $0x0  }
0x353: {  	s0 =	simm.s32 $0x14580;
	[sflag:s31] =	ssyncadd.s32 $0xFFFFC000  }
0x354: {  	[tilespmem:s23], [sflag:$0x2] =	stream.indirect.gather [hbm4b:s2+s21], $0x80, s0, s21, $0xb8;
	[tilespmem:$0x1F800] =	vst v63  }
0x355: {  	_ =	swait.ge [sflag:s24], $0x4000  }
0x356: {  	[sflag:s24] =	ssyncset.done $0x0  }
0x357: {  	s0 =	simm.s32 $0x14D00;
	[sflag:s24] =	ssyncadd.s32 $0xFFFFC000  }
0x358: {  	[spmem:s3] =	stream.indirect.scatter.add.f32 [tilespmem:s17], [sflag:$0x3], $0x80, s0, s21, $0xb8;
	[tilespmem:$0x1F800] =	vst v63  }
0x359: {  	_ =	swait.ge [sflag:s26], $0x4000  }
0x35a: {  	[sflag:s26] =	ssyncset.done $0x0  }
0x35b: {  	s0 =	simm.s32 $0x14600;
	[sflag:s26] =	ssyncadd.s32 $0xFFFFC000  }
0x35c: {  	[tilespmem:s17], [sflag:$0x1] =	stream.indirect.gather [hbm4b:s2+s21], $0x80, s0, s21, $0xb8;
	[tilespmem:$0x1F800] =	vst v63  }
0x35d: {  	_ =	swait.ge [sflag:s29], $0x4000  }
0x35e: {  	[sflag:s29] =	ssyncset.done $0x0  }
0x35f: {  	s0 =	simm.s32 $0x14D80;
	[sflag:s29] =	ssyncadd.s32 $0xFFFFC000  }
0x360: {  	[spmem:s3] =	stream.indirect.scatter.add.f32 [tilespmem:s23], [sflag:$0x4], $0x80, s0, s21, $0xb8;
	[tilespmem:$0x1F800] =	vst v63  }
0x361: {  	_ =	swait.ge [sflag:s31], $0x4000  }
0x362: {  	[sflag:s31] =	ssyncset.done $0x0  }
0x363: {  	s0 =	simm.s32 $0x14680;
	[sflag:s31] =	ssyncadd.s32 $0xFFFFC000  }
0x364: {  	[tilespmem:s23], [sflag:$0x2] =	stream.indirect.gather [hbm4b:s2+s21], $0x80, s0, s21, $0xb8;
	[tilespmem:$0x1F800] =	vst v63  }
0x365: {  	_ =	swait.ge [sflag:s24], $0x4000  }
0x366: {  	[sflag:s24] =	ssyncset.done $0x0  }
0x367: {  	s0 =	simm.s32 $0x14E00;
	[sflag:s24] =	ssyncadd.s32 $0xFFFFC000  }
0x368: {  	[spmem:s3] =	stream.indirect.scatter.add.f32 [tilespmem:s17], [sflag:$0x3], $0x80, s0, s21, $0xb8;
	[tilespmem:$0x1F800] =	vst v63  }
0x369: {  	_ =	swait.ge [sflag:s26], $0x4000  }
0x36a: {  	[sflag:s26] =	ssyncset.done $0x0  }
0x36b: {  	s0 =	simm.s32 $0x14700;
	[sflag:s26] =	ssyncadd.s32 $0xFFFFC000  }
0x36c: {  	[tilespmem:s17], [sflag:$0x1] =	stream.indirect.gather [hbm4b:s2+s21], $0x80, s0, s21, $0xb8;
	[tilespmem:$0x1F800] =	vst v63  }
0x36d: {  	_ =	swait.ge [sflag:s29], $0x4000  }
0x36e: {  	[sflag:s29] =	ssyncset.done $0x0  }
0x36f: {  	s0 =	simm.s32 $0x14E80;
	[sflag:s29] =	ssyncadd.s32 $0xFFFFC000  }
0x370: {  	[spmem:s3] =	stream.indirect.scatter.add.f32 [tilespmem:s23], [sflag:$0x4], $0x80, s0, s21, $0xb8;
	[tilespmem:$0x1F800] =	vst v63  }
0x371: {  	_ =	swait.ge [sflag:s31], $0x4000  }
0x372: {  	[sflag:s31] =	ssyncset.done $0x0  }
0x373: {  	s0 =	simm.s32 $0x14780;
	[sflag:s31] =	ssyncadd.s32 $0xFFFFC000  }
0x374: {  	[tilespmem:s23], [sflag:$0x2] =	stream.indirect.gather [hbm4b:s2+s21], $0x80, s0, s21, $0xb8;
	[tilespmem:$0x1F800] =	vst v63  }
0x375: {  	_ =	swait.ge [sflag:s24], $0x4000  }
0x376: {  	[sflag:s24] =	ssyncset.done $0x0  }
0x377: {  	s0 =	simm.s32 $0x14F00;
	[sflag:s24] =	ssyncadd.s32 $0xFFFFC000  }
0x378: {  	[spmem:s3] =	stream.indirect.scatter.add.f32 [tilespmem:s17], [sflag:$0x3], $0x80, s0, s21, $0xb8;
	[tilespmem:$0x1F800] =	vst v63  }
0x379: {  	_ =	swait.ge [sflag:s29], $0x4000  }
0x37a: {  	[sflag:s29] =	ssyncset.done $0x0  }
0x37b: {  	s0 =	simm.s32 $0x14F80;
	[sflag:s29] =	ssyncadd.s32 $0xFFFFC000  }
0x37c: {  	[spmem:s3] =	stream.indirect.scatter.add.f32 [tilespmem:s23], [sflag:$0x4], $0x80, s0, s21, $0xb8;
	[tilespmem:$0x1F800] =	vst v63  }
.Ltmp7:
0x37d: {  	_ =	swait.ge [sflag:s26], $0x4000;
	(pc) =	sbr.rel @!p1 .LBB2_9-.Ltmp7, $4  }
0x37e: {  	[sflag:s26] =	ssyncset.done $0x0  }
0x37f: {  	[sflag:s26] =	ssyncadd.s32 $0xFFFFC000  }
0x380: {  	_ =	swait.ge [sflag:s31], $0x4000  }
0x381: {  	s28 =	smov.u32 s30;
	[sflag:s31] =	ssyncset.done $0x0  }
.Ltmp8:
0x382: {  	_ = 	snop;
	(pc) =	sbr.rel .LBB2_10-.Ltmp8, $1  }
0x383: {  	_ =	sdelay $0x3  }
.LBB2_12:
0x384: {  	_ =	sfence.sel $0x180000  }
0x385: {  	[bflag:$0x0] =	sbarrier.arrive $0xFFFF  }
0x386: {  	_ =	strace $0x90000047  }
0x387: {  	[bflag:$0x2] =	sbarrier.arrive $0xFFFF  }
0x388: {  	p0 =	sne.s32 s30, $0x0;
	s0 =	rddreg [dreg:$0x3]  }
0x389: {  	s0 =	sadd.s32 @!p0 $0x100000, s0  }
0x38a: {  	[sflag:s0] =	ssyncadd.tile.s32 @!p0 $0x1;
	_ =	shalt  }
.Lfunc_end2:
_tile_overlayer_lowered:
.L_overlay_start_2:
0x38b: {  	(tag) =	ssettag $0x2  }
0x38c: {  	s0 =	rddreg [dreg:$0x0];
	s2 =	stileid.u32  }
0x38d: {  	s1 =	rddreg [dreg:$0x1];
	p0 =	sne.s32 s2, $0x0  }
0x38e: {  	s3 =	rddreg [dreg:$0x2];
	[bflag:$0x3] =	sbarrier.arrive $0xFFFF;
	s2 =	simm.s32 @!p0 $0x1C05  }
0x38f: {  	[timem:s3], [sflag:s2] =	dma.local @!p0 [hbm:s0], s1  }
0x390: {  	s0 =	simm.s32 @!p0 $0x5  }
0x391: {  	_ =	swait.ge @!p0 [sflag:s0], s1  }
0x392: {  	s1 =	ssub.s32 @!p0 $0x0, s1;
	[sflag:s0] =	ssyncset.done @!p0 $0x0  }
0x393: {  	[sflag:s0] =	ssyncadd.s32 @!p0 s1  }
0x394: {  	[bflag:$0x3] =	sbarrier.arrive $0xFFFF  }
0x395: {  	_ =	shalt  }

</sc_bundles>
